<compile_context>
chip_gen: v7x
topology: tpu7x:2x2x1
jax: 0.10.2.dev20260603
libtpu: 0.0.44.dev20260713+nightly
codegen_flags: <defaults>
</compile_context>

<pallas_src>
import functools

import jax
import jax.numpy as jnp
from jax import lax
from jax.experimental import pallas as pl
from jax.experimental.pallas import tpu as pltpu
from jax.experimental.pallas import tpu_sc as plsc

GAMMA = 0.2
_NEG = -3.0e38

_NC, _NS, _LANES = 2, 16, 16
_NW = _NC * _NS
_LP = 32
_CB = 128
_CH = 200
_NQ = 4


def _vscal(ref, idx):
    base = pl.multiple_of((idx // _LANES) * _LANES, _LANES)
    vv = ref[pl.ds(base, _LANES)]
    iot = jnp.arange(_LANES, dtype=jnp.int32)
    return jnp.sum(jnp.where(iot == idx - base, vv, 0))


def _sc_main(b, c_dim, n_lab):
    rows_q = c_dim // _NQ
    nch = rows_q // _CH
    mesh = plsc.VectorSubcoreMesh(core_axis_name="c", subcore_axis_name="s")

    @functools.partial(
        pl.kernel,
        mesh=mesh,
        out_type=(
            jax.ShapeDtypeStruct((_NW * 2 * _CB,), jnp.float32),
            jax.ShapeDtypeStruct((_NW * _CB * _LP,), jnp.float32),
        ),
        scratch_types=[
            pltpu.VMEM((_CH, _CB), jnp.float32),
            pltpu.VMEM((_CH, _CB), jnp.float32),
            pltpu.VMEM((n_lab,), jnp.int32),
            pltpu.VMEM((128,), jnp.int32),
            pltpu.VMEM((_CB * _LP,), jnp.float32),
            pltpu.VMEM((2 * _CB,), jnp.float32),
            pltpu.SemaphoreType.DMA,
            pltpu.SemaphoreType.DMA,
        ],
        compiler_params=pltpu.CompilerParams(needs_layout_passes=False),
    )
    def rk(xt_hbm, lab_hbm, off_hbm, ms_out, go_out, buf_a, buf_b, lab_v,
           off_v, g_buf, ms_buf, sem_a, sem_b):
        wid = lax.axis_index("s") * _NC + lax.axis_index("c")
        q = wid // 8
        cb = wid % 8
        class0 = q * rows_q
        col0 = pl.multiple_of(cb * _CB, 128)

        pltpu.sync_copy(lab_hbm, lab_v)
        pltpu.sync_copy(off_hbm.at[pl.ds(wid * 128, 128)], off_v)

        def ginit(r, _):
            g_buf[pl.ds(r * _LP, _LANES)] = jnp.zeros((_LANES,))
            g_buf[pl.ds(r * _LP + _LANES, _LANES)] = jnp.zeros((_LANES,))
            return 0

        lax.fori_loop(0, _CB, ginit, 0)

        def chunk_dma(k, buf, sem):
            r_lo = pl.multiple_of(class0 + k * _CH, 8)
            return pltpu.async_copy(
                xt_hbm.at[pl.ds(r_lo, _CH), pl.ds(col0, _CB)], buf, sem
            )

        iot = jnp.arange(_LANES, dtype=jnp.int32)

        def process(k, buf_ref, accs):
            ms, ss = accs
            def p1(t, cms):
                r = t * 4
                cms = list(cms)
                for dr in range(4):
                    for v in range(8):
                        x = buf_ref[r + dr, pl.ds(v * _LANES, _LANES)]
                        cms[v] = jnp.maximum(cms[v], x)
                return tuple(cms)

            cms = lax.fori_loop(
                0, _CH // 4, p1,
                tuple(jnp.full((_LANES,), _NEG) for _ in range(8)),
            )
            m_new = tuple(jnp.maximum(ms[v], cms[v]) for v in range(8))
            s0 = tuple(
                ss[v] * jnp.exp(ms[v] - m_new[v]) for v in range(8)
            )

            def p2(t, sa):
                r = t * 4
                sa = list(sa)
                for dr in range(4):
                    for v in range(8):
                        x = buf_ref[r + dr, pl.ds(v * _LANES, _LANES)]
                        sa[v] = sa[v] + jnp.exp(x - m_new[v])
                return tuple(sa)

            s_new = lax.fori_loop(0, _CH // 4, p2, s0)

            o0 = _vscal(off_v, k)
            o1 = _vscal(off_v, k + 1)

            def ext(t, _):
                e = _vscal(lab_v, t)
                lc = e & 255
                vc = (e >> 8) & 127
                j = (e >> 15) & 31
                vb = pl.multiple_of((vc // _LANES) * _LANES, _LANES)
                vv = buf_ref[lc, pl.ds(vb, _LANES)]
                val = jnp.max(jnp.where(iot == vc - vb, vv, _NEG))
                jb = pl.multiple_of(
                    vc * _LP + (j // _LANES) * _LANES, _LANES
                )
                gv = g_buf[pl.ds(jb, _LANES)]
                g_buf[pl.ds(jb, _LANES)] = jnp.where(
                    iot == (vc * _LP + j) - jb, val, gv
                )
                return 0

            lax.fori_loop(o0, o1, ext, 0)
            return m_new, s_new

        accs = (
            tuple(jnp.full((_LANES,), _NEG) for _ in range(8)),
            tuple(jnp.zeros((_LANES,)) for _ in range(8)),
        )
        chunk_dma(0, buf_a, sem_a)

        def pair(i, accs):
            ka = 2 * i
            chunk_dma(ka + 1, buf_b, sem_b)
            pltpu.make_async_copy(
                xt_hbm.at[pl.ds(class0, _CH), pl.ds(col0, _CB)], buf_a, sem_a
            ).wait()
            accs = process(ka, buf_a, accs)
            chunk_dma(ka + 2, buf_a, sem_a)
            pltpu.make_async_copy(
                xt_hbm.at[pl.ds(class0, _CH), pl.ds(col0, _CB)], buf_b, sem_b
            ).wait()
            accs = process(ka + 1, buf_b, accs)
            return accs

        accs = lax.fori_loop(0, (nch - 1) // 2, pair, accs)
        pltpu.make_async_copy(
            xt_hbm.at[pl.ds(class0, _CH), pl.ds(col0, _CB)], buf_a, sem_a
        ).wait()
        ms_f, ss_f = process(nch - 1, buf_a, accs)
        for v in range(8):
            ms_buf[pl.ds(v * _LANES, _LANES)] = ms_f[v]
            ms_buf[pl.ds(_CB + v * _LANES, _LANES)] = ss_f[v]
        pltpu.sync_copy(ms_buf, ms_out.at[pl.ds(wid * 2 * _CB, 2 * _CB)])
        pltpu.sync_copy(
            g_buf, go_out.at[pl.ds(wid * _CB * _LP, _CB * _LP)]
        )

    return rk


def _combine_body(mq_ref, sq_ref, g_ref, y_ref, out_ref, *, b, l):
    mq = mq_ref[...]
    sq = sq_ref[...]
    m = jnp.max(mq, axis=1, keepdims=True)
    s = jnp.sum(sq * jnp.exp(mq - m), axis=1, keepdims=True)
    g4 = g_ref[...]
    g = (
        g4[0 * b : 1 * b, :]
        + g4[1 * b : 2 * b, :]
        + g4[2 * b : 3 * b, :]
        + g4[3 * b : 4 * b, :]
    )
    yv = y_ref[...]
    gl = g[:, :l]
    colj = lax.broadcasted_iota(jnp.int32, gl.shape, 1)
    logz = m + jnp.log(s)
    t_val = jnp.sum(jnp.where(colj == 0, gl, 0.0), axis=1, keepdims=True)
    loss1 = jnp.sum(logz - t_val)
    minr = jnp.min(
        jnp.where(colj >= 1, gl, jnp.inf), axis=1, keepdims=True
    )
    dup = jnp.zeros(gl.shape, dtype=jnp.bool_)
    for k in range(l - 1):
        dup = jnp.logical_or(
            dup, jnp.logical_and(yv == yv[:, k : k + 1], colj > k)
        )
    keep = jnp.logical_not(dup)
    sub = jnp.sum(jnp.where(keep, jnp.exp(gl - m), 0.0), axis=1, keepdims=True)
    s_masked = s - sub + jnp.exp(minr - m)
    row_ce = m + jnp.log(s_masked) - minr
    loss2 = jnp.sum(row_ce)
    total = loss1 / b + GAMMA * loss2 / b
    out_ref[...] = jnp.full((1, 1), total, dtype=jnp.float32)


def _combine_call(mq, sq, g4, y):
    b, l = y.shape
    return pl.pallas_call(
        functools.partial(_combine_body, b=b, l=l),
        out_shape=jax.ShapeDtypeStruct((1, 1), jnp.float32),
    )(mq, sq, g4, y)


def kernel(x, y):
    b, c_dim = x.shape
    l = y.shape[1]
    rows_q = c_dim // _NQ
    nch = rows_q // _CH
    n_lab = b * l

    ii = jnp.broadcast_to(jnp.arange(b, dtype=jnp.int32)[:, None], (b, l))
    jj = jnp.broadcast_to(jnp.arange(l, dtype=jnp.int32)[None, :], (b, l))
    c = y.astype(jnp.int32)
    w = (c // rows_q) * 8 + ii // _CB
    k = (c % rows_q) // _CH
    lc = (c % rows_q) % _CH
    vc = ii % _CB
    pack = (lc + (vc << 8) + (jj << 15)).reshape(-1)
    key = (w * nch + k).reshape(-1)
    skey = (key.astype(jnp.uint32) << 20) | pack.astype(jnp.uint32)
    lab = (jnp.sort(skey) & jnp.uint32(0xFFFFF)).astype(jnp.int32)
    counts = jnp.zeros((_NW * nch,), jnp.int32).at[key].add(1)
    ends = jnp.cumsum(counts)
    off4001 = jnp.concatenate([jnp.zeros((1,), jnp.int32), ends])
    kk = jnp.minimum(jnp.arange(128, dtype=jnp.int32)[None, :], nch)
    idx4096 = jnp.arange(_NW, dtype=jnp.int32)[:, None] * nch + kk
    off = jnp.take(off4001, idx4096.reshape(-1)).astype(jnp.int32)

    ms, go = _sc_main(b, c_dim, n_lab)(x.T, lab, off)
    msq = ms.reshape(_NQ, 8, 2, _CB)
    mq = msq[:, :, 0, :].reshape(_NQ, b).T
    sq = msq[:, :, 1, :].reshape(_NQ, b).T
    g4 = go.reshape(_NQ * 8 * _CB, _LP)
    loss = _combine_call(mq, sq, g4, y)
    return loss[0, 0]

# --- scband reference (transcript-rebuilt; emitter-appended) ---
"""Pipeline reference for scband-relative-label-loss-v2-14319420965547 (READ-ONLY COPY).

The authoritative reference and input builder live on the scoring server;
editing this copy changes nothing except your own understanding.
"""

import jax, jax.numpy as jnp
import numpy as np

B, C, L = 1024, 100000, 21
GAMMA = 0.2


def setup_inputs(seed: int = 0) -> dict:
    key = jax.random.key(seed)
    k1, k2 = jax.random.split(key)
    x = jax.random.normal(k1, (B, C), dtype=jnp.float32)
    y = jax.random.randint(k2, (B, L), 0, C, dtype=jnp.int32)
    return {"x": x, "y": y}


def _loss(x, y):
    # y = y.long()
    y = y.astype(jnp.int32)
    y_mask = (y != -1).reshape(-1)
    num_labels = y.shape[1]
    t = y[:, 0]
    r = y[:, 1:]
    batch_size, class_dim = x.shape
    # loss1 = CrossEntropyLoss(x, t) with mean reduction
    logz = jax.nn.logsumexp(x, axis=1)
    loss1 = jnp.mean(logz - jnp.take_along_axis(x, t[:, None], axis=1)[:, 0])
    # relative-label branch (r.size(1) > 0 holds: num_labels=21)
    pos_mask = (r != -1)
    sample_mask = pos_mask.astype(jnp.float32).sum(1) > 0
    neg_mask = (r == -1)
    r0 = jnp.where(neg_mask, 0, r)  # r[neg_mask] = 0
    pos_data = jnp.take_along_axis(x, r0, axis=1)
    mask_pos_data = jnp.where(neg_mask, jnp.float32(1e8), pos_data)
    min_relative_index = jnp.argmin(mask_pos_data, axis=1, keepdims=True)
    min_relative_data = jnp.take_along_axis(mask_pos_data, min_relative_index, axis=1)
    bias = jnp.arange(batch_size, dtype=jnp.int32) * class_dim
    new_index = (bias[:, None] + y).reshape(-1)
    # flag = ones(B, C).bool(); flag[new_index[y_mask]] = False  (static-shape scatter form)
    safe_idx = jnp.where(y_mask, new_index, 0)
    vals = jnp.where(y_mask, 0, 1).astype(jnp.uint8)
    flat_flag = jnp.ones(batch_size * class_dim, dtype=jnp.uint8).at[safe_idx].min(vals)
    flag = flat_flag.reshape(batch_size, class_dim).astype(bool)
    new_data = jnp.where(flag, x, jnp.float32(-1e8))
    relative_data = jnp.concatenate([min_relative_data, new_data], axis=1)
    # cand_data = relative_data[sample_mask]; CE vs target 0, mean over selected rows
    row_ce = jax.nn.logsumexp(relative_data, axis=1) - relative_data[:, 0]
    sm = sample_mask.astype(jnp.float32)
    loss2 = jnp.sum(row_ce * sm) / jnp.maximum(jnp.sum(sm), 1.0)
    return loss1 + GAMMA * loss2


def reference(x, y):
    return _loss(x, y)

if __name__ == "__main__":
    import jax
    _d = setup_inputs()
    print(jax.jit(kernel)(*tuple(_d.values())))

</pallas_src>

<mosaic_0001>
#map = affine_map<(d0, d1) -> (0, 0)>
#map1 = affine_map<(d0, d1) -> (0)>
module attributes {stable_mosaic.version = 14 : i64} {
  func.func @rk(%arg0: i32, %arg1: i32, %arg2: memref<100000x1024xf32, #tpu.memory_space<hbm>>, %arg3: memref<21504xi32, #tpu.memory_space<hbm>>, %arg4: memref<4096xi32, #tpu.memory_space<hbm>>, %arg5: memref<8192xf32, #tpu.memory_space<hbm>>, %arg6: memref<131072xf32, #tpu.memory_space<hbm>>, %arg7: memref<200x128xf32, #tpu.memory_space<vmem>>, %arg8: memref<200x128xf32, #tpu.memory_space<vmem>>, %arg9: memref<21504xi32, #tpu.memory_space<vmem>>, %arg10: memref<128xi32, #tpu.memory_space<vmem>>, %arg11: memref<4096xf32, #tpu.memory_space<vmem>>, %arg12: memref<256xf32, #tpu.memory_space<vmem>>, %arg13: memref<!tpu.dma_semaphore, #tpu.memory_space<semaphore_mem>>, %arg14: memref<!tpu.dma_semaphore, #tpu.memory_space<semaphore_mem>>) attributes {dimension_semantics = [#tpu.dimension_semantics<core_parallel>, #tpu.dimension_semantics<subcore_parallel>], iteration_bounds = array<i64: 2, 16>, scalar_prefetch = 0 : i64, scratch_operands = 8 : i64, tpu.core_type = #tpu.core_type<sc_vector_subcore>, window_params = [{transform_indices = #map}, {transform_indices = #map1}, {transform_indices = #map1}, {transform_indices = #map1}, {transform_indices = #map1}]} {
    %mul3A = arith.constant 2 : i32
    %mul3A_0 = arith.muli %arg1, %mul3A : i32
    %add3A = arith.addi %mul3A_0, %arg0 : i32
    %jit3A = arith.constant 8 : i32
    %div3A = arith.divsi %add3A, %jit3A : i32
    %sign3A = arith.constant 0 : i32
    %sign3A_1 = arith.cmpi sgt, %add3A, %sign3A : i32
    %sign3A_2 = arith.extui %sign3A_1 : i1 to i32
    %sign3A_3 = arith.constant 0 : i32
    %sign3A_4 = arith.cmpi slt, %add3A, %sign3A_3 : i32
    %sign3A_5 = arith.extui %sign3A_4 : i1 to i32
    %sign3A_6 = arith.subi %sign3A_2, %sign3A_5 : i32
    %sign3A_7 = arith.constant 0 : i32
    %sign3A_8 = arith.cmpi sgt, %jit3A, %sign3A_7 : i32
    %sign3A_9 = arith.extui %sign3A_8 : i1 to i32
    %sign3A_10 = arith.constant 0 : i32
    %sign3A_11 = arith.cmpi slt, %jit3A, %sign3A_10 : i32
    %sign3A_12 = arith.extui %sign3A_11 : i1 to i32
    %sign3A_13 = arith.subi %sign3A_9, %sign3A_12 : i32
    %ne3A = arith.cmpi ne, %sign3A_6, %sign3A_13 : i32
    %rem3A = arith.remsi %add3A, %jit3A : i32
    %ne3A_14 = arith.constant 0 : i32
    %ne3A_15 = arith.cmpi ne, %rem3A, %ne3A_14 : i32
    %and3A = arith.andi %ne3A, %ne3A_15 : i1
    %sub3A = arith.constant 1 : i32
    %sub3A_16 = arith.subi %div3A, %sub3A : i32
    %select_n3A = arith.select %and3A, %sub3A_16, %div3A : i32
    %jit3A_17 = arith.constant 8 : i32
    %eq3A = arith.constant 0 : i32
    %eq3A_18 = arith.cmpi eq, %jit3A_17, %eq3A : i32
    %jit3A_19 = arith.constant 1 : i32
    %select_n3A_20 = arith.select %eq3A_18, %jit3A_19, %jit3A_17 : i32
    %rem3A_21 = arith.remsi %add3A, %select_n3A_20 : i32
    %ne3A_22 = arith.constant 0 : i32
    %ne3A_23 = arith.cmpi ne, %rem3A_21, %ne3A_22 : i32
    %lt3A = arith.constant 0 : i32
    %lt3A_24 = arith.cmpi slt, %rem3A_21, %lt3A : i32
    %lt3A_25 = arith.constant 0 : i32
    %lt3A_26 = arith.cmpi slt, %select_n3A_20, %lt3A_25 : i32
    %ne3A_27 = arith.xori %lt3A_24, %lt3A_26 : i1
    %and3A_28 = arith.andi %ne3A_27, %ne3A_23 : i1
    %add3A_29 = arith.addi %rem3A_21, %select_n3A_20 : i32
    %select_n3A_30 = arith.select %and3A_28, %add3A_29, %rem3A_21 : i32
    %mul3A_31 = arith.constant 25000 : i32
    %mul3A_32 = arith.muli %select_n3A, %mul3A_31 : i32
    %mul3A_33 = arith.constant 128 : i32
    %mul3A_34 = arith.muli %select_n3A_30, %mul3A_33 : i32
    %multiple_of3A = tpu.assume_multiple %mul3A_34, 128 : i32
    "tpu.region"() ({
      %run_scoped3A = tpu.sem_alloc : memref<!tpu.dma_semaphore, #tpu.memory_space<semaphore_mem>>
      tpu.enqueue_dma source(%arg3 : memref<21504xi32, #tpu.memory_space<hbm>>) target(%arg9 : memref<21504xi32, #tpu.memory_space<vmem>>) target_semaphore(%run_scoped3A : memref<!tpu.dma_semaphore, #tpu.memory_space<semaphore_mem>>)
      tpu.wait_dma2 semaphore(%run_scoped3A : memref<!tpu.dma_semaphore, #tpu.memory_space<semaphore_mem>>) src(%arg3 : memref<21504xi32, #tpu.memory_space<hbm>>) dst(%arg9 : memref<21504xi32, #tpu.memory_space<vmem>>)
      tpu.yield
    }) : () -> ()
    %mul3A_35 = arith.constant 128 : i32
    %mul3A_36 = arith.muli %add3A, %mul3A_35 : i32
    "tpu.region"() ({
      %run_scoped3A = tpu.sem_alloc : memref<!tpu.dma_semaphore, #tpu.memory_space<semaphore_mem>>
      %dma_start3A_222 = tpu.memref_slice %arg4[%mul3A_36] : memref<4096xi32, #tpu.memory_space<hbm>> -> memref<128xi32, #tpu.memory_space<hbm>>
      %dma_start3A_223 = tpu.memref_slice %arg4[%mul3A_36] : memref<4096xi32, #tpu.memory_space<hbm>> -> memref<128xi32, #tpu.memory_space<hbm>>
      tpu.enqueue_dma source(%dma_start3A_223 : memref<128xi32, #tpu.memory_space<hbm>>) target(%arg10 : memref<128xi32, #tpu.memory_space<vmem>>) target_semaphore(%run_scoped3A : memref<!tpu.dma_semaphore, #tpu.memory_space<semaphore_mem>>)
      %dma_wait3A_224 = tpu.memref_slice %arg4[%mul3A_36] : memref<4096xi32, #tpu.memory_space<hbm>> -> memref<128xi32, #tpu.memory_space<hbm>>
      %dma_wait3A_225 = tpu.memref_slice %arg4[%mul3A_36] : memref<4096xi32, #tpu.memory_space<hbm>> -> memref<128xi32, #tpu.memory_space<hbm>>
      tpu.wait_dma2 semaphore(%run_scoped3A : memref<!tpu.dma_semaphore, #tpu.memory_space<semaphore_mem>>) src(%dma_wait3A_225 : memref<128xi32, #tpu.memory_space<hbm>>) dst(%arg10 : memref<128xi32, #tpu.memory_space<vmem>>)
      tpu.yield
    }) : () -> ()
    %scan3A = arith.constant 0 : i32
    %scan3A_37 = arith.constant 0 : i32
    %scan3A_38 = arith.constant 128 : i32
    %scan3A_39 = arith.addi %scan3A_37, %scan3A_38 : i32
    %scan3A_40 = arith.constant 1 : i32
    %scan3A_41 = scf.for %scan3A_222 = %scan3A_37 to %scan3A_39 step %scan3A_40 iter_args(%scan3A_223 = %scan3A) -> (i32)  : i32 {
      %broadcast_in_dim3A_224 = arith.constant 0.000000e+00 : f32
      %broadcast_in_dim3A_225 = vector.broadcast %broadcast_in_dim3A_224 : f32 to vector<16xf32>
      %mul3A_226 = arith.constant 32 : i32
      %mul3A_227 = arith.muli %scan3A_222, %mul3A_226 : i32
      %swap3A_228 = arith.index_cast %mul3A_227 : i32 to index
      %swap3A_229 = tpu.vector_load %arg11[%swap3A_228] {strides = array<i32>} : memref<4096xf32, #tpu.memory_space<vmem>>, vector<16xf32>,
      tpu.vector_store %arg11[%swap3A_228], %broadcast_in_dim3A_225 {strides = array<i32>} : memref<4096xf32, #tpu.memory_space<vmem>>, vector<16xf32>,
      %broadcast_in_dim3A_230 = arith.constant 0.000000e+00 : f32
      %broadcast_in_dim3A_231 = vector.broadcast %broadcast_in_dim3A_230 : f32 to vector<16xf32>
      %mul3A_232 = arith.constant 32 : i32
      %mul3A_233 = arith.muli %scan3A_222, %mul3A_232 : i32
      %add3A_234 = arith.constant 16 : i32
      %add3A_235 = arith.addi %mul3A_233, %add3A_234 : i32
      %swap3A_236 = arith.index_cast %add3A_235 : i32 to index
      %swap3A_237 = tpu.vector_load %arg11[%swap3A_236] {strides = array<i32>} : memref<4096xf32, #tpu.memory_space<vmem>>, vector<16xf32>,
      tpu.vector_store %arg11[%swap3A_236], %broadcast_in_dim3A_231 {strides = array<i32>} : memref<4096xf32, #tpu.memory_space<vmem>>, vector<16xf32>,
      %scan3A_238 = arith.constant 0 : i32
      scf.yield %scan3A_238 : i32
    }
    %scan3A_42 = arith.constant 128 : i32
    %iota3A = tpu.iota {dimensions = array<i32: 0>} : vector<16xi32>
    %broadcast_in_dim3A = arith.constant -3.000000e+38 : f32
    %broadcast_in_dim3A_43 = vector.broadcast %broadcast_in_dim3A : f32 to vector<16xf32>
    %broadcast_in_dim3A_44 = arith.constant -3.000000e+38 : f32
    %broadcast_in_dim3A_45 = vector.broadcast %broadcast_in_dim3A_44 : f32 to vector<16xf32>
    %broadcast_in_dim3A_46 = arith.constant -3.000000e+38 : f32
    %broadcast_in_dim3A_47 = vector.broadcast %broadcast_in_dim3A_46 : f32 to vector<16xf32>
    %broadcast_in_dim3A_48 = arith.constant -3.000000e+38 : f32
    %broadcast_in_dim3A_49 = vector.broadcast %broadcast_in_dim3A_48 : f32 to vector<16xf32>
    %broadcast_in_dim3A_50 = arith.constant -3.000000e+38 : f32
    %broadcast_in_dim3A_51 = vector.broadcast %broadcast_in_dim3A_50 : f32 to vector<16xf32>
    %broadcast_in_dim3A_52 = arith.constant -3.000000e+38 : f32
    %broadcast_in_dim3A_53 = vector.broadcast %broadcast_in_dim3A_52 : f32 to vector<16xf32>
    %broadcast_in_dim3A_54 = arith.constant -3.000000e+38 : f32
    %broadcast_in_dim3A_55 = vector.broadcast %broadcast_in_dim3A_54 : f32 to vector<16xf32>
    %broadcast_in_dim3A_56 = arith.constant -3.000000e+38 : f32
    %broadcast_in_dim3A_57 = vector.broadcast %broadcast_in_dim3A_56 : f32 to vector<16xf32>
    %broadcast_in_dim3A_58 = arith.constant 0.000000e+00 : f32
    %broadcast_in_dim3A_59 = vector.broadcast %broadcast_in_dim3A_58 : f32 to vector<16xf32>
    %broadcast_in_dim3A_60 = arith.constant 0.000000e+00 : f32
    %broadcast_in_dim3A_61 = vector.broadcast %broadcast_in_dim3A_60 : f32 to vector<16xf32>
    %broadcast_in_dim3A_62 = arith.constant 0.000000e+00 : f32
    %broadcast_in_dim3A_63 = vector.broadcast %broadcast_in_dim3A_62 : f32 to vector<16xf32>
    %broadcast_in_dim3A_64 = arith.constant 0.000000e+00 : f32
    %broadcast_in_dim3A_65 = vector.broadcast %broadcast_in_dim3A_64 : f32 to vector<16xf32>
    %broadcast_in_dim3A_66 = arith.constant 0.000000e+00 : f32
    %broadcast_in_dim3A_67 = vector.broadcast %broadcast_in_dim3A_66 : f32 to vector<16xf32>
    %broadcast_in_dim3A_68 = arith.constant 0.000000e+00 : f32
    %broadcast_in_dim3A_69 = vector.broadcast %broadcast_in_dim3A_68 : f32 to vector<16xf32>
    %broadcast_in_dim3A_70 = arith.constant 0.000000e+00 : f32
    %broadcast_in_dim3A_71 = vector.broadcast %broadcast_in_dim3A_70 : f32 to vector<16xf32>
    %broadcast_in_dim3A_72 = arith.constant 0.000000e+00 : f32
    %broadcast_in_dim3A_73 = vector.broadcast %broadcast_in_dim3A_72 : f32 to vector<16xf32>
    %add3A_74 = arith.constant 0 : i32
    %add3A_75 = arith.addi %mul3A_32, %add3A_74 : i32
    %multiple_of3A_76 = tpu.assume_multiple %add3A_75, 8 : i32
    %dma_start3A = tpu.memref_slice %arg2[%multiple_of3A_76, %multiple_of3A] : memref<100000x1024xf32, #tpu.memory_space<hbm>> -> memref<200x128xf32, #tpu.memory_space<hbm>>
    %dma_start3A_77 = tpu.memref_slice %arg2[%multiple_of3A_76, %multiple_of3A] : memref<100000x1024xf32, #tpu.memory_space<hbm>> -> memref<200x128xf32, #tpu.memory_space<hbm>>
    tpu.enqueue_dma source(%dma_start3A_77 : memref<200x128xf32, #tpu.memory_space<hbm>>) target(%arg7 : memref<200x128xf32, #tpu.memory_space<vmem>>) target_semaphore(%arg13 : memref<!tpu.dma_semaphore, #tpu.memory_space<semaphore_mem>>)
    %scan3A_78 = arith.constant 0 : i32
    %scan3A_79 = arith.constant 62 : i32
    %scan3A_80 = arith.addi %scan3A_78, %scan3A_79 : i32
    %scan3A_81 = arith.constant 1 : i32
    %scan3A_82:16 = scf.for %scan3A_222 = %scan3A_78 to %scan3A_80 step %scan3A_81 iter_args(%scan3A_223 = %broadcast_in_dim3A_43, %scan3A_224 = %broadcast_in_dim3A_45, %scan3A_225 = %broadcast_in_dim3A_47, %scan3A_226 = %broadcast_in_dim3A_49, %scan3A_227 = %broadcast_in_dim3A_51, %scan3A_228 = %broadcast_in_dim3A_53, %scan3A_229 = %broadcast_in_dim3A_55, %scan3A_230 = %broadcast_in_dim3A_57, %scan3A_231 = %broadcast_in_dim3A_59, %scan3A_232 = %broadcast_in_dim3A_61, %scan3A_233 = %broadcast_in_dim3A_63, %scan3A_234 = %broadcast_in_dim3A_65, %scan3A_235 = %broadcast_in_dim3A_67, %scan3A_236 = %broadcast_in_dim3A_69, %scan3A_237 = %broadcast_in_dim3A_71, %scan3A_238 = %broadcast_in_dim3A_73) -> (vector<16xf32>, vector<16xf32>, vector<16xf32>, vector<16xf32>, vector<16xf32>, vector<16xf32>, vector<16xf32>, vector<16xf32>, vector<16xf32>, vector<16xf32>, vector<16xf32>, vector<16xf32>, vector<16xf32>, vector<16xf32>, vector<16xf32>, vector<16xf32>)  : i32 {
      %mul3A_239 = arith.constant 2 : i32
      %mul3A_240 = arith.muli %mul3A_239, %scan3A_222 : i32
      %add3A_241 = arith.constant 1 : i32
      %add3A_242 = arith.addi %mul3A_240, %add3A_241 : i32
      %mul3A_243 = arith.constant 200 : i32
      %mul3A_244 = arith.muli %add3A_242, %mul3A_243 : i32
      %add3A_245 = arith.addi %mul3A_32, %mul3A_244 : i32
      %multiple_of3A_246 = tpu.assume_multiple %add3A_245, 8 : i32
      %dma_start3A_247 = tpu.memref_slice %arg2[%multiple_of3A_246, %multiple_of3A] : memref<100000x1024xf32, #tpu.memory_space<hbm>> -> memref<200x128xf32, #tpu.memory_space<hbm>>
      %dma_start3A_248 = tpu.memref_slice %arg2[%multiple_of3A_246, %multiple_of3A] : memref<100000x1024xf32, #tpu.memory_space<hbm>> -> memref<200x128xf32, #tpu.memory_space<hbm>>
      tpu.enqueue_dma source(%dma_start3A_248 : memref<200x128xf32, #tpu.memory_space<hbm>>) target(%arg8 : memref<200x128xf32, #tpu.memory_space<vmem>>) target_semaphore(%arg14 : memref<!tpu.dma_semaphore, #tpu.memory_space<semaphore_mem>>)
      %dma_wait3A_249 = tpu.memref_slice %arg2[%mul3A_32, %multiple_of3A] : memref<100000x1024xf32, #tpu.memory_space<hbm>> -> memref<200x128xf32, #tpu.memory_space<hbm>>
      %dma_wait3A_250 = tpu.memref_slice %arg2[%mul3A_32, %multiple_of3A] : memref<100000x1024xf32, #tpu.memory_space<hbm>> -> memref<200x128xf32, #tpu.memory_space<hbm>>
      tpu.wait_dma2 semaphore(%arg13 : memref<!tpu.dma_semaphore, #tpu.memory_space<semaphore_mem>>) src(%dma_wait3A_250 : memref<200x128xf32, #tpu.memory_space<hbm>>) dst(%arg7 : memref<200x128xf32, #tpu.memory_space<vmem>>)
      %broadcast_in_dim3A_251 = arith.constant -3.000000e+38 : f32
      %broadcast_in_dim3A_252 = vector.broadcast %broadcast_in_dim3A_251 : f32 to vector<16xf32>
      %broadcast_in_dim3A_253 = arith.constant -3.000000e+38 : f32
      %broadcast_in_dim3A_254 = vector.broadcast %broadcast_in_dim3A_253 : f32 to vector<16xf32>
      %broadcast_in_dim3A_255 = arith.constant -3.000000e+38 : f32
      %broadcast_in_dim3A_256 = vector.broadcast %broadcast_in_dim3A_255 : f32 to vector<16xf32>
      %broadcast_in_dim3A_257 = arith.constant -3.000000e+38 : f32
      %broadcast_in_dim3A_258 = vector.broadcast %broadcast_in_dim3A_257 : f32 to vector<16xf32>
      %broadcast_in_dim3A_259 = arith.constant -3.000000e+38 : f32
      %broadcast_in_dim3A_260 = vector.broadcast %broadcast_in_dim3A_259 : f32 to vector<16xf32>
      %broadcast_in_dim3A_261 = arith.constant -3.000000e+38 : f32
      %broadcast_in_dim3A_262 = vector.broadcast %broadcast_in_dim3A_261 : f32 to vector<16xf32>
      %broadcast_in_dim3A_263 = arith.constant -3.000000e+38 : f32
      %broadcast_in_dim3A_264 = vector.broadcast %broadcast_in_dim3A_263 : f32 to vector<16xf32>
      %broadcast_in_dim3A_265 = arith.constant -3.000000e+38 : f32
      %broadcast_in_dim3A_266 = vector.broadcast %broadcast_in_dim3A_265 : f32 to vector<16xf32>
      %scan3A_267 = arith.constant 0 : i32
      %scan3A_268 = arith.constant 50 : i32
      %scan3A_269 = arith.addi %scan3A_267, %scan3A_268 : i32
      %scan3A_270 = arith.constant 1 : i32
      %scan3A_271:8 = scf.for %scan3A_569 = %scan3A_267 to %scan3A_269 step %scan3A_270 iter_args(%scan3A_570 = %broadcast_in_dim3A_252, %scan3A_571 = %broadcast_in_dim3A_254, %scan3A_572 = %broadcast_in_dim3A_256, %scan3A_573 = %broadcast_in_dim3A_258, %scan3A_574 = %broadcast_in_dim3A_260, %scan3A_575 = %broadcast_in_dim3A_262, %scan3A_576 = %broadcast_in_dim3A_264, %scan3A_577 = %broadcast_in_dim3A_266) -> (vector<16xf32>, vector<16xf32>, vector<16xf32>, vector<16xf32>, vector<16xf32>, vector<16xf32>, vector<16xf32>, vector<16xf32>)  : i32 {
        %mul3A_578 = arith.constant 4 : i32
        %mul3A_579 = arith.muli %scan3A_569, %mul3A_578 : i32
        %add3A_580 = arith.constant 0 : i32
        %add3A_581 = arith.addi %mul3A_579, %add3A_580 : i32
        %get3A_582 = arith.index_cast %add3A_581 : i32 to index
        %get3A_583 = arith.constant 0 : index
        %get3A_584 = tpu.vector_load %arg7[%get3A_582, %get3A_583] {strides = array<i32>} : memref<200x128xf32, #tpu.memory_space<vmem>>, vector<16xf32>,
        %max3A_585 = arith.maximumf %scan3A_570, %get3A_584 : vector<16xf32>
        %add3A_586 = arith.constant 0 : i32
        %add3A_587 = arith.addi %mul3A_579, %add3A_586 : i32
        %get3A_588 = arith.index_cast %add3A_587 : i32 to index
        %get3A_589 = arith.constant 16 : index
        %get3A_590 = tpu.vector_load %arg7[%get3A_588, %get3A_589] {strides = array<i32>} : memref<200x128xf32, #tpu.memory_space<vmem>>, vector<16xf32>,
        %max3A_591 = arith.maximumf %scan3A_571, %get3A_590 : vector<16xf32>
        %add3A_592 = arith.constant 0 : i32
        %add3A_593 = arith.addi %mul3A_579, %add3A_592 : i32
        %get3A_594 = arith.index_cast %add3A_593 : i32 to index
        %get3A_595 = arith.constant 32 : index
        %get3A_596 = tpu.vector_load %arg7[%get3A_594, %get3A_595] {strides = array<i32>} : memref<200x128xf32, #tpu.memory_space<vmem>>, vector<16xf32>,
        %max3A_597 = arith.maximumf %scan3A_572, %get3A_596 : vector<16xf32>
        %add3A_598 = arith.constant 0 : i32
        %add3A_599 = arith.addi %mul3A_579, %add3A_598 : i32
        %get3A_600 = arith.index_cast %add3A_599 : i32 to index
        %get3A_601 = arith.constant 48 : index
        %get3A_602 = tpu.vector_load %arg7[%get3A_600, %get3A_601] {strides = array<i32>} : memref<200x128xf32, #tpu.memory_space<vmem>>, vector<16xf32>,
        %max3A_603 = arith.maximumf %scan3A_573, %get3A_602 : vector<16xf32>
        %add3A_604 = arith.constant 0 : i32
        %add3A_605 = arith.addi %mul3A_579, %add3A_604 : i32
        %get3A_606 = arith.index_cast %add3A_605 : i32 to index
        %get3A_607 = arith.constant 64 : index
        %get3A_608 = tpu.vector_load %arg7[%get3A_606, %get3A_607] {strides = array<i32>} : memref<200x128xf32, #tpu.memory_space<vmem>>, vector<16xf32>,
        %max3A_609 = arith.maximumf %scan3A_574, %get3A_608 : vector<16xf32>
        %add3A_610 = arith.constant 0 : i32
        %add3A_611 = arith.addi %mul3A_579, %add3A_610 : i32
        %get3A_612 = arith.index_cast %add3A_611 : i32 to index
        %get3A_613 = arith.constant 80 : index
        %get3A_614 = tpu.vector_load %arg7[%get3A_612, %get3A_613] {strides = array<i32>} : memref<200x128xf32, #tpu.memory_space<vmem>>, vector<16xf32>,
        %max3A_615 = arith.maximumf %scan3A_575, %get3A_614 : vector<16xf32>
        %add3A_616 = arith.constant 0 : i32
        %add3A_617 = arith.addi %mul3A_579, %add3A_616 : i32
        %get3A_618 = arith.index_cast %add3A_617 : i32 to index
        %get3A_619 = arith.constant 96 : index
        %get3A_620 = tpu.vector_load %arg7[%get3A_618, %get3A_619] {strides = array<i32>} : memref<200x128xf32, #tpu.memory_space<vmem>>, vector<16xf32>,
        %max3A_621 = arith.maximumf %scan3A_576, %get3A_620 : vector<16xf32>
        %add3A_622 = arith.constant 0 : i32
        %add3A_623 = arith.addi %mul3A_579, %add3A_622 : i32
        %get3A_624 = arith.index_cast %add3A_623 : i32 to index
        %get3A_625 = arith.constant 112 : index
        %get3A_626 = tpu.vector_load %arg7[%get3A_624, %get3A_625] {strides = array<i32>} : memref<200x128xf32, #tpu.memory_space<vmem>>, vector<16xf32>,
        %max3A_627 = arith.maximumf %scan3A_577, %get3A_626 : vector<16xf32>
        %add3A_628 = arith.constant 1 : i32
        %add3A_629 = arith.addi %mul3A_579, %add3A_628 : i32
        %get3A_630 = arith.index_cast %add3A_629 : i32 to index
        %get3A_631 = arith.constant 0 : index
        %get3A_632 = tpu.vector_load %arg7[%get3A_630, %get3A_631] {strides = array<i32>} : memref<200x128xf32, #tpu.memory_space<vmem>>, vector<16xf32>,
        %max3A_633 = arith.maximumf %max3A_585, %get3A_632 : vector<16xf32>
        %add3A_634 = arith.constant 1 : i32
        %add3A_635 = arith.addi %mul3A_579, %add3A_634 : i32
        %get3A_636 = arith.index_cast %add3A_635 : i32 to index
        %get3A_637 = arith.constant 16 : index
        %get3A_638 = tpu.vector_load %arg7[%get3A_636, %get3A_637] {strides = array<i32>} : memref<200x128xf32, #tpu.memory_space<vmem>>, vector<16xf32>,
        %max3A_639 = arith.maximumf %max3A_591, %get3A_638 : vector<16xf32>
        %add3A_640 = arith.constant 1 : i32
        %add3A_641 = arith.addi %mul3A_579, %add3A_640 : i32
        %get3A_642 = arith.index_cast %add3A_641 : i32 to index
        %get3A_643 = arith.constant 32 : index
        %get3A_644 = tpu.vector_load %arg7[%get3A_642, %get3A_643] {strides = array<i32>} : memref<200x128xf32, #tpu.memory_space<vmem>>, vector<16xf32>,
        %max3A_645 = arith.maximumf %max3A_597, %get3A_644 : vector<16xf32>
        %add3A_646 = arith.constant 1 : i32
        %add3A_647 = arith.addi %mul3A_579, %add3A_646 : i32
        %get3A_648 = arith.index_cast %add3A_647 : i32 to index
        %get3A_649 = arith.constant 48 : index
        %get3A_650 = tpu.vector_load %arg7[%get3A_648, %get3A_649] {strides = array<i32>} : memref<200x128xf32, #tpu.memory_space<vmem>>, vector<16xf32>,
        %max3A_651 = arith.maximumf %max3A_603, %get3A_650 : vector<16xf32>
        %add3A_652 = arith.constant 1 : i32
        %add3A_653 = arith.addi %mul3A_579, %add3A_652 : i32
        %get3A_654 = arith.index_cast %add3A_653 : i32 to index
        %get3A_655 = arith.constant 64 : index
        %get3A_656 = tpu.vector_load %arg7[%get3A_654, %get3A_655] {strides = array<i32>} : memref<200x128xf32, #tpu.memory_space<vmem>>, vector<16xf32>,
        %max3A_657 = arith.maximumf %max3A_609, %get3A_656 : vector<16xf32>
        %add3A_658 = arith.constant 1 : i32
        %add3A_659 = arith.addi %mul3A_579, %add3A_658 : i32
        %get3A_660 = arith.index_cast %add3A_659 : i32 to index
        %get3A_661 = arith.constant 80 : index
        %get3A_662 = tpu.vector_load %arg7[%get3A_660, %get3A_661] {strides = array<i32>} : memref<200x128xf32, #tpu.memory_space<vmem>>, vector<16xf32>,
        %max3A_663 = arith.maximumf %max3A_615, %get3A_662 : vector<16xf32>
        %add3A_664 = arith.constant 1 : i32
        %add3A_665 = arith.addi %mul3A_579, %add3A_664 : i32
        %get3A_666 = arith.index_cast %add3A_665 : i32 to index
        %get3A_667 = arith.constant 96 : index
        %get3A_668 = tpu.vector_load %arg7[%get3A_666, %get3A_667] {strides = array<i32>} : memref<200x128xf32, #tpu.memory_space<vmem>>, vector<16xf32>,
        %max3A_669 = arith.maximumf %max3A_621, %get3A_668 : vector<16xf32>
        %add3A_670 = arith.constant 1 : i32
        %add3A_671 = arith.addi %mul3A_579, %add3A_670 : i32
        %get3A_672 = arith.index_cast %add3A_671 : i32 to index
        %get3A_673 = arith.constant 112 : index
        %get3A_674 = tpu.vector_load %arg7[%get3A_672, %get3A_673] {strides = array<i32>} : memref<200x128xf32, #tpu.memory_space<vmem>>, vector<16xf32>,
        %max3A_675 = arith.maximumf %max3A_627, %get3A_674 : vector<16xf32>
        %add3A_676 = arith.constant 2 : i32
        %add3A_677 = arith.addi %mul3A_579, %add3A_676 : i32
        %get3A_678 = arith.index_cast %add3A_677 : i32 to index
        %get3A_679 = arith.constant 0 : index
        %get3A_680 = tpu.vector_load %arg7[%get3A_678, %get3A_679] {strides = array<i32>} : memref<200x128xf32, #tpu.memory_space<vmem>>, vector<16xf32>,
        %max3A_681 = arith.maximumf %max3A_633, %get3A_680 : vector<16xf32>
        %add3A_682 = arith.constant 2 : i32
        %add3A_683 = arith.addi %mul3A_579, %add3A_682 : i32
        %get3A_684 = arith.index_cast %add3A_683 : i32 to index
        %get3A_685 = arith.constant 16 : index
        %get3A_686 = tpu.vector_load %arg7[%get3A_684, %get3A_685] {strides = array<i32>} : memref<200x128xf32, #tpu.memory_space<vmem>>, vector<16xf32>,
        %max3A_687 = arith.maximumf %max3A_639, %get3A_686 : vector<16xf32>
        %add3A_688 = arith.constant 2 : i32
        %add3A_689 = arith.addi %mul3A_579, %add3A_688 : i32
        %get3A_690 = arith.index_cast %add3A_689 : i32 to index
        %get3A_691 = arith.constant 32 : index
        %get3A_692 = tpu.vector_load %arg7[%get3A_690, %get3A_691] {strides = array<i32>} : memref<200x128xf32, #tpu.memory_space<vmem>>, vector<16xf32>,
        %max3A_693 = arith.maximumf %max3A_645, %get3A_692 : vector<16xf32>
        %add3A_694 = arith.constant 2 : i32
        %add3A_695 = arith.addi %mul3A_579, %add3A_694 : i32
        %get3A_696 = arith.index_cast %add3A_695 : i32 to index
        %get3A_697 = arith.constant 48 : index
        %get3A_698 = tpu.vector_load %arg7[%get3A_696, %get3A_697] {strides = array<i32>} : memref<200x128xf32, #tpu.memory_space<vmem>>, vector<16xf32>,
        %max3A_699 = arith.maximumf %max3A_651, %get3A_698 : vector<16xf32>
        %add3A_700 = arith.constant 2 : i32
        %add3A_701 = arith.addi %mul3A_579, %add3A_700 : i32
        %get3A_702 = arith.index_cast %add3A_701 : i32 to index
        %get3A_703 = arith.constant 64 : index
        %get3A_704 = tpu.vector_load %arg7[%get3A_702, %get3A_703] {strides = array<i32>} : memref<200x128xf32, #tpu.memory_space<vmem>>, vector<16xf32>,
        %max3A_705 = arith.maximumf %max3A_657, %get3A_704 : vector<16xf32>
        %add3A_706 = arith.constant 2 : i32
        %add3A_707 = arith.addi %mul3A_579, %add3A_706 : i32
        %get3A_708 = arith.index_cast %add3A_707 : i32 to index
        %get3A_709 = arith.constant 80 : index
        %get3A_710 = tpu.vector_load %arg7[%get3A_708, %get3A_709] {strides = array<i32>} : memref<200x128xf32, #tpu.memory_space<vmem>>, vector<16xf32>,
        %max3A_711 = arith.maximumf %max3A_663, %get3A_710 : vector<16xf32>
        %add3A_712 = arith.constant 2 : i32
        %add3A_713 = arith.addi %mul3A_579, %add3A_712 : i32
        %get3A_714 = arith.index_cast %add3A_713 : i32 to index
        %get3A_715 = arith.constant 96 : index
        %get3A_716 = tpu.vector_load %arg7[%get3A_714, %get3A_715] {strides = array<i32>} : memref<200x128xf32, #tpu.memory_space<vmem>>, vector<16xf32>,
        %max3A_717 = arith.maximumf %max3A_669, %get3A_716 : vector<16xf32>
        %add3A_718 = arith.constant 2 : i32
        %add3A_719 = arith.addi %mul3A_579, %add3A_718 : i32
        %get3A_720 = arith.index_cast %add3A_719 : i32 to index
        %get3A_721 = arith.constant 112 : index
        %get3A_722 = tpu.vector_load %arg7[%get3A_720, %get3A_721] {strides = array<i32>} : memref<200x128xf32, #tpu.memory_space<vmem>>, vector<16xf32>,
        %max3A_723 = arith.maximumf %max3A_675, %get3A_722 : vector<16xf32>
        %add3A_724 = arith.constant 3 : i32
        %add3A_725 = arith.addi %mul3A_579, %add3A_724 : i32
        %get3A_726 = arith.index_cast %add3A_725 : i32 to index
        %get3A_727 = arith.constant 0 : index
        %get3A_728 = tpu.vector_load %arg7[%get3A_726, %get3A_727] {strides = array<i32>} : memref<200x128xf32, #tpu.memory_space<vmem>>, vector<16xf32>,
        %max3A_729 = arith.maximumf %max3A_681, %get3A_728 : vector<16xf32>
        %add3A_730 = arith.constant 3 : i32
        %add3A_731 = arith.addi %mul3A_579, %add3A_730 : i32
        %get3A_732 = arith.index_cast %add3A_731 : i32 to index
        %get3A_733 = arith.constant 16 : index
        %get3A_734 = tpu.vector_load %arg7[%get3A_732, %get3A_733] {strides = array<i32>} : memref<200x128xf32, #tpu.memory_space<vmem>>, vector<16xf32>,
        %max3A_735 = arith.maximumf %max3A_687, %get3A_734 : vector<16xf32>
        %add3A_736 = arith.constant 3 : i32
        %add3A_737 = arith.addi %mul3A_579, %add3A_736 : i32
        %get3A_738 = arith.index_cast %add3A_737 : i32 to index
        %get3A_739 = arith.constant 32 : index
        %get3A_740 = tpu.vector_load %arg7[%get3A_738, %get3A_739] {strides = array<i32>} : memref<200x128xf32, #tpu.memory_space<vmem>>, vector<16xf32>,
        %max3A_741 = arith.maximumf %max3A_693, %get3A_740 : vector<16xf32>
        %add3A_742 = arith.constant 3 : i32
        %add3A_743 = arith.addi %mul3A_579, %add3A_742 : i32
        %get3A_744 = arith.index_cast %add3A_743 : i32 to index
        %get3A_745 = arith.constant 48 : index
        %get3A_746 = tpu.vector_load %arg7[%get3A_744, %get3A_745] {strides = array<i32>} : memref<200x128xf32, #tpu.memory_space<vmem>>, vector<16xf32>,
        %max3A_747 = arith.maximumf %max3A_699, %get3A_746 : vector<16xf32>
        %add3A_748 = arith.constant 3 : i32
        %add3A_749 = arith.addi %mul3A_579, %add3A_748 : i32
        %get3A_750 = arith.index_cast %add3A_749 : i32 to index
        %get3A_751 = arith.constant 64 : index
        %get3A_752 = tpu.vector_load %arg7[%get3A_750, %get3A_751] {strides = array<i32>} : memref<200x128xf32, #tpu.memory_space<vmem>>, vector<16xf32>,
        %max3A_753 = arith.maximumf %max3A_705, %get3A_752 : vector<16xf32>
        %add3A_754 = arith.constant 3 : i32
        %add3A_755 = arith.addi %mul3A_579, %add3A_754 : i32
        %get3A_756 = arith.index_cast %add3A_755 : i32 to index
        %get3A_757 = arith.constant 80 : index
        %get3A_758 = tpu.vector_load %arg7[%get3A_756, %get3A_757] {strides = array<i32>} : memref<200x128xf32, #tpu.memory_space<vmem>>, vector<16xf32>,
        %max3A_759 = arith.maximumf %max3A_711, %get3A_758 : vector<16xf32>
        %add3A_760 = arith.constant 3 : i32
        %add3A_761 = arith.addi %mul3A_579, %add3A_760 : i32
        %get3A_762 = arith.index_cast %add3A_761 : i32 to index
        %get3A_763 = arith.constant 96 : index
        %get3A_764 = tpu.vector_load %arg7[%get3A_762, %get3A_763] {strides = array<i32>} : memref<200x128xf32, #tpu.memory_space<vmem>>, vector<16xf32>,
        %max3A_765 = arith.maximumf %max3A_717, %get3A_764 : vector<16xf32>
        %add3A_766 = arith.constant 3 : i32
        %add3A_767 = arith.addi %mul3A_579, %add3A_766 : i32
        %get3A_768 = arith.index_cast %add3A_767 : i32 to index
        %get3A_769 = arith.constant 112 : index
        %get3A_770 = tpu.vector_load %arg7[%get3A_768, %get3A_769] {strides = array<i32>} : memref<200x128xf32, #tpu.memory_space<vmem>>, vector<16xf32>,
        %max3A_771 = arith.maximumf %max3A_723, %get3A_770 : vector<16xf32>
        scf.yield %max3A_729, %max3A_735, %max3A_741, %max3A_747, %max3A_753, %max3A_759, %max3A_765, %max3A_771 : vector<16xf32>, vector<16xf32>, vector<16xf32>, vector<16xf32>, vector<16xf32>, vector<16xf32>, vector<16xf32>, vector<16xf32>
      }
      %scan3A_272 = arith.constant 50 : i32
      %max3A_273 = arith.maximumf %scan3A_223, %scan3A_271#0 : vector<16xf32>
      %max3A_274 = arith.maximumf %scan3A_224, %scan3A_271#1 : vector<16xf32>
      %max3A_275 = arith.maximumf %scan3A_225, %scan3A_271#2 : vector<16xf32>
      %max3A_276 = arith.maximumf %scan3A_226, %scan3A_271#3 : vector<16xf32>
      %max3A_277 = arith.maximumf %scan3A_227, %scan3A_271#4 : vector<16xf32>
      %max3A_278 = arith.maximumf %scan3A_228, %scan3A_271#5 : vector<16xf32>
      %max3A_279 = arith.maximumf %scan3A_229, %scan3A_271#6 : vector<16xf32>
      %max3A_280 = arith.maximumf %scan3A_230, %scan3A_271#7 : vector<16xf32>
      %sub3A_281 = arith.subf %scan3A_223, %max3A_273 : vector<16xf32>
      %exp3A_282 = math.exp %sub3A_281 : vector<16xf32>
      %mul3A_283 = arith.mulf %scan3A_231, %exp3A_282 : vector<16xf32>
      %sub3A_284 = arith.subf %scan3A_224, %max3A_274 : vector<16xf32>
      %exp3A_285 = math.exp %sub3A_284 : vector<16xf32>
      %mul3A_286 = arith.mulf %scan3A_232, %exp3A_285 : vector<16xf32>
      %sub3A_287 = arith.subf %scan3A_225, %max3A_275 : vector<16xf32>
      %exp3A_288 = math.exp %sub3A_287 : vector<16xf32>
      %mul3A_289 = arith.mulf %scan3A_233, %exp3A_288 : vector<16xf32>
      %sub3A_290 = arith.subf %scan3A_226, %max3A_276 : vector<16xf32>
      %exp3A_291 = math.exp %sub3A_290 : vector<16xf32>
      %mul3A_292 = arith.mulf %scan3A_234, %exp3A_291 : vector<16xf32>
      %sub3A_293 = arith.subf %scan3A_227, %max3A_277 : vector<16xf32>
      %exp3A_294 = math.exp %sub3A_293 : vector<16xf32>
      %mul3A_295 = arith.mulf %scan3A_235, %exp3A_294 : vector<16xf32>
      %sub3A_296 = arith.subf %scan3A_228, %max3A_278 : vector<16xf32>
      %exp3A_297 = math.exp %sub3A_296 : vector<16xf32>
      %mul3A_298 = arith.mulf %scan3A_236, %exp3A_297 : vector<16xf32>
      %sub3A_299 = arith.subf %scan3A_229, %max3A_279 : vector<16xf32>
      %exp3A_300 = math.exp %sub3A_299 : vector<16xf32>
      %mul3A_301 = arith.mulf %scan3A_237, %exp3A_300 : vector<16xf32>
      %sub3A_302 = arith.subf %scan3A_230, %max3A_280 : vector<16xf32>
      %exp3A_303 = math.exp %sub3A_302 : vector<16xf32>
      %mul3A_304 = arith.mulf %scan3A_238, %exp3A_303 : vector<16xf32>
      %scan3A_305 = arith.constant 0 : i32
      %scan3A_306 = arith.constant 50 : i32
      %scan3A_307 = arith.addi %scan3A_305, %scan3A_306 : i32
      %scan3A_308 = arith.constant 1 : i32
      %scan3A_309:8 = scf.for %scan3A_569 = %scan3A_305 to %scan3A_307 step %scan3A_308 iter_args(%scan3A_570 = %mul3A_283, %scan3A_571 = %mul3A_286, %scan3A_572 = %mul3A_289, %scan3A_573 = %mul3A_292, %scan3A_574 = %mul3A_295, %scan3A_575 = %mul3A_298, %scan3A_576 = %mul3A_301, %scan3A_577 = %mul3A_304) -> (vector<16xf32>, vector<16xf32>, vector<16xf32>, vector<16xf32>, vector<16xf32>, vector<16xf32>, vector<16xf32>, vector<16xf32>)  : i32 {
        %mul3A_578 = arith.constant 4 : i32
        %mul3A_579 = arith.muli %scan3A_569, %mul3A_578 : i32
        %add3A_580 = arith.constant 0 : i32
        %add3A_581 = arith.addi %mul3A_579, %add3A_580 : i32
        %get3A_582 = arith.index_cast %add3A_581 : i32 to index
        %get3A_583 = arith.constant 0 : index
        %get3A_584 = tpu.vector_load %arg7[%get3A_582, %get3A_583] {strides = array<i32>} : memref<200x128xf32, #tpu.memory_space<vmem>>, vector<16xf32>,
        %sub3A_585 = arith.subf %get3A_584, %max3A_273 : vector<16xf32>
        %exp3A_586 = math.exp %sub3A_585 : vector<16xf32>
        %add3A_587 = arith.addf %scan3A_570, %exp3A_586 : vector<16xf32>
        %add3A_588 = arith.constant 0 : i32
        %add3A_589 = arith.addi %mul3A_579, %add3A_588 : i32
        %get3A_590 = arith.index_cast %add3A_589 : i32 to index
        %get3A_591 = arith.constant 16 : index
        %get3A_592 = tpu.vector_load %arg7[%get3A_590, %get3A_591] {strides = array<i32>} : memref<200x128xf32, #tpu.memory_space<vmem>>, vector<16xf32>,
        %sub3A_593 = arith.subf %get3A_592, %max3A_274 : vector<16xf32>
        %exp3A_594 = math.exp %sub3A_593 : vector<16xf32>
        %add3A_595 = arith.addf %scan3A_571, %exp3A_594 : vector<16xf32>
        %add3A_596 = arith.constant 0 : i32
        %add3A_597 = arith.addi %mul3A_579, %add3A_596 : i32
        %get3A_598 = arith.index_cast %add3A_597 : i32 to index
        %get3A_599 = arith.constant 32 : index
        %get3A_600 = tpu.vector_load %arg7[%get3A_598, %get3A_599] {strides = array<i32>} : memref<200x128xf32, #tpu.memory_space<vmem>>, vector<16xf32>,
        %sub3A_601 = arith.subf %get3A_600, %max3A_275 : vector<16xf32>
        %exp3A_602 = math.exp %sub3A_601 : vector<16xf32>
        %add3A_603 = arith.addf %scan3A_572, %exp3A_602 : vector<16xf32>
        %add3A_604 = arith.constant 0 : i32
        %add3A_605 = arith.addi %mul3A_579, %add3A_604 : i32
        %get3A_606 = arith.index_cast %add3A_605 : i32 to index
        %get3A_607 = arith.constant 48 : index
        %get3A_608 = tpu.vector_load %arg7[%get3A_606, %get3A_607] {strides = array<i32>} : memref<200x128xf32, #tpu.memory_space<vmem>>, vector<16xf32>,
        %sub3A_609 = arith.subf %get3A_608, %max3A_276 : vector<16xf32>
        %exp3A_610 = math.exp %sub3A_609 : vector<16xf32>
        %add3A_611 = arith.addf %scan3A_573, %exp3A_610 : vector<16xf32>
        %add3A_612 = arith.constant 0 : i32
        %add3A_613 = arith.addi %mul3A_579, %add3A_612 : i32
        %get3A_614 = arith.index_cast %add3A_613 : i32 to index
        %get3A_615 = arith.constant 64 : index
        %get3A_616 = tpu.vector_load %arg7[%get3A_614, %get3A_615] {strides = array<i32>} : memref<200x128xf32, #tpu.memory_space<vmem>>, vector<16xf32>,
        %sub3A_617 = arith.subf %get3A_616, %max3A_277 : vector<16xf32>
        %exp3A_618 = math.exp %sub3A_617 : vector<16xf32>
        %add3A_619 = arith.addf %scan3A_574, %exp3A_618 : vector<16xf32>
        %add3A_620 = arith.constant 0 : i32
        %add3A_621 = arith.addi %mul3A_579, %add3A_620 : i32
        %get3A_622 = arith.index_cast %add3A_621 : i32 to index
        %get3A_623 = arith.constant 80 : index
        %get3A_624 = tpu.vector_load %arg7[%get3A_622, %get3A_623] {strides = array<i32>} : memref<200x128xf32, #tpu.memory_space<vmem>>, vector<16xf32>,
        %sub3A_625 = arith.subf %get3A_624, %max3A_278 : vector<16xf32>
        %exp3A_626 = math.exp %sub3A_625 : vector<16xf32>
        %add3A_627 = arith.addf %scan3A_575, %exp3A_626 : vector<16xf32>
        %add3A_628 = arith.constant 0 : i32
        %add3A_629 = arith.addi %mul3A_579, %add3A_628 : i32
        %get3A_630 = arith.index_cast %add3A_629 : i32 to index
        %get3A_631 = arith.constant 96 : index
        %get3A_632 = tpu.vector_load %arg7[%get3A_630, %get3A_631] {strides = array<i32>} : memref<200x128xf32, #tpu.memory_space<vmem>>, vector<16xf32>,
        %sub3A_633 = arith.subf %get3A_632, %max3A_279 : vector<16xf32>
        %exp3A_634 = math.exp %sub3A_633 : vector<16xf32>
        %add3A_635 = arith.addf %scan3A_576, %exp3A_634 : vector<16xf32>
        %add3A_636 = arith.constant 0 : i32
        %add3A_637 = arith.addi %mul3A_579, %add3A_636 : i32
        %get3A_638 = arith.index_cast %add3A_637 : i32 to index
        %get3A_639 = arith.constant 112 : index
        %get3A_640 = tpu.vector_load %arg7[%get3A_638, %get3A_639] {strides = array<i32>} : memref<200x128xf32, #tpu.memory_space<vmem>>, vector<16xf32>,
        %sub3A_641 = arith.subf %get3A_640, %max3A_280 : vector<16xf32>
        %exp3A_642 = math.exp %sub3A_641 : vector<16xf32>
        %add3A_643 = arith.addf %scan3A_577, %exp3A_642 : vector<16xf32>
        %add3A_644 = arith.constant 1 : i32
        %add3A_645 = arith.addi %mul3A_579, %add3A_644 : i32
        %get3A_646 = arith.index_cast %add3A_645 : i32 to index
        %get3A_647 = arith.constant 0 : index
        %get3A_648 = tpu.vector_load %arg7[%get3A_646, %get3A_647] {strides = array<i32>} : memref<200x128xf32, #tpu.memory_space<vmem>>, vector<16xf32>,
        %sub3A_649 = arith.subf %get3A_648, %max3A_273 : vector<16xf32>
        %exp3A_650 = math.exp %sub3A_649 : vector<16xf32>
        %add3A_651 = arith.addf %add3A_587, %exp3A_650 : vector<16xf32>
        %add3A_652 = arith.constant 1 : i32
        %add3A_653 = arith.addi %mul3A_579, %add3A_652 : i32
        %get3A_654 = arith.index_cast %add3A_653 : i32 to index
        %get3A_655 = arith.constant 16 : index
        %get3A_656 = tpu.vector_load %arg7[%get3A_654, %get3A_655] {strides = array<i32>} : memref<200x128xf32, #tpu.memory_space<vmem>>, vector<16xf32>,
        %sub3A_657 = arith.subf %get3A_656, %max3A_274 : vector<16xf32>
        %exp3A_658 = math.exp %sub3A_657 : vector<16xf32>
        %add3A_659 = arith.addf %add3A_595, %exp3A_658 : vector<16xf32>
        %add3A_660 = arith.constant 1 : i32
        %add3A_661 = arith.addi %mul3A_579, %add3A_660 : i32
        %get3A_662 = arith.index_cast %add3A_661 : i32 to index
        %get3A_663 = arith.constant 32 : index
        %get3A_664 = tpu.vector_load %arg7[%get3A_662, %get3A_663] {strides = array<i32>} : memref<200x128xf32, #tpu.memory_space<vmem>>, vector<16xf32>,
        %sub3A_665 = arith.subf %get3A_664, %max3A_275 : vector<16xf32>
        %exp3A_666 = math.exp %sub3A_665 : vector<16xf32>
        %add3A_667 = arith.addf %add3A_603, %exp3A_666 : vector<16xf32>
        %add3A_668 = arith.constant 1 : i32
        %add3A_669 = arith.addi %mul3A_579, %add3A_668 : i32
        %get3A_670 = arith.index_cast %add3A_669 : i32 to index
        %get3A_671 = arith.constant 48 : index
        %get3A_672 = tpu.vector_load %arg7[%get3A_670, %get3A_671] {strides = array<i32>} : memref<200x128xf32, #tpu.memory_space<vmem>>, vector<16xf32>,
        %sub3A_673 = arith.subf %get3A_672, %max3A_276 : vector<16xf32>
        %exp3A_674 = math.exp %sub3A_673 : vector<16xf32>
        %add3A_675 = arith.addf %add3A_611, %exp3A_674 : vector<16xf32>
        %add3A_676 = arith.constant 1 : i32
        %add3A_677 = arith.addi %mul3A_579, %add3A_676 : i32
        %get3A_678 = arith.index_cast %add3A_677 : i32 to index
        %get3A_679 = arith.constant 64 : index
        %get3A_680 = tpu.vector_load %arg7[%get3A_678, %get3A_679] {strides = array<i32>} : memref<200x128xf32, #tpu.memory_space<vmem>>, vector<16xf32>,
        %sub3A_681 = arith.subf %get3A_680, %max3A_277 : vector<16xf32>
        %exp3A_682 = math.exp %sub3A_681 : vector<16xf32>
        %add3A_683 = arith.addf %add3A_619, %exp3A_682 : vector<16xf32>
        %add3A_684 = arith.constant 1 : i32
        %add3A_685 = arith.addi %mul3A_579, %add3A_684 : i32
        %get3A_686 = arith.index_cast %add3A_685 : i32 to index
        %get3A_687 = arith.constant 80 : index
        %get3A_688 = tpu.vector_load %arg7[%get3A_686, %get3A_687] {strides = array<i32>} : memref<200x128xf32, #tpu.memory_space<vmem>>, vector<16xf32>,
        %sub3A_689 = arith.subf %get3A_688, %max3A_278 : vector<16xf32>
        %exp3A_690 = math.exp %sub3A_689 : vector<16xf32>
        %add3A_691 = arith.addf %add3A_627, %exp3A_690 : vector<16xf32>
        %add3A_692 = arith.constant 1 : i32
        %add3A_693 = arith.addi %mul3A_579, %add3A_692 : i32
        %get3A_694 = arith.index_cast %add3A_693 : i32 to index
        %get3A_695 = arith.constant 96 : index
        %get3A_696 = tpu.vector_load %arg7[%get3A_694, %get3A_695] {strides = array<i32>} : memref<200x128xf32, #tpu.memory_space<vmem>>, vector<16xf32>,
        %sub3A_697 = arith.subf %get3A_696, %max3A_279 : vector<16xf32>
        %exp3A_698 = math.exp %sub3A_697 : vector<16xf32>
        %add3A_699 = arith.addf %add3A_635, %exp3A_698 : vector<16xf32>
        %add3A_700 = arith.constant 1 : i32
        %add3A_701 = arith.addi %mul3A_579, %add3A_700 : i32
        %get3A_702 = arith.index_cast %add3A_701 : i32 to index
        %get3A_703 = arith.constant 112 : index
        %get3A_704 = tpu.vector_load %arg7[%get3A_702, %get3A_703] {strides = array<i32>} : memref<200x128xf32, #tpu.memory_space<vmem>>, vector<16xf32>,
        %sub3A_705 = arith.subf %get3A_704, %max3A_280 : vector<16xf32>
        %exp3A_706 = math.exp %sub3A_705 : vector<16xf32>
        %add3A_707 = arith.addf %add3A_643, %exp3A_706 : vector<16xf32>
        %add3A_708 = arith.constant 2 : i32
        %add3A_709 = arith.addi %mul3A_579, %add3A_708 : i32
        %get3A_710 = arith.index_cast %add3A_709 : i32 to index
        %get3A_711 = arith.constant 0 : index
        %get3A_712 = tpu.vector_load %arg7[%get3A_710, %get3A_711] {strides = array<i32>} : memref<200x128xf32, #tpu.memory_space<vmem>>, vector<16xf32>,
        %sub3A_713 = arith.subf %get3A_712, %max3A_273 : vector<16xf32>
        %exp3A_714 = math.exp %sub3A_713 : vector<16xf32>
        %add3A_715 = arith.addf %add3A_651, %exp3A_714 : vector<16xf32>
        %add3A_716 = arith.constant 2 : i32
        %add3A_717 = arith.addi %mul3A_579, %add3A_716 : i32
        %get3A_718 = arith.index_cast %add3A_717 : i32 to index
        %get3A_719 = arith.constant 16 : index
        %get3A_720 = tpu.vector_load %arg7[%get3A_718, %get3A_719] {strides = array<i32>} : memref<200x128xf32, #tpu.memory_space<vmem>>, vector<16xf32>,
        %sub3A_721 = arith.subf %get3A_720, %max3A_274 : vector<16xf32>
        %exp3A_722 = math.exp %sub3A_721 : vector<16xf32>
        %add3A_723 = arith.addf %add3A_659, %exp3A_722 : vector<16xf32>
        %add3A_724 = arith.constant 2 : i32
        %add3A_725 = arith.addi %mul3A_579, %add3A_724 : i32
        %get3A_726 = arith.index_cast %add3A_725 : i32 to index
        %get3A_727 = arith.constant 32 : index
        %get3A_728 = tpu.vector_load %arg7[%get3A_726, %get3A_727] {strides = array<i32>} : memref<200x128xf32, #tpu.memory_space<vmem>>, vector<16xf32>,
        %sub3A_729 = arith.subf %get3A_728, %max3A_275 : vector<16xf32>
        %exp3A_730 = math.exp %sub3A_729 : vector<16xf32>
        %add3A_731 = arith.addf %add3A_667, %exp3A_730 : vector<16xf32>
        %add3A_732 = arith.constant 2 : i32
        %add3A_733 = arith.addi %mul3A_579, %add3A_732 : i32
        %get3A_734 = arith.index_cast %add3A_733 : i32 to index
        %get3A_735 = arith.constant 48 : index
        %get3A_736 = tpu.vector_load %arg7[%get3A_734, %get3A_735] {strides = array<i32>} : memref<200x128xf32, #tpu.memory_space<vmem>>, vector<16xf32>,
        %sub3A_737 = arith.subf %get3A_736, %max3A_276 : vector<16xf32>
        %exp3A_738 = math.exp %sub3A_737 : vector<16xf32>
        %add3A_739 = arith.addf %add3A_675, %exp3A_738 : vector<16xf32>
        %add3A_740 = arith.constant 2 : i32
        %add3A_741 = arith.addi %mul3A_579, %add3A_740 : i32
        %get3A_742 = arith.index_cast %add3A_741 : i32 to index
        %get3A_743 = arith.constant 64 : index
        %get3A_744 = tpu.vector_load %arg7[%get3A_742, %get3A_743] {strides = array<i32>} : memref<200x128xf32, #tpu.memory_space<vmem>>, vector<16xf32>,
        %sub3A_745 = arith.subf %get3A_744, %max3A_277 : vector<16xf32>
        %exp3A_746 = math.exp %sub3A_745 : vector<16xf32>
        %add3A_747 = arith.addf %add3A_683, %exp3A_746 : vector<16xf32>
        %add3A_748 = arith.constant 2 : i32
        %add3A_749 = arith.addi %mul3A_579, %add3A_748 : i32
        %get3A_750 = arith.index_cast %add3A_749 : i32 to index
        %get3A_751 = arith.constant 80 : index
        %get3A_752 = tpu.vector_load %arg7[%get3A_750, %get3A_751] {strides = array<i32>} : memref<200x128xf32, #tpu.memory_space<vmem>>, vector<16xf32>,
        %sub3A_753 = arith.subf %get3A_752, %max3A_278 : vector<16xf32>
        %exp3A_754 = math.exp %sub3A_753 : vector<16xf32>
        %add3A_755 = arith.addf %add3A_691, %exp3A_754 : vector<16xf32>
        %add3A_756 = arith.constant 2 : i32
        %add3A_757 = arith.addi %mul3A_579, %add3A_756 : i32
        %get3A_758 = arith.index_cast %add3A_757 : i32 to index
        %get3A_759 = arith.constant 96 : index
        %get3A_760 = tpu.vector_load %arg7[%get3A_758, %get3A_759] {strides = array<i32>} : memref<200x128xf32, #tpu.memory_space<vmem>>, vector<16xf32>,
        %sub3A_761 = arith.subf %get3A_760, %max3A_279 : vector<16xf32>
        %exp3A_762 = math.exp %sub3A_761 : vector<16xf32>
        %add3A_763 = arith.addf %add3A_699, %exp3A_762 : vector<16xf32>
        %add3A_764 = arith.constant 2 : i32
        %add3A_765 = arith.addi %mul3A_579, %add3A_764 : i32
        %get3A_766 = arith.index_cast %add3A_765 : i32 to index
        %get3A_767 = arith.constant 112 : index
        %get3A_768 = tpu.vector_load %arg7[%get3A_766, %get3A_767] {strides = array<i32>} : memref<200x128xf32, #tpu.memory_space<vmem>>, vector<16xf32>,
        %sub3A_769 = arith.subf %get3A_768, %max3A_280 : vector<16xf32>
        %exp3A_770 = math.exp %sub3A_769 : vector<16xf32>
        %add3A_771 = arith.addf %add3A_707, %exp3A_770 : vector<16xf32>
        %add3A_772 = arith.constant 3 : i32
        %add3A_773 = arith.addi %mul3A_579, %add3A_772 : i32
        %get3A_774 = arith.index_cast %add3A_773 : i32 to index
        %get3A_775 = arith.constant 0 : index
        %get3A_776 = tpu.vector_load %arg7[%get3A_774, %get3A_775] {strides = array<i32>} : memref<200x128xf32, #tpu.memory_space<vmem>>, vector<16xf32>,
        %sub3A_777 = arith.subf %get3A_776, %max3A_273 : vector<16xf32>
        %exp3A_778 = math.exp %sub3A_777 : vector<16xf32>
        %add3A_779 = arith.addf %add3A_715, %exp3A_778 : vector<16xf32>
        %add3A_780 = arith.constant 3 : i32
        %add3A_781 = arith.addi %mul3A_579, %add3A_780 : i32
        %get3A_782 = arith.index_cast %add3A_781 : i32 to index
        %get3A_783 = arith.constant 16 : index
        %get3A_784 = tpu.vector_load %arg7[%get3A_782, %get3A_783] {strides = array<i32>} : memref<200x128xf32, #tpu.memory_space<vmem>>, vector<16xf32>,
        %sub3A_785 = arith.subf %get3A_784, %max3A_274 : vector<16xf32>
        %exp3A_786 = math.exp %sub3A_785 : vector<16xf32>
        %add3A_787 = arith.addf %add3A_723, %exp3A_786 : vector<16xf32>
        %add3A_788 = arith.constant 3 : i32
        %add3A_789 = arith.addi %mul3A_579, %add3A_788 : i32
        %get3A_790 = arith.index_cast %add3A_789 : i32 to index
        %get3A_791 = arith.constant 32 : index
        %get3A_792 = tpu.vector_load %arg7[%get3A_790, %get3A_791] {strides = array<i32>} : memref<200x128xf32, #tpu.memory_space<vmem>>, vector<16xf32>,
        %sub3A_793 = arith.subf %get3A_792, %max3A_275 : vector<16xf32>
        %exp3A_794 = math.exp %sub3A_793 : vector<16xf32>
        %add3A_795 = arith.addf %add3A_731, %exp3A_794 : vector<16xf32>
        %add3A_796 = arith.constant 3 : i32
        %add3A_797 = arith.addi %mul3A_579, %add3A_796 : i32
        %get3A_798 = arith.index_cast %add3A_797 : i32 to index
        %get3A_799 = arith.constant 48 : index
        %get3A_800 = tpu.vector_load %arg7[%get3A_798, %get3A_799] {strides = array<i32>} : memref<200x128xf32, #tpu.memory_space<vmem>>, vector<16xf32>,
        %sub3A_801 = arith.subf %get3A_800, %max3A_276 : vector<16xf32>
        %exp3A_802 = math.exp %sub3A_801 : vector<16xf32>
        %add3A_803 = arith.addf %add3A_739, %exp3A_802 : vector<16xf32>
        %add3A_804 = arith.constant 3 : i32
        %add3A_805 = arith.addi %mul3A_579, %add3A_804 : i32
        %get3A_806 = arith.index_cast %add3A_805 : i32 to index
        %get3A_807 = arith.constant 64 : index
        %get3A_808 = tpu.vector_load %arg7[%get3A_806, %get3A_807] {strides = array<i32>} : memref<200x128xf32, #tpu.memory_space<vmem>>, vector<16xf32>,
        %sub3A_809 = arith.subf %get3A_808, %max3A_277 : vector<16xf32>
        %exp3A_810 = math.exp %sub3A_809 : vector<16xf32>
        %add3A_811 = arith.addf %add3A_747, %exp3A_810 : vector<16xf32>
        %add3A_812 = arith.constant 3 : i32
        %add3A_813 = arith.addi %mul3A_579, %add3A_812 : i32
        %get3A_814 = arith.index_cast %add3A_813 : i32 to index
        %get3A_815 = arith.constant 80 : index
        %get3A_816 = tpu.vector_load %arg7[%get3A_814, %get3A_815] {strides = array<i32>} : memref<200x128xf32, #tpu.memory_space<vmem>>, vector<16xf32>,
        %sub3A_817 = arith.subf %get3A_816, %max3A_278 : vector<16xf32>
        %exp3A_818 = math.exp %sub3A_817 : vector<16xf32>
        %add3A_819 = arith.addf %add3A_755, %exp3A_818 : vector<16xf32>
        %add3A_820 = arith.constant 3 : i32
        %add3A_821 = arith.addi %mul3A_579, %add3A_820 : i32
        %get3A_822 = arith.index_cast %add3A_821 : i32 to index
        %get3A_823 = arith.constant 96 : index
        %get3A_824 = tpu.vector_load %arg7[%get3A_822, %get3A_823] {strides = array<i32>} : memref<200x128xf32, #tpu.memory_space<vmem>>, vector<16xf32>,
        %sub3A_825 = arith.subf %get3A_824, %max3A_279 : vector<16xf32>
        %exp3A_826 = math.exp %sub3A_825 : vector<16xf32>
        %add3A_827 = arith.addf %add3A_763, %exp3A_826 : vector<16xf32>
        %add3A_828 = arith.constant 3 : i32
        %add3A_829 = arith.addi %mul3A_579, %add3A_828 : i32
        %get3A_830 = arith.index_cast %add3A_829 : i32 to index
        %get3A_831 = arith.constant 112 : index
        %get3A_832 = tpu.vector_load %arg7[%get3A_830, %get3A_831] {strides = array<i32>} : memref<200x128xf32, #tpu.memory_space<vmem>>, vector<16xf32>,
        %sub3A_833 = arith.subf %get3A_832, %max3A_280 : vector<16xf32>
        %exp3A_834 = math.exp %sub3A_833 : vector<16xf32>
        %add3A_835 = arith.addf %add3A_771, %exp3A_834 : vector<16xf32>
        scf.yield %add3A_779, %add3A_787, %add3A_795, %add3A_803, %add3A_811, %add3A_819, %add3A_827, %add3A_835 : vector<16xf32>, vector<16xf32>, vector<16xf32>, vector<16xf32>, vector<16xf32>, vector<16xf32>, vector<16xf32>, vector<16xf32>
      }
      %scan3A_310 = arith.constant 50 : i32
      %jit3A_311 = arith.constant 16 : i32
      %div3A_312 = arith.divsi %mul3A_240, %jit3A_311 : i32
      %sign3A_313 = arith.constant 0 : i32
      %sign3A_314 = arith.cmpi sgt, %mul3A_240, %sign3A_313 : i32
      %sign3A_315 = arith.extui %sign3A_314 : i1 to i32
      %sign3A_316 = arith.constant 0 : i32
      %sign3A_317 = arith.cmpi slt, %mul3A_240, %sign3A_316 : i32
      %sign3A_318 = arith.extui %sign3A_317 : i1 to i32
      %sign3A_319 = arith.subi %sign3A_315, %sign3A_318 : i32
      %sign3A_320 = arith.constant 0 : i32
      %sign3A_321 = arith.cmpi sgt, %jit3A_311, %sign3A_320 : i32
      %sign3A_322 = arith.extui %sign3A_321 : i1 to i32
      %sign3A_323 = arith.constant 0 : i32
      %sign3A_324 = arith.cmpi slt, %jit3A_311, %sign3A_323 : i32
      %sign3A_325 = arith.extui %sign3A_324 : i1 to i32
      %sign3A_326 = arith.subi %sign3A_322, %sign3A_325 : i32
      %ne3A_327 = arith.cmpi ne, %sign3A_319, %sign3A_326 : i32
      %rem3A_328 = arith.remsi %mul3A_240, %jit3A_311 : i32
      %ne3A_329 = arith.constant 0 : i32
      %ne3A_330 = arith.cmpi ne, %rem3A_328, %ne3A_329 : i32
      %and3A_331 = arith.andi %ne3A_327, %ne3A_330 : i1
      %sub3A_332 = arith.constant 1 : i32
      %sub3A_333 = arith.subi %div3A_312, %sub3A_332 : i32
      %select_n3A_334 = arith.select %and3A_331, %sub3A_333, %div3A_312 : i32
      %mul3A_335 = arith.constant 16 : i32
      %mul3A_336 = arith.muli %select_n3A_334, %mul3A_335 : i32
      %multiple_of3A_337 = tpu.assume_multiple %mul3A_336, 16 : i32
      %get3A_338 = arith.index_cast %multiple_of3A_337 : i32 to index
      %get3A_339 = tpu.vector_load %arg10[%get3A_338] {strides = array<i32>} : memref<128xi32, #tpu.memory_space<vmem>>, vector<16xi32>,
      %iota3A_340 = tpu.iota {dimensions = array<i32: 0>} : vector<16xi32>
      %sub3A_341 = arith.subi %mul3A_240, %multiple_of3A_337 : i32
      %eq3A_342 = vector.broadcast %sub3A_341 : i32 to vector<16xi32>
      %eq3A_343 = arith.cmpi eq, %iota3A_340, %eq3A_342 : vector<16xi32>
      %jit3A_344 = arith.constant 0 : i32
      %broadcast_in_dim3A_345 = vector.broadcast %jit3A_344 : i32 to vector<16xi32>
      %select_n3A_346 = arith.select %eq3A_343, %get3A_339, %broadcast_in_dim3A_345 : vector<16xi1>, vector<16xi32>
      %reduce_sum3A_347 = arith.constant true
      %reduce_sum3A_348 = vector.broadcast %reduce_sum3A_347 : i1 to vector<16xi1>
      %reduce_sum3A_349 = tpu.scan <sum>, %select_n3A_346 masked %reduce_sum3A_348 : vector<16xi32>, vector<16xi1> -> vector<16xi32>
      %reduce_sum3A_350 = vector.extract %reduce_sum3A_349[15] : i32 from vector<16xi32>
      %add3A_351 = arith.constant 1 : i32
      %add3A_352 = arith.addi %mul3A_240, %add3A_351 : i32
      %jit3A_353 = arith.constant 16 : i32
      %div3A_354 = arith.divsi %add3A_352, %jit3A_353 : i32
      %sign3A_355 = arith.constant 0 : i32
      %sign3A_356 = arith.cmpi sgt, %add3A_352, %sign3A_355 : i32
      %sign3A_357 = arith.extui %sign3A_356 : i1 to i32
      %sign3A_358 = arith.constant 0 : i32
      %sign3A_359 = arith.cmpi slt, %add3A_352, %sign3A_358 : i32
      %sign3A_360 = arith.extui %sign3A_359 : i1 to i32
      %sign3A_361 = arith.subi %sign3A_357, %sign3A_360 : i32
      %sign3A_362 = arith.constant 0 : i32
      %sign3A_363 = arith.cmpi sgt, %jit3A_353, %sign3A_362 : i32
      %sign3A_364 = arith.extui %sign3A_363 : i1 to i32
      %sign3A_365 = arith.constant 0 : i32
      %sign3A_366 = arith.cmpi slt, %jit3A_353, %sign3A_365 : i32
      %sign3A_367 = arith.extui %sign3A_366 : i1 to i32
      %sign3A_368 = arith.subi %sign3A_364, %sign3A_367 : i32
      %ne3A_369 = arith.cmpi ne, %sign3A_361, %sign3A_368 : i32
      %rem3A_370 = arith.remsi %add3A_352, %jit3A_353 : i32
      %ne3A_371 = arith.constant 0 : i32
      %ne3A_372 = arith.cmpi ne, %rem3A_370, %ne3A_371 : i32
      %and3A_373 = arith.andi %ne3A_369, %ne3A_372 : i1
      %sub3A_374 = arith.constant 1 : i32
      %sub3A_375 = arith.subi %div3A_354, %sub3A_374 : i32
      %select_n3A_376 = arith.select %and3A_373, %sub3A_375, %div3A_354 : i32
      %mul3A_377 = arith.constant 16 : i32
      %mul3A_378 = arith.muli %select_n3A_376, %mul3A_377 : i32
      %multiple_of3A_379 = tpu.assume_multiple %mul3A_378, 16 : i32
      %get3A_380 = arith.index_cast %multiple_of3A_379 : i32 to index
      %get3A_381 = tpu.vector_load %arg10[%get3A_380] {strides = array<i32>} : memref<128xi32, #tpu.memory_space<vmem>>, vector<16xi32>,
      %iota3A_382 = tpu.iota {dimensions = array<i32: 0>} : vector<16xi32>
      %sub3A_383 = arith.subi %add3A_352, %multiple_of3A_379 : i32
      %eq3A_384 = vector.broadcast %sub3A_383 : i32 to vector<16xi32>
      %eq3A_385 = arith.cmpi eq, %iota3A_382, %eq3A_384 : vector<16xi32>
      %jit3A_386 = arith.constant 0 : i32
      %broadcast_in_dim3A_387 = vector.broadcast %jit3A_386 : i32 to vector<16xi32>
      %select_n3A_388 = arith.select %eq3A_385, %get3A_381, %broadcast_in_dim3A_387 : vector<16xi1>, vector<16xi32>
      %reduce_sum3A_389 = arith.constant true
      %reduce_sum3A_390 = vector.broadcast %reduce_sum3A_389 : i1 to vector<16xi1>
      %reduce_sum3A_391 = tpu.scan <sum>, %select_n3A_388 masked %reduce_sum3A_390 : vector<16xi32>, vector<16xi1> -> vector<16xi32>
      %reduce_sum3A_392 = vector.extract %reduce_sum3A_391[15] : i32 from vector<16xi32>
      %while3A_393 = arith.constant 0 : i32
      %while3A_394 = arith.subi %reduce_sum3A_392, %reduce_sum3A_350 : i32
      %while3A_395 = arith.addi %reduce_sum3A_350, %while3A_394 : i32
      %while3A_396 = arith.constant 1 : i32
      %while3A_397 = arith.divsi %while3A_394, %while3A_396 : i32
      %while3A_398 = arith.muli %while3A_397, %while3A_396 : i32
      %while3A_399 = arith.addi %reduce_sum3A_350, %while3A_398 : i32
      %while3A_400 = arith.constant 1 : i32
      %while3A_401 = scf.for %while3A_569 = %reduce_sum3A_350 to %while3A_399 step %while3A_400 iter_args(%while3A_570 = %while3A_393) -> (i32)  : i32 {
        %jit3A_571 = arith.constant 16 : i32
        %div3A_572 = arith.divsi %while3A_569, %jit3A_571 : i32
        %sign3A_573 = arith.constant 0 : i32
        %sign3A_574 = arith.cmpi sgt, %while3A_569, %sign3A_573 : i32
        %sign3A_575 = arith.extui %sign3A_574 : i1 to i32
        %sign3A_576 = arith.constant 0 : i32
        %sign3A_577 = arith.cmpi slt, %while3A_569, %sign3A_576 : i32
        %sign3A_578 = arith.extui %sign3A_577 : i1 to i32
        %sign3A_579 = arith.subi %sign3A_575, %sign3A_578 : i32
        %sign3A_580 = arith.constant 0 : i32
        %sign3A_581 = arith.cmpi sgt, %jit3A_571, %sign3A_580 : i32
        %sign3A_582 = arith.extui %sign3A_581 : i1 to i32
        %sign3A_583 = arith.constant 0 : i32
        %sign3A_584 = arith.cmpi slt, %jit3A_571, %sign3A_583 : i32
        %sign3A_585 = arith.extui %sign3A_584 : i1 to i32
        %sign3A_586 = arith.subi %sign3A_582, %sign3A_585 : i32
        %ne3A_587 = arith.cmpi ne, %sign3A_579, %sign3A_586 : i32
        %rem3A_588 = arith.remsi %while3A_569, %jit3A_571 : i32
        %ne3A_589 = arith.constant 0 : i32
        %ne3A_590 = arith.cmpi ne, %rem3A_588, %ne3A_589 : i32
        %and3A_591 = arith.andi %ne3A_587, %ne3A_590 : i1
        %sub3A_592 = arith.constant 1 : i32
        %sub3A_593 = arith.subi %div3A_572, %sub3A_592 : i32
        %select_n3A_594 = arith.select %and3A_591, %sub3A_593, %div3A_572 : i32
        %mul3A_595 = arith.constant 16 : i32
        %mul3A_596 = arith.muli %select_n3A_594, %mul3A_595 : i32
        %multiple_of3A_597 = tpu.assume_multiple %mul3A_596, 16 : i32
        %get3A_598 = arith.index_cast %multiple_of3A_597 : i32 to index
        %get3A_599 = tpu.vector_load %arg9[%get3A_598] {strides = array<i32>} : memref<21504xi32, #tpu.memory_space<vmem>>, vector<16xi32>,
        %iota3A_600 = tpu.iota {dimensions = array<i32: 0>} : vector<16xi32>
        %sub3A_601 = arith.subi %while3A_569, %multiple_of3A_597 : i32
        %eq3A_602 = vector.broadcast %sub3A_601 : i32 to vector<16xi32>
        %eq3A_603 = arith.cmpi eq, %iota3A_600, %eq3A_602 : vector<16xi32>
        %jit3A_604 = arith.constant 0 : i32
        %broadcast_in_dim3A_605 = vector.broadcast %jit3A_604 : i32 to vector<16xi32>
        %select_n3A_606 = arith.select %eq3A_603, %get3A_599, %broadcast_in_dim3A_605 : vector<16xi1>, vector<16xi32>
        %reduce_sum3A_607 = arith.constant true
        %reduce_sum3A_608 = vector.broadcast %reduce_sum3A_607 : i1 to vector<16xi1>
        %reduce_sum3A_609 = tpu.scan <sum>, %select_n3A_606 masked %reduce_sum3A_608 : vector<16xi32>, vector<16xi1> -> vector<16xi32>
        %reduce_sum3A_610 = vector.extract %reduce_sum3A_609[15] : i32 from vector<16xi32>
        %and3A_611 = arith.constant 255 : i32
        %and3A_612 = arith.andi %reduce_sum3A_610, %and3A_611 : i32
        %shift_right_arithmetic3A = arith.constant 8 : i32
        %shift_right_arithmetic3A_613 = arith.shrsi %reduce_sum3A_610, %shift_right_arithmetic3A : i32
        %and3A_614 = arith.constant 127 : i32
        %and3A_615 = arith.andi %shift_right_arithmetic3A_613, %and3A_614 : i32
        %shift_right_arithmetic3A_616 = arith.constant 15 : i32
        %shift_right_arithmetic3A_617 = arith.shrsi %reduce_sum3A_610, %shift_right_arithmetic3A_616 : i32
        %and3A_618 = arith.constant 31 : i32
        %and3A_619 = arith.andi %shift_right_arithmetic3A_617, %and3A_618 : i32
        %jit3A_620 = arith.constant 16 : i32
        %div3A_621 = arith.divsi %and3A_615, %jit3A_620 : i32
        %sign3A_622 = arith.constant 0 : i32
        %sign3A_623 = arith.cmpi sgt, %and3A_615, %sign3A_622 : i32
        %sign3A_624 = arith.extui %sign3A_623 : i1 to i32
        %sign3A_625 = arith.constant 0 : i32
        %sign3A_626 = arith.cmpi slt, %and3A_615, %sign3A_625 : i32
        %sign3A_627 = arith.extui %sign3A_626 : i1 to i32
        %sign3A_628 = arith.subi %sign3A_624, %sign3A_627 : i32
        %sign3A_629 = arith.constant 0 : i32
        %sign3A_630 = arith.cmpi sgt, %jit3A_620, %sign3A_629 : i32
        %sign3A_631 = arith.extui %sign3A_630 : i1 to i32
        %sign3A_632 = arith.constant 0 : i32
        %sign3A_633 = arith.cmpi slt, %jit3A_620, %sign3A_632 : i32
        %sign3A_634 = arith.extui %sign3A_633 : i1 to i32
        %sign3A_635 = arith.subi %sign3A_631, %sign3A_634 : i32
        %ne3A_636 = arith.cmpi ne, %sign3A_628, %sign3A_635 : i32
        %rem3A_637 = arith.remsi %and3A_615, %jit3A_620 : i32
        %ne3A_638 = arith.constant 0 : i32
        %ne3A_639 = arith.cmpi ne, %rem3A_637, %ne3A_638 : i32
        %and3A_640 = arith.andi %ne3A_636, %ne3A_639 : i1
        %sub3A_641 = arith.constant 1 : i32
        %sub3A_642 = arith.subi %div3A_621, %sub3A_641 : i32
        %select_n3A_643 = arith.select %and3A_640, %sub3A_642, %div3A_621 : i32
        %mul3A_644 = arith.constant 16 : i32
        %mul3A_645 = arith.muli %select_n3A_643, %mul3A_644 : i32
        %multiple_of3A_646 = tpu.assume_multiple %mul3A_645, 16 : i32
        %get3A_647 = arith.index_cast %and3A_612 : i32 to index
        %get3A_648 = arith.index_cast %multiple_of3A_646 : i32 to index
        %get3A_649 = tpu.vector_load %arg7[%get3A_647, %get3A_648] {strides = array<i32>} : memref<200x128xf32, #tpu.memory_space<vmem>>, vector<16xf32>,
        %sub3A_650 = arith.subi %and3A_615, %multiple_of3A_646 : i32
        %eq3A_651 = vector.broadcast %sub3A_650 : i32 to vector<16xi32>
        %eq3A_652 = arith.cmpi eq, %iota3A, %eq3A_651 : vector<16xi32>
        %jit3A_653 = arith.constant -3.000000e+38 : f32
        %broadcast_in_dim3A_654 = vector.broadcast %jit3A_653 : f32 to vector<16xf32>
        %select_n3A_655 = arith.select %eq3A_652, %get3A_649, %broadcast_in_dim3A_654 : vector<16xi1>, vector<16xf32>
        %reduce_max3A = arith.constant true
        %reduce_max3A_656 = vector.broadcast %reduce_max3A : i1 to vector<16xi1>
        %reduce_max3A_657 = tpu.scan <max>, %select_n3A_655 masked %reduce_max3A_656 : vector<16xf32>, vector<16xi1> -> vector<16xf32>
        %reduce_max3A_658 = vector.extract %reduce_max3A_657[15] : f32 from vector<16xf32>
        %mul3A_659 = arith.constant 32 : i32
        %mul3A_660 = arith.muli %and3A_615, %mul3A_659 : i32
        %jit3A_661 = arith.constant 16 : i32
        %div3A_662 = arith.divsi %and3A_619, %jit3A_661 : i32
        %sign3A_663 = arith.constant 0 : i32
        %sign3A_664 = arith.cmpi sgt, %and3A_619, %sign3A_663 : i32
        %sign3A_665 = arith.extui %sign3A_664 : i1 to i32
        %sign3A_666 = arith.constant 0 : i32
        %sign3A_667 = arith.cmpi slt, %and3A_619, %sign3A_666 : i32
        %sign3A_668 = arith.extui %sign3A_667 : i1 to i32
        %sign3A_669 = arith.subi %sign3A_665, %sign3A_668 : i32
        %sign3A_670 = arith.constant 0 : i32
        %sign3A_671 = arith.cmpi sgt, %jit3A_661, %sign3A_670 : i32
        %sign3A_672 = arith.extui %sign3A_671 : i1 to i32
        %sign3A_673 = arith.constant 0 : i32
        %sign3A_674 = arith.cmpi slt, %jit3A_661, %sign3A_673 : i32
        %sign3A_675 = arith.extui %sign3A_674 : i1 to i32
        %sign3A_676 = arith.subi %sign3A_672, %sign3A_675 : i32
        %ne3A_677 = arith.cmpi ne, %sign3A_669, %sign3A_676 : i32
        %rem3A_678 = arith.remsi %and3A_619, %jit3A_661 : i32
        %ne3A_679 = arith.constant 0 : i32
        %ne3A_680 = arith.cmpi ne, %rem3A_678, %ne3A_679 : i32
        %and3A_681 = arith.andi %ne3A_677, %ne3A_680 : i1
        %sub3A_682 = arith.constant 1 : i32
        %sub3A_683 = arith.subi %div3A_662, %sub3A_682 : i32
        %select_n3A_684 = arith.select %and3A_681, %sub3A_683, %div3A_662 : i32
        %mul3A_685 = arith.constant 16 : i32
        %mul3A_686 = arith.muli %select_n3A_684, %mul3A_685 : i32
        %add3A_687 = arith.addi %mul3A_660, %mul3A_686 : i32
        %multiple_of3A_688 = tpu.assume_multiple %add3A_687, 16 : i32
        %get3A_689 = arith.index_cast %multiple_of3A_688 : i32 to index
        %get3A_690 = tpu.vector_load %arg11[%get3A_689] {strides = array<i32>} : memref<4096xf32, #tpu.memory_space<vmem>>, vector<16xf32>,
        %mul3A_691 = arith.constant 32 : i32
        %mul3A_692 = arith.muli %and3A_615, %mul3A_691 : i32
        %add3A_693 = arith.addi %mul3A_692, %and3A_619 : i32
        %sub3A_694 = arith.subi %add3A_693, %multiple_of3A_688 : i32
        %eq3A_695 = vector.broadcast %sub3A_694 : i32 to vector<16xi32>
        %eq3A_696 = arith.cmpi eq, %iota3A, %eq3A_695 : vector<16xi32>
        %broadcast_in_dim3A_697 = vector.broadcast %reduce_max3A_658 : f32 to vector<16xf32>
        %select_n3A_698 = arith.select %eq3A_696, %broadcast_in_dim3A_697, %get3A_690 : vector<16xi1>, vector<16xf32>
        %swap3A_699 = arith.index_cast %multiple_of3A_688 : i32 to index
        %swap3A_700 = tpu.vector_load %arg11[%swap3A_699] {strides = array<i32>} : memref<4096xf32, #tpu.memory_space<vmem>>, vector<16xf32>,
        tpu.vector_store %arg11[%swap3A_699], %select_n3A_698 {strides = array<i32>} : memref<4096xf32, #tpu.memory_space<vmem>>, vector<16xf32>,
        %while3A_701 = arith.constant 0 : i32
        scf.yield %while3A_701 : i32
      }
      %while3A_402 = arith.constant 1 : i32
      %while3A_403 = scf.for %while3A_569 = %while3A_399 to %while3A_395 step %while3A_402 iter_args(%while3A_570 = %while3A_401) -> (i32)  : i32 {
        %jit3A_571 = arith.constant 16 : i32
        %div3A_572 = arith.divsi %while3A_569, %jit3A_571 : i32
        %sign3A_573 = arith.constant 0 : i32
        %sign3A_574 = arith.cmpi sgt, %while3A_569, %sign3A_573 : i32
        %sign3A_575 = arith.extui %sign3A_574 : i1 to i32
        %sign3A_576 = arith.constant 0 : i32
        %sign3A_577 = arith.cmpi slt, %while3A_569, %sign3A_576 : i32
        %sign3A_578 = arith.extui %sign3A_577 : i1 to i32
        %sign3A_579 = arith.subi %sign3A_575, %sign3A_578 : i32
        %sign3A_580 = arith.constant 0 : i32
        %sign3A_581 = arith.cmpi sgt, %jit3A_571, %sign3A_580 : i32
        %sign3A_582 = arith.extui %sign3A_581 : i1 to i32
        %sign3A_583 = arith.constant 0 : i32
        %sign3A_584 = arith.cmpi slt, %jit3A_571, %sign3A_583 : i32
        %sign3A_585 = arith.extui %sign3A_584 : i1 to i32
        %sign3A_586 = arith.subi %sign3A_582, %sign3A_585 : i32
        %ne3A_587 = arith.cmpi ne, %sign3A_579, %sign3A_586 : i32
        %rem3A_588 = arith.remsi %while3A_569, %jit3A_571 : i32
        %ne3A_589 = arith.constant 0 : i32
        %ne3A_590 = arith.cmpi ne, %rem3A_588, %ne3A_589 : i32
        %and3A_591 = arith.andi %ne3A_587, %ne3A_590 : i1
        %sub3A_592 = arith.constant 1 : i32
        %sub3A_593 = arith.subi %div3A_572, %sub3A_592 : i32
        %select_n3A_594 = arith.select %and3A_591, %sub3A_593, %div3A_572 : i32
        %mul3A_595 = arith.constant 16 : i32
        %mul3A_596 = arith.muli %select_n3A_594, %mul3A_595 : i32
        %multiple_of3A_597 = tpu.assume_multiple %mul3A_596, 16 : i32
        %get3A_598 = arith.index_cast %multiple_of3A_597 : i32 to index
        %get3A_599 = tpu.vector_load %arg9[%get3A_598] {strides = array<i32>} : memref<21504xi32, #tpu.memory_space<vmem>>, vector<16xi32>,
        %iota3A_600 = tpu.iota {dimensions = array<i32: 0>} : vector<16xi32>
        %sub3A_601 = arith.subi %while3A_569, %multiple_of3A_597 : i32
        %eq3A_602 = vector.broadcast %sub3A_601 : i32 to vector<16xi32>
        %eq3A_603 = arith.cmpi eq, %iota3A_600, %eq3A_602 : vector<16xi32>
        %jit3A_604 = arith.constant 0 : i32
        %broadcast_in_dim3A_605 = vector.broadcast %jit3A_604 : i32 to vector<16xi32>
        %select_n3A_606 = arith.select %eq3A_603, %get3A_599, %broadcast_in_dim3A_605 : vector<16xi1>, vector<16xi32>
        %reduce_sum3A_607 = arith.constant true
        %reduce_sum3A_608 = vector.broadcast %reduce_sum3A_607 : i1 to vector<16xi1>
        %reduce_sum3A_609 = tpu.scan <sum>, %select_n3A_606 masked %reduce_sum3A_608 : vector<16xi32>, vector<16xi1> -> vector<16xi32>
        %reduce_sum3A_610 = vector.extract %reduce_sum3A_609[15] : i32 from vector<16xi32>
        %and3A_611 = arith.constant 255 : i32
        %and3A_612 = arith.andi %reduce_sum3A_610, %and3A_611 : i32
        %shift_right_arithmetic3A = arith.constant 8 : i32
        %shift_right_arithmetic3A_613 = arith.shrsi %reduce_sum3A_610, %shift_right_arithmetic3A : i32
        %and3A_614 = arith.constant 127 : i32
        %and3A_615 = arith.andi %shift_right_arithmetic3A_613, %and3A_614 : i32
        %shift_right_arithmetic3A_616 = arith.constant 15 : i32
        %shift_right_arithmetic3A_617 = arith.shrsi %reduce_sum3A_610, %shift_right_arithmetic3A_616 : i32
        %and3A_618 = arith.constant 31 : i32
        %and3A_619 = arith.andi %shift_right_arithmetic3A_617, %and3A_618 : i32
        %jit3A_620 = arith.constant 16 : i32
        %div3A_621 = arith.divsi %and3A_615, %jit3A_620 : i32
        %sign3A_622 = arith.constant 0 : i32
        %sign3A_623 = arith.cmpi sgt, %and3A_615, %sign3A_622 : i32
        %sign3A_624 = arith.extui %sign3A_623 : i1 to i32
        %sign3A_625 = arith.constant 0 : i32
        %sign3A_626 = arith.cmpi slt, %and3A_615, %sign3A_625 : i32
        %sign3A_627 = arith.extui %sign3A_626 : i1 to i32
        %sign3A_628 = arith.subi %sign3A_624, %sign3A_627 : i32
        %sign3A_629 = arith.constant 0 : i32
        %sign3A_630 = arith.cmpi sgt, %jit3A_620, %sign3A_629 : i32
        %sign3A_631 = arith.extui %sign3A_630 : i1 to i32
        %sign3A_632 = arith.constant 0 : i32
        %sign3A_633 = arith.cmpi slt, %jit3A_620, %sign3A_632 : i32
        %sign3A_634 = arith.extui %sign3A_633 : i1 to i32
        %sign3A_635 = arith.subi %sign3A_631, %sign3A_634 : i32
        %ne3A_636 = arith.cmpi ne, %sign3A_628, %sign3A_635 : i32
        %rem3A_637 = arith.remsi %and3A_615, %jit3A_620 : i32
        %ne3A_638 = arith.constant 0 : i32
        %ne3A_639 = arith.cmpi ne, %rem3A_637, %ne3A_638 : i32
        %and3A_640 = arith.andi %ne3A_636, %ne3A_639 : i1
        %sub3A_641 = arith.constant 1 : i32
        %sub3A_642 = arith.subi %div3A_621, %sub3A_641 : i32
        %select_n3A_643 = arith.select %and3A_640, %sub3A_642, %div3A_621 : i32
        %mul3A_644 = arith.constant 16 : i32
        %mul3A_645 = arith.muli %select_n3A_643, %mul3A_644 : i32
        %multiple_of3A_646 = tpu.assume_multiple %mul3A_645, 16 : i32
        %get3A_647 = arith.index_cast %and3A_612 : i32 to index
        %get3A_648 = arith.index_cast %multiple_of3A_646 : i32 to index
        %get3A_649 = tpu.vector_load %arg7[%get3A_647, %get3A_648] {strides = array<i32>} : memref<200x128xf32, #tpu.memory_space<vmem>>, vector<16xf32>,
        %sub3A_650 = arith.subi %and3A_615, %multiple_of3A_646 : i32
        %eq3A_651 = vector.broadcast %sub3A_650 : i32 to vector<16xi32>
        %eq3A_652 = arith.cmpi eq, %iota3A, %eq3A_651 : vector<16xi32>
        %jit3A_653 = arith.constant -3.000000e+38 : f32
        %broadcast_in_dim3A_654 = vector.broadcast %jit3A_653 : f32 to vector<16xf32>
        %select_n3A_655 = arith.select %eq3A_652, %get3A_649, %broadcast_in_dim3A_654 : vector<16xi1>, vector<16xf32>
        %reduce_max3A = arith.constant true
        %reduce_max3A_656 = vector.broadcast %reduce_max3A : i1 to vector<16xi1>
        %reduce_max3A_657 = tpu.scan <max>, %select_n3A_655 masked %reduce_max3A_656 : vector<16xf32>, vector<16xi1> -> vector<16xf32>
        %reduce_max3A_658 = vector.extract %reduce_max3A_657[15] : f32 from vector<16xf32>
        %mul3A_659 = arith.constant 32 : i32
        %mul3A_660 = arith.muli %and3A_615, %mul3A_659 : i32
        %jit3A_661 = arith.constant 16 : i32
        %div3A_662 = arith.divsi %and3A_619, %jit3A_661 : i32
        %sign3A_663 = arith.constant 0 : i32
        %sign3A_664 = arith.cmpi sgt, %and3A_619, %sign3A_663 : i32
        %sign3A_665 = arith.extui %sign3A_664 : i1 to i32
        %sign3A_666 = arith.constant 0 : i32
        %sign3A_667 = arith.cmpi slt, %and3A_619, %sign3A_666 : i32
        %sign3A_668 = arith.extui %sign3A_667 : i1 to i32
        %sign3A_669 = arith.subi %sign3A_665, %sign3A_668 : i32
        %sign3A_670 = arith.constant 0 : i32
        %sign3A_671 = arith.cmpi sgt, %jit3A_661, %sign3A_670 : i32
        %sign3A_672 = arith.extui %sign3A_671 : i1 to i32
        %sign3A_673 = arith.constant 0 : i32
        %sign3A_674 = arith.cmpi slt, %jit3A_661, %sign3A_673 : i32
        %sign3A_675 = arith.extui %sign3A_674 : i1 to i32
        %sign3A_676 = arith.subi %sign3A_672, %sign3A_675 : i32
        %ne3A_677 = arith.cmpi ne, %sign3A_669, %sign3A_676 : i32
        %rem3A_678 = arith.remsi %and3A_619, %jit3A_661 : i32
        %ne3A_679 = arith.constant 0 : i32
        %ne3A_680 = arith.cmpi ne, %rem3A_678, %ne3A_679 : i32
        %and3A_681 = arith.andi %ne3A_677, %ne3A_680 : i1
        %sub3A_682 = arith.constant 1 : i32
        %sub3A_683 = arith.subi %div3A_662, %sub3A_682 : i32
        %select_n3A_684 = arith.select %and3A_681, %sub3A_683, %div3A_662 : i32
        %mul3A_685 = arith.constant 16 : i32
        %mul3A_686 = arith.muli %select_n3A_684, %mul3A_685 : i32
        %add3A_687 = arith.addi %mul3A_660, %mul3A_686 : i32
        %multiple_of3A_688 = tpu.assume_multiple %add3A_687, 16 : i32
        %get3A_689 = arith.index_cast %multiple_of3A_688 : i32 to index
        %get3A_690 = tpu.vector_load %arg11[%get3A_689] {strides = array<i32>} : memref<4096xf32, #tpu.memory_space<vmem>>, vector<16xf32>,
        %mul3A_691 = arith.constant 32 : i32
        %mul3A_692 = arith.muli %and3A_615, %mul3A_691 : i32
        %add3A_693 = arith.addi %mul3A_692, %and3A_619 : i32
        %sub3A_694 = arith.subi %add3A_693, %multiple_of3A_688 : i32
        %eq3A_695 = vector.broadcast %sub3A_694 : i32 to vector<16xi32>
        %eq3A_696 = arith.cmpi eq, %iota3A, %eq3A_695 : vector<16xi32>
        %broadcast_in_dim3A_697 = vector.broadcast %reduce_max3A_658 : f32 to vector<16xf32>
        %select_n3A_698 = arith.select %eq3A_696, %broadcast_in_dim3A_697, %get3A_690 : vector<16xi1>, vector<16xf32>
        %swap3A_699 = arith.index_cast %multiple_of3A_688 : i32 to index
        %swap3A_700 = tpu.vector_load %arg11[%swap3A_699] {strides = array<i32>} : memref<4096xf32, #tpu.memory_space<vmem>>, vector<16xf32>,
        tpu.vector_store %arg11[%swap3A_699], %select_n3A_698 {strides = array<i32>} : memref<4096xf32, #tpu.memory_space<vmem>>, vector<16xf32>,
        %while3A_701 = arith.constant 0 : i32
        scf.yield %while3A_701 : i32
      }
      %add3A_404 = arith.constant 2 : i32
      %add3A_405 = arith.addi %mul3A_240, %add3A_404 : i32
      %mul3A_406 = arith.constant 200 : i32
      %mul3A_407 = arith.muli %add3A_405, %mul3A_406 : i32
      %add3A_408 = arith.addi %mul3A_32, %mul3A_407 : i32
      %multiple_of3A_409 = tpu.assume_multiple %add3A_408, 8 : i32
      %dma_start3A_410 = tpu.memref_slice %arg2[%multiple_of3A_409, %multiple_of3A] : memref<100000x1024xf32, #tpu.memory_space<hbm>> -> memref<200x128xf32, #tpu.memory_space<hbm>>
      %dma_start3A_411 = tpu.memref_slice %arg2[%multiple_of3A_409, %multiple_of3A] : memref<100000x1024xf32, #tpu.memory_space<hbm>> -> memref<200x128xf32, #tpu.memory_space<hbm>>
      tpu.enqueue_dma source(%dma_start3A_411 : memref<200x128xf32, #tpu.memory_space<hbm>>) target(%arg7 : memref<200x128xf32, #tpu.memory_space<vmem>>) target_semaphore(%arg13 : memref<!tpu.dma_semaphore, #tpu.memory_space<semaphore_mem>>)
      %dma_wait3A_412 = tpu.memref_slice %arg2[%mul3A_32, %multiple_of3A] : memref<100000x1024xf32, #tpu.memory_space<hbm>> -> memref<200x128xf32, #tpu.memory_space<hbm>>
      %dma_wait3A_413 = tpu.memref_slice %arg2[%mul3A_32, %multiple_of3A] : memref<100000x1024xf32, #tpu.memory_space<hbm>> -> memref<200x128xf32, #tpu.memory_space<hbm>>
      tpu.wait_dma2 semaphore(%arg14 : memref<!tpu.dma_semaphore, #tpu.memory_space<semaphore_mem>>) src(%dma_wait3A_413 : memref<200x128xf32, #tpu.memory_space<hbm>>) dst(%arg8 : memref<200x128xf32, #tpu.memory_space<vmem>>)
      %add3A_414 = arith.constant 1 : i32
      %add3A_415 = arith.addi %mul3A_240, %add3A_414 : i32
      %broadcast_in_dim3A_416 = arith.constant -3.000000e+38 : f32
      %broadcast_in_dim3A_417 = vector.broadcast %broadcast_in_dim3A_416 : f32 to vector<16xf32>
      %broadcast_in_dim3A_418 = arith.constant -3.000000e+38 : f32
      %broadcast_in_dim3A_419 = vector.broadcast %broadcast_in_dim3A_418 : f32 to vector<16xf32>
      %broadcast_in_dim3A_420 = arith.constant -3.000000e+38 : f32
      %broadcast_in_dim3A_421 = vector.broadcast %broadcast_in_dim3A_420 : f32 to vector<16xf32>
      %broadcast_in_dim3A_422 = arith.constant -3.000000e+38 : f32
      %broadcast_in_dim3A_423 = vector.broadcast %broadcast_in_dim3A_422 : f32 to vector<16xf32>
      %broadcast_in_dim3A_424 = arith.constant -3.000000e+38 : f32
      %broadcast_in_dim3A_425 = vector.broadcast %broadcast_in_dim3A_424 : f32 to vector<16xf32>
      %broadcast_in_dim3A_426 = arith.constant -3.000000e+38 : f32
      %broadcast_in_dim3A_427 = vector.broadcast %broadcast_in_dim3A_426 : f32 to vector<16xf32>
      %broadcast_in_dim3A_428 = arith.constant -3.000000e+38 : f32
      %broadcast_in_dim3A_429 = vector.broadcast %broadcast_in_dim3A_428 : f32 to vector<16xf32>
      %broadcast_in_dim3A_430 = arith.constant -3.000000e+38 : f32
      %broadcast_in_dim3A_431 = vector.broadcast %broadcast_in_dim3A_430 : f32 to vector<16xf32>
      %scan3A_432 = arith.constant 0 : i32
      %scan3A_433 = arith.constant 50 : i32
      %scan3A_434 = arith.addi %scan3A_432, %scan3A_433 : i32
      %scan3A_435 = arith.constant 1 : i32
      %scan3A_436:8 = scf.for %scan3A_569 = %scan3A_432 to %scan3A_434 step %scan3A_435 iter_args(%scan3A_570 = %broadcast_in_dim3A_417, %scan3A_571 = %broadcast_in_dim3A_419, %scan3A_572 = %broadcast_in_dim3A_421, %scan3A_573 = %broadcast_in_dim3A_423, %scan3A_574 = %broadcast_in_dim3A_425, %scan3A_575 = %broadcast_in_dim3A_427, %scan3A_576 = %broadcast_in_dim3A_429, %scan3A_577 = %broadcast_in_dim3A_431) -> (vector<16xf32>, vector<16xf32>, vector<16xf32>, vector<16xf32>, vector<16xf32>, vector<16xf32>, vector<16xf32>, vector<16xf32>)  : i32 {
        %mul3A_578 = arith.constant 4 : i32
        %mul3A_579 = arith.muli %scan3A_569, %mul3A_578 : i32
        %add3A_580 = arith.constant 0 : i32
        %add3A_581 = arith.addi %mul3A_579, %add3A_580 : i32
        %get3A_582 = arith.index_cast %add3A_581 : i32 to index
        %get3A_583 = arith.constant 0 : index
        %get3A_584 = tpu.vector_load %arg8[%get3A_582, %get3A_583] {strides = array<i32>} : memref<200x128xf32, #tpu.memory_space<vmem>>, vector<16xf32>,
        %max3A_585 = arith.maximumf %scan3A_570, %get3A_584 : vector<16xf32>
        %add3A_586 = arith.constant 0 : i32
        %add3A_587 = arith.addi %mul3A_579, %add3A_586 : i32
        %get3A_588 = arith.index_cast %add3A_587 : i32 to index
        %get3A_589 = arith.constant 16 : index
        %get3A_590 = tpu.vector_load %arg8[%get3A_588, %get3A_589] {strides = array<i32>} : memref<200x128xf32, #tpu.memory_space<vmem>>, vector<16xf32>,
        %max3A_591 = arith.maximumf %scan3A_571, %get3A_590 : vector<16xf32>
        %add3A_592 = arith.constant 0 : i32
        %add3A_593 = arith.addi %mul3A_579, %add3A_592 : i32
        %get3A_594 = arith.index_cast %add3A_593 : i32 to index
        %get3A_595 = arith.constant 32 : index
        %get3A_596 = tpu.vector_load %arg8[%get3A_594, %get3A_595] {strides = array<i32>} : memref<200x128xf32, #tpu.memory_space<vmem>>, vector<16xf32>,
        %max3A_597 = arith.maximumf %scan3A_572, %get3A_596 : vector<16xf32>
        %add3A_598 = arith.constant 0 : i32
        %add3A_599 = arith.addi %mul3A_579, %add3A_598 : i32
        %get3A_600 = arith.index_cast %add3A_599 : i32 to index
        %get3A_601 = arith.constant 48 : index
        %get3A_602 = tpu.vector_load %arg8[%get3A_600, %get3A_601] {strides = array<i32>} : memref<200x128xf32, #tpu.memory_space<vmem>>, vector<16xf32>,
        %max3A_603 = arith.maximumf %scan3A_573, %get3A_602 : vector<16xf32>
        %add3A_604 = arith.constant 0 : i32
        %add3A_605 = arith.addi %mul3A_579, %add3A_604 : i32
        %get3A_606 = arith.index_cast %add3A_605 : i32 to index
        %get3A_607 = arith.constant 64 : index
        %get3A_608 = tpu.vector_load %arg8[%get3A_606, %get3A_607] {strides = array<i32>} : memref<200x128xf32, #tpu.memory_space<vmem>>, vector<16xf32>,
        %max3A_609 = arith.maximumf %scan3A_574, %get3A_608 : vector<16xf32>
        %add3A_610 = arith.constant 0 : i32
        %add3A_611 = arith.addi %mul3A_579, %add3A_610 : i32
        %get3A_612 = arith.index_cast %add3A_611 : i32 to index
        %get3A_613 = arith.constant 80 : index
        %get3A_614 = tpu.vector_load %arg8[%get3A_612, %get3A_613] {strides = array<i32>} : memref<200x128xf32, #tpu.memory_space<vmem>>, vector<16xf32>,
        %max3A_615 = arith.maximumf %scan3A_575, %get3A_614 : vector<16xf32>
        %add3A_616 = arith.constant 0 : i32
        %add3A_617 = arith.addi %mul3A_579, %add3A_616 : i32
        %get3A_618 = arith.index_cast %add3A_617 : i32 to index
        %get3A_619 = arith.constant 96 : index
        %get3A_620 = tpu.vector_load %arg8[%get3A_618, %get3A_619] {strides = array<i32>} : memref<200x128xf32, #tpu.memory_space<vmem>>, vector<16xf32>,
        %max3A_621 = arith.maximumf %scan3A_576, %get3A_620 : vector<16xf32>
        %add3A_622 = arith.constant 0 : i32
        %add3A_623 = arith.addi %mul3A_579, %add3A_622 : i32
        %get3A_624 = arith.index_cast %add3A_623 : i32 to index
        %get3A_625 = arith.constant 112 : index
        %get3A_626 = tpu.vector_load %arg8[%get3A_624, %get3A_625] {strides = array<i32>} : memref<200x128xf32, #tpu.memory_space<vmem>>, vector<16xf32>,
        %max3A_627 = arith.maximumf %scan3A_577, %get3A_626 : vector<16xf32>
        %add3A_628 = arith.constant 1 : i32
        %add3A_629 = arith.addi %mul3A_579, %add3A_628 : i32
        %get3A_630 = arith.index_cast %add3A_629 : i32 to index
        %get3A_631 = arith.constant 0 : index
        %get3A_632 = tpu.vector_load %arg8[%get3A_630, %get3A_631] {strides = array<i32>} : memref<200x128xf32, #tpu.memory_space<vmem>>, vector<16xf32>,
        %max3A_633 = arith.maximumf %max3A_585, %get3A_632 : vector<16xf32>
        %add3A_634 = arith.constant 1 : i32
        %add3A_635 = arith.addi %mul3A_579, %add3A_634 : i32
        %get3A_636 = arith.index_cast %add3A_635 : i32 to index
        %get3A_637 = arith.constant 16 : index
        %get3A_638 = tpu.vector_load %arg8[%get3A_636, %get3A_637] {strides = array<i32>} : memref<200x128xf32, #tpu.memory_space<vmem>>, vector<16xf32>,
        %max3A_639 = arith.maximumf %max3A_591, %get3A_638 : vector<16xf32>
        %add3A_640 = arith.constant 1 : i32
        %add3A_641 = arith.addi %mul3A_579, %add3A_640 : i32
        %get3A_642 = arith.index_cast %add3A_641 : i32 to index
        %get3A_643 = arith.constant 32 : index
        %get3A_644 = tpu.vector_load %arg8[%get3A_642, %get3A_643] {strides = array<i32>} : memref<200x128xf32, #tpu.memory_space<vmem>>, vector<16xf32>,
        %max3A_645 = arith.maximumf %max3A_597, %get3A_644 : vector<16xf32>
        %add3A_646 = arith.constant 1 : i32
        %add3A_647 = arith.addi %mul3A_579, %add3A_646 : i32
        %get3A_648 = arith.index_cast %add3A_647 : i32 to index
        %get3A_649 = arith.constant 48 : index
        %get3A_650 = tpu.vector_load %arg8[%get3A_648, %get3A_649] {strides = array<i32>} : memref<200x128xf32, #tpu.memory_space<vmem>>, vector<16xf32>,
        %max3A_651 = arith.maximumf %max3A_603, %get3A_650 : vector<16xf32>
        %add3A_652 = arith.constant 1 : i32
        %add3A_653 = arith.addi %mul3A_579, %add3A_652 : i32
        %get3A_654 = arith.index_cast %add3A_653 : i32 to index
        %get3A_655 = arith.constant 64 : index
        %get3A_656 = tpu.vector_load %arg8[%get3A_654, %get3A_655] {strides = array<i32>} : memref<200x128xf32, #tpu.memory_space<vmem>>, vector<16xf32>,
        %max3A_657 = arith.maximumf %max3A_609, %get3A_656 : vector<16xf32>
        %add3A_658 = arith.constant 1 : i32
        %add3A_659 = arith.addi %mul3A_579, %add3A_658 : i32
        %get3A_660 = arith.index_cast %add3A_659 : i32 to index
        %get3A_661 = arith.constant 80 : index
        %get3A_662 = tpu.vector_load %arg8[%get3A_660, %get3A_661] {strides = array<i32>} : memref<200x128xf32, #tpu.memory_space<vmem>>, vector<16xf32>,
        %max3A_663 = arith.maximumf %max3A_615, %get3A_662 : vector<16xf32>
        %add3A_664 = arith.constant 1 : i32
        %add3A_665 = arith.addi %mul3A_579, %add3A_664 : i32
        %get3A_666 = arith.index_cast %add3A_665 : i32 to index
        %get3A_667 = arith.constant 96 : index
        %get3A_668 = tpu.vector_load %arg8[%get3A_666, %get3A_667] {strides = array<i32>} : memref<200x128xf32, #tpu.memory_space<vmem>>, vector<16xf32>,
        %max3A_669 = arith.maximumf %max3A_621, %get3A_668 : vector<16xf32>
        %add3A_670 = arith.constant 1 : i32
        %add3A_671 = arith.addi %mul3A_579, %add3A_670 : i32
        %get3A_672 = arith.index_cast %add3A_671 : i32 to index
        %get3A_673 = arith.constant 112 : index
        %get3A_674 = tpu.vector_load %arg8[%get3A_672, %get3A_673] {strides = array<i32>} : memref<200x128xf32, #tpu.memory_space<vmem>>, vector<16xf32>,
        %max3A_675 = arith.maximumf %max3A_627, %get3A_674 : vector<16xf32>
        %add3A_676 = arith.constant 2 : i32
        %add3A_677 = arith.addi %mul3A_579, %add3A_676 : i32
        %get3A_678 = arith.index_cast %add3A_677 : i32 to index
        %get3A_679 = arith.constant 0 : index
        %get3A_680 = tpu.vector_load %arg8[%get3A_678, %get3A_679] {strides = array<i32>} : memref<200x128xf32, #tpu.memory_space<vmem>>, vector<16xf32>,
        %max3A_681 = arith.maximumf %max3A_633, %get3A_680 : vector<16xf32>
        %add3A_682 = arith.constant 2 : i32
        %add3A_683 = arith.addi %mul3A_579, %add3A_682 : i32
        %get3A_684 = arith.index_cast %add3A_683 : i32 to index
        %get3A_685 = arith.constant 16 : index
        %get3A_686 = tpu.vector_load %arg8[%get3A_684, %get3A_685] {strides = array<i32>} : memref<200x128xf32, #tpu.memory_space<vmem>>, vector<16xf32>,
        %max3A_687 = arith.maximumf %max3A_639, %get3A_686 : vector<16xf32>
        %add3A_688 = arith.constant 2 : i32
        %add3A_689 = arith.addi %mul3A_579, %add3A_688 : i32
        %get3A_690 = arith.index_cast %add3A_689 : i32 to index
        %get3A_691 = arith.constant 32 : index
        %get3A_692 = tpu.vector_load %arg8[%get3A_690, %get3A_691] {strides = array<i32>} : memref<200x128xf32, #tpu.memory_space<vmem>>, vector<16xf32>,
        %max3A_693 = arith.maximumf %max3A_645, %get3A_692 : vector<16xf32>
        %add3A_694 = arith.constant 2 : i32
        %add3A_695 = arith.addi %mul3A_579, %add3A_694 : i32
        %get3A_696 = arith.index_cast %add3A_695 : i32 to index
        %get3A_697 = arith.constant 48 : index
        %get3A_698 = tpu.vector_load %arg8[%get3A_696, %get3A_697] {strides = array<i32>} : memref<200x128xf32, #tpu.memory_space<vmem>>, vector<16xf32>,
        %max3A_699 = arith.maximumf %max3A_651, %get3A_698 : vector<16xf32>
        %add3A_700 = arith.constant 2 : i32
        %add3A_701 = arith.addi %mul3A_579, %add3A_700 : i32
        %get3A_702 = arith.index_cast %add3A_701 : i32 to index
        %get3A_703 = arith.constant 64 : index
        %get3A_704 = tpu.vector_load %arg8[%get3A_702, %get3A_703] {strides = array<i32>} : memref<200x128xf32, #tpu.memory_space<vmem>>, vector<16xf32>,
        %max3A_705 = arith.maximumf %max3A_657, %get3A_704 : vector<16xf32>
        %add3A_706 = arith.constant 2 : i32
        %add3A_707 = arith.addi %mul3A_579, %add3A_706 : i32
        %get3A_708 = arith.index_cast %add3A_707 : i32 to index
        %get3A_709 = arith.constant 80 : index
        %get3A_710 = tpu.vector_load %arg8[%get3A_708, %get3A_709] {strides = array<i32>} : memref<200x128xf32, #tpu.memory_space<vmem>>, vector<16xf32>,
        %max3A_711 = arith.maximumf %max3A_663, %get3A_710 : vector<16xf32>
        %add3A_712 = arith.constant 2 : i32
        %add3A_713 = arith.addi %mul3A_579, %add3A_712 : i32
        %get3A_714 = arith.index_cast %add3A_713 : i32 to index
        %get3A_715 = arith.constant 96 : index
        %get3A_716 = tpu.vector_load %arg8[%get3A_714, %get3A_715] {strides = array<i32>} : memref<200x128xf32, #tpu.memory_space<vmem>>, vector<16xf32>,
        %max3A_717 = arith.maximumf %max3A_669, %get3A_716 : vector<16xf32>
        %add3A_718 = arith.constant 2 : i32
        %add3A_719 = arith.addi %mul3A_579, %add3A_718 : i32
        %get3A_720 = arith.index_cast %add3A_719 : i32 to index
        %get3A_721 = arith.constant 112 : index
        %get3A_722 = tpu.vector_load %arg8[%get3A_720, %get3A_721] {strides = array<i32>} : memref<200x128xf32, #tpu.memory_space<vmem>>, vector<16xf32>,
        %max3A_723 = arith.maximumf %max3A_675, %get3A_722 : vector<16xf32>
        %add3A_724 = arith.constant 3 : i32
        %add3A_725 = arith.addi %mul3A_579, %add3A_724 : i32
        %get3A_726 = arith.index_cast %add3A_725 : i32 to index
        %get3A_727 = arith.constant 0 : index
        %get3A_728 = tpu.vector_load %arg8[%get3A_726, %get3A_727] {strides = array<i32>} : memref<200x128xf32, #tpu.memory_space<vmem>>, vector<16xf32>,
        %max3A_729 = arith.maximumf %max3A_681, %get3A_728 : vector<16xf32>
        %add3A_730 = arith.constant 3 : i32
        %add3A_731 = arith.addi %mul3A_579, %add3A_730 : i32
        %get3A_732 = arith.index_cast %add3A_731 : i32 to index
        %get3A_733 = arith.constant 16 : index
        %get3A_734 = tpu.vector_load %arg8[%get3A_732, %get3A_733] {strides = array<i32>} : memref<200x128xf32, #tpu.memory_space<vmem>>, vector<16xf32>,
        %max3A_735 = arith.maximumf %max3A_687, %get3A_734 : vector<16xf32>
        %add3A_736 = arith.constant 3 : i32
        %add3A_737 = arith.addi %mul3A_579, %add3A_736 : i32
        %get3A_738 = arith.index_cast %add3A_737 : i32 to index
        %get3A_739 = arith.constant 32 : index
        %get3A_740 = tpu.vector_load %arg8[%get3A_738, %get3A_739] {strides = array<i32>} : memref<200x128xf32, #tpu.memory_space<vmem>>, vector<16xf32>,
        %max3A_741 = arith.maximumf %max3A_693, %get3A_740 : vector<16xf32>
        %add3A_742 = arith.constant 3 : i32
        %add3A_743 = arith.addi %mul3A_579, %add3A_742 : i32
        %get3A_744 = arith.index_cast %add3A_743 : i32 to index
        %get3A_745 = arith.constant 48 : index
        %get3A_746 = tpu.vector_load %arg8[%get3A_744, %get3A_745] {strides = array<i32>} : memref<200x128xf32, #tpu.memory_space<vmem>>, vector<16xf32>,
        %max3A_747 = arith.maximumf %max3A_699, %get3A_746 : vector<16xf32>
        %add3A_748 = arith.constant 3 : i32
        %add3A_749 = arith.addi %mul3A_579, %add3A_748 : i32
        %get3A_750 = arith.index_cast %add3A_749 : i32 to index
        %get3A_751 = arith.constant 64 : index
        %get3A_752 = tpu.vector_load %arg8[%get3A_750, %get3A_751] {strides = array<i32>} : memref<200x128xf32, #tpu.memory_space<vmem>>, vector<16xf32>,
        %max3A_753 = arith.maximumf %max3A_705, %get3A_752 : vector<16xf32>
        %add3A_754 = arith.constant 3 : i32
        %add3A_755 = arith.addi %mul3A_579, %add3A_754 : i32
        %get3A_756 = arith.index_cast %add3A_755 : i32 to index
        %get3A_757 = arith.constant 80 : index
        %get3A_758 = tpu.vector_load %arg8[%get3A_756, %get3A_757] {strides = array<i32>} : memref<200x128xf32, #tpu.memory_space<vmem>>, vector<16xf32>,
        %max3A_759 = arith.maximumf %max3A_711, %get3A_758 : vector<16xf32>
        %add3A_760 = arith.constant 3 : i32
        %add3A_761 = arith.addi %mul3A_579, %add3A_760 : i32
        %get3A_762 = arith.index_cast %add3A_761 : i32 to index
        %get3A_763 = arith.constant 96 : index
        %get3A_764 = tpu.vector_load %arg8[%get3A_762, %get3A_763] {strides = array<i32>} : memref<200x128xf32, #tpu.memory_space<vmem>>, vector<16xf32>,
        %max3A_765 = arith.maximumf %max3A_717, %get3A_764 : vector<16xf32>
        %add3A_766 = arith.constant 3 : i32
        %add3A_767 = arith.addi %mul3A_579, %add3A_766 : i32
        %get3A_768 = arith.index_cast %add3A_767 : i32 to index
        %get3A_769 = arith.constant 112 : index
        %get3A_770 = tpu.vector_load %arg8[%get3A_768, %get3A_769] {strides = array<i32>} : memref<200x128xf32, #tpu.memory_space<vmem>>, vector<16xf32>,
        %max3A_771 = arith.maximumf %max3A_723, %get3A_770 : vector<16xf32>
        scf.yield %max3A_729, %max3A_735, %max3A_741, %max3A_747, %max3A_753, %max3A_759, %max3A_765, %max3A_771 : vector<16xf32>, vector<16xf32>, vector<16xf32>, vector<16xf32>, vector<16xf32>, vector<16xf32>, vector<16xf32>, vector<16xf32>
      }
      %scan3A_437 = arith.constant 50 : i32
      %max3A_438 = arith.maximumf %max3A_273, %scan3A_436#0 : vector<16xf32>
      %max3A_439 = arith.maximumf %max3A_274, %scan3A_436#1 : vector<16xf32>
      %max3A_440 = arith.maximumf %max3A_275, %scan3A_436#2 : vector<16xf32>
      %max3A_441 = arith.maximumf %max3A_276, %scan3A_436#3 : vector<16xf32>
      %max3A_442 = arith.maximumf %max3A_277, %scan3A_436#4 : vector<16xf32>
      %max3A_443 = arith.maximumf %max3A_278, %scan3A_436#5 : vector<16xf32>
      %max3A_444 = arith.maximumf %max3A_279, %scan3A_436#6 : vector<16xf32>
      %max3A_445 = arith.maximumf %max3A_280, %scan3A_436#7 : vector<16xf32>
      %sub3A_446 = arith.subf %max3A_273, %max3A_438 : vector<16xf32>
      %exp3A_447 = math.exp %sub3A_446 : vector<16xf32>
      %mul3A_448 = arith.mulf %scan3A_309#0, %exp3A_447 : vector<16xf32>
      %sub3A_449 = arith.subf %max3A_274, %max3A_439 : vector<16xf32>
      %exp3A_450 = math.exp %sub3A_449 : vector<16xf32>
      %mul3A_451 = arith.mulf %scan3A_309#1, %exp3A_450 : vector<16xf32>
      %sub3A_452 = arith.subf %max3A_275, %max3A_440 : vector<16xf32>
      %exp3A_453 = math.exp %sub3A_452 : vector<16xf32>
      %mul3A_454 = arith.mulf %scan3A_309#2, %exp3A_453 : vector<16xf32>
      %sub3A_455 = arith.subf %max3A_276, %max3A_441 : vector<16xf32>
      %exp3A_456 = math.exp %sub3A_455 : vector<16xf32>
      %mul3A_457 = arith.mulf %scan3A_309#3, %exp3A_456 : vector<16xf32>
      %sub3A_458 = arith.subf %max3A_277, %max3A_442 : vector<16xf32>
      %exp3A_459 = math.exp %sub3A_458 : vector<16xf32>
      %mul3A_460 = arith.mulf %scan3A_309#4, %exp3A_459 : vector<16xf32>
      %sub3A_461 = arith.subf %max3A_278, %max3A_443 : vector<16xf32>
      %exp3A_462 = math.exp %sub3A_461 : vector<16xf32>
      %mul3A_463 = arith.mulf %scan3A_309#5, %exp3A_462 : vector<16xf32>
      %sub3A_464 = arith.subf %max3A_279, %max3A_444 : vector<16xf32>
      %exp3A_465 = math.exp %sub3A_464 : vector<16xf32>
      %mul3A_466 = arith.mulf %scan3A_309#6, %exp3A_465 : vector<16xf32>
      %sub3A_467 = arith.subf %max3A_280, %max3A_445 : vector<16xf32>
      %exp3A_468 = math.exp %sub3A_467 : vector<16xf32>
      %mul3A_469 = arith.mulf %scan3A_309#7, %exp3A_468 : vector<16xf32>
      %scan3A_470 = arith.constant 0 : i32
      %scan3A_471 = arith.constant 50 : i32
      %scan3A_472 = arith.addi %scan3A_470, %scan3A_471 : i32
      %scan3A_473 = arith.constant 1 : i32
      %scan3A_474:8 = scf.for %scan3A_569 = %scan3A_470 to %scan3A_472 step %scan3A_473 iter_args(%scan3A_570 = %mul3A_448, %scan3A_571 = %mul3A_451, %scan3A_572 = %mul3A_454, %scan3A_573 = %mul3A_457, %scan3A_574 = %mul3A_460, %scan3A_575 = %mul3A_463, %scan3A_576 = %mul3A_466, %scan3A_577 = %mul3A_469) -> (vector<16xf32>, vector<16xf32>, vector<16xf32>, vector<16xf32>, vector<16xf32>, vector<16xf32>, vector<16xf32>, vector<16xf32>)  : i32 {
        %mul3A_578 = arith.constant 4 : i32
        %mul3A_579 = arith.muli %scan3A_569, %mul3A_578 : i32
        %add3A_580 = arith.constant 0 : i32
        %add3A_581 = arith.addi %mul3A_579, %add3A_580 : i32
        %get3A_582 = arith.index_cast %add3A_581 : i32 to index
        %get3A_583 = arith.constant 0 : index
        %get3A_584 = tpu.vector_load %arg8[%get3A_582, %get3A_583] {strides = array<i32>} : memref<200x128xf32, #tpu.memory_space<vmem>>, vector<16xf32>,
        %sub3A_585 = arith.subf %get3A_584, %max3A_438 : vector<16xf32>
        %exp3A_586 = math.exp %sub3A_585 : vector<16xf32>
        %add3A_587 = arith.addf %scan3A_570, %exp3A_586 : vector<16xf32>
        %add3A_588 = arith.constant 0 : i32
        %add3A_589 = arith.addi %mul3A_579, %add3A_588 : i32
        %get3A_590 = arith.index_cast %add3A_589 : i32 to index
        %get3A_591 = arith.constant 16 : index
        %get3A_592 = tpu.vector_load %arg8[%get3A_590, %get3A_591] {strides = array<i32>} : memref<200x128xf32, #tpu.memory_space<vmem>>, vector<16xf32>,
        %sub3A_593 = arith.subf %get3A_592, %max3A_439 : vector<16xf32>
        %exp3A_594 = math.exp %sub3A_593 : vector<16xf32>
        %add3A_595 = arith.addf %scan3A_571, %exp3A_594 : vector<16xf32>
        %add3A_596 = arith.constant 0 : i32
        %add3A_597 = arith.addi %mul3A_579, %add3A_596 : i32
        %get3A_598 = arith.index_cast %add3A_597 : i32 to index
        %get3A_599 = arith.constant 32 : index
        %get3A_600 = tpu.vector_load %arg8[%get3A_598, %get3A_599] {strides = array<i32>} : memref<200x128xf32, #tpu.memory_space<vmem>>, vector<16xf32>,
        %sub3A_601 = arith.subf %get3A_600, %max3A_440 : vector<16xf32>
        %exp3A_602 = math.exp %sub3A_601 : vector<16xf32>
        %add3A_603 = arith.addf %scan3A_572, %exp3A_602 : vector<16xf32>
        %add3A_604 = arith.constant 0 : i32
        %add3A_605 = arith.addi %mul3A_579, %add3A_604 : i32
        %get3A_606 = arith.index_cast %add3A_605 : i32 to index
        %get3A_607 = arith.constant 48 : index
        %get3A_608 = tpu.vector_load %arg8[%get3A_606, %get3A_607] {strides = array<i32>} : memref<200x128xf32, #tpu.memory_space<vmem>>, vector<16xf32>,
        %sub3A_609 = arith.subf %get3A_608, %max3A_441 : vector<16xf32>
        %exp3A_610 = math.exp %sub3A_609 : vector<16xf32>
        %add3A_611 = arith.addf %scan3A_573, %exp3A_610 : vector<16xf32>
        %add3A_612 = arith.constant 0 : i32
        %add3A_613 = arith.addi %mul3A_579, %add3A_612 : i32
        %get3A_614 = arith.index_cast %add3A_613 : i32 to index
        %get3A_615 = arith.constant 64 : index
        %get3A_616 = tpu.vector_load %arg8[%get3A_614, %get3A_615] {strides = array<i32>} : memref<200x128xf32, #tpu.memory_space<vmem>>, vector<16xf32>,
        %sub3A_617 = arith.subf %get3A_616, %max3A_442 : vector<16xf32>
        %exp3A_618 = math.exp %sub3A_617 : vector<16xf32>
        %add3A_619 = arith.addf %scan3A_574, %exp3A_618 : vector<16xf32>
        %add3A_620 = arith.constant 0 : i32
        %add3A_621 = arith.addi %mul3A_579, %add3A_620 : i32
        %get3A_622 = arith.index_cast %add3A_621 : i32 to index
        %get3A_623 = arith.constant 80 : index
        %get3A_624 = tpu.vector_load %arg8[%get3A_622, %get3A_623] {strides = array<i32>} : memref<200x128xf32, #tpu.memory_space<vmem>>, vector<16xf32>,
        %sub3A_625 = arith.subf %get3A_624, %max3A_443 : vector<16xf32>
        %exp3A_626 = math.exp %sub3A_625 : vector<16xf32>
        %add3A_627 = arith.addf %scan3A_575, %exp3A_626 : vector<16xf32>
        %add3A_628 = arith.constant 0 : i32
        %add3A_629 = arith.addi %mul3A_579, %add3A_628 : i32
        %get3A_630 = arith.index_cast %add3A_629 : i32 to index
        %get3A_631 = arith.constant 96 : index
        %get3A_632 = tpu.vector_load %arg8[%get3A_630, %get3A_631] {strides = array<i32>} : memref<200x128xf32, #tpu.memory_space<vmem>>, vector<16xf32>,
        %sub3A_633 = arith.subf %get3A_632, %max3A_444 : vector<16xf32>
        %exp3A_634 = math.exp %sub3A_633 : vector<16xf32>
        %add3A_635 = arith.addf %scan3A_576, %exp3A_634 : vector<16xf32>
        %add3A_636 = arith.constant 0 : i32
        %add3A_637 = arith.addi %mul3A_579, %add3A_636 : i32
        %get3A_638 = arith.index_cast %add3A_637 : i32 to index
        %get3A_639 = arith.constant 112 : index
        %get3A_640 = tpu.vector_load %arg8[%get3A_638, %get3A_639] {strides = array<i32>} : memref<200x128xf32, #tpu.memory_space<vmem>>, vector<16xf32>,
        %sub3A_641 = arith.subf %get3A_640, %max3A_445 : vector<16xf32>
        %exp3A_642 = math.exp %sub3A_641 : vector<16xf32>
        %add3A_643 = arith.addf %scan3A_577, %exp3A_642 : vector<16xf32>
        %add3A_644 = arith.constant 1 : i32
        %add3A_645 = arith.addi %mul3A_579, %add3A_644 : i32
        %get3A_646 = arith.index_cast %add3A_645 : i32 to index
        %get3A_647 = arith.constant 0 : index
        %get3A_648 = tpu.vector_load %arg8[%get3A_646, %get3A_647] {strides = array<i32>} : memref<200x128xf32, #tpu.memory_space<vmem>>, vector<16xf32>,
        %sub3A_649 = arith.subf %get3A_648, %max3A_438 : vector<16xf32>
        %exp3A_650 = math.exp %sub3A_649 : vector<16xf32>
        %add3A_651 = arith.addf %add3A_587, %exp3A_650 : vector<16xf32>
        %add3A_652 = arith.constant 1 : i32
        %add3A_653 = arith.addi %mul3A_579, %add3A_652 : i32
        %get3A_654 = arith.index_cast %add3A_653 : i32 to index
        %get3A_655 = arith.constant 16 : index
        %get3A_656 = tpu.vector_load %arg8[%get3A_654, %get3A_655] {strides = array<i32>} : memref<200x128xf32, #tpu.memory_space<vmem>>, vector<16xf32>,
        %sub3A_657 = arith.subf %get3A_656, %max3A_439 : vector<16xf32>
        %exp3A_658 = math.exp %sub3A_657 : vector<16xf32>
        %add3A_659 = arith.addf %add3A_595, %exp3A_658 : vector<16xf32>
        %add3A_660 = arith.constant 1 : i32
        %add3A_661 = arith.addi %mul3A_579, %add3A_660 : i32
        %get3A_662 = arith.index_cast %add3A_661 : i32 to index
        %get3A_663 = arith.constant 32 : index
        %get3A_664 = tpu.vector_load %arg8[%get3A_662, %get3A_663] {strides = array<i32>} : memref<200x128xf32, #tpu.memory_space<vmem>>, vector<16xf32>,
        %sub3A_665 = arith.subf %get3A_664, %max3A_440 : vector<16xf32>
        %exp3A_666 = math.exp %sub3A_665 : vector<16xf32>
        %add3A_667 = arith.addf %add3A_603, %exp3A_666 : vector<16xf32>
        %add3A_668 = arith.constant 1 : i32
        %add3A_669 = arith.addi %mul3A_579, %add3A_668 : i32
        %get3A_670 = arith.index_cast %add3A_669 : i32 to index
        %get3A_671 = arith.constant 48 : index
        %get3A_672 = tpu.vector_load %arg8[%get3A_670, %get3A_671] {strides = array<i32>} : memref<200x128xf32, #tpu.memory_space<vmem>>, vector<16xf32>,
        %sub3A_673 = arith.subf %get3A_672, %max3A_441 : vector<16xf32>
        %exp3A_674 = math.exp %sub3A_673 : vector<16xf32>
        %add3A_675 = arith.addf %add3A_611, %exp3A_674 : vector<16xf32>
        %add3A_676 = arith.constant 1 : i32
        %add3A_677 = arith.addi %mul3A_579, %add3A_676 : i32
        %get3A_678 = arith.index_cast %add3A_677 : i32 to index
        %get3A_679 = arith.constant 64 : index
        %get3A_680 = tpu.vector_load %arg8[%get3A_678, %get3A_679] {strides = array<i32>} : memref<200x128xf32, #tpu.memory_space<vmem>>, vector<16xf32>,
        %sub3A_681 = arith.subf %get3A_680, %max3A_442 : vector<16xf32>
        %exp3A_682 = math.exp %sub3A_681 : vector<16xf32>
        %add3A_683 = arith.addf %add3A_619, %exp3A_682 : vector<16xf32>
        %add3A_684 = arith.constant 1 : i32
        %add3A_685 = arith.addi %mul3A_579, %add3A_684 : i32
        %get3A_686 = arith.index_cast %add3A_685 : i32 to index
        %get3A_687 = arith.constant 80 : index
        %get3A_688 = tpu.vector_load %arg8[%get3A_686, %get3A_687] {strides = array<i32>} : memref<200x128xf32, #tpu.memory_space<vmem>>, vector<16xf32>,
        %sub3A_689 = arith.subf %get3A_688, %max3A_443 : vector<16xf32>
        %exp3A_690 = math.exp %sub3A_689 : vector<16xf32>
        %add3A_691 = arith.addf %add3A_627, %exp3A_690 : vector<16xf32>
        %add3A_692 = arith.constant 1 : i32
        %add3A_693 = arith.addi %mul3A_579, %add3A_692 : i32
        %get3A_694 = arith.index_cast %add3A_693 : i32 to index
        %get3A_695 = arith.constant 96 : index
        %get3A_696 = tpu.vector_load %arg8[%get3A_694, %get3A_695] {strides = array<i32>} : memref<200x128xf32, #tpu.memory_space<vmem>>, vector<16xf32>,
        %sub3A_697 = arith.subf %get3A_696, %max3A_444 : vector<16xf32>
        %exp3A_698 = math.exp %sub3A_697 : vector<16xf32>
        %add3A_699 = arith.addf %add3A_635, %exp3A_698 : vector<16xf32>
        %add3A_700 = arith.constant 1 : i32
        %add3A_701 = arith.addi %mul3A_579, %add3A_700 : i32
        %get3A_702 = arith.index_cast %add3A_701 : i32 to index
        %get3A_703 = arith.constant 112 : index
        %get3A_704 = tpu.vector_load %arg8[%get3A_702, %get3A_703] {strides = array<i32>} : memref<200x128xf32, #tpu.memory_space<vmem>>, vector<16xf32>,
        %sub3A_705 = arith.subf %get3A_704, %max3A_445 : vector<16xf32>
        %exp3A_706 = math.exp %sub3A_705 : vector<16xf32>
        %add3A_707 = arith.addf %add3A_643, %exp3A_706 : vector<16xf32>
        %add3A_708 = arith.constant 2 : i32
        %add3A_709 = arith.addi %mul3A_579, %add3A_708 : i32
        %get3A_710 = arith.index_cast %add3A_709 : i32 to index
        %get3A_711 = arith.constant 0 : index
        %get3A_712 = tpu.vector_load %arg8[%get3A_710, %get3A_711] {strides = array<i32>} : memref<200x128xf32, #tpu.memory_space<vmem>>, vector<16xf32>,
        %sub3A_713 = arith.subf %get3A_712, %max3A_438 : vector<16xf32>
        %exp3A_714 = math.exp %sub3A_713 : vector<16xf32>
        %add3A_715 = arith.addf %add3A_651, %exp3A_714 : vector<16xf32>
        %add3A_716 = arith.constant 2 : i32
        %add3A_717 = arith.addi %mul3A_579, %add3A_716 : i32
        %get3A_718 = arith.index_cast %add3A_717 : i32 to index
        %get3A_719 = arith.constant 16 : index
        %get3A_720 = tpu.vector_load %arg8[%get3A_718, %get3A_719] {strides = array<i32>} : memref<200x128xf32, #tpu.memory_space<vmem>>, vector<16xf32>,
        %sub3A_721 = arith.subf %get3A_720, %max3A_439 : vector<16xf32>
        %exp3A_722 = math.exp %sub3A_721 : vector<16xf32>
        %add3A_723 = arith.addf %add3A_659, %exp3A_722 : vector<16xf32>
        %add3A_724 = arith.constant 2 : i32
        %add3A_725 = arith.addi %mul3A_579, %add3A_724 : i32
        %get3A_726 = arith.index_cast %add3A_725 : i32 to index
        %get3A_727 = arith.constant 32 : index
        %get3A_728 = tpu.vector_load %arg8[%get3A_726, %get3A_727] {strides = array<i32>} : memref<200x128xf32, #tpu.memory_space<vmem>>, vector<16xf32>,
        %sub3A_729 = arith.subf %get3A_728, %max3A_440 : vector<16xf32>
        %exp3A_730 = math.exp %sub3A_729 : vector<16xf32>
        %add3A_731 = arith.addf %add3A_667, %exp3A_730 : vector<16xf32>
        %add3A_732 = arith.constant 2 : i32
        %add3A_733 = arith.addi %mul3A_579, %add3A_732 : i32
        %get3A_734 = arith.index_cast %add3A_733 : i32 to index
        %get3A_735 = arith.constant 48 : index
        %get3A_736 = tpu.vector_load %arg8[%get3A_734, %get3A_735] {strides = array<i32>} : memref<200x128xf32, #tpu.memory_space<vmem>>, vector<16xf32>,
        %sub3A_737 = arith.subf %get3A_736, %max3A_441 : vector<16xf32>
        %exp3A_738 = math.exp %sub3A_737 : vector<16xf32>
        %add3A_739 = arith.addf %add3A_675, %exp3A_738 : vector<16xf32>
        %add3A_740 = arith.constant 2 : i32
        %add3A_741 = arith.addi %mul3A_579, %add3A_740 : i32
        %get3A_742 = arith.index_cast %add3A_741 : i32 to index
        %get3A_743 = arith.constant 64 : index
        %get3A_744 = tpu.vector_load %arg8[%get3A_742, %get3A_743] {strides = array<i32>} : memref<200x128xf32, #tpu.memory_space<vmem>>, vector<16xf32>,
        %sub3A_745 = arith.subf %get3A_744, %max3A_442 : vector<16xf32>
        %exp3A_746 = math.exp %sub3A_745 : vector<16xf32>
        %add3A_747 = arith.addf %add3A_683, %exp3A_746 : vector<16xf32>
        %add3A_748 = arith.constant 2 : i32
        %add3A_749 = arith.addi %mul3A_579, %add3A_748 : i32
        %get3A_750 = arith.index_cast %add3A_749 : i32 to index
        %get3A_751 = arith.constant 80 : index
        %get3A_752 = tpu.vector_load %arg8[%get3A_750, %get3A_751] {strides = array<i32>} : memref<200x128xf32, #tpu.memory_space<vmem>>, vector<16xf32>,
        %sub3A_753 = arith.subf %get3A_752, %max3A_443 : vector<16xf32>
        %exp3A_754 = math.exp %sub3A_753 : vector<16xf32>
        %add3A_755 = arith.addf %add3A_691, %exp3A_754 : vector<16xf32>
        %add3A_756 = arith.constant 2 : i32
        %add3A_757 = arith.addi %mul3A_579, %add3A_756 : i32
        %get3A_758 = arith.index_cast %add3A_757 : i32 to index
        %get3A_759 = arith.constant 96 : index
        %get3A_760 = tpu.vector_load %arg8[%get3A_758, %get3A_759] {strides = array<i32>} : memref<200x128xf32, #tpu.memory_space<vmem>>, vector<16xf32>,
        %sub3A_761 = arith.subf %get3A_760, %max3A_444 : vector<16xf32>
        %exp3A_762 = math.exp %sub3A_761 : vector<16xf32>
        %add3A_763 = arith.addf %add3A_699, %exp3A_762 : vector<16xf32>
        %add3A_764 = arith.constant 2 : i32
        %add3A_765 = arith.addi %mul3A_579, %add3A_764 : i32
        %get3A_766 = arith.index_cast %add3A_765 : i32 to index
        %get3A_767 = arith.constant 112 : index
        %get3A_768 = tpu.vector_load %arg8[%get3A_766, %get3A_767] {strides = array<i32>} : memref<200x128xf32, #tpu.memory_space<vmem>>, vector<16xf32>,
        %sub3A_769 = arith.subf %get3A_768, %max3A_445 : vector<16xf32>
        %exp3A_770 = math.exp %sub3A_769 : vector<16xf32>
        %add3A_771 = arith.addf %add3A_707, %exp3A_770 : vector<16xf32>
        %add3A_772 = arith.constant 3 : i32
        %add3A_773 = arith.addi %mul3A_579, %add3A_772 : i32
        %get3A_774 = arith.index_cast %add3A_773 : i32 to index
        %get3A_775 = arith.constant 0 : index
        %get3A_776 = tpu.vector_load %arg8[%get3A_774, %get3A_775] {strides = array<i32>} : memref<200x128xf32, #tpu.memory_space<vmem>>, vector<16xf32>,
        %sub3A_777 = arith.subf %get3A_776, %max3A_438 : vector<16xf32>
        %exp3A_778 = math.exp %sub3A_777 : vector<16xf32>
        %add3A_779 = arith.addf %add3A_715, %exp3A_778 : vector<16xf32>
        %add3A_780 = arith.constant 3 : i32
        %add3A_781 = arith.addi %mul3A_579, %add3A_780 : i32
        %get3A_782 = arith.index_cast %add3A_781 : i32 to index
        %get3A_783 = arith.constant 16 : index
        %get3A_784 = tpu.vector_load %arg8[%get3A_782, %get3A_783] {strides = array<i32>} : memref<200x128xf32, #tpu.memory_space<vmem>>, vector<16xf32>,
        %sub3A_785 = arith.subf %get3A_784, %max3A_439 : vector<16xf32>
        %exp3A_786 = math.exp %sub3A_785 : vector<16xf32>
        %add3A_787 = arith.addf %add3A_723, %exp3A_786 : vector<16xf32>
        %add3A_788 = arith.constant 3 : i32
        %add3A_789 = arith.addi %mul3A_579, %add3A_788 : i32
        %get3A_790 = arith.index_cast %add3A_789 : i32 to index
        %get3A_791 = arith.constant 32 : index
        %get3A_792 = tpu.vector_load %arg8[%get3A_790, %get3A_791] {strides = array<i32>} : memref<200x128xf32, #tpu.memory_space<vmem>>, vector<16xf32>,
        %sub3A_793 = arith.subf %get3A_792, %max3A_440 : vector<16xf32>
        %exp3A_794 = math.exp %sub3A_793 : vector<16xf32>
        %add3A_795 = arith.addf %add3A_731, %exp3A_794 : vector<16xf32>
        %add3A_796 = arith.constant 3 : i32
        %add3A_797 = arith.addi %mul3A_579, %add3A_796 : i32
        %get3A_798 = arith.index_cast %add3A_797 : i32 to index
        %get3A_799 = arith.constant 48 : index
        %get3A_800 = tpu.vector_load %arg8[%get3A_798, %get3A_799] {strides = array<i32>} : memref<200x128xf32, #tpu.memory_space<vmem>>, vector<16xf32>,
        %sub3A_801 = arith.subf %get3A_800, %max3A_441 : vector<16xf32>
        %exp3A_802 = math.exp %sub3A_801 : vector<16xf32>
        %add3A_803 = arith.addf %add3A_739, %exp3A_802 : vector<16xf32>
        %add3A_804 = arith.constant 3 : i32
        %add3A_805 = arith.addi %mul3A_579, %add3A_804 : i32
        %get3A_806 = arith.index_cast %add3A_805 : i32 to index
        %get3A_807 = arith.constant 64 : index
        %get3A_808 = tpu.vector_load %arg8[%get3A_806, %get3A_807] {strides = array<i32>} : memref<200x128xf32, #tpu.memory_space<vmem>>, vector<16xf32>,
        %sub3A_809 = arith.subf %get3A_808, %max3A_442 : vector<16xf32>
        %exp3A_810 = math.exp %sub3A_809 : vector<16xf32>
        %add3A_811 = arith.addf %add3A_747, %exp3A_810 : vector<16xf32>
        %add3A_812 = arith.constant 3 : i32
        %add3A_813 = arith.addi %mul3A_579, %add3A_812 : i32
        %get3A_814 = arith.index_cast %add3A_813 : i32 to index
        %get3A_815 = arith.constant 80 : index
        %get3A_816 = tpu.vector_load %arg8[%get3A_814, %get3A_815] {strides = array<i32>} : memref<200x128xf32, #tpu.memory_space<vmem>>, vector<16xf32>,
        %sub3A_817 = arith.subf %get3A_816, %max3A_443 : vector<16xf32>
        %exp3A_818 = math.exp %sub3A_817 : vector<16xf32>
        %add3A_819 = arith.addf %add3A_755, %exp3A_818 : vector<16xf32>
        %add3A_820 = arith.constant 3 : i32
        %add3A_821 = arith.addi %mul3A_579, %add3A_820 : i32
        %get3A_822 = arith.index_cast %add3A_821 : i32 to index
        %get3A_823 = arith.constant 96 : index
        %get3A_824 = tpu.vector_load %arg8[%get3A_822, %get3A_823] {strides = array<i32>} : memref<200x128xf32, #tpu.memory_space<vmem>>, vector<16xf32>,
        %sub3A_825 = arith.subf %get3A_824, %max3A_444 : vector<16xf32>
        %exp3A_826 = math.exp %sub3A_825 : vector<16xf32>
        %add3A_827 = arith.addf %add3A_763, %exp3A_826 : vector<16xf32>
        %add3A_828 = arith.constant 3 : i32
        %add3A_829 = arith.addi %mul3A_579, %add3A_828 : i32
        %get3A_830 = arith.index_cast %add3A_829 : i32 to index
        %get3A_831 = arith.constant 112 : index
        %get3A_832 = tpu.vector_load %arg8[%get3A_830, %get3A_831] {strides = array<i32>} : memref<200x128xf32, #tpu.memory_space<vmem>>, vector<16xf32>,
        %sub3A_833 = arith.subf %get3A_832, %max3A_445 : vector<16xf32>
        %exp3A_834 = math.exp %sub3A_833 : vector<16xf32>
        %add3A_835 = arith.addf %add3A_771, %exp3A_834 : vector<16xf32>
        scf.yield %add3A_779, %add3A_787, %add3A_795, %add3A_803, %add3A_811, %add3A_819, %add3A_827, %add3A_835 : vector<16xf32>, vector<16xf32>, vector<16xf32>, vector<16xf32>, vector<16xf32>, vector<16xf32>, vector<16xf32>, vector<16xf32>
      }
      %scan3A_475 = arith.constant 50 : i32
      %jit3A_476 = arith.constant 16 : i32
      %div3A_477 = arith.divsi %add3A_415, %jit3A_476 : i32
      %sign3A_478 = arith.constant 0 : i32
      %sign3A_479 = arith.cmpi sgt, %add3A_415, %sign3A_478 : i32
      %sign3A_480 = arith.extui %sign3A_479 : i1 to i32
      %sign3A_481 = arith.constant 0 : i32
      %sign3A_482 = arith.cmpi slt, %add3A_415, %sign3A_481 : i32
      %sign3A_483 = arith.extui %sign3A_482 : i1 to i32
      %sign3A_484 = arith.subi %sign3A_480, %sign3A_483 : i32
      %sign3A_485 = arith.constant 0 : i32
      %sign3A_486 = arith.cmpi sgt, %jit3A_476, %sign3A_485 : i32
      %sign3A_487 = arith.extui %sign3A_486 : i1 to i32
      %sign3A_488 = arith.constant 0 : i32
      %sign3A_489 = arith.cmpi slt, %jit3A_476, %sign3A_488 : i32
      %sign3A_490 = arith.extui %sign3A_489 : i1 to i32
      %sign3A_491 = arith.subi %sign3A_487, %sign3A_490 : i32
      %ne3A_492 = arith.cmpi ne, %sign3A_484, %sign3A_491 : i32
      %rem3A_493 = arith.remsi %add3A_415, %jit3A_476 : i32
      %ne3A_494 = arith.constant 0 : i32
      %ne3A_495 = arith.cmpi ne, %rem3A_493, %ne3A_494 : i32
      %and3A_496 = arith.andi %ne3A_492, %ne3A_495 : i1
      %sub3A_497 = arith.constant 1 : i32
      %sub3A_498 = arith.subi %div3A_477, %sub3A_497 : i32
      %select_n3A_499 = arith.select %and3A_496, %sub3A_498, %div3A_477 : i32
      %mul3A_500 = arith.constant 16 : i32
      %mul3A_501 = arith.muli %select_n3A_499, %mul3A_500 : i32
      %multiple_of3A_502 = tpu.assume_multiple %mul3A_501, 16 : i32
      %get3A_503 = arith.index_cast %multiple_of3A_502 : i32 to index
      %get3A_504 = tpu.vector_load %arg10[%get3A_503] {strides = array<i32>} : memref<128xi32, #tpu.memory_space<vmem>>, vector<16xi32>,
      %iota3A_505 = tpu.iota {dimensions = array<i32: 0>} : vector<16xi32>
      %sub3A_506 = arith.subi %add3A_415, %multiple_of3A_502 : i32
      %eq3A_507 = vector.broadcast %sub3A_506 : i32 to vector<16xi32>
      %eq3A_508 = arith.cmpi eq, %iota3A_505, %eq3A_507 : vector<16xi32>
      %jit3A_509 = arith.constant 0 : i32
      %broadcast_in_dim3A_510 = vector.broadcast %jit3A_509 : i32 to vector<16xi32>
      %select_n3A_511 = arith.select %eq3A_508, %get3A_504, %broadcast_in_dim3A_510 : vector<16xi1>, vector<16xi32>
      %reduce_sum3A_512 = arith.constant true
      %reduce_sum3A_513 = vector.broadcast %reduce_sum3A_512 : i1 to vector<16xi1>
      %reduce_sum3A_514 = tpu.scan <sum>, %select_n3A_511 masked %reduce_sum3A_513 : vector<16xi32>, vector<16xi1> -> vector<16xi32>
      %reduce_sum3A_515 = vector.extract %reduce_sum3A_514[15] : i32 from vector<16xi32>
      %add3A_516 = arith.constant 1 : i32
      %add3A_517 = arith.addi %add3A_415, %add3A_516 : i32
      %jit3A_518 = arith.constant 16 : i32
      %div3A_519 = arith.divsi %add3A_517, %jit3A_518 : i32
      %sign3A_520 = arith.constant 0 : i32
      %sign3A_521 = arith.cmpi sgt, %add3A_517, %sign3A_520 : i32
      %sign3A_522 = arith.extui %sign3A_521 : i1 to i32
      %sign3A_523 = arith.constant 0 : i32
      %sign3A_524 = arith.cmpi slt, %add3A_517, %sign3A_523 : i32
      %sign3A_525 = arith.extui %sign3A_524 : i1 to i32
      %sign3A_526 = arith.subi %sign3A_522, %sign3A_525 : i32
      %sign3A_527 = arith.constant 0 : i32
      %sign3A_528 = arith.cmpi sgt, %jit3A_518, %sign3A_527 : i32
      %sign3A_529 = arith.extui %sign3A_528 : i1 to i32
      %sign3A_530 = arith.constant 0 : i32
      %sign3A_531 = arith.cmpi slt, %jit3A_518, %sign3A_530 : i32
      %sign3A_532 = arith.extui %sign3A_531 : i1 to i32
      %sign3A_533 = arith.subi %sign3A_529, %sign3A_532 : i32
      %ne3A_534 = arith.cmpi ne, %sign3A_526, %sign3A_533 : i32
      %rem3A_535 = arith.remsi %add3A_517, %jit3A_518 : i32
      %ne3A_536 = arith.constant 0 : i32
      %ne3A_537 = arith.cmpi ne, %rem3A_535, %ne3A_536 : i32
      %and3A_538 = arith.andi %ne3A_534, %ne3A_537 : i1
      %sub3A_539 = arith.constant 1 : i32
      %sub3A_540 = arith.subi %div3A_519, %sub3A_539 : i32
      %select_n3A_541 = arith.select %and3A_538, %sub3A_540, %div3A_519 : i32
      %mul3A_542 = arith.constant 16 : i32
      %mul3A_543 = arith.muli %select_n3A_541, %mul3A_542 : i32
      %multiple_of3A_544 = tpu.assume_multiple %mul3A_543, 16 : i32
      %get3A_545 = arith.index_cast %multiple_of3A_544 : i32 to index
      %get3A_546 = tpu.vector_load %arg10[%get3A_545] {strides = array<i32>} : memref<128xi32, #tpu.memory_space<vmem>>, vector<16xi32>,
      %iota3A_547 = tpu.iota {dimensions = array<i32: 0>} : vector<16xi32>
      %sub3A_548 = arith.subi %add3A_517, %multiple_of3A_544 : i32
      %eq3A_549 = vector.broadcast %sub3A_548 : i32 to vector<16xi32>
      %eq3A_550 = arith.cmpi eq, %iota3A_547, %eq3A_549 : vector<16xi32>
      %jit3A_551 = arith.constant 0 : i32
      %broadcast_in_dim3A_552 = vector.broadcast %jit3A_551 : i32 to vector<16xi32>
      %select_n3A_553 = arith.select %eq3A_550, %get3A_546, %broadcast_in_dim3A_552 : vector<16xi1>, vector<16xi32>
      %reduce_sum3A_554 = arith.constant true
      %reduce_sum3A_555 = vector.broadcast %reduce_sum3A_554 : i1 to vector<16xi1>
      %reduce_sum3A_556 = tpu.scan <sum>, %select_n3A_553 masked %reduce_sum3A_555 : vector<16xi32>, vector<16xi1> -> vector<16xi32>
      %reduce_sum3A_557 = vector.extract %reduce_sum3A_556[15] : i32 from vector<16xi32>
      %while3A_558 = arith.constant 0 : i32
      %while3A_559 = arith.subi %reduce_sum3A_557, %reduce_sum3A_515 : i32
      %while3A_560 = arith.addi %reduce_sum3A_515, %while3A_559 : i32
      %while3A_561 = arith.constant 1 : i32
      %while3A_562 = arith.divsi %while3A_559, %while3A_561 : i32
      %while3A_563 = arith.muli %while3A_562, %while3A_561 : i32
      %while3A_564 = arith.addi %reduce_sum3A_515, %while3A_563 : i32
      %while3A_565 = arith.constant 1 : i32
      %while3A_566 = scf.for %while3A_569 = %reduce_sum3A_515 to %while3A_564 step %while3A_565 iter_args(%while3A_570 = %while3A_558) -> (i32)  : i32 {
        %jit3A_571 = arith.constant 16 : i32
        %div3A_572 = arith.divsi %while3A_569, %jit3A_571 : i32
        %sign3A_573 = arith.constant 0 : i32
        %sign3A_574 = arith.cmpi sgt, %while3A_569, %sign3A_573 : i32
        %sign3A_575 = arith.extui %sign3A_574 : i1 to i32
        %sign3A_576 = arith.constant 0 : i32
        %sign3A_577 = arith.cmpi slt, %while3A_569, %sign3A_576 : i32
        %sign3A_578 = arith.extui %sign3A_577 : i1 to i32
        %sign3A_579 = arith.subi %sign3A_575, %sign3A_578 : i32
        %sign3A_580 = arith.constant 0 : i32
        %sign3A_581 = arith.cmpi sgt, %jit3A_571, %sign3A_580 : i32
        %sign3A_582 = arith.extui %sign3A_581 : i1 to i32
        %sign3A_583 = arith.constant 0 : i32
        %sign3A_584 = arith.cmpi slt, %jit3A_571, %sign3A_583 : i32
        %sign3A_585 = arith.extui %sign3A_584 : i1 to i32
        %sign3A_586 = arith.subi %sign3A_582, %sign3A_585 : i32
        %ne3A_587 = arith.cmpi ne, %sign3A_579, %sign3A_586 : i32
        %rem3A_588 = arith.remsi %while3A_569, %jit3A_571 : i32
        %ne3A_589 = arith.constant 0 : i32
        %ne3A_590 = arith.cmpi ne, %rem3A_588, %ne3A_589 : i32
        %and3A_591 = arith.andi %ne3A_587, %ne3A_590 : i1
        %sub3A_592 = arith.constant 1 : i32
        %sub3A_593 = arith.subi %div3A_572, %sub3A_592 : i32
        %select_n3A_594 = arith.select %and3A_591, %sub3A_593, %div3A_572 : i32
        %mul3A_595 = arith.constant 16 : i32
        %mul3A_596 = arith.muli %select_n3A_594, %mul3A_595 : i32
        %multiple_of3A_597 = tpu.assume_multiple %mul3A_596, 16 : i32
        %get3A_598 = arith.index_cast %multiple_of3A_597 : i32 to index
        %get3A_599 = tpu.vector_load %arg9[%get3A_598] {strides = array<i32>} : memref<21504xi32, #tpu.memory_space<vmem>>, vector<16xi32>,
        %iota3A_600 = tpu.iota {dimensions = array<i32: 0>} : vector<16xi32>
        %sub3A_601 = arith.subi %while3A_569, %multiple_of3A_597 : i32
        %eq3A_602 = vector.broadcast %sub3A_601 : i32 to vector<16xi32>
        %eq3A_603 = arith.cmpi eq, %iota3A_600, %eq3A_602 : vector<16xi32>
        %jit3A_604 = arith.constant 0 : i32
        %broadcast_in_dim3A_605 = vector.broadcast %jit3A_604 : i32 to vector<16xi32>
        %select_n3A_606 = arith.select %eq3A_603, %get3A_599, %broadcast_in_dim3A_605 : vector<16xi1>, vector<16xi32>
        %reduce_sum3A_607 = arith.constant true
        %reduce_sum3A_608 = vector.broadcast %reduce_sum3A_607 : i1 to vector<16xi1>
        %reduce_sum3A_609 = tpu.scan <sum>, %select_n3A_606 masked %reduce_sum3A_608 : vector<16xi32>, vector<16xi1> -> vector<16xi32>
        %reduce_sum3A_610 = vector.extract %reduce_sum3A_609[15] : i32 from vector<16xi32>
        %and3A_611 = arith.constant 255 : i32
        %and3A_612 = arith.andi %reduce_sum3A_610, %and3A_611 : i32
        %shift_right_arithmetic3A = arith.constant 8 : i32
        %shift_right_arithmetic3A_613 = arith.shrsi %reduce_sum3A_610, %shift_right_arithmetic3A : i32
        %and3A_614 = arith.constant 127 : i32
        %and3A_615 = arith.andi %shift_right_arithmetic3A_613, %and3A_614 : i32
        %shift_right_arithmetic3A_616 = arith.constant 15 : i32
        %shift_right_arithmetic3A_617 = arith.shrsi %reduce_sum3A_610, %shift_right_arithmetic3A_616 : i32
        %and3A_618 = arith.constant 31 : i32
        %and3A_619 = arith.andi %shift_right_arithmetic3A_617, %and3A_618 : i32
        %jit3A_620 = arith.constant 16 : i32
        %div3A_621 = arith.divsi %and3A_615, %jit3A_620 : i32
        %sign3A_622 = arith.constant 0 : i32
        %sign3A_623 = arith.cmpi sgt, %and3A_615, %sign3A_622 : i32
        %sign3A_624 = arith.extui %sign3A_623 : i1 to i32
        %sign3A_625 = arith.constant 0 : i32
        %sign3A_626 = arith.cmpi slt, %and3A_615, %sign3A_625 : i32
        %sign3A_627 = arith.extui %sign3A_626 : i1 to i32
        %sign3A_628 = arith.subi %sign3A_624, %sign3A_627 : i32
        %sign3A_629 = arith.constant 0 : i32
        %sign3A_630 = arith.cmpi sgt, %jit3A_620, %sign3A_629 : i32
        %sign3A_631 = arith.extui %sign3A_630 : i1 to i32
        %sign3A_632 = arith.constant 0 : i32
        %sign3A_633 = arith.cmpi slt, %jit3A_620, %sign3A_632 : i32
        %sign3A_634 = arith.extui %sign3A_633 : i1 to i32
        %sign3A_635 = arith.subi %sign3A_631, %sign3A_634 : i32
        %ne3A_636 = arith.cmpi ne, %sign3A_628, %sign3A_635 : i32
        %rem3A_637 = arith.remsi %and3A_615, %jit3A_620 : i32
        %ne3A_638 = arith.constant 0 : i32
        %ne3A_639 = arith.cmpi ne, %rem3A_637, %ne3A_638 : i32
        %and3A_640 = arith.andi %ne3A_636, %ne3A_639 : i1
        %sub3A_641 = arith.constant 1 : i32
        %sub3A_642 = arith.subi %div3A_621, %sub3A_641 : i32
        %select_n3A_643 = arith.select %and3A_640, %sub3A_642, %div3A_621 : i32
        %mul3A_644 = arith.constant 16 : i32
        %mul3A_645 = arith.muli %select_n3A_643, %mul3A_644 : i32
        %multiple_of3A_646 = tpu.assume_multiple %mul3A_645, 16 : i32
        %get3A_647 = arith.index_cast %and3A_612 : i32 to index
        %get3A_648 = arith.index_cast %multiple_of3A_646 : i32 to index
        %get3A_649 = tpu.vector_load %arg8[%get3A_647, %get3A_648] {strides = array<i32>} : memref<200x128xf32, #tpu.memory_space<vmem>>, vector<16xf32>,
        %sub3A_650 = arith.subi %and3A_615, %multiple_of3A_646 : i32
        %eq3A_651 = vector.broadcast %sub3A_650 : i32 to vector<16xi32>
        %eq3A_652 = arith.cmpi eq, %iota3A, %eq3A_651 : vector<16xi32>
        %jit3A_653 = arith.constant -3.000000e+38 : f32
        %broadcast_in_dim3A_654 = vector.broadcast %jit3A_653 : f32 to vector<16xf32>
        %select_n3A_655 = arith.select %eq3A_652, %get3A_649, %broadcast_in_dim3A_654 : vector<16xi1>, vector<16xf32>
        %reduce_max3A = arith.constant true
        %reduce_max3A_656 = vector.broadcast %reduce_max3A : i1 to vector<16xi1>
        %reduce_max3A_657 = tpu.scan <max>, %select_n3A_655 masked %reduce_max3A_656 : vector<16xf32>, vector<16xi1> -> vector<16xf32>
        %reduce_max3A_658 = vector.extract %reduce_max3A_657[15] : f32 from vector<16xf32>
        %mul3A_659 = arith.constant 32 : i32
        %mul3A_660 = arith.muli %and3A_615, %mul3A_659 : i32
        %jit3A_661 = arith.constant 16 : i32
        %div3A_662 = arith.divsi %and3A_619, %jit3A_661 : i32
        %sign3A_663 = arith.constant 0 : i32
        %sign3A_664 = arith.cmpi sgt, %and3A_619, %sign3A_663 : i32
        %sign3A_665 = arith.extui %sign3A_664 : i1 to i32
        %sign3A_666 = arith.constant 0 : i32
        %sign3A_667 = arith.cmpi slt, %and3A_619, %sign3A_666 : i32
        %sign3A_668 = arith.extui %sign3A_667 : i1 to i32
        %sign3A_669 = arith.subi %sign3A_665, %sign3A_668 : i32
        %sign3A_670 = arith.constant 0 : i32
        %sign3A_671 = arith.cmpi sgt, %jit3A_661, %sign3A_670 : i32
        %sign3A_672 = arith.extui %sign3A_671 : i1 to i32
        %sign3A_673 = arith.constant 0 : i32
        %sign3A_674 = arith.cmpi slt, %jit3A_661, %sign3A_673 : i32
        %sign3A_675 = arith.extui %sign3A_674 : i1 to i32
        %sign3A_676 = arith.subi %sign3A_672, %sign3A_675 : i32
        %ne3A_677 = arith.cmpi ne, %sign3A_669, %sign3A_676 : i32
        %rem3A_678 = arith.remsi %and3A_619, %jit3A_661 : i32
        %ne3A_679 = arith.constant 0 : i32
        %ne3A_680 = arith.cmpi ne, %rem3A_678, %ne3A_679 : i32
        %and3A_681 = arith.andi %ne3A_677, %ne3A_680 : i1
        %sub3A_682 = arith.constant 1 : i32
        %sub3A_683 = arith.subi %div3A_662, %sub3A_682 : i32
        %select_n3A_684 = arith.select %and3A_681, %sub3A_683, %div3A_662 : i32
        %mul3A_685 = arith.constant 16 : i32
        %mul3A_686 = arith.muli %select_n3A_684, %mul3A_685 : i32
        %add3A_687 = arith.addi %mul3A_660, %mul3A_686 : i32
        %multiple_of3A_688 = tpu.assume_multiple %add3A_687, 16 : i32
        %get3A_689 = arith.index_cast %multiple_of3A_688 : i32 to index
        %get3A_690 = tpu.vector_load %arg11[%get3A_689] {strides = array<i32>} : memref<4096xf32, #tpu.memory_space<vmem>>, vector<16xf32>,
        %mul3A_691 = arith.constant 32 : i32
        %mul3A_692 = arith.muli %and3A_615, %mul3A_691 : i32
        %add3A_693 = arith.addi %mul3A_692, %and3A_619 : i32
        %sub3A_694 = arith.subi %add3A_693, %multiple_of3A_688 : i32
        %eq3A_695 = vector.broadcast %sub3A_694 : i32 to vector<16xi32>
        %eq3A_696 = arith.cmpi eq, %iota3A, %eq3A_695 : vector<16xi32>
        %broadcast_in_dim3A_697 = vector.broadcast %reduce_max3A_658 : f32 to vector<16xf32>
        %select_n3A_698 = arith.select %eq3A_696, %broadcast_in_dim3A_697, %get3A_690 : vector<16xi1>, vector<16xf32>
        %swap3A_699 = arith.index_cast %multiple_of3A_688 : i32 to index
        %swap3A_700 = tpu.vector_load %arg11[%swap3A_699] {strides = array<i32>} : memref<4096xf32, #tpu.memory_space<vmem>>, vector<16xf32>,
        tpu.vector_store %arg11[%swap3A_699], %select_n3A_698 {strides = array<i32>} : memref<4096xf32, #tpu.memory_space<vmem>>, vector<16xf32>,
        %while3A_701 = arith.constant 0 : i32
        scf.yield %while3A_701 : i32
      }
      %while3A_567 = arith.constant 1 : i32
      %while3A_568 = scf.for %while3A_569 = %while3A_564 to %while3A_560 step %while3A_567 iter_args(%while3A_570 = %while3A_566) -> (i32)  : i32 {
        %jit3A_571 = arith.constant 16 : i32
        %div3A_572 = arith.divsi %while3A_569, %jit3A_571 : i32
        %sign3A_573 = arith.constant 0 : i32
        %sign3A_574 = arith.cmpi sgt, %while3A_569, %sign3A_573 : i32
        %sign3A_575 = arith.extui %sign3A_574 : i1 to i32
        %sign3A_576 = arith.constant 0 : i32
        %sign3A_577 = arith.cmpi slt, %while3A_569, %sign3A_576 : i32
        %sign3A_578 = arith.extui %sign3A_577 : i1 to i32
        %sign3A_579 = arith.subi %sign3A_575, %sign3A_578 : i32
        %sign3A_580 = arith.constant 0 : i32
        %sign3A_581 = arith.cmpi sgt, %jit3A_571, %sign3A_580 : i32
        %sign3A_582 = arith.extui %sign3A_581 : i1 to i32
        %sign3A_583 = arith.constant 0 : i32
        %sign3A_584 = arith.cmpi slt, %jit3A_571, %sign3A_583 : i32
        %sign3A_585 = arith.extui %sign3A_584 : i1 to i32
        %sign3A_586 = arith.subi %sign3A_582, %sign3A_585 : i32
        %ne3A_587 = arith.cmpi ne, %sign3A_579, %sign3A_586 : i32
        %rem3A_588 = arith.remsi %while3A_569, %jit3A_571 : i32
        %ne3A_589 = arith.constant 0 : i32
        %ne3A_590 = arith.cmpi ne, %rem3A_588, %ne3A_589 : i32
        %and3A_591 = arith.andi %ne3A_587, %ne3A_590 : i1
        %sub3A_592 = arith.constant 1 : i32
        %sub3A_593 = arith.subi %div3A_572, %sub3A_592 : i32
        %select_n3A_594 = arith.select %and3A_591, %sub3A_593, %div3A_572 : i32
        %mul3A_595 = arith.constant 16 : i32
        %mul3A_596 = arith.muli %select_n3A_594, %mul3A_595 : i32
        %multiple_of3A_597 = tpu.assume_multiple %mul3A_596, 16 : i32
        %get3A_598 = arith.index_cast %multiple_of3A_597 : i32 to index
        %get3A_599 = tpu.vector_load %arg9[%get3A_598] {strides = array<i32>} : memref<21504xi32, #tpu.memory_space<vmem>>, vector<16xi32>,
        %iota3A_600 = tpu.iota {dimensions = array<i32: 0>} : vector<16xi32>
        %sub3A_601 = arith.subi %while3A_569, %multiple_of3A_597 : i32
        %eq3A_602 = vector.broadcast %sub3A_601 : i32 to vector<16xi32>
        %eq3A_603 = arith.cmpi eq, %iota3A_600, %eq3A_602 : vector<16xi32>
        %jit3A_604 = arith.constant 0 : i32
        %broadcast_in_dim3A_605 = vector.broadcast %jit3A_604 : i32 to vector<16xi32>
        %select_n3A_606 = arith.select %eq3A_603, %get3A_599, %broadcast_in_dim3A_605 : vector<16xi1>, vector<16xi32>
        %reduce_sum3A_607 = arith.constant true
        %reduce_sum3A_608 = vector.broadcast %reduce_sum3A_607 : i1 to vector<16xi1>
        %reduce_sum3A_609 = tpu.scan <sum>, %select_n3A_606 masked %reduce_sum3A_608 : vector<16xi32>, vector<16xi1> -> vector<16xi32>
        %reduce_sum3A_610 = vector.extract %reduce_sum3A_609[15] : i32 from vector<16xi32>
        %and3A_611 = arith.constant 255 : i32
        %and3A_612 = arith.andi %reduce_sum3A_610, %and3A_611 : i32
        %shift_right_arithmetic3A = arith.constant 8 : i32
        %shift_right_arithmetic3A_613 = arith.shrsi %reduce_sum3A_610, %shift_right_arithmetic3A : i32
        %and3A_614 = arith.constant 127 : i32
        %and3A_615 = arith.andi %shift_right_arithmetic3A_613, %and3A_614 : i32
        %shift_right_arithmetic3A_616 = arith.constant 15 : i32
        %shift_right_arithmetic3A_617 = arith.shrsi %reduce_sum3A_610, %shift_right_arithmetic3A_616 : i32
        %and3A_618 = arith.constant 31 : i32
        %and3A_619 = arith.andi %shift_right_arithmetic3A_617, %and3A_618 : i32
        %jit3A_620 = arith.constant 16 : i32
        %div3A_621 = arith.divsi %and3A_615, %jit3A_620 : i32
        %sign3A_622 = arith.constant 0 : i32
        %sign3A_623 = arith.cmpi sgt, %and3A_615, %sign3A_622 : i32
        %sign3A_624 = arith.extui %sign3A_623 : i1 to i32
        %sign3A_625 = arith.constant 0 : i32
        %sign3A_626 = arith.cmpi slt, %and3A_615, %sign3A_625 : i32
        %sign3A_627 = arith.extui %sign3A_626 : i1 to i32
        %sign3A_628 = arith.subi %sign3A_624, %sign3A_627 : i32
        %sign3A_629 = arith.constant 0 : i32
        %sign3A_630 = arith.cmpi sgt, %jit3A_620, %sign3A_629 : i32
        %sign3A_631 = arith.extui %sign3A_630 : i1 to i32
        %sign3A_632 = arith.constant 0 : i32
        %sign3A_633 = arith.cmpi slt, %jit3A_620, %sign3A_632 : i32
        %sign3A_634 = arith.extui %sign3A_633 : i1 to i32
        %sign3A_635 = arith.subi %sign3A_631, %sign3A_634 : i32
        %ne3A_636 = arith.cmpi ne, %sign3A_628, %sign3A_635 : i32
        %rem3A_637 = arith.remsi %and3A_615, %jit3A_620 : i32
        %ne3A_638 = arith.constant 0 : i32
        %ne3A_639 = arith.cmpi ne, %rem3A_637, %ne3A_638 : i32
        %and3A_640 = arith.andi %ne3A_636, %ne3A_639 : i1
        %sub3A_641 = arith.constant 1 : i32
        %sub3A_642 = arith.subi %div3A_621, %sub3A_641 : i32
        %select_n3A_643 = arith.select %and3A_640, %sub3A_642, %div3A_621 : i32
        %mul3A_644 = arith.constant 16 : i32
        %mul3A_645 = arith.muli %select_n3A_643, %mul3A_644 : i32
        %multiple_of3A_646 = tpu.assume_multiple %mul3A_645, 16 : i32
        %get3A_647 = arith.index_cast %and3A_612 : i32 to index
        %get3A_648 = arith.index_cast %multiple_of3A_646 : i32 to index
        %get3A_649 = tpu.vector_load %arg8[%get3A_647, %get3A_648] {strides = array<i32>} : memref<200x128xf32, #tpu.memory_space<vmem>>, vector<16xf32>,
        %sub3A_650 = arith.subi %and3A_615, %multiple_of3A_646 : i32
        %eq3A_651 = vector.broadcast %sub3A_650 : i32 to vector<16xi32>
        %eq3A_652 = arith.cmpi eq, %iota3A, %eq3A_651 : vector<16xi32>
        %jit3A_653 = arith.constant -3.000000e+38 : f32
        %broadcast_in_dim3A_654 = vector.broadcast %jit3A_653 : f32 to vector<16xf32>
        %select_n3A_655 = arith.select %eq3A_652, %get3A_649, %broadcast_in_dim3A_654 : vector<16xi1>, vector<16xf32>
        %reduce_max3A = arith.constant true
        %reduce_max3A_656 = vector.broadcast %reduce_max3A : i1 to vector<16xi1>
        %reduce_max3A_657 = tpu.scan <max>, %select_n3A_655 masked %reduce_max3A_656 : vector<16xf32>, vector<16xi1> -> vector<16xf32>
        %reduce_max3A_658 = vector.extract %reduce_max3A_657[15] : f32 from vector<16xf32>
        %mul3A_659 = arith.constant 32 : i32
        %mul3A_660 = arith.muli %and3A_615, %mul3A_659 : i32
        %jit3A_661 = arith.constant 16 : i32
        %div3A_662 = arith.divsi %and3A_619, %jit3A_661 : i32
        %sign3A_663 = arith.constant 0 : i32
        %sign3A_664 = arith.cmpi sgt, %and3A_619, %sign3A_663 : i32
        %sign3A_665 = arith.extui %sign3A_664 : i1 to i32
        %sign3A_666 = arith.constant 0 : i32
        %sign3A_667 = arith.cmpi slt, %and3A_619, %sign3A_666 : i32
        %sign3A_668 = arith.extui %sign3A_667 : i1 to i32
        %sign3A_669 = arith.subi %sign3A_665, %sign3A_668 : i32
        %sign3A_670 = arith.constant 0 : i32
        %sign3A_671 = arith.cmpi sgt, %jit3A_661, %sign3A_670 : i32
        %sign3A_672 = arith.extui %sign3A_671 : i1 to i32
        %sign3A_673 = arith.constant 0 : i32
        %sign3A_674 = arith.cmpi slt, %jit3A_661, %sign3A_673 : i32
        %sign3A_675 = arith.extui %sign3A_674 : i1 to i32
        %sign3A_676 = arith.subi %sign3A_672, %sign3A_675 : i32
        %ne3A_677 = arith.cmpi ne, %sign3A_669, %sign3A_676 : i32
        %rem3A_678 = arith.remsi %and3A_619, %jit3A_661 : i32
        %ne3A_679 = arith.constant 0 : i32
        %ne3A_680 = arith.cmpi ne, %rem3A_678, %ne3A_679 : i32
        %and3A_681 = arith.andi %ne3A_677, %ne3A_680 : i1
        %sub3A_682 = arith.constant 1 : i32
        %sub3A_683 = arith.subi %div3A_662, %sub3A_682 : i32
        %select_n3A_684 = arith.select %and3A_681, %sub3A_683, %div3A_662 : i32
        %mul3A_685 = arith.constant 16 : i32
        %mul3A_686 = arith.muli %select_n3A_684, %mul3A_685 : i32
        %add3A_687 = arith.addi %mul3A_660, %mul3A_686 : i32
        %multiple_of3A_688 = tpu.assume_multiple %add3A_687, 16 : i32
        %get3A_689 = arith.index_cast %multiple_of3A_688 : i32 to index
        %get3A_690 = tpu.vector_load %arg11[%get3A_689] {strides = array<i32>} : memref<4096xf32, #tpu.memory_space<vmem>>, vector<16xf32>,
        %mul3A_691 = arith.constant 32 : i32
        %mul3A_692 = arith.muli %and3A_615, %mul3A_691 : i32
        %add3A_693 = arith.addi %mul3A_692, %and3A_619 : i32
        %sub3A_694 = arith.subi %add3A_693, %multiple_of3A_688 : i32
        %eq3A_695 = vector.broadcast %sub3A_694 : i32 to vector<16xi32>
        %eq3A_696 = arith.cmpi eq, %iota3A, %eq3A_695 : vector<16xi32>
        %broadcast_in_dim3A_697 = vector.broadcast %reduce_max3A_658 : f32 to vector<16xf32>
        %select_n3A_698 = arith.select %eq3A_696, %broadcast_in_dim3A_697, %get3A_690 : vector<16xi1>, vector<16xf32>
        %swap3A_699 = arith.index_cast %multiple_of3A_688 : i32 to index
        %swap3A_700 = tpu.vector_load %arg11[%swap3A_699] {strides = array<i32>} : memref<4096xf32, #tpu.memory_space<vmem>>, vector<16xf32>,
        tpu.vector_store %arg11[%swap3A_699], %select_n3A_698 {strides = array<i32>} : memref<4096xf32, #tpu.memory_space<vmem>>, vector<16xf32>,
        %while3A_701 = arith.constant 0 : i32
        scf.yield %while3A_701 : i32
      }
      scf.yield %max3A_438, %max3A_439, %max3A_440, %max3A_441, %max3A_442, %max3A_443, %max3A_444, %max3A_445, %scan3A_474#0, %scan3A_474#1, %scan3A_474#2, %scan3A_474#3, %scan3A_474#4, %scan3A_474#5, %scan3A_474#6, %scan3A_474#7 : vector<16xf32>, vector<16xf32>, vector<16xf32>, vector<16xf32>, vector<16xf32>, vector<16xf32>, vector<16xf32>, vector<16xf32>, vector<16xf32>, vector<16xf32>, vector<16xf32>, vector<16xf32>, vector<16xf32>, vector<16xf32>, vector<16xf32>, vector<16xf32>
    }
    %scan3A_83 = arith.constant 62 : i32
    %dma_wait3A = tpu.memref_slice %arg2[%mul3A_32, %multiple_of3A] : memref<100000x1024xf32, #tpu.memory_space<hbm>> -> memref<200x128xf32, #tpu.memory_space<hbm>>
    %dma_wait3A_84 = tpu.memref_slice %arg2[%mul3A_32, %multiple_of3A] : memref<100000x1024xf32, #tpu.memory_space<hbm>> -> memref<200x128xf32, #tpu.memory_space<hbm>>
    tpu.wait_dma2 semaphore(%arg13 : memref<!tpu.dma_semaphore, #tpu.memory_space<semaphore_mem>>) src(%dma_wait3A_84 : memref<200x128xf32, #tpu.memory_space<hbm>>) dst(%arg7 : memref<200x128xf32, #tpu.memory_space<vmem>>)
    %broadcast_in_dim3A_85 = arith.constant -3.000000e+38 : f32
    %broadcast_in_dim3A_86 = vector.broadcast %broadcast_in_dim3A_85 : f32 to vector<16xf32>
    %broadcast_in_dim3A_87 = arith.constant -3.000000e+38 : f32
    %broadcast_in_dim3A_88 = vector.broadcast %broadcast_in_dim3A_87 : f32 to vector<16xf32>
    %broadcast_in_dim3A_89 = arith.constant -3.000000e+38 : f32
    %broadcast_in_dim3A_90 = vector.broadcast %broadcast_in_dim3A_89 : f32 to vector<16xf32>
    %broadcast_in_dim3A_91 = arith.constant -3.000000e+38 : f32
    %broadcast_in_dim3A_92 = vector.broadcast %broadcast_in_dim3A_91 : f32 to vector<16xf32>
    %broadcast_in_dim3A_93 = arith.constant -3.000000e+38 : f32
    %broadcast_in_dim3A_94 = vector.broadcast %broadcast_in_dim3A_93 : f32 to vector<16xf32>
    %broadcast_in_dim3A_95 = arith.constant -3.000000e+38 : f32
    %broadcast_in_dim3A_96 = vector.broadcast %broadcast_in_dim3A_95 : f32 to vector<16xf32>
    %broadcast_in_dim3A_97 = arith.constant -3.000000e+38 : f32
    %broadcast_in_dim3A_98 = vector.broadcast %broadcast_in_dim3A_97 : f32 to vector<16xf32>
    %broadcast_in_dim3A_99 = arith.constant -3.000000e+38 : f32
    %broadcast_in_dim3A_100 = vector.broadcast %broadcast_in_dim3A_99 : f32 to vector<16xf32>
    %scan3A_101 = arith.constant 0 : i32
    %scan3A_102 = arith.constant 50 : i32
    %scan3A_103 = arith.addi %scan3A_101, %scan3A_102 : i32
    %scan3A_104 = arith.constant 1 : i32
    %scan3A_105:8 = scf.for %scan3A_222 = %scan3A_101 to %scan3A_103 step %scan3A_104 iter_args(%scan3A_223 = %broadcast_in_dim3A_86, %scan3A_224 = %broadcast_in_dim3A_88, %scan3A_225 = %broadcast_in_dim3A_90, %scan3A_226 = %broadcast_in_dim3A_92, %scan3A_227 = %broadcast_in_dim3A_94, %scan3A_228 = %broadcast_in_dim3A_96, %scan3A_229 = %broadcast_in_dim3A_98, %scan3A_230 = %broadcast_in_dim3A_100) -> (vector<16xf32>, vector<16xf32>, vector<16xf32>, vector<16xf32>, vector<16xf32>, vector<16xf32>, vector<16xf32>, vector<16xf32>)  : i32 {
      %mul3A_231 = arith.constant 4 : i32
      %mul3A_232 = arith.muli %scan3A_222, %mul3A_231 : i32
      %add3A_233 = arith.constant 0 : i32
      %add3A_234 = arith.addi %mul3A_232, %add3A_233 : i32
      %get3A_235 = arith.index_cast %add3A_234 : i32 to index
      %get3A_236 = arith.constant 0 : index
      %get3A_237 = tpu.vector_load %arg7[%get3A_235, %get3A_236] {strides = array<i32>} : memref<200x128xf32, #tpu.memory_space<vmem>>, vector<16xf32>,
      %max3A_238 = arith.maximumf %scan3A_223, %get3A_237 : vector<16xf32>
      %add3A_239 = arith.constant 0 : i32
      %add3A_240 = arith.addi %mul3A_232, %add3A_239 : i32
      %get3A_241 = arith.index_cast %add3A_240 : i32 to index
      %get3A_242 = arith.constant 16 : index
      %get3A_243 = tpu.vector_load %arg7[%get3A_241, %get3A_242] {strides = array<i32>} : memref<200x128xf32, #tpu.memory_space<vmem>>, vector<16xf32>,
      %max3A_244 = arith.maximumf %scan3A_224, %get3A_243 : vector<16xf32>
      %add3A_245 = arith.constant 0 : i32
      %add3A_246 = arith.addi %mul3A_232, %add3A_245 : i32
      %get3A_247 = arith.index_cast %add3A_246 : i32 to index
      %get3A_248 = arith.constant 32 : index
      %get3A_249 = tpu.vector_load %arg7[%get3A_247, %get3A_248] {strides = array<i32>} : memref<200x128xf32, #tpu.memory_space<vmem>>, vector<16xf32>,
      %max3A_250 = arith.maximumf %scan3A_225, %get3A_249 : vector<16xf32>
      %add3A_251 = arith.constant 0 : i32
      %add3A_252 = arith.addi %mul3A_232, %add3A_251 : i32
      %get3A_253 = arith.index_cast %add3A_252 : i32 to index
      %get3A_254 = arith.constant 48 : index
      %get3A_255 = tpu.vector_load %arg7[%get3A_253, %get3A_254] {strides = array<i32>} : memref<200x128xf32, #tpu.memory_space<vmem>>, vector<16xf32>,
      %max3A_256 = arith.maximumf %scan3A_226, %get3A_255 : vector<16xf32>
      %add3A_257 = arith.constant 0 : i32
      %add3A_258 = arith.addi %mul3A_232, %add3A_257 : i32
      %get3A_259 = arith.index_cast %add3A_258 : i32 to index
      %get3A_260 = arith.constant 64 : index
      %get3A_261 = tpu.vector_load %arg7[%get3A_259, %get3A_260] {strides = array<i32>} : memref<200x128xf32, #tpu.memory_space<vmem>>, vector<16xf32>,
      %max3A_262 = arith.maximumf %scan3A_227, %get3A_261 : vector<16xf32>
      %add3A_263 = arith.constant 0 : i32
      %add3A_264 = arith.addi %mul3A_232, %add3A_263 : i32
      %get3A_265 = arith.index_cast %add3A_264 : i32 to index
      %get3A_266 = arith.constant 80 : index
      %get3A_267 = tpu.vector_load %arg7[%get3A_265, %get3A_266] {strides = array<i32>} : memref<200x128xf32, #tpu.memory_space<vmem>>, vector<16xf32>,
      %max3A_268 = arith.maximumf %scan3A_228, %get3A_267 : vector<16xf32>
      %add3A_269 = arith.constant 0 : i32
      %add3A_270 = arith.addi %mul3A_232, %add3A_269 : i32
      %get3A_271 = arith.index_cast %add3A_270 : i32 to index
      %get3A_272 = arith.constant 96 : index
      %get3A_273 = tpu.vector_load %arg7[%get3A_271, %get3A_272] {strides = array<i32>} : memref<200x128xf32, #tpu.memory_space<vmem>>, vector<16xf32>,
      %max3A_274 = arith.maximumf %scan3A_229, %get3A_273 : vector<16xf32>
      %add3A_275 = arith.constant 0 : i32
      %add3A_276 = arith.addi %mul3A_232, %add3A_275 : i32
      %get3A_277 = arith.index_cast %add3A_276 : i32 to index
      %get3A_278 = arith.constant 112 : index
      %get3A_279 = tpu.vector_load %arg7[%get3A_277, %get3A_278] {strides = array<i32>} : memref<200x128xf32, #tpu.memory_space<vmem>>, vector<16xf32>,
      %max3A_280 = arith.maximumf %scan3A_230, %get3A_279 : vector<16xf32>
      %add3A_281 = arith.constant 1 : i32
      %add3A_282 = arith.addi %mul3A_232, %add3A_281 : i32
      %get3A_283 = arith.index_cast %add3A_282 : i32 to index
      %get3A_284 = arith.constant 0 : index
      %get3A_285 = tpu.vector_load %arg7[%get3A_283, %get3A_284] {strides = array<i32>} : memref<200x128xf32, #tpu.memory_space<vmem>>, vector<16xf32>,
      %max3A_286 = arith.maximumf %max3A_238, %get3A_285 : vector<16xf32>
      %add3A_287 = arith.constant 1 : i32
      %add3A_288 = arith.addi %mul3A_232, %add3A_287 : i32
      %get3A_289 = arith.index_cast %add3A_288 : i32 to index
      %get3A_290 = arith.constant 16 : index
      %get3A_291 = tpu.vector_load %arg7[%get3A_289, %get3A_290] {strides = array<i32>} : memref<200x128xf32, #tpu.memory_space<vmem>>, vector<16xf32>,
      %max3A_292 = arith.maximumf %max3A_244, %get3A_291 : vector<16xf32>
      %add3A_293 = arith.constant 1 : i32
      %add3A_294 = arith.addi %mul3A_232, %add3A_293 : i32
      %get3A_295 = arith.index_cast %add3A_294 : i32 to index
      %get3A_296 = arith.constant 32 : index
      %get3A_297 = tpu.vector_load %arg7[%get3A_295, %get3A_296] {strides = array<i32>} : memref<200x128xf32, #tpu.memory_space<vmem>>, vector<16xf32>,
      %max3A_298 = arith.maximumf %max3A_250, %get3A_297 : vector<16xf32>
      %add3A_299 = arith.constant 1 : i32
      %add3A_300 = arith.addi %mul3A_232, %add3A_299 : i32
      %get3A_301 = arith.index_cast %add3A_300 : i32 to index
      %get3A_302 = arith.constant 48 : index
      %get3A_303 = tpu.vector_load %arg7[%get3A_301, %get3A_302] {strides = array<i32>} : memref<200x128xf32, #tpu.memory_space<vmem>>, vector<16xf32>,
      %max3A_304 = arith.maximumf %max3A_256, %get3A_303 : vector<16xf32>
      %add3A_305 = arith.constant 1 : i32
      %add3A_306 = arith.addi %mul3A_232, %add3A_305 : i32
      %get3A_307 = arith.index_cast %add3A_306 : i32 to index
      %get3A_308 = arith.constant 64 : index
      %get3A_309 = tpu.vector_load %arg7[%get3A_307, %get3A_308] {strides = array<i32>} : memref<200x128xf32, #tpu.memory_space<vmem>>, vector<16xf32>,
      %max3A_310 = arith.maximumf %max3A_262, %get3A_309 : vector<16xf32>
      %add3A_311 = arith.constant 1 : i32
      %add3A_312 = arith.addi %mul3A_232, %add3A_311 : i32
      %get3A_313 = arith.index_cast %add3A_312 : i32 to index
      %get3A_314 = arith.constant 80 : index
      %get3A_315 = tpu.vector_load %arg7[%get3A_313, %get3A_314] {strides = array<i32>} : memref<200x128xf32, #tpu.memory_space<vmem>>, vector<16xf32>,
      %max3A_316 = arith.maximumf %max3A_268, %get3A_315 : vector<16xf32>
      %add3A_317 = arith.constant 1 : i32
      %add3A_318 = arith.addi %mul3A_232, %add3A_317 : i32
      %get3A_319 = arith.index_cast %add3A_318 : i32 to index
      %get3A_320 = arith.constant 96 : index
      %get3A_321 = tpu.vector_load %arg7[%get3A_319, %get3A_320] {strides = array<i32>} : memref<200x128xf32, #tpu.memory_space<vmem>>, vector<16xf32>,
      %max3A_322 = arith.maximumf %max3A_274, %get3A_321 : vector<16xf32>
      %add3A_323 = arith.constant 1 : i32
      %add3A_324 = arith.addi %mul3A_232, %add3A_323 : i32
      %get3A_325 = arith.index_cast %add3A_324 : i32 to index
      %get3A_326 = arith.constant 112 : index
      %get3A_327 = tpu.vector_load %arg7[%get3A_325, %get3A_326] {strides = array<i32>} : memref<200x128xf32, #tpu.memory_space<vmem>>, vector<16xf32>,
      %max3A_328 = arith.maximumf %max3A_280, %get3A_327 : vector<16xf32>
      %add3A_329 = arith.constant 2 : i32
      %add3A_330 = arith.addi %mul3A_232, %add3A_329 : i32
      %get3A_331 = arith.index_cast %add3A_330 : i32 to index
      %get3A_332 = arith.constant 0 : index
      %get3A_333 = tpu.vector_load %arg7[%get3A_331, %get3A_332] {strides = array<i32>} : memref<200x128xf32, #tpu.memory_space<vmem>>, vector<16xf32>,
      %max3A_334 = arith.maximumf %max3A_286, %get3A_333 : vector<16xf32>
      %add3A_335 = arith.constant 2 : i32
      %add3A_336 = arith.addi %mul3A_232, %add3A_335 : i32
      %get3A_337 = arith.index_cast %add3A_336 : i32 to index
      %get3A_338 = arith.constant 16 : index
      %get3A_339 = tpu.vector_load %arg7[%get3A_337, %get3A_338] {strides = array<i32>} : memref<200x128xf32, #tpu.memory_space<vmem>>, vector<16xf32>,
      %max3A_340 = arith.maximumf %max3A_292, %get3A_339 : vector<16xf32>
      %add3A_341 = arith.constant 2 : i32
      %add3A_342 = arith.addi %mul3A_232, %add3A_341 : i32
      %get3A_343 = arith.index_cast %add3A_342 : i32 to index
      %get3A_344 = arith.constant 32 : index
      %get3A_345 = tpu.vector_load %arg7[%get3A_343, %get3A_344] {strides = array<i32>} : memref<200x128xf32, #tpu.memory_space<vmem>>, vector<16xf32>,
      %max3A_346 = arith.maximumf %max3A_298, %get3A_345 : vector<16xf32>
      %add3A_347 = arith.constant 2 : i32
      %add3A_348 = arith.addi %mul3A_232, %add3A_347 : i32
      %get3A_349 = arith.index_cast %add3A_348 : i32 to index
      %get3A_350 = arith.constant 48 : index
      %get3A_351 = tpu.vector_load %arg7[%get3A_349, %get3A_350] {strides = array<i32>} : memref<200x128xf32, #tpu.memory_space<vmem>>, vector<16xf32>,
      %max3A_352 = arith.maximumf %max3A_304, %get3A_351 : vector<16xf32>
      %add3A_353 = arith.constant 2 : i32
      %add3A_354 = arith.addi %mul3A_232, %add3A_353 : i32
      %get3A_355 = arith.index_cast %add3A_354 : i32 to index
      %get3A_356 = arith.constant 64 : index
      %get3A_357 = tpu.vector_load %arg7[%get3A_355, %get3A_356] {strides = array<i32>} : memref<200x128xf32, #tpu.memory_space<vmem>>, vector<16xf32>,
      %max3A_358 = arith.maximumf %max3A_310, %get3A_357 : vector<16xf32>
      %add3A_359 = arith.constant 2 : i32
      %add3A_360 = arith.addi %mul3A_232, %add3A_359 : i32
      %get3A_361 = arith.index_cast %add3A_360 : i32 to index
      %get3A_362 = arith.constant 80 : index
      %get3A_363 = tpu.vector_load %arg7[%get3A_361, %get3A_362] {strides = array<i32>} : memref<200x128xf32, #tpu.memory_space<vmem>>, vector<16xf32>,
      %max3A_364 = arith.maximumf %max3A_316, %get3A_363 : vector<16xf32>
      %add3A_365 = arith.constant 2 : i32
      %add3A_366 = arith.addi %mul3A_232, %add3A_365 : i32
      %get3A_367 = arith.index_cast %add3A_366 : i32 to index
      %get3A_368 = arith.constant 96 : index
      %get3A_369 = tpu.vector_load %arg7[%get3A_367, %get3A_368] {strides = array<i32>} : memref<200x128xf32, #tpu.memory_space<vmem>>, vector<16xf32>,
      %max3A_370 = arith.maximumf %max3A_322, %get3A_369 : vector<16xf32>
      %add3A_371 = arith.constant 2 : i32
      %add3A_372 = arith.addi %mul3A_232, %add3A_371 : i32
      %get3A_373 = arith.index_cast %add3A_372 : i32 to index
      %get3A_374 = arith.constant 112 : index
      %get3A_375 = tpu.vector_load %arg7[%get3A_373, %get3A_374] {strides = array<i32>} : memref<200x128xf32, #tpu.memory_space<vmem>>, vector<16xf32>,
      %max3A_376 = arith.maximumf %max3A_328, %get3A_375 : vector<16xf32>
      %add3A_377 = arith.constant 3 : i32
      %add3A_378 = arith.addi %mul3A_232, %add3A_377 : i32
      %get3A_379 = arith.index_cast %add3A_378 : i32 to index
      %get3A_380 = arith.constant 0 : index
      %get3A_381 = tpu.vector_load %arg7[%get3A_379, %get3A_380] {strides = array<i32>} : memref<200x128xf32, #tpu.memory_space<vmem>>, vector<16xf32>,
      %max3A_382 = arith.maximumf %max3A_334, %get3A_381 : vector<16xf32>
      %add3A_383 = arith.constant 3 : i32
      %add3A_384 = arith.addi %mul3A_232, %add3A_383 : i32
      %get3A_385 = arith.index_cast %add3A_384 : i32 to index
      %get3A_386 = arith.constant 16 : index
      %get3A_387 = tpu.vector_load %arg7[%get3A_385, %get3A_386] {strides = array<i32>} : memref<200x128xf32, #tpu.memory_space<vmem>>, vector<16xf32>,
      %max3A_388 = arith.maximumf %max3A_340, %get3A_387 : vector<16xf32>
      %add3A_389 = arith.constant 3 : i32
      %add3A_390 = arith.addi %mul3A_232, %add3A_389 : i32
      %get3A_391 = arith.index_cast %add3A_390 : i32 to index
      %get3A_392 = arith.constant 32 : index
      %get3A_393 = tpu.vector_load %arg7[%get3A_391, %get3A_392] {strides = array<i32>} : memref<200x128xf32, #tpu.memory_space<vmem>>, vector<16xf32>,
      %max3A_394 = arith.maximumf %max3A_346, %get3A_393 : vector<16xf32>
      %add3A_395 = arith.constant 3 : i32
      %add3A_396 = arith.addi %mul3A_232, %add3A_395 : i32
      %get3A_397 = arith.index_cast %add3A_396 : i32 to index
      %get3A_398 = arith.constant 48 : index
      %get3A_399 = tpu.vector_load %arg7[%get3A_397, %get3A_398] {strides = array<i32>} : memref<200x128xf32, #tpu.memory_space<vmem>>, vector<16xf32>,
      %max3A_400 = arith.maximumf %max3A_352, %get3A_399 : vector<16xf32>
      %add3A_401 = arith.constant 3 : i32
      %add3A_402 = arith.addi %mul3A_232, %add3A_401 : i32
      %get3A_403 = arith.index_cast %add3A_402 : i32 to index
      %get3A_404 = arith.constant 64 : index
      %get3A_405 = tpu.vector_load %arg7[%get3A_403, %get3A_404] {strides = array<i32>} : memref<200x128xf32, #tpu.memory_space<vmem>>, vector<16xf32>,
      %max3A_406 = arith.maximumf %max3A_358, %get3A_405 : vector<16xf32>
      %add3A_407 = arith.constant 3 : i32
      %add3A_408 = arith.addi %mul3A_232, %add3A_407 : i32
      %get3A_409 = arith.index_cast %add3A_408 : i32 to index
      %get3A_410 = arith.constant 80 : index
      %get3A_411 = tpu.vector_load %arg7[%get3A_409, %get3A_410] {strides = array<i32>} : memref<200x128xf32, #tpu.memory_space<vmem>>, vector<16xf32>,
      %max3A_412 = arith.maximumf %max3A_364, %get3A_411 : vector<16xf32>
      %add3A_413 = arith.constant 3 : i32
      %add3A_414 = arith.addi %mul3A_232, %add3A_413 : i32
      %get3A_415 = arith.index_cast %add3A_414 : i32 to index
      %get3A_416 = arith.constant 96 : index
      %get3A_417 = tpu.vector_load %arg7[%get3A_415, %get3A_416] {strides = array<i32>} : memref<200x128xf32, #tpu.memory_space<vmem>>, vector<16xf32>,
      %max3A_418 = arith.maximumf %max3A_370, %get3A_417 : vector<16xf32>
      %add3A_419 = arith.constant 3 : i32
      %add3A_420 = arith.addi %mul3A_232, %add3A_419 : i32
      %get3A_421 = arith.index_cast %add3A_420 : i32 to index
      %get3A_422 = arith.constant 112 : index
      %get3A_423 = tpu.vector_load %arg7[%get3A_421, %get3A_422] {strides = array<i32>} : memref<200x128xf32, #tpu.memory_space<vmem>>, vector<16xf32>,
      %max3A_424 = arith.maximumf %max3A_376, %get3A_423 : vector<16xf32>
      scf.yield %max3A_382, %max3A_388, %max3A_394, %max3A_400, %max3A_406, %max3A_412, %max3A_418, %max3A_424 : vector<16xf32>, vector<16xf32>, vector<16xf32>, vector<16xf32>, vector<16xf32>, vector<16xf32>, vector<16xf32>, vector<16xf32>
    }
    %scan3A_106 = arith.constant 50 : i32
    %max3A = arith.maximumf %scan3A_82#0, %scan3A_105#0 : vector<16xf32>
    %max3A_107 = arith.maximumf %scan3A_82#1, %scan3A_105#1 : vector<16xf32>
    %max3A_108 = arith.maximumf %scan3A_82#2, %scan3A_105#2 : vector<16xf32>
    %max3A_109 = arith.maximumf %scan3A_82#3, %scan3A_105#3 : vector<16xf32>
    %max3A_110 = arith.maximumf %scan3A_82#4, %scan3A_105#4 : vector<16xf32>
    %max3A_111 = arith.maximumf %scan3A_82#5, %scan3A_105#5 : vector<16xf32>
    %max3A_112 = arith.maximumf %scan3A_82#6, %scan3A_105#6 : vector<16xf32>
    %max3A_113 = arith.maximumf %scan3A_82#7, %scan3A_105#7 : vector<16xf32>
    %sub3A_114 = arith.subf %scan3A_82#0, %max3A : vector<16xf32>
    %exp3A = math.exp %sub3A_114 : vector<16xf32>
    %mul3A_115 = arith.mulf %scan3A_82#8, %exp3A : vector<16xf32>
    %sub3A_116 = arith.subf %scan3A_82#1, %max3A_107 : vector<16xf32>
    %exp3A_117 = math.exp %sub3A_116 : vector<16xf32>
    %mul3A_118 = arith.mulf %scan3A_82#9, %exp3A_117 : vector<16xf32>
    %sub3A_119 = arith.subf %scan3A_82#2, %max3A_108 : vector<16xf32>
    %exp3A_120 = math.exp %sub3A_119 : vector<16xf32>
    %mul3A_121 = arith.mulf %scan3A_82#10, %exp3A_120 : vector<16xf32>
    %sub3A_122 = arith.subf %scan3A_82#3, %max3A_109 : vector<16xf32>
    %exp3A_123 = math.exp %sub3A_122 : vector<16xf32>
    %mul3A_124 = arith.mulf %scan3A_82#11, %exp3A_123 : vector<16xf32>
    %sub3A_125 = arith.subf %scan3A_82#4, %max3A_110 : vector<16xf32>
    %exp3A_126 = math.exp %sub3A_125 : vector<16xf32>
    %mul3A_127 = arith.mulf %scan3A_82#12, %exp3A_126 : vector<16xf32>
    %sub3A_128 = arith.subf %scan3A_82#5, %max3A_111 : vector<16xf32>
    %exp3A_129 = math.exp %sub3A_128 : vector<16xf32>
    %mul3A_130 = arith.mulf %scan3A_82#13, %exp3A_129 : vector<16xf32>
    %sub3A_131 = arith.subf %scan3A_82#6, %max3A_112 : vector<16xf32>
    %exp3A_132 = math.exp %sub3A_131 : vector<16xf32>
    %mul3A_133 = arith.mulf %scan3A_82#14, %exp3A_132 : vector<16xf32>
    %sub3A_134 = arith.subf %scan3A_82#7, %max3A_113 : vector<16xf32>
    %exp3A_135 = math.exp %sub3A_134 : vector<16xf32>
    %mul3A_136 = arith.mulf %scan3A_82#15, %exp3A_135 : vector<16xf32>
    %scan3A_137 = arith.constant 0 : i32
    %scan3A_138 = arith.constant 50 : i32
    %scan3A_139 = arith.addi %scan3A_137, %scan3A_138 : i32
    %scan3A_140 = arith.constant 1 : i32
    %scan3A_141:8 = scf.for %scan3A_222 = %scan3A_137 to %scan3A_139 step %scan3A_140 iter_args(%scan3A_223 = %mul3A_115, %scan3A_224 = %mul3A_118, %scan3A_225 = %mul3A_121, %scan3A_226 = %mul3A_124, %scan3A_227 = %mul3A_127, %scan3A_228 = %mul3A_130, %scan3A_229 = %mul3A_133, %scan3A_230 = %mul3A_136) -> (vector<16xf32>, vector<16xf32>, vector<16xf32>, vector<16xf32>, vector<16xf32>, vector<16xf32>, vector<16xf32>, vector<16xf32>)  : i32 {
      %mul3A_231 = arith.constant 4 : i32
      %mul3A_232 = arith.muli %scan3A_222, %mul3A_231 : i32
      %add3A_233 = arith.constant 0 : i32
      %add3A_234 = arith.addi %mul3A_232, %add3A_233 : i32
      %get3A_235 = arith.index_cast %add3A_234 : i32 to index
      %get3A_236 = arith.constant 0 : index
      %get3A_237 = tpu.vector_load %arg7[%get3A_235, %get3A_236] {strides = array<i32>} : memref<200x128xf32, #tpu.memory_space<vmem>>, vector<16xf32>,
      %sub3A_238 = arith.subf %get3A_237, %max3A : vector<16xf32>
      %exp3A_239 = math.exp %sub3A_238 : vector<16xf32>
      %add3A_240 = arith.addf %scan3A_223, %exp3A_239 : vector<16xf32>
      %add3A_241 = arith.constant 0 : i32
      %add3A_242 = arith.addi %mul3A_232, %add3A_241 : i32
      %get3A_243 = arith.index_cast %add3A_242 : i32 to index
      %get3A_244 = arith.constant 16 : index
      %get3A_245 = tpu.vector_load %arg7[%get3A_243, %get3A_244] {strides = array<i32>} : memref<200x128xf32, #tpu.memory_space<vmem>>, vector<16xf32>,
      %sub3A_246 = arith.subf %get3A_245, %max3A_107 : vector<16xf32>
      %exp3A_247 = math.exp %sub3A_246 : vector<16xf32>
      %add3A_248 = arith.addf %scan3A_224, %exp3A_247 : vector<16xf32>
      %add3A_249 = arith.constant 0 : i32
      %add3A_250 = arith.addi %mul3A_232, %add3A_249 : i32
      %get3A_251 = arith.index_cast %add3A_250 : i32 to index
      %get3A_252 = arith.constant 32 : index
      %get3A_253 = tpu.vector_load %arg7[%get3A_251, %get3A_252] {strides = array<i32>} : memref<200x128xf32, #tpu.memory_space<vmem>>, vector<16xf32>,
      %sub3A_254 = arith.subf %get3A_253, %max3A_108 : vector<16xf32>
      %exp3A_255 = math.exp %sub3A_254 : vector<16xf32>
      %add3A_256 = arith.addf %scan3A_225, %exp3A_255 : vector<16xf32>
      %add3A_257 = arith.constant 0 : i32
      %add3A_258 = arith.addi %mul3A_232, %add3A_257 : i32
      %get3A_259 = arith.index_cast %add3A_258 : i32 to index
      %get3A_260 = arith.constant 48 : index
      %get3A_261 = tpu.vector_load %arg7[%get3A_259, %get3A_260] {strides = array<i32>} : memref<200x128xf32, #tpu.memory_space<vmem>>, vector<16xf32>,
      %sub3A_262 = arith.subf %get3A_261, %max3A_109 : vector<16xf32>
      %exp3A_263 = math.exp %sub3A_262 : vector<16xf32>
      %add3A_264 = arith.addf %scan3A_226, %exp3A_263 : vector<16xf32>
      %add3A_265 = arith.constant 0 : i32
      %add3A_266 = arith.addi %mul3A_232, %add3A_265 : i32
      %get3A_267 = arith.index_cast %add3A_266 : i32 to index
      %get3A_268 = arith.constant 64 : index
      %get3A_269 = tpu.vector_load %arg7[%get3A_267, %get3A_268] {strides = array<i32>} : memref<200x128xf32, #tpu.memory_space<vmem>>, vector<16xf32>,
      %sub3A_270 = arith.subf %get3A_269, %max3A_110 : vector<16xf32>
      %exp3A_271 = math.exp %sub3A_270 : vector<16xf32>
      %add3A_272 = arith.addf %scan3A_227, %exp3A_271 : vector<16xf32>
      %add3A_273 = arith.constant 0 : i32
      %add3A_274 = arith.addi %mul3A_232, %add3A_273 : i32
      %get3A_275 = arith.index_cast %add3A_274 : i32 to index
      %get3A_276 = arith.constant 80 : index
      %get3A_277 = tpu.vector_load %arg7[%get3A_275, %get3A_276] {strides = array<i32>} : memref<200x128xf32, #tpu.memory_space<vmem>>, vector<16xf32>,
      %sub3A_278 = arith.subf %get3A_277, %max3A_111 : vector<16xf32>
      %exp3A_279 = math.exp %sub3A_278 : vector<16xf32>
      %add3A_280 = arith.addf %scan3A_228, %exp3A_279 : vector<16xf32>
      %add3A_281 = arith.constant 0 : i32
      %add3A_282 = arith.addi %mul3A_232, %add3A_281 : i32
      %get3A_283 = arith.index_cast %add3A_282 : i32 to index
      %get3A_284 = arith.constant 96 : index
      %get3A_285 = tpu.vector_load %arg7[%get3A_283, %get3A_284] {strides = array<i32>} : memref<200x128xf32, #tpu.memory_space<vmem>>, vector<16xf32>,
      %sub3A_286 = arith.subf %get3A_285, %max3A_112 : vector<16xf32>
      %exp3A_287 = math.exp %sub3A_286 : vector<16xf32>
      %add3A_288 = arith.addf %scan3A_229, %exp3A_287 : vector<16xf32>
      %add3A_289 = arith.constant 0 : i32
      %add3A_290 = arith.addi %mul3A_232, %add3A_289 : i32
      %get3A_291 = arith.index_cast %add3A_290 : i32 to index
      %get3A_292 = arith.constant 112 : index
      %get3A_293 = tpu.vector_load %arg7[%get3A_291, %get3A_292] {strides = array<i32>} : memref<200x128xf32, #tpu.memory_space<vmem>>, vector<16xf32>,
      %sub3A_294 = arith.subf %get3A_293, %max3A_113 : vector<16xf32>
      %exp3A_295 = math.exp %sub3A_294 : vector<16xf32>
      %add3A_296 = arith.addf %scan3A_230, %exp3A_295 : vector<16xf32>
      %add3A_297 = arith.constant 1 : i32
      %add3A_298 = arith.addi %mul3A_232, %add3A_297 : i32
      %get3A_299 = arith.index_cast %add3A_298 : i32 to index
      %get3A_300 = arith.constant 0 : index
      %get3A_301 = tpu.vector_load %arg7[%get3A_299, %get3A_300] {strides = array<i32>} : memref<200x128xf32, #tpu.memory_space<vmem>>, vector<16xf32>,
      %sub3A_302 = arith.subf %get3A_301, %max3A : vector<16xf32>
      %exp3A_303 = math.exp %sub3A_302 : vector<16xf32>
      %add3A_304 = arith.addf %add3A_240, %exp3A_303 : vector<16xf32>
      %add3A_305 = arith.constant 1 : i32
      %add3A_306 = arith.addi %mul3A_232, %add3A_305 : i32
      %get3A_307 = arith.index_cast %add3A_306 : i32 to index
      %get3A_308 = arith.constant 16 : index
      %get3A_309 = tpu.vector_load %arg7[%get3A_307, %get3A_308] {strides = array<i32>} : memref<200x128xf32, #tpu.memory_space<vmem>>, vector<16xf32>,
      %sub3A_310 = arith.subf %get3A_309, %max3A_107 : vector<16xf32>
      %exp3A_311 = math.exp %sub3A_310 : vector<16xf32>
      %add3A_312 = arith.addf %add3A_248, %exp3A_311 : vector<16xf32>
      %add3A_313 = arith.constant 1 : i32
      %add3A_314 = arith.addi %mul3A_232, %add3A_313 : i32
      %get3A_315 = arith.index_cast %add3A_314 : i32 to index
      %get3A_316 = arith.constant 32 : index
      %get3A_317 = tpu.vector_load %arg7[%get3A_315, %get3A_316] {strides = array<i32>} : memref<200x128xf32, #tpu.memory_space<vmem>>, vector<16xf32>,
      %sub3A_318 = arith.subf %get3A_317, %max3A_108 : vector<16xf32>
      %exp3A_319 = math.exp %sub3A_318 : vector<16xf32>
      %add3A_320 = arith.addf %add3A_256, %exp3A_319 : vector<16xf32>
      %add3A_321 = arith.constant 1 : i32
      %add3A_322 = arith.addi %mul3A_232, %add3A_321 : i32
      %get3A_323 = arith.index_cast %add3A_322 : i32 to index
      %get3A_324 = arith.constant 48 : index
      %get3A_325 = tpu.vector_load %arg7[%get3A_323, %get3A_324] {strides = array<i32>} : memref<200x128xf32, #tpu.memory_space<vmem>>, vector<16xf32>,
      %sub3A_326 = arith.subf %get3A_325, %max3A_109 : vector<16xf32>
      %exp3A_327 = math.exp %sub3A_326 : vector<16xf32>
      %add3A_328 = arith.addf %add3A_264, %exp3A_327 : vector<16xf32>
      %add3A_329 = arith.constant 1 : i32
      %add3A_330 = arith.addi %mul3A_232, %add3A_329 : i32
      %get3A_331 = arith.index_cast %add3A_330 : i32 to index
      %get3A_332 = arith.constant 64 : index
      %get3A_333 = tpu.vector_load %arg7[%get3A_331, %get3A_332] {strides = array<i32>} : memref<200x128xf32, #tpu.memory_space<vmem>>, vector<16xf32>,
      %sub3A_334 = arith.subf %get3A_333, %max3A_110 : vector<16xf32>
      %exp3A_335 = math.exp %sub3A_334 : vector<16xf32>
      %add3A_336 = arith.addf %add3A_272, %exp3A_335 : vector<16xf32>
      %add3A_337 = arith.constant 1 : i32
      %add3A_338 = arith.addi %mul3A_232, %add3A_337 : i32
      %get3A_339 = arith.index_cast %add3A_338 : i32 to index
      %get3A_340 = arith.constant 80 : index
      %get3A_341 = tpu.vector_load %arg7[%get3A_339, %get3A_340] {strides = array<i32>} : memref<200x128xf32, #tpu.memory_space<vmem>>, vector<16xf32>,
      %sub3A_342 = arith.subf %get3A_341, %max3A_111 : vector<16xf32>
      %exp3A_343 = math.exp %sub3A_342 : vector<16xf32>
      %add3A_344 = arith.addf %add3A_280, %exp3A_343 : vector<16xf32>
      %add3A_345 = arith.constant 1 : i32
      %add3A_346 = arith.addi %mul3A_232, %add3A_345 : i32
      %get3A_347 = arith.index_cast %add3A_346 : i32 to index
      %get3A_348 = arith.constant 96 : index
      %get3A_349 = tpu.vector_load %arg7[%get3A_347, %get3A_348] {strides = array<i32>} : memref<200x128xf32, #tpu.memory_space<vmem>>, vector<16xf32>,
      %sub3A_350 = arith.subf %get3A_349, %max3A_112 : vector<16xf32>
      %exp3A_351 = math.exp %sub3A_350 : vector<16xf32>
      %add3A_352 = arith.addf %add3A_288, %exp3A_351 : vector<16xf32>
      %add3A_353 = arith.constant 1 : i32
      %add3A_354 = arith.addi %mul3A_232, %add3A_353 : i32
      %get3A_355 = arith.index_cast %add3A_354 : i32 to index
      %get3A_356 = arith.constant 112 : index
      %get3A_357 = tpu.vector_load %arg7[%get3A_355, %get3A_356] {strides = array<i32>} : memref<200x128xf32, #tpu.memory_space<vmem>>, vector<16xf32>,
      %sub3A_358 = arith.subf %get3A_357, %max3A_113 : vector<16xf32>
      %exp3A_359 = math.exp %sub3A_358 : vector<16xf32>
      %add3A_360 = arith.addf %add3A_296, %exp3A_359 : vector<16xf32>
      %add3A_361 = arith.constant 2 : i32
      %add3A_362 = arith.addi %mul3A_232, %add3A_361 : i32
      %get3A_363 = arith.index_cast %add3A_362 : i32 to index
      %get3A_364 = arith.constant 0 : index
      %get3A_365 = tpu.vector_load %arg7[%get3A_363, %get3A_364] {strides = array<i32>} : memref<200x128xf32, #tpu.memory_space<vmem>>, vector<16xf32>,
      %sub3A_366 = arith.subf %get3A_365, %max3A : vector<16xf32>
      %exp3A_367 = math.exp %sub3A_366 : vector<16xf32>
      %add3A_368 = arith.addf %add3A_304, %exp3A_367 : vector<16xf32>
      %add3A_369 = arith.constant 2 : i32
      %add3A_370 = arith.addi %mul3A_232, %add3A_369 : i32
      %get3A_371 = arith.index_cast %add3A_370 : i32 to index
      %get3A_372 = arith.constant 16 : index
      %get3A_373 = tpu.vector_load %arg7[%get3A_371, %get3A_372] {strides = array<i32>} : memref<200x128xf32, #tpu.memory_space<vmem>>, vector<16xf32>,
      %sub3A_374 = arith.subf %get3A_373, %max3A_107 : vector<16xf32>
      %exp3A_375 = math.exp %sub3A_374 : vector<16xf32>
      %add3A_376 = arith.addf %add3A_312, %exp3A_375 : vector<16xf32>
      %add3A_377 = arith.constant 2 : i32
      %add3A_378 = arith.addi %mul3A_232, %add3A_377 : i32
      %get3A_379 = arith.index_cast %add3A_378 : i32 to index
      %get3A_380 = arith.constant 32 : index
      %get3A_381 = tpu.vector_load %arg7[%get3A_379, %get3A_380] {strides = array<i32>} : memref<200x128xf32, #tpu.memory_space<vmem>>, vector<16xf32>,
      %sub3A_382 = arith.subf %get3A_381, %max3A_108 : vector<16xf32>
      %exp3A_383 = math.exp %sub3A_382 : vector<16xf32>
      %add3A_384 = arith.addf %add3A_320, %exp3A_383 : vector<16xf32>
      %add3A_385 = arith.constant 2 : i32
      %add3A_386 = arith.addi %mul3A_232, %add3A_385 : i32
      %get3A_387 = arith.index_cast %add3A_386 : i32 to index
      %get3A_388 = arith.constant 48 : index
      %get3A_389 = tpu.vector_load %arg7[%get3A_387, %get3A_388] {strides = array<i32>} : memref<200x128xf32, #tpu.memory_space<vmem>>, vector<16xf32>,
      %sub3A_390 = arith.subf %get3A_389, %max3A_109 : vector<16xf32>
      %exp3A_391 = math.exp %sub3A_390 : vector<16xf32>
      %add3A_392 = arith.addf %add3A_328, %exp3A_391 : vector<16xf32>
      %add3A_393 = arith.constant 2 : i32
      %add3A_394 = arith.addi %mul3A_232, %add3A_393 : i32
      %get3A_395 = arith.index_cast %add3A_394 : i32 to index
      %get3A_396 = arith.constant 64 : index
      %get3A_397 = tpu.vector_load %arg7[%get3A_395, %get3A_396] {strides = array<i32>} : memref<200x128xf32, #tpu.memory_space<vmem>>, vector<16xf32>,
      %sub3A_398 = arith.subf %get3A_397, %max3A_110 : vector<16xf32>
      %exp3A_399 = math.exp %sub3A_398 : vector<16xf32>
      %add3A_400 = arith.addf %add3A_336, %exp3A_399 : vector<16xf32>
      %add3A_401 = arith.constant 2 : i32
      %add3A_402 = arith.addi %mul3A_232, %add3A_401 : i32
      %get3A_403 = arith.index_cast %add3A_402 : i32 to index
      %get3A_404 = arith.constant 80 : index
      %get3A_405 = tpu.vector_load %arg7[%get3A_403, %get3A_404] {strides = array<i32>} : memref<200x128xf32, #tpu.memory_space<vmem>>, vector<16xf32>,
      %sub3A_406 = arith.subf %get3A_405, %max3A_111 : vector<16xf32>
      %exp3A_407 = math.exp %sub3A_406 : vector<16xf32>
      %add3A_408 = arith.addf %add3A_344, %exp3A_407 : vector<16xf32>
      %add3A_409 = arith.constant 2 : i32
      %add3A_410 = arith.addi %mul3A_232, %add3A_409 : i32
      %get3A_411 = arith.index_cast %add3A_410 : i32 to index
      %get3A_412 = arith.constant 96 : index
      %get3A_413 = tpu.vector_load %arg7[%get3A_411, %get3A_412] {strides = array<i32>} : memref<200x128xf32, #tpu.memory_space<vmem>>, vector<16xf32>,
      %sub3A_414 = arith.subf %get3A_413, %max3A_112 : vector<16xf32>
      %exp3A_415 = math.exp %sub3A_414 : vector<16xf32>
      %add3A_416 = arith.addf %add3A_352, %exp3A_415 : vector<16xf32>
      %add3A_417 = arith.constant 2 : i32
      %add3A_418 = arith.addi %mul3A_232, %add3A_417 : i32
      %get3A_419 = arith.index_cast %add3A_418 : i32 to index
      %get3A_420 = arith.constant 112 : index
      %get3A_421 = tpu.vector_load %arg7[%get3A_419, %get3A_420] {strides = array<i32>} : memref<200x128xf32, #tpu.memory_space<vmem>>, vector<16xf32>,
      %sub3A_422 = arith.subf %get3A_421, %max3A_113 : vector<16xf32>
      %exp3A_423 = math.exp %sub3A_422 : vector<16xf32>
      %add3A_424 = arith.addf %add3A_360, %exp3A_423 : vector<16xf32>
      %add3A_425 = arith.constant 3 : i32
      %add3A_426 = arith.addi %mul3A_232, %add3A_425 : i32
      %get3A_427 = arith.index_cast %add3A_426 : i32 to index
      %get3A_428 = arith.constant 0 : index
      %get3A_429 = tpu.vector_load %arg7[%get3A_427, %get3A_428] {strides = array<i32>} : memref<200x128xf32, #tpu.memory_space<vmem>>, vector<16xf32>,
      %sub3A_430 = arith.subf %get3A_429, %max3A : vector<16xf32>
      %exp3A_431 = math.exp %sub3A_430 : vector<16xf32>
      %add3A_432 = arith.addf %add3A_368, %exp3A_431 : vector<16xf32>
      %add3A_433 = arith.constant 3 : i32
      %add3A_434 = arith.addi %mul3A_232, %add3A_433 : i32
      %get3A_435 = arith.index_cast %add3A_434 : i32 to index
      %get3A_436 = arith.constant 16 : index
      %get3A_437 = tpu.vector_load %arg7[%get3A_435, %get3A_436] {strides = array<i32>} : memref<200x128xf32, #tpu.memory_space<vmem>>, vector<16xf32>,
      %sub3A_438 = arith.subf %get3A_437, %max3A_107 : vector<16xf32>
      %exp3A_439 = math.exp %sub3A_438 : vector<16xf32>
      %add3A_440 = arith.addf %add3A_376, %exp3A_439 : vector<16xf32>
      %add3A_441 = arith.constant 3 : i32
      %add3A_442 = arith.addi %mul3A_232, %add3A_441 : i32
      %get3A_443 = arith.index_cast %add3A_442 : i32 to index
      %get3A_444 = arith.constant 32 : index
      %get3A_445 = tpu.vector_load %arg7[%get3A_443, %get3A_444] {strides = array<i32>} : memref<200x128xf32, #tpu.memory_space<vmem>>, vector<16xf32>,
      %sub3A_446 = arith.subf %get3A_445, %max3A_108 : vector<16xf32>
      %exp3A_447 = math.exp %sub3A_446 : vector<16xf32>
      %add3A_448 = arith.addf %add3A_384, %exp3A_447 : vector<16xf32>
      %add3A_449 = arith.constant 3 : i32
      %add3A_450 = arith.addi %mul3A_232, %add3A_449 : i32
      %get3A_451 = arith.index_cast %add3A_450 : i32 to index
      %get3A_452 = arith.constant 48 : index
      %get3A_453 = tpu.vector_load %arg7[%get3A_451, %get3A_452] {strides = array<i32>} : memref<200x128xf32, #tpu.memory_space<vmem>>, vector<16xf32>,
      %sub3A_454 = arith.subf %get3A_453, %max3A_109 : vector<16xf32>
      %exp3A_455 = math.exp %sub3A_454 : vector<16xf32>
      %add3A_456 = arith.addf %add3A_392, %exp3A_455 : vector<16xf32>
      %add3A_457 = arith.constant 3 : i32
      %add3A_458 = arith.addi %mul3A_232, %add3A_457 : i32
      %get3A_459 = arith.index_cast %add3A_458 : i32 to index
      %get3A_460 = arith.constant 64 : index
      %get3A_461 = tpu.vector_load %arg7[%get3A_459, %get3A_460] {strides = array<i32>} : memref<200x128xf32, #tpu.memory_space<vmem>>, vector<16xf32>,
      %sub3A_462 = arith.subf %get3A_461, %max3A_110 : vector<16xf32>
      %exp3A_463 = math.exp %sub3A_462 : vector<16xf32>
      %add3A_464 = arith.addf %add3A_400, %exp3A_463 : vector<16xf32>
      %add3A_465 = arith.constant 3 : i32
      %add3A_466 = arith.addi %mul3A_232, %add3A_465 : i32
      %get3A_467 = arith.index_cast %add3A_466 : i32 to index
      %get3A_468 = arith.constant 80 : index
      %get3A_469 = tpu.vector_load %arg7[%get3A_467, %get3A_468] {strides = array<i32>} : memref<200x128xf32, #tpu.memory_space<vmem>>, vector<16xf32>,
      %sub3A_470 = arith.subf %get3A_469, %max3A_111 : vector<16xf32>
      %exp3A_471 = math.exp %sub3A_470 : vector<16xf32>
      %add3A_472 = arith.addf %add3A_408, %exp3A_471 : vector<16xf32>
      %add3A_473 = arith.constant 3 : i32
      %add3A_474 = arith.addi %mul3A_232, %add3A_473 : i32
      %get3A_475 = arith.index_cast %add3A_474 : i32 to index
      %get3A_476 = arith.constant 96 : index
      %get3A_477 = tpu.vector_load %arg7[%get3A_475, %get3A_476] {strides = array<i32>} : memref<200x128xf32, #tpu.memory_space<vmem>>, vector<16xf32>,
      %sub3A_478 = arith.subf %get3A_477, %max3A_112 : vector<16xf32>
      %exp3A_479 = math.exp %sub3A_478 : vector<16xf32>
      %add3A_480 = arith.addf %add3A_416, %exp3A_479 : vector<16xf32>
      %add3A_481 = arith.constant 3 : i32
      %add3A_482 = arith.addi %mul3A_232, %add3A_481 : i32
      %get3A_483 = arith.index_cast %add3A_482 : i32 to index
      %get3A_484 = arith.constant 112 : index
      %get3A_485 = tpu.vector_load %arg7[%get3A_483, %get3A_484] {strides = array<i32>} : memref<200x128xf32, #tpu.memory_space<vmem>>, vector<16xf32>,
      %sub3A_486 = arith.subf %get3A_485, %max3A_113 : vector<16xf32>
      %exp3A_487 = math.exp %sub3A_486 : vector<16xf32>
      %add3A_488 = arith.addf %add3A_424, %exp3A_487 : vector<16xf32>
      scf.yield %add3A_432, %add3A_440, %add3A_448, %add3A_456, %add3A_464, %add3A_472, %add3A_480, %add3A_488 : vector<16xf32>, vector<16xf32>, vector<16xf32>, vector<16xf32>, vector<16xf32>, vector<16xf32>, vector<16xf32>, vector<16xf32>
    }
    %scan3A_142 = arith.constant 50 : i32
    %multiple_of3A_143 = arith.constant 112 : i32
    %multiple_of3A_144 = tpu.assume_multiple %multiple_of3A_143, 16 : i32
    %get3A = arith.index_cast %multiple_of3A_144 : i32 to index
    %get3A_145 = tpu.vector_load %arg10[%get3A] {strides = array<i32>} : memref<128xi32, #tpu.memory_space<vmem>>, vector<16xi32>,
    %iota3A_146 = tpu.iota {dimensions = array<i32: 0>} : vector<16xi32>
    %sub3A_147 = arith.constant 124 : i32
    %sub3A_148 = arith.subi %sub3A_147, %multiple_of3A_144 : i32
    %eq3A_149 = vector.broadcast %sub3A_148 : i32 to vector<16xi32>
    %eq3A_150 = arith.cmpi eq, %iota3A_146, %eq3A_149 : vector<16xi32>
    %jit3A_151 = arith.constant 0 : i32
    %broadcast_in_dim3A_152 = vector.broadcast %jit3A_151 : i32 to vector<16xi32>
    %select_n3A_153 = arith.select %eq3A_150, %get3A_145, %broadcast_in_dim3A_152 : vector<16xi1>, vector<16xi32>
    %reduce_sum3A = arith.constant true
    %reduce_sum3A_154 = vector.broadcast %reduce_sum3A : i1 to vector<16xi1>
    %reduce_sum3A_155 = tpu.scan <sum>, %select_n3A_153 masked %reduce_sum3A_154 : vector<16xi32>, vector<16xi1> -> vector<16xi32>
    %reduce_sum3A_156 = vector.extract %reduce_sum3A_155[15] : i32 from vector<16xi32>
    %multiple_of3A_157 = arith.constant 112 : i32
    %multiple_of3A_158 = tpu.assume_multiple %multiple_of3A_157, 16 : i32
    %get3A_159 = arith.index_cast %multiple_of3A_158 : i32 to index
    %get3A_160 = tpu.vector_load %arg10[%get3A_159] {strides = array<i32>} : memref<128xi32, #tpu.memory_space<vmem>>, vector<16xi32>,
    %iota3A_161 = tpu.iota {dimensions = array<i32: 0>} : vector<16xi32>
    %sub3A_162 = arith.constant 125 : i32
    %sub3A_163 = arith.subi %sub3A_162, %multiple_of3A_158 : i32
    %eq3A_164 = vector.broadcast %sub3A_163 : i32 to vector<16xi32>
    %eq3A_165 = arith.cmpi eq, %iota3A_161, %eq3A_164 : vector<16xi32>
    %jit3A_166 = arith.constant 0 : i32
    %broadcast_in_dim3A_167 = vector.broadcast %jit3A_166 : i32 to vector<16xi32>
    %select_n3A_168 = arith.select %eq3A_165, %get3A_160, %broadcast_in_dim3A_167 : vector<16xi1>, vector<16xi32>
    %reduce_sum3A_169 = arith.constant true
    %reduce_sum3A_170 = vector.broadcast %reduce_sum3A_169 : i1 to vector<16xi1>
    %reduce_sum3A_171 = tpu.scan <sum>, %select_n3A_168 masked %reduce_sum3A_170 : vector<16xi32>, vector<16xi1> -> vector<16xi32>
    %reduce_sum3A_172 = vector.extract %reduce_sum3A_171[15] : i32 from vector<16xi32>
    %while3A = arith.constant 0 : i32
    %while3A_173 = arith.subi %reduce_sum3A_172, %reduce_sum3A_156 : i32
    %while3A_174 = arith.addi %reduce_sum3A_156, %while3A_173 : i32
    %while3A_175 = arith.constant 1 : i32
    %while3A_176 = arith.divsi %while3A_173, %while3A_175 : i32
    %while3A_177 = arith.muli %while3A_176, %while3A_175 : i32
    %while3A_178 = arith.addi %reduce_sum3A_156, %while3A_177 : i32
    %while3A_179 = arith.constant 1 : i32
    %while3A_180 = scf.for %while3A_222 = %reduce_sum3A_156 to %while3A_178 step %while3A_179 iter_args(%while3A_223 = %while3A) -> (i32)  : i32 {
      %jit3A_224 = arith.constant 16 : i32
      %div3A_225 = arith.divsi %while3A_222, %jit3A_224 : i32
      %sign3A_226 = arith.constant 0 : i32
      %sign3A_227 = arith.cmpi sgt, %while3A_222, %sign3A_226 : i32
      %sign3A_228 = arith.extui %sign3A_227 : i1 to i32
      %sign3A_229 = arith.constant 0 : i32
      %sign3A_230 = arith.cmpi slt, %while3A_222, %sign3A_229 : i32
      %sign3A_231 = arith.extui %sign3A_230 : i1 to i32
      %sign3A_232 = arith.subi %sign3A_228, %sign3A_231 : i32
      %sign3A_233 = arith.constant 0 : i32
      %sign3A_234 = arith.cmpi sgt, %jit3A_224, %sign3A_233 : i32
      %sign3A_235 = arith.extui %sign3A_234 : i1 to i32
      %sign3A_236 = arith.constant 0 : i32
      %sign3A_237 = arith.cmpi slt, %jit3A_224, %sign3A_236 : i32
      %sign3A_238 = arith.extui %sign3A_237 : i1 to i32
      %sign3A_239 = arith.subi %sign3A_235, %sign3A_238 : i32
      %ne3A_240 = arith.cmpi ne, %sign3A_232, %sign3A_239 : i32
      %rem3A_241 = arith.remsi %while3A_222, %jit3A_224 : i32
      %ne3A_242 = arith.constant 0 : i32
      %ne3A_243 = arith.cmpi ne, %rem3A_241, %ne3A_242 : i32
      %and3A_244 = arith.andi %ne3A_240, %ne3A_243 : i1
      %sub3A_245 = arith.constant 1 : i32
      %sub3A_246 = arith.subi %div3A_225, %sub3A_245 : i32
      %select_n3A_247 = arith.select %and3A_244, %sub3A_246, %div3A_225 : i32
      %mul3A_248 = arith.constant 16 : i32
      %mul3A_249 = arith.muli %select_n3A_247, %mul3A_248 : i32
      %multiple_of3A_250 = tpu.assume_multiple %mul3A_249, 16 : i32
      %get3A_251 = arith.index_cast %multiple_of3A_250 : i32 to index
      %get3A_252 = tpu.vector_load %arg9[%get3A_251] {strides = array<i32>} : memref<21504xi32, #tpu.memory_space<vmem>>, vector<16xi32>,
      %iota3A_253 = tpu.iota {dimensions = array<i32: 0>} : vector<16xi32>
      %sub3A_254 = arith.subi %while3A_222, %multiple_of3A_250 : i32
      %eq3A_255 = vector.broadcast %sub3A_254 : i32 to vector<16xi32>
      %eq3A_256 = arith.cmpi eq, %iota3A_253, %eq3A_255 : vector<16xi32>
      %jit3A_257 = arith.constant 0 : i32
      %broadcast_in_dim3A_258 = vector.broadcast %jit3A_257 : i32 to vector<16xi32>
      %select_n3A_259 = arith.select %eq3A_256, %get3A_252, %broadcast_in_dim3A_258 : vector<16xi1>, vector<16xi32>
      %reduce_sum3A_260 = arith.constant true
      %reduce_sum3A_261 = vector.broadcast %reduce_sum3A_260 : i1 to vector<16xi1>
      %reduce_sum3A_262 = tpu.scan <sum>, %select_n3A_259 masked %reduce_sum3A_261 : vector<16xi32>, vector<16xi1> -> vector<16xi32>
      %reduce_sum3A_263 = vector.extract %reduce_sum3A_262[15] : i32 from vector<16xi32>
      %and3A_264 = arith.constant 255 : i32
      %and3A_265 = arith.andi %reduce_sum3A_263, %and3A_264 : i32
      %shift_right_arithmetic3A = arith.constant 8 : i32
      %shift_right_arithmetic3A_266 = arith.shrsi %reduce_sum3A_263, %shift_right_arithmetic3A : i32
      %and3A_267 = arith.constant 127 : i32
      %and3A_268 = arith.andi %shift_right_arithmetic3A_266, %and3A_267 : i32
      %shift_right_arithmetic3A_269 = arith.constant 15 : i32
      %shift_right_arithmetic3A_270 = arith.shrsi %reduce_sum3A_263, %shift_right_arithmetic3A_269 : i32
      %and3A_271 = arith.constant 31 : i32
      %and3A_272 = arith.andi %shift_right_arithmetic3A_270, %and3A_271 : i32
      %jit3A_273 = arith.constant 16 : i32
      %div3A_274 = arith.divsi %and3A_268, %jit3A_273 : i32
      %sign3A_275 = arith.constant 0 : i32
      %sign3A_276 = arith.cmpi sgt, %and3A_268, %sign3A_275 : i32
      %sign3A_277 = arith.extui %sign3A_276 : i1 to i32
      %sign3A_278 = arith.constant 0 : i32
      %sign3A_279 = arith.cmpi slt, %and3A_268, %sign3A_278 : i32
      %sign3A_280 = arith.extui %sign3A_279 : i1 to i32
      %sign3A_281 = arith.subi %sign3A_277, %sign3A_280 : i32
      %sign3A_282 = arith.constant 0 : i32
      %sign3A_283 = arith.cmpi sgt, %jit3A_273, %sign3A_282 : i32
      %sign3A_284 = arith.extui %sign3A_283 : i1 to i32
      %sign3A_285 = arith.constant 0 : i32
      %sign3A_286 = arith.cmpi slt, %jit3A_273, %sign3A_285 : i32
      %sign3A_287 = arith.extui %sign3A_286 : i1 to i32
      %sign3A_288 = arith.subi %sign3A_284, %sign3A_287 : i32
      %ne3A_289 = arith.cmpi ne, %sign3A_281, %sign3A_288 : i32
      %rem3A_290 = arith.remsi %and3A_268, %jit3A_273 : i32
      %ne3A_291 = arith.constant 0 : i32
      %ne3A_292 = arith.cmpi ne, %rem3A_290, %ne3A_291 : i32
      %and3A_293 = arith.andi %ne3A_289, %ne3A_292 : i1
      %sub3A_294 = arith.constant 1 : i32
      %sub3A_295 = arith.subi %div3A_274, %sub3A_294 : i32
      %select_n3A_296 = arith.select %and3A_293, %sub3A_295, %div3A_274 : i32
      %mul3A_297 = arith.constant 16 : i32
      %mul3A_298 = arith.muli %select_n3A_296, %mul3A_297 : i32
      %multiple_of3A_299 = tpu.assume_multiple %mul3A_298, 16 : i32
      %get3A_300 = arith.index_cast %and3A_265 : i32 to index
      %get3A_301 = arith.index_cast %multiple_of3A_299 : i32 to index
      %get3A_302 = tpu.vector_load %arg7[%get3A_300, %get3A_301] {strides = array<i32>} : memref<200x128xf32, #tpu.memory_space<vmem>>, vector<16xf32>,
      %sub3A_303 = arith.subi %and3A_268, %multiple_of3A_299 : i32
      %eq3A_304 = vector.broadcast %sub3A_303 : i32 to vector<16xi32>
      %eq3A_305 = arith.cmpi eq, %iota3A, %eq3A_304 : vector<16xi32>
      %jit3A_306 = arith.constant -3.000000e+38 : f32
      %broadcast_in_dim3A_307 = vector.broadcast %jit3A_306 : f32 to vector<16xf32>
      %select_n3A_308 = arith.select %eq3A_305, %get3A_302, %broadcast_in_dim3A_307 : vector<16xi1>, vector<16xf32>
      %reduce_max3A = arith.constant true
      %reduce_max3A_309 = vector.broadcast %reduce_max3A : i1 to vector<16xi1>
      %reduce_max3A_310 = tpu.scan <max>, %select_n3A_308 masked %reduce_max3A_309 : vector<16xf32>, vector<16xi1> -> vector<16xf32>
      %reduce_max3A_311 = vector.extract %reduce_max3A_310[15] : f32 from vector<16xf32>
      %mul3A_312 = arith.constant 32 : i32
      %mul3A_313 = arith.muli %and3A_268, %mul3A_312 : i32
      %jit3A_314 = arith.constant 16 : i32
      %div3A_315 = arith.divsi %and3A_272, %jit3A_314 : i32
      %sign3A_316 = arith.constant 0 : i32
      %sign3A_317 = arith.cmpi sgt, %and3A_272, %sign3A_316 : i32
      %sign3A_318 = arith.extui %sign3A_317 : i1 to i32
      %sign3A_319 = arith.constant 0 : i32
      %sign3A_320 = arith.cmpi slt, %and3A_272, %sign3A_319 : i32
      %sign3A_321 = arith.extui %sign3A_320 : i1 to i32
      %sign3A_322 = arith.subi %sign3A_318, %sign3A_321 : i32
      %sign3A_323 = arith.constant 0 : i32
      %sign3A_324 = arith.cmpi sgt, %jit3A_314, %sign3A_323 : i32
      %sign3A_325 = arith.extui %sign3A_324 : i1 to i32
      %sign3A_326 = arith.constant 0 : i32
      %sign3A_327 = arith.cmpi slt, %jit3A_314, %sign3A_326 : i32
      %sign3A_328 = arith.extui %sign3A_327 : i1 to i32
      %sign3A_329 = arith.subi %sign3A_325, %sign3A_328 : i32
      %ne3A_330 = arith.cmpi ne, %sign3A_322, %sign3A_329 : i32
      %rem3A_331 = arith.remsi %and3A_272, %jit3A_314 : i32
      %ne3A_332 = arith.constant 0 : i32
      %ne3A_333 = arith.cmpi ne, %rem3A_331, %ne3A_332 : i32
      %and3A_334 = arith.andi %ne3A_330, %ne3A_333 : i1
      %sub3A_335 = arith.constant 1 : i32
      %sub3A_336 = arith.subi %div3A_315, %sub3A_335 : i32
      %select_n3A_337 = arith.select %and3A_334, %sub3A_336, %div3A_315 : i32
      %mul3A_338 = arith.constant 16 : i32
      %mul3A_339 = arith.muli %select_n3A_337, %mul3A_338 : i32
      %add3A_340 = arith.addi %mul3A_313, %mul3A_339 : i32
      %multiple_of3A_341 = tpu.assume_multiple %add3A_340, 16 : i32
      %get3A_342 = arith.index_cast %multiple_of3A_341 : i32 to index
      %get3A_343 = tpu.vector_load %arg11[%get3A_342] {strides = array<i32>} : memref<4096xf32, #tpu.memory_space<vmem>>, vector<16xf32>,
      %mul3A_344 = arith.constant 32 : i32
      %mul3A_345 = arith.muli %and3A_268, %mul3A_344 : i32
      %add3A_346 = arith.addi %mul3A_345, %and3A_272 : i32
      %sub3A_347 = arith.subi %add3A_346, %multiple_of3A_341 : i32
      %eq3A_348 = vector.broadcast %sub3A_347 : i32 to vector<16xi32>
      %eq3A_349 = arith.cmpi eq, %iota3A, %eq3A_348 : vector<16xi32>
      %broadcast_in_dim3A_350 = vector.broadcast %reduce_max3A_311 : f32 to vector<16xf32>
      %select_n3A_351 = arith.select %eq3A_349, %broadcast_in_dim3A_350, %get3A_343 : vector<16xi1>, vector<16xf32>
      %swap3A_352 = arith.index_cast %multiple_of3A_341 : i32 to index
      %swap3A_353 = tpu.vector_load %arg11[%swap3A_352] {strides = array<i32>} : memref<4096xf32, #tpu.memory_space<vmem>>, vector<16xf32>,
      tpu.vector_store %arg11[%swap3A_352], %select_n3A_351 {strides = array<i32>} : memref<4096xf32, #tpu.memory_space<vmem>>, vector<16xf32>,
      %while3A_354 = arith.constant 0 : i32
      scf.yield %while3A_354 : i32
    }
    %while3A_181 = arith.constant 1 : i32
    %while3A_182 = scf.for %while3A_222 = %while3A_178 to %while3A_174 step %while3A_181 iter_args(%while3A_223 = %while3A_180) -> (i32)  : i32 {
      %jit3A_224 = arith.constant 16 : i32
      %div3A_225 = arith.divsi %while3A_222, %jit3A_224 : i32
      %sign3A_226 = arith.constant 0 : i32
      %sign3A_227 = arith.cmpi sgt, %while3A_222, %sign3A_226 : i32
      %sign3A_228 = arith.extui %sign3A_227 : i1 to i32
      %sign3A_229 = arith.constant 0 : i32
      %sign3A_230 = arith.cmpi slt, %while3A_222, %sign3A_229 : i32
      %sign3A_231 = arith.extui %sign3A_230 : i1 to i32
      %sign3A_232 = arith.subi %sign3A_228, %sign3A_231 : i32
      %sign3A_233 = arith.constant 0 : i32
      %sign3A_234 = arith.cmpi sgt, %jit3A_224, %sign3A_233 : i32
      %sign3A_235 = arith.extui %sign3A_234 : i1 to i32
      %sign3A_236 = arith.constant 0 : i32
      %sign3A_237 = arith.cmpi slt, %jit3A_224, %sign3A_236 : i32
      %sign3A_238 = arith.extui %sign3A_237 : i1 to i32
      %sign3A_239 = arith.subi %sign3A_235, %sign3A_238 : i32
      %ne3A_240 = arith.cmpi ne, %sign3A_232, %sign3A_239 : i32
      %rem3A_241 = arith.remsi %while3A_222, %jit3A_224 : i32
      %ne3A_242 = arith.constant 0 : i32
      %ne3A_243 = arith.cmpi ne, %rem3A_241, %ne3A_242 : i32
      %and3A_244 = arith.andi %ne3A_240, %ne3A_243 : i1
      %sub3A_245 = arith.constant 1 : i32
      %sub3A_246 = arith.subi %div3A_225, %sub3A_245 : i32
      %select_n3A_247 = arith.select %and3A_244, %sub3A_246, %div3A_225 : i32
      %mul3A_248 = arith.constant 16 : i32
      %mul3A_249 = arith.muli %select_n3A_247, %mul3A_248 : i32
      %multiple_of3A_250 = tpu.assume_multiple %mul3A_249, 16 : i32
      %get3A_251 = arith.index_cast %multiple_of3A_250 : i32 to index
      %get3A_252 = tpu.vector_load %arg9[%get3A_251] {strides = array<i32>} : memref<21504xi32, #tpu.memory_space<vmem>>, vector<16xi32>,
      %iota3A_253 = tpu.iota {dimensions = array<i32: 0>} : vector<16xi32>
      %sub3A_254 = arith.subi %while3A_222, %multiple_of3A_250 : i32
      %eq3A_255 = vector.broadcast %sub3A_254 : i32 to vector<16xi32>
      %eq3A_256 = arith.cmpi eq, %iota3A_253, %eq3A_255 : vector<16xi32>
      %jit3A_257 = arith.constant 0 : i32
      %broadcast_in_dim3A_258 = vector.broadcast %jit3A_257 : i32 to vector<16xi32>
      %select_n3A_259 = arith.select %eq3A_256, %get3A_252, %broadcast_in_dim3A_258 : vector<16xi1>, vector<16xi32>
      %reduce_sum3A_260 = arith.constant true
      %reduce_sum3A_261 = vector.broadcast %reduce_sum3A_260 : i1 to vector<16xi1>
      %reduce_sum3A_262 = tpu.scan <sum>, %select_n3A_259 masked %reduce_sum3A_261 : vector<16xi32>, vector<16xi1> -> vector<16xi32>
      %reduce_sum3A_263 = vector.extract %reduce_sum3A_262[15] : i32 from vector<16xi32>
      %and3A_264 = arith.constant 255 : i32
      %and3A_265 = arith.andi %reduce_sum3A_263, %and3A_264 : i32
      %shift_right_arithmetic3A = arith.constant 8 : i32
      %shift_right_arithmetic3A_266 = arith.shrsi %reduce_sum3A_263, %shift_right_arithmetic3A : i32
      %and3A_267 = arith.constant 127 : i32
      %and3A_268 = arith.andi %shift_right_arithmetic3A_266, %and3A_267 : i32
      %shift_right_arithmetic3A_269 = arith.constant 15 : i32
      %shift_right_arithmetic3A_270 = arith.shrsi %reduce_sum3A_263, %shift_right_arithmetic3A_269 : i32
      %and3A_271 = arith.constant 31 : i32
      %and3A_272 = arith.andi %shift_right_arithmetic3A_270, %and3A_271 : i32
      %jit3A_273 = arith.constant 16 : i32
      %div3A_274 = arith.divsi %and3A_268, %jit3A_273 : i32
      %sign3A_275 = arith.constant 0 : i32
      %sign3A_276 = arith.cmpi sgt, %and3A_268, %sign3A_275 : i32
      %sign3A_277 = arith.extui %sign3A_276 : i1 to i32
      %sign3A_278 = arith.constant 0 : i32
      %sign3A_279 = arith.cmpi slt, %and3A_268, %sign3A_278 : i32
      %sign3A_280 = arith.extui %sign3A_279 : i1 to i32
      %sign3A_281 = arith.subi %sign3A_277, %sign3A_280 : i32
      %sign3A_282 = arith.constant 0 : i32
      %sign3A_283 = arith.cmpi sgt, %jit3A_273, %sign3A_282 : i32
      %sign3A_284 = arith.extui %sign3A_283 : i1 to i32
      %sign3A_285 = arith.constant 0 : i32
      %sign3A_286 = arith.cmpi slt, %jit3A_273, %sign3A_285 : i32
      %sign3A_287 = arith.extui %sign3A_286 : i1 to i32
      %sign3A_288 = arith.subi %sign3A_284, %sign3A_287 : i32
      %ne3A_289 = arith.cmpi ne, %sign3A_281, %sign3A_288 : i32
      %rem3A_290 = arith.remsi %and3A_268, %jit3A_273 : i32
      %ne3A_291 = arith.constant 0 : i32
      %ne3A_292 = arith.cmpi ne, %rem3A_290, %ne3A_291 : i32
      %and3A_293 = arith.andi %ne3A_289, %ne3A_292 : i1
      %sub3A_294 = arith.constant 1 : i32
      %sub3A_295 = arith.subi %div3A_274, %sub3A_294 : i32
      %select_n3A_296 = arith.select %and3A_293, %sub3A_295, %div3A_274 : i32
      %mul3A_297 = arith.constant 16 : i32
      %mul3A_298 = arith.muli %select_n3A_296, %mul3A_297 : i32
      %multiple_of3A_299 = tpu.assume_multiple %mul3A_298, 16 : i32
      %get3A_300 = arith.index_cast %and3A_265 : i32 to index
      %get3A_301 = arith.index_cast %multiple_of3A_299 : i32 to index
      %get3A_302 = tpu.vector_load %arg7[%get3A_300, %get3A_301] {strides = array<i32>} : memref<200x128xf32, #tpu.memory_space<vmem>>, vector<16xf32>,
      %sub3A_303 = arith.subi %and3A_268, %multiple_of3A_299 : i32
      %eq3A_304 = vector.broadcast %sub3A_303 : i32 to vector<16xi32>
      %eq3A_305 = arith.cmpi eq, %iota3A, %eq3A_304 : vector<16xi32>
      %jit3A_306 = arith.constant -3.000000e+38 : f32
      %broadcast_in_dim3A_307 = vector.broadcast %jit3A_306 : f32 to vector<16xf32>
      %select_n3A_308 = arith.select %eq3A_305, %get3A_302, %broadcast_in_dim3A_307 : vector<16xi1>, vector<16xf32>
      %reduce_max3A = arith.constant true
      %reduce_max3A_309 = vector.broadcast %reduce_max3A : i1 to vector<16xi1>
      %reduce_max3A_310 = tpu.scan <max>, %select_n3A_308 masked %reduce_max3A_309 : vector<16xf32>, vector<16xi1> -> vector<16xf32>
      %reduce_max3A_311 = vector.extract %reduce_max3A_310[15] : f32 from vector<16xf32>
      %mul3A_312 = arith.constant 32 : i32
      %mul3A_313 = arith.muli %and3A_268, %mul3A_312 : i32
      %jit3A_314 = arith.constant 16 : i32
      %div3A_315 = arith.divsi %and3A_272, %jit3A_314 : i32
      %sign3A_316 = arith.constant 0 : i32
      %sign3A_317 = arith.cmpi sgt, %and3A_272, %sign3A_316 : i32
      %sign3A_318 = arith.extui %sign3A_317 : i1 to i32
      %sign3A_319 = arith.constant 0 : i32
      %sign3A_320 = arith.cmpi slt, %and3A_272, %sign3A_319 : i32
      %sign3A_321 = arith.extui %sign3A_320 : i1 to i32
      %sign3A_322 = arith.subi %sign3A_318, %sign3A_321 : i32
      %sign3A_323 = arith.constant 0 : i32
      %sign3A_324 = arith.cmpi sgt, %jit3A_314, %sign3A_323 : i32
      %sign3A_325 = arith.extui %sign3A_324 : i1 to i32
      %sign3A_326 = arith.constant 0 : i32
      %sign3A_327 = arith.cmpi slt, %jit3A_314, %sign3A_326 : i32
      %sign3A_328 = arith.extui %sign3A_327 : i1 to i32
      %sign3A_329 = arith.subi %sign3A_325, %sign3A_328 : i32
      %ne3A_330 = arith.cmpi ne, %sign3A_322, %sign3A_329 : i32
      %rem3A_331 = arith.remsi %and3A_272, %jit3A_314 : i32
      %ne3A_332 = arith.constant 0 : i32
      %ne3A_333 = arith.cmpi ne, %rem3A_331, %ne3A_332 : i32
      %and3A_334 = arith.andi %ne3A_330, %ne3A_333 : i1
      %sub3A_335 = arith.constant 1 : i32
      %sub3A_336 = arith.subi %div3A_315, %sub3A_335 : i32
      %select_n3A_337 = arith.select %and3A_334, %sub3A_336, %div3A_315 : i32
      %mul3A_338 = arith.constant 16 : i32
      %mul3A_339 = arith.muli %select_n3A_337, %mul3A_338 : i32
      %add3A_340 = arith.addi %mul3A_313, %mul3A_339 : i32
      %multiple_of3A_341 = tpu.assume_multiple %add3A_340, 16 : i32
      %get3A_342 = arith.index_cast %multiple_of3A_341 : i32 to index
      %get3A_343 = tpu.vector_load %arg11[%get3A_342] {strides = array<i32>} : memref<4096xf32, #tpu.memory_space<vmem>>, vector<16xf32>,
      %mul3A_344 = arith.constant 32 : i32
      %mul3A_345 = arith.muli %and3A_268, %mul3A_344 : i32
      %add3A_346 = arith.addi %mul3A_345, %and3A_272 : i32
      %sub3A_347 = arith.subi %add3A_346, %multiple_of3A_341 : i32
      %eq3A_348 = vector.broadcast %sub3A_347 : i32 to vector<16xi32>
      %eq3A_349 = arith.cmpi eq, %iota3A, %eq3A_348 : vector<16xi32>
      %broadcast_in_dim3A_350 = vector.broadcast %reduce_max3A_311 : f32 to vector<16xf32>
      %select_n3A_351 = arith.select %eq3A_349, %broadcast_in_dim3A_350, %get3A_343 : vector<16xi1>, vector<16xf32>
      %swap3A_352 = arith.index_cast %multiple_of3A_341 : i32 to index
      %swap3A_353 = tpu.vector_load %arg11[%swap3A_352] {strides = array<i32>} : memref<4096xf32, #tpu.memory_space<vmem>>, vector<16xf32>,
      tpu.vector_store %arg11[%swap3A_352], %select_n3A_351 {strides = array<i32>} : memref<4096xf32, #tpu.memory_space<vmem>>, vector<16xf32>,
      %while3A_354 = arith.constant 0 : i32
      scf.yield %while3A_354 : i32
    }
    %swap3A = arith.constant 0 : index
    %swap3A_183 = tpu.vector_load %arg12[%swap3A] {strides = array<i32>} : memref<256xf32, #tpu.memory_space<vmem>>, vector<16xf32>,
    tpu.vector_store %arg12[%swap3A], %max3A {strides = array<i32>} : memref<256xf32, #tpu.memory_space<vmem>>, vector<16xf32>,
    %swap3A_184 = arith.constant 128 : index
    %swap3A_185 = tpu.vector_load %arg12[%swap3A_184] {strides = array<i32>} : memref<256xf32, #tpu.memory_space<vmem>>, vector<16xf32>,
    tpu.vector_store %arg12[%swap3A_184], %scan3A_141#0 {strides = array<i32>} : memref<256xf32, #tpu.memory_space<vmem>>, vector<16xf32>,
    %swap3A_186 = arith.constant 16 : index
    %swap3A_187 = tpu.vector_load %arg12[%swap3A_186] {strides = array<i32>} : memref<256xf32, #tpu.memory_space<vmem>>, vector<16xf32>,
    tpu.vector_store %arg12[%swap3A_186], %max3A_107 {strides = array<i32>} : memref<256xf32, #tpu.memory_space<vmem>>, vector<16xf32>,
    %swap3A_188 = arith.constant 144 : index
    %swap3A_189 = tpu.vector_load %arg12[%swap3A_188] {strides = array<i32>} : memref<256xf32, #tpu.memory_space<vmem>>, vector<16xf32>,
    tpu.vector_store %arg12[%swap3A_188], %scan3A_141#1 {strides = array<i32>} : memref<256xf32, #tpu.memory_space<vmem>>, vector<16xf32>,
    %swap3A_190 = arith.constant 32 : index
    %swap3A_191 = tpu.vector_load %arg12[%swap3A_190] {strides = array<i32>} : memref<256xf32, #tpu.memory_space<vmem>>, vector<16xf32>,
    tpu.vector_store %arg12[%swap3A_190], %max3A_108 {strides = array<i32>} : memref<256xf32, #tpu.memory_space<vmem>>, vector<16xf32>,
    %swap3A_192 = arith.constant 160 : index
    %swap3A_193 = tpu.vector_load %arg12[%swap3A_192] {strides = array<i32>} : memref<256xf32, #tpu.memory_space<vmem>>, vector<16xf32>,
    tpu.vector_store %arg12[%swap3A_192], %scan3A_141#2 {strides = array<i32>} : memref<256xf32, #tpu.memory_space<vmem>>, vector<16xf32>,
    %swap3A_194 = arith.constant 48 : index
    %swap3A_195 = tpu.vector_load %arg12[%swap3A_194] {strides = array<i32>} : memref<256xf32, #tpu.memory_space<vmem>>, vector<16xf32>,
    tpu.vector_store %arg12[%swap3A_194], %max3A_109 {strides = array<i32>} : memref<256xf32, #tpu.memory_space<vmem>>, vector<16xf32>,
    %swap3A_196 = arith.constant 176 : index
    %swap3A_197 = tpu.vector_load %arg12[%swap3A_196] {strides = array<i32>} : memref<256xf32, #tpu.memory_space<vmem>>, vector<16xf32>,
    tpu.vector_store %arg12[%swap3A_196], %scan3A_141#3 {strides = array<i32>} : memref<256xf32, #tpu.memory_space<vmem>>, vector<16xf32>,
    %swap3A_198 = arith.constant 64 : index
    %swap3A_199 = tpu.vector_load %arg12[%swap3A_198] {strides = array<i32>} : memref<256xf32, #tpu.memory_space<vmem>>, vector<16xf32>,
    tpu.vector_store %arg12[%swap3A_198], %max3A_110 {strides = array<i32>} : memref<256xf32, #tpu.memory_space<vmem>>, vector<16xf32>,
    %swap3A_200 = arith.constant 192 : index
    %swap3A_201 = tpu.vector_load %arg12[%swap3A_200] {strides = array<i32>} : memref<256xf32, #tpu.memory_space<vmem>>, vector<16xf32>,
    tpu.vector_store %arg12[%swap3A_200], %scan3A_141#4 {strides = array<i32>} : memref<256xf32, #tpu.memory_space<vmem>>, vector<16xf32>,
    %swap3A_202 = arith.constant 80 : index
    %swap3A_203 = tpu.vector_load %arg12[%swap3A_202] {strides = array<i32>} : memref<256xf32, #tpu.memory_space<vmem>>, vector<16xf32>,
    tpu.vector_store %arg12[%swap3A_202], %max3A_111 {strides = array<i32>} : memref<256xf32, #tpu.memory_space<vmem>>, vector<16xf32>,
    %swap3A_204 = arith.constant 208 : index
    %swap3A_205 = tpu.vector_load %arg12[%swap3A_204] {strides = array<i32>} : memref<256xf32, #tpu.memory_space<vmem>>, vector<16xf32>,
    tpu.vector_store %arg12[%swap3A_204], %scan3A_141#5 {strides = array<i32>} : memref<256xf32, #tpu.memory_space<vmem>>, vector<16xf32>,
    %swap3A_206 = arith.constant 96 : index
    %swap3A_207 = tpu.vector_load %arg12[%swap3A_206] {strides = array<i32>} : memref<256xf32, #tpu.memory_space<vmem>>, vector<16xf32>,
    tpu.vector_store %arg12[%swap3A_206], %max3A_112 {strides = array<i32>} : memref<256xf32, #tpu.memory_space<vmem>>, vector<16xf32>,
    %swap3A_208 = arith.constant 224 : index
    %swap3A_209 = tpu.vector_load %arg12[%swap3A_208] {strides = array<i32>} : memref<256xf32, #tpu.memory_space<vmem>>, vector<16xf32>,
    tpu.vector_store %arg12[%swap3A_208], %scan3A_141#6 {strides = array<i32>} : memref<256xf32, #tpu.memory_space<vmem>>, vector<16xf32>,
    %swap3A_210 = arith.constant 112 : index
    %swap3A_211 = tpu.vector_load %arg12[%swap3A_210] {strides = array<i32>} : memref<256xf32, #tpu.memory_space<vmem>>, vector<16xf32>,
    tpu.vector_store %arg12[%swap3A_210], %max3A_113 {strides = array<i32>} : memref<256xf32, #tpu.memory_space<vmem>>, vector<16xf32>,
    %swap3A_212 = arith.constant 240 : index
    %swap3A_213 = tpu.vector_load %arg12[%swap3A_212] {strides = array<i32>} : memref<256xf32, #tpu.memory_space<vmem>>, vector<16xf32>,
    tpu.vector_store %arg12[%swap3A_212], %scan3A_141#7 {strides = array<i32>} : memref<256xf32, #tpu.memory_space<vmem>>, vector<16xf32>,
    %mul3A_214 = arith.constant 2 : i32
    %mul3A_215 = arith.muli %add3A, %mul3A_214 : i32
    %mul3A_216 = arith.constant 128 : i32
    %mul3A_217 = arith.muli %mul3A_215, %mul3A_216 : i32
    "tpu.region"() ({
      %run_scoped3A = tpu.sem_alloc : memref<!tpu.dma_semaphore, #tpu.memory_space<semaphore_mem>>
      %dma_start3A_222 = tpu.memref_slice %arg5[%mul3A_217] : memref<8192xf32, #tpu.memory_space<hbm>> -> memref<256xf32, #tpu.memory_space<hbm>>
      %dma_start3A_223 = tpu.memref_slice %arg5[%mul3A_217] : memref<8192xf32, #tpu.memory_space<hbm>> -> memref<256xf32, #tpu.memory_space<hbm>>
      tpu.enqueue_dma source(%arg12 : memref<256xf32, #tpu.memory_space<vmem>>) target(%dma_start3A_223 : memref<256xf32, #tpu.memory_space<hbm>>) target_semaphore(%run_scoped3A : memref<!tpu.dma_semaphore, #tpu.memory_space<semaphore_mem>>)
      %dma_wait3A_224 = tpu.memref_slice %arg5[%mul3A_217] : memref<8192xf32, #tpu.memory_space<hbm>> -> memref<256xf32, #tpu.memory_space<hbm>>
      %dma_wait3A_225 = tpu.memref_slice %arg5[%mul3A_217] : memref<8192xf32, #tpu.memory_space<hbm>> -> memref<256xf32, #tpu.memory_space<hbm>>
      tpu.wait_dma2 semaphore(%run_scoped3A : memref<!tpu.dma_semaphore, #tpu.memory_space<semaphore_mem>>) src(%arg12 : memref<256xf32, #tpu.memory_space<vmem>>) dst(%dma_wait3A_225 : memref<256xf32, #tpu.memory_space<hbm>>)
      tpu.yield
    }) : () -> ()
    %mul3A_218 = arith.constant 128 : i32
    %mul3A_219 = arith.muli %add3A, %mul3A_218 : i32
    %mul3A_220 = arith.constant 32 : i32
    %mul3A_221 = arith.muli %mul3A_219, %mul3A_220 : i32
    "tpu.region"() ({
      %run_scoped3A = tpu.sem_alloc : memref<!tpu.dma_semaphore, #tpu.memory_space<semaphore_mem>>
      %dma_start3A_222 = tpu.memref_slice %arg6[%mul3A_221] : memref<131072xf32, #tpu.memory_space<hbm>> -> memref<4096xf32, #tpu.memory_space<hbm>>
      %dma_start3A_223 = tpu.memref_slice %arg6[%mul3A_221] : memref<131072xf32, #tpu.memory_space<hbm>> -> memref<4096xf32, #tpu.memory_space<hbm>>
      tpu.enqueue_dma source(%arg11 : memref<4096xf32, #tpu.memory_space<vmem>>) target(%dma_start3A_223 : memref<4096xf32, #tpu.memory_space<hbm>>) target_semaphore(%run_scoped3A : memref<!tpu.dma_semaphore, #tpu.memory_space<semaphore_mem>>)
      %dma_wait3A_224 = tpu.memref_slice %arg6[%mul3A_221] : memref<131072xf32, #tpu.memory_space<hbm>> -> memref<4096xf32, #tpu.memory_space<hbm>>
      %dma_wait3A_225 = tpu.memref_slice %arg6[%mul3A_221] : memref<131072xf32, #tpu.memory_space<hbm>> -> memref<4096xf32, #tpu.memory_space<hbm>>
      tpu.wait_dma2 semaphore(%run_scoped3A : memref<!tpu.dma_semaphore, #tpu.memory_space<semaphore_mem>>) src(%arg11 : memref<4096xf32, #tpu.memory_space<vmem>>) dst(%dma_wait3A_225 : memref<4096xf32, #tpu.memory_space<hbm>>)
      tpu.yield
    }) : () -> ()
    return
  }
}

module attributes {stable_mosaic.version = 14 : i64} {
  func.func @_combine_body(%arg0: memref<1024x4xf32, #tpu.memory_space<vmem>>, %arg1: memref<1024x4xf32, #tpu.memory_space<vmem>>, %arg2: memref<4096x32xf32, #tpu.memory_space<vmem>>, %arg3: memref<1024x21xi32, #tpu.memory_space<vmem>>, %arg4: memref<1x1xf32, #tpu.memory_space<vmem>>) attributes {dimension_semantics = [], scalar_prefetch = 0 : i64, scratch_operands = 0 : i64, tpu.core_type = #tpu.core_type<tc>} {
    %get3A = arith.constant 0 : index
    %get3A_0 = arith.constant 0 : index
    %get3A_1 = vector.load %arg0[%get3A, %get3A_0] : memref<1024x4xf32, #tpu.memory_space<vmem>>, vector<1024x4xf32>
    %get3A_2 = arith.constant 0 : index
    %get3A_3 = arith.constant 0 : index
    %get3A_4 = vector.load %arg1[%get3A_2, %get3A_3] : memref<1024x4xf32, #tpu.memory_space<vmem>>, vector<1024x4xf32>
    %reduce_max3A = arith.constant dense<0xFF800000> : vector<1024xf32>
    %reduce_max3A_5 = vector.multi_reduction <maximumf>, %get3A_1, %reduce_max3A [1] : vector<1024x4xf32> to vector<1024xf32>
    %broadcast_in_dim3A = vector.shape_cast %reduce_max3A_5 : vector<1024xf32> to vector<1024x1xf32>
    %sub3A = vector.broadcast %broadcast_in_dim3A : vector<1024x1xf32> to vector<1024x4xf32>
    %sub3A_6 = arith.subf %get3A_1, %sub3A : vector<1024x4xf32>
    %exp3A = math.exp %sub3A_6 : vector<1024x4xf32>
    %mul3A = arith.mulf %get3A_4, %exp3A : vector<1024x4xf32>
    %reduce_sum3A = arith.constant dense<0.000000e+00> : vector<1024xf32>
    %reduce_sum3A_7 = vector.multi_reduction <add>, %mul3A, %reduce_sum3A [1] : vector<1024x4xf32> to vector<1024xf32>
    %broadcast_in_dim3A_8 = vector.shape_cast %reduce_sum3A_7 : vector<1024xf32> to vector<1024x1xf32>
    %get3A_9 = arith.constant 0 : index
    %get3A_10 = arith.constant 0 : index
    %get3A_11 = vector.load %arg2[%get3A_9, %get3A_10] : memref<4096x32xf32, #tpu.memory_space<vmem>>, vector<4096x32xf32>
    %slice3A = vector.extract_strided_slice %get3A_11 {offsets = [0, 0], sizes = [1024, 32], strides = [1, 1]} : vector<4096x32xf32> to vector<1024x32xf32>
    %slice3A_12 = vector.extract_strided_slice %get3A_11 {offsets = [1024, 0], sizes = [1024, 32], strides = [1, 1]} : vector<4096x32xf32> to vector<1024x32xf32>
    %add3A = arith.addf %slice3A, %slice3A_12 : vector<1024x32xf32>
    %slice3A_13 = vector.extract_strided_slice %get3A_11 {offsets = [2048, 0], sizes = [1024, 32], strides = [1, 1]} : vector<4096x32xf32> to vector<1024x32xf32>
    %add3A_14 = arith.addf %add3A, %slice3A_13 : vector<1024x32xf32>
    %slice3A_15 = vector.extract_strided_slice %get3A_11 {offsets = [3072, 0], sizes = [1024, 32], strides = [1, 1]} : vector<4096x32xf32> to vector<1024x32xf32>
    %add3A_16 = arith.addf %add3A_14, %slice3A_15 : vector<1024x32xf32>
    %get3A_17 = arith.constant 0 : index
    %get3A_18 = arith.constant 0 : index
    %get3A_19 = vector.load %arg3[%get3A_17, %get3A_18] : memref<1024x21xi32, #tpu.memory_space<vmem>>, vector<1024x21xi32>
    %slice3A_20 = vector.extract_strided_slice %add3A_16 {offsets = [0, 0], sizes = [1024, 21], strides = [1, 1]} : vector<1024x32xf32> to vector<1024x21xf32>
    %iota3A = tpu.iota {dimensions = array<i32: 1>} : vector<1024x21xi32>
    %log3A = math.log %broadcast_in_dim3A_8 : vector<1024x1xf32>
    %add3A_21 = arith.addf %broadcast_in_dim3A, %log3A : vector<1024x1xf32>
    %eq3A = arith.constant 0 : i32
    %eq3A_22 = vector.broadcast %eq3A : i32 to vector<1024x21xi32>
    %eq3A_23 = arith.cmpi eq, %iota3A, %eq3A_22 : vector<1024x21xi32>
    %jit3A = arith.constant 0.000000e+00 : f32
    %broadcast_in_dim3A_24 = vector.broadcast %jit3A : f32 to vector<1024x21xf32>
    %select_n3A = arith.select %eq3A_23, %slice3A_20, %broadcast_in_dim3A_24 : vector<1024x21xi1>, vector<1024x21xf32>
    %reduce_sum3A_25 = arith.constant dense<0.000000e+00> : vector<1024xf32>
    %reduce_sum3A_26 = vector.multi_reduction <add>, %select_n3A, %reduce_sum3A_25 [1] : vector<1024x21xf32> to vector<1024xf32>
    %broadcast_in_dim3A_27 = vector.shape_cast %reduce_sum3A_26 : vector<1024xf32> to vector<1024x1xf32>
    %sub3A_28 = arith.subf %add3A_21, %broadcast_in_dim3A_27 : vector<1024x1xf32>
    %reduce_sum3A_29 = vector.shape_cast %sub3A_28 : vector<1024x1xf32> to vector<1x1024x1xf32>
    %reduce_sum3A_30 = arith.constant dense<0.000000e+00> : vector<1xf32>
    %reduce_sum3A_31 = vector.multi_reduction <add>, %reduce_sum3A_29, %reduce_sum3A_30 [1, 2] : vector<1x1024x1xf32> to vector<1xf32>
    %reduce_sum3A_32 = vector.shape_cast %reduce_sum3A_31 : vector<1xf32> to vector<1x1x1xf32>
    %reduce_sum3A_33 = vector.extract %reduce_sum3A_32[0, 0, 0] : f32 from vector<1x1x1xf32>
    %ge3A = arith.constant 1 : i32
    %ge3A_34 = vector.broadcast %ge3A : i32 to vector<1024x21xi32>
    %ge3A_35 = arith.cmpi sge, %iota3A, %ge3A_34 : vector<1024x21xi32>
    %jit3A_36 = arith.constant 0x7F800000 : f32
    %broadcast_in_dim3A_37 = vector.broadcast %jit3A_36 : f32 to vector<1024x21xf32>
    %select_n3A_38 = arith.select %ge3A_35, %slice3A_20, %broadcast_in_dim3A_37 : vector<1024x21xi1>, vector<1024x21xf32>
    %reduce_min3A = arith.constant dense<0x7F800000> : vector<1024xf32>
    %reduce_min3A_39 = vector.multi_reduction <minimumf>, %select_n3A_38, %reduce_min3A [1] : vector<1024x21xf32> to vector<1024xf32>
    %broadcast_in_dim3A_40 = vector.shape_cast %reduce_min3A_39 : vector<1024xf32> to vector<1024x1xf32>
    %broadcast_in_dim3A_41 = arith.constant false
    %broadcast_in_dim3A_42 = vector.broadcast %broadcast_in_dim3A_41 : i1 to vector<1024x21xi1>
    %slice3A_43 = vector.extract_strided_slice %get3A_19 {offsets = [0, 0], sizes = [1024, 1], strides = [1, 1]} : vector<1024x21xi32> to vector<1024x1xi32>
    %eq3A_44 = vector.broadcast %slice3A_43 : vector<1024x1xi32> to vector<1024x21xi32>
    %eq3A_45 = arith.cmpi eq, %get3A_19, %eq3A_44 : vector<1024x21xi32>
    %gt3A = arith.constant 0 : i32
    %gt3A_46 = vector.broadcast %gt3A : i32 to vector<1024x21xi32>
    %gt3A_47 = arith.cmpi sgt, %iota3A, %gt3A_46 : vector<1024x21xi32>
    %and3A = arith.andi %eq3A_45, %gt3A_47 : vector<1024x21xi1>
    %or3A = arith.ori %broadcast_in_dim3A_42, %and3A : vector<1024x21xi1>
    %slice3A_48 = vector.extract_strided_slice %get3A_19 {offsets = [0, 1], sizes = [1024, 1], strides = [1, 1]} : vector<1024x21xi32> to vector<1024x1xi32>
    %eq3A_49 = vector.broadcast %slice3A_48 : vector<1024x1xi32> to vector<1024x21xi32>
    %eq3A_50 = arith.cmpi eq, %get3A_19, %eq3A_49 : vector<1024x21xi32>
    %gt3A_51 = arith.constant 1 : i32
    %gt3A_52 = vector.broadcast %gt3A_51 : i32 to vector<1024x21xi32>
    %gt3A_53 = arith.cmpi sgt, %iota3A, %gt3A_52 : vector<1024x21xi32>
    %and3A_54 = arith.andi %eq3A_50, %gt3A_53 : vector<1024x21xi1>
    %or3A_55 = arith.ori %or3A, %and3A_54 : vector<1024x21xi1>
    %slice3A_56 = vector.extract_strided_slice %get3A_19 {offsets = [0, 2], sizes = [1024, 1], strides = [1, 1]} : vector<1024x21xi32> to vector<1024x1xi32>
    %eq3A_57 = vector.broadcast %slice3A_56 : vector<1024x1xi32> to vector<1024x21xi32>
    %eq3A_58 = arith.cmpi eq, %get3A_19, %eq3A_57 : vector<1024x21xi32>
    %gt3A_59 = arith.constant 2 : i32
    %gt3A_60 = vector.broadcast %gt3A_59 : i32 to vector<1024x21xi32>
    %gt3A_61 = arith.cmpi sgt, %iota3A, %gt3A_60 : vector<1024x21xi32>
    %and3A_62 = arith.andi %eq3A_58, %gt3A_61 : vector<1024x21xi1>
    %or3A_63 = arith.ori %or3A_55, %and3A_62 : vector<1024x21xi1>
    %slice3A_64 = vector.extract_strided_slice %get3A_19 {offsets = [0, 3], sizes = [1024, 1], strides = [1, 1]} : vector<1024x21xi32> to vector<1024x1xi32>
    %eq3A_65 = vector.broadcast %slice3A_64 : vector<1024x1xi32> to vector<1024x21xi32>
    %eq3A_66 = arith.cmpi eq, %get3A_19, %eq3A_65 : vector<1024x21xi32>
    %gt3A_67 = arith.constant 3 : i32
    %gt3A_68 = vector.broadcast %gt3A_67 : i32 to vector<1024x21xi32>
    %gt3A_69 = arith.cmpi sgt, %iota3A, %gt3A_68 : vector<1024x21xi32>
    %and3A_70 = arith.andi %eq3A_66, %gt3A_69 : vector<1024x21xi1>
    %or3A_71 = arith.ori %or3A_63, %and3A_70 : vector<1024x21xi1>
    %slice3A_72 = vector.extract_strided_slice %get3A_19 {offsets = [0, 4], sizes = [1024, 1], strides = [1, 1]} : vector<1024x21xi32> to vector<1024x1xi32>
    %eq3A_73 = vector.broadcast %slice3A_72 : vector<1024x1xi32> to vector<1024x21xi32>
    %eq3A_74 = arith.cmpi eq, %get3A_19, %eq3A_73 : vector<1024x21xi32>
    %gt3A_75 = arith.constant 4 : i32
    %gt3A_76 = vector.broadcast %gt3A_75 : i32 to vector<1024x21xi32>
    %gt3A_77 = arith.cmpi sgt, %iota3A, %gt3A_76 : vector<1024x21xi32>
    %and3A_78 = arith.andi %eq3A_74, %gt3A_77 : vector<1024x21xi1>
    %or3A_79 = arith.ori %or3A_71, %and3A_78 : vector<1024x21xi1>
    %slice3A_80 = vector.extract_strided_slice %get3A_19 {offsets = [0, 5], sizes = [1024, 1], strides = [1, 1]} : vector<1024x21xi32> to vector<1024x1xi32>
    %eq3A_81 = vector.broadcast %slice3A_80 : vector<1024x1xi32> to vector<1024x21xi32>
    %eq3A_82 = arith.cmpi eq, %get3A_19, %eq3A_81 : vector<1024x21xi32>
    %gt3A_83 = arith.constant 5 : i32
    %gt3A_84 = vector.broadcast %gt3A_83 : i32 to vector<1024x21xi32>
    %gt3A_85 = arith.cmpi sgt, %iota3A, %gt3A_84 : vector<1024x21xi32>
    %and3A_86 = arith.andi %eq3A_82, %gt3A_85 : vector<1024x21xi1>
    %or3A_87 = arith.ori %or3A_79, %and3A_86 : vector<1024x21xi1>
    %slice3A_88 = vector.extract_strided_slice %get3A_19 {offsets = [0, 6], sizes = [1024, 1], strides = [1, 1]} : vector<1024x21xi32> to vector<1024x1xi32>
    %eq3A_89 = vector.broadcast %slice3A_88 : vector<1024x1xi32> to vector<1024x21xi32>
    %eq3A_90 = arith.cmpi eq, %get3A_19, %eq3A_89 : vector<1024x21xi32>
    %gt3A_91 = arith.constant 6 : i32
    %gt3A_92 = vector.broadcast %gt3A_91 : i32 to vector<1024x21xi32>
    %gt3A_93 = arith.cmpi sgt, %iota3A, %gt3A_92 : vector<1024x21xi32>
    %and3A_94 = arith.andi %eq3A_90, %gt3A_93 : vector<1024x21xi1>
    %or3A_95 = arith.ori %or3A_87, %and3A_94 : vector<1024x21xi1>
    %slice3A_96 = vector.extract_strided_slice %get3A_19 {offsets = [0, 7], sizes = [1024, 1], strides = [1, 1]} : vector<1024x21xi32> to vector<1024x1xi32>
    %eq3A_97 = vector.broadcast %slice3A_96 : vector<1024x1xi32> to vector<1024x21xi32>
    %eq3A_98 = arith.cmpi eq, %get3A_19, %eq3A_97 : vector<1024x21xi32>
    %gt3A_99 = arith.constant 7 : i32
    %gt3A_100 = vector.broadcast %gt3A_99 : i32 to vector<1024x21xi32>
    %gt3A_101 = arith.cmpi sgt, %iota3A, %gt3A_100 : vector<1024x21xi32>
    %and3A_102 = arith.andi %eq3A_98, %gt3A_101 : vector<1024x21xi1>
    %or3A_103 = arith.ori %or3A_95, %and3A_102 : vector<1024x21xi1>
    %slice3A_104 = vector.extract_strided_slice %get3A_19 {offsets = [0, 8], sizes = [1024, 1], strides = [1, 1]} : vector<1024x21xi32> to vector<1024x1xi32>
    %eq3A_105 = vector.broadcast %slice3A_104 : vector<1024x1xi32> to vector<1024x21xi32>
    %eq3A_106 = arith.cmpi eq, %get3A_19, %eq3A_105 : vector<1024x21xi32>
    %gt3A_107 = arith.constant 8 : i32
    %gt3A_108 = vector.broadcast %gt3A_107 : i32 to vector<1024x21xi32>
    %gt3A_109 = arith.cmpi sgt, %iota3A, %gt3A_108 : vector<1024x21xi32>
    %and3A_110 = arith.andi %eq3A_106, %gt3A_109 : vector<1024x21xi1>
    %or3A_111 = arith.ori %or3A_103, %and3A_110 : vector<1024x21xi1>
    %slice3A_112 = vector.extract_strided_slice %get3A_19 {offsets = [0, 9], sizes = [1024, 1], strides = [1, 1]} : vector<1024x21xi32> to vector<1024x1xi32>
    %eq3A_113 = vector.broadcast %slice3A_112 : vector<1024x1xi32> to vector<1024x21xi32>
    %eq3A_114 = arith.cmpi eq, %get3A_19, %eq3A_113 : vector<1024x21xi32>
    %gt3A_115 = arith.constant 9 : i32
    %gt3A_116 = vector.broadcast %gt3A_115 : i32 to vector<1024x21xi32>
    %gt3A_117 = arith.cmpi sgt, %iota3A, %gt3A_116 : vector<1024x21xi32>
    %and3A_118 = arith.andi %eq3A_114, %gt3A_117 : vector<1024x21xi1>
    %or3A_119 = arith.ori %or3A_111, %and3A_118 : vector<1024x21xi1>
    %slice3A_120 = vector.extract_strided_slice %get3A_19 {offsets = [0, 10], sizes = [1024, 1], strides = [1, 1]} : vector<1024x21xi32> to vector<1024x1xi32>
    %eq3A_121 = vector.broadcast %slice3A_120 : vector<1024x1xi32> to vector<1024x21xi32>
    %eq3A_122 = arith.cmpi eq, %get3A_19, %eq3A_121 : vector<1024x21xi32>
    %gt3A_123 = arith.constant 10 : i32
    %gt3A_124 = vector.broadcast %gt3A_123 : i32 to vector<1024x21xi32>
    %gt3A_125 = arith.cmpi sgt, %iota3A, %gt3A_124 : vector<1024x21xi32>
    %and3A_126 = arith.andi %eq3A_122, %gt3A_125 : vector<1024x21xi1>
    %or3A_127 = arith.ori %or3A_119, %and3A_126 : vector<1024x21xi1>
    %slice3A_128 = vector.extract_strided_slice %get3A_19 {offsets = [0, 11], sizes = [1024, 1], strides = [1, 1]} : vector<1024x21xi32> to vector<1024x1xi32>
    %eq3A_129 = vector.broadcast %slice3A_128 : vector<1024x1xi32> to vector<1024x21xi32>
    %eq3A_130 = arith.cmpi eq, %get3A_19, %eq3A_129 : vector<1024x21xi32>
    %gt3A_131 = arith.constant 11 : i32
    %gt3A_132 = vector.broadcast %gt3A_131 : i32 to vector<1024x21xi32>
    %gt3A_133 = arith.cmpi sgt, %iota3A, %gt3A_132 : vector<1024x21xi32>
    %and3A_134 = arith.andi %eq3A_130, %gt3A_133 : vector<1024x21xi1>
    %or3A_135 = arith.ori %or3A_127, %and3A_134 : vector<1024x21xi1>
    %slice3A_136 = vector.extract_strided_slice %get3A_19 {offsets = [0, 12], sizes = [1024, 1], strides = [1, 1]} : vector<1024x21xi32> to vector<1024x1xi32>
    %eq3A_137 = vector.broadcast %slice3A_136 : vector<1024x1xi32> to vector<1024x21xi32>
    %eq3A_138 = arith.cmpi eq, %get3A_19, %eq3A_137 : vector<1024x21xi32>
    %gt3A_139 = arith.constant 12 : i32
    %gt3A_140 = vector.broadcast %gt3A_139 : i32 to vector<1024x21xi32>
    %gt3A_141 = arith.cmpi sgt, %iota3A, %gt3A_140 : vector<1024x21xi32>
    %and3A_142 = arith.andi %eq3A_138, %gt3A_141 : vector<1024x21xi1>
    %or3A_143 = arith.ori %or3A_135, %and3A_142 : vector<1024x21xi1>
    %slice3A_144 = vector.extract_strided_slice %get3A_19 {offsets = [0, 13], sizes = [1024, 1], strides = [1, 1]} : vector<1024x21xi32> to vector<1024x1xi32>
    %eq3A_145 = vector.broadcast %slice3A_144 : vector<1024x1xi32> to vector<1024x21xi32>
    %eq3A_146 = arith.cmpi eq, %get3A_19, %eq3A_145 : vector<1024x21xi32>
    %gt3A_147 = arith.constant 13 : i32
    %gt3A_148 = vector.broadcast %gt3A_147 : i32 to vector<1024x21xi32>
    %gt3A_149 = arith.cmpi sgt, %iota3A, %gt3A_148 : vector<1024x21xi32>
    %and3A_150 = arith.andi %eq3A_146, %gt3A_149 : vector<1024x21xi1>
    %or3A_151 = arith.ori %or3A_143, %and3A_150 : vector<1024x21xi1>
    %slice3A_152 = vector.extract_strided_slice %get3A_19 {offsets = [0, 14], sizes = [1024, 1], strides = [1, 1]} : vector<1024x21xi32> to vector<1024x1xi32>
    %eq3A_153 = vector.broadcast %slice3A_152 : vector<1024x1xi32> to vector<1024x21xi32>
    %eq3A_154 = arith.cmpi eq, %get3A_19, %eq3A_153 : vector<1024x21xi32>
    %gt3A_155 = arith.constant 14 : i32
    %gt3A_156 = vector.broadcast %gt3A_155 : i32 to vector<1024x21xi32>
    %gt3A_157 = arith.cmpi sgt, %iota3A, %gt3A_156 : vector<1024x21xi32>
    %and3A_158 = arith.andi %eq3A_154, %gt3A_157 : vector<1024x21xi1>
    %or3A_159 = arith.ori %or3A_151, %and3A_158 : vector<1024x21xi1>
    %slice3A_160 = vector.extract_strided_slice %get3A_19 {offsets = [0, 15], sizes = [1024, 1], strides = [1, 1]} : vector<1024x21xi32> to vector<1024x1xi32>
    %eq3A_161 = vector.broadcast %slice3A_160 : vector<1024x1xi32> to vector<1024x21xi32>
    %eq3A_162 = arith.cmpi eq, %get3A_19, %eq3A_161 : vector<1024x21xi32>
    %gt3A_163 = arith.constant 15 : i32
    %gt3A_164 = vector.broadcast %gt3A_163 : i32 to vector<1024x21xi32>
    %gt3A_165 = arith.cmpi sgt, %iota3A, %gt3A_164 : vector<1024x21xi32>
    %and3A_166 = arith.andi %eq3A_162, %gt3A_165 : vector<1024x21xi1>
    %or3A_167 = arith.ori %or3A_159, %and3A_166 : vector<1024x21xi1>
    %slice3A_168 = vector.extract_strided_slice %get3A_19 {offsets = [0, 16], sizes = [1024, 1], strides = [1, 1]} : vector<1024x21xi32> to vector<1024x1xi32>
    %eq3A_169 = vector.broadcast %slice3A_168 : vector<1024x1xi32> to vector<1024x21xi32>
    %eq3A_170 = arith.cmpi eq, %get3A_19, %eq3A_169 : vector<1024x21xi32>
    %gt3A_171 = arith.constant 16 : i32
    %gt3A_172 = vector.broadcast %gt3A_171 : i32 to vector<1024x21xi32>
    %gt3A_173 = arith.cmpi sgt, %iota3A, %gt3A_172 : vector<1024x21xi32>
    %and3A_174 = arith.andi %eq3A_170, %gt3A_173 : vector<1024x21xi1>
    %or3A_175 = arith.ori %or3A_167, %and3A_174 : vector<1024x21xi1>
    %slice3A_176 = vector.extract_strided_slice %get3A_19 {offsets = [0, 17], sizes = [1024, 1], strides = [1, 1]} : vector<1024x21xi32> to vector<1024x1xi32>
    %eq3A_177 = vector.broadcast %slice3A_176 : vector<1024x1xi32> to vector<1024x21xi32>
    %eq3A_178 = arith.cmpi eq, %get3A_19, %eq3A_177 : vector<1024x21xi32>
    %gt3A_179 = arith.constant 17 : i32
    %gt3A_180 = vector.broadcast %gt3A_179 : i32 to vector<1024x21xi32>
    %gt3A_181 = arith.cmpi sgt, %iota3A, %gt3A_180 : vector<1024x21xi32>
    %and3A_182 = arith.andi %eq3A_178, %gt3A_181 : vector<1024x21xi1>
    %or3A_183 = arith.ori %or3A_175, %and3A_182 : vector<1024x21xi1>
    %slice3A_184 = vector.extract_strided_slice %get3A_19 {offsets = [0, 18], sizes = [1024, 1], strides = [1, 1]} : vector<1024x21xi32> to vector<1024x1xi32>
    %eq3A_185 = vector.broadcast %slice3A_184 : vector<1024x1xi32> to vector<1024x21xi32>
    %eq3A_186 = arith.cmpi eq, %get3A_19, %eq3A_185 : vector<1024x21xi32>
    %gt3A_187 = arith.constant 18 : i32
    %gt3A_188 = vector.broadcast %gt3A_187 : i32 to vector<1024x21xi32>
    %gt3A_189 = arith.cmpi sgt, %iota3A, %gt3A_188 : vector<1024x21xi32>
    %and3A_190 = arith.andi %eq3A_186, %gt3A_189 : vector<1024x21xi1>
    %or3A_191 = arith.ori %or3A_183, %and3A_190 : vector<1024x21xi1>
    %slice3A_192 = vector.extract_strided_slice %get3A_19 {offsets = [0, 19], sizes = [1024, 1], strides = [1, 1]} : vector<1024x21xi32> to vector<1024x1xi32>
    %eq3A_193 = vector.broadcast %slice3A_192 : vector<1024x1xi32> to vector<1024x21xi32>
    %eq3A_194 = arith.cmpi eq, %get3A_19, %eq3A_193 : vector<1024x21xi32>
    %gt3A_195 = arith.constant 19 : i32
    %gt3A_196 = vector.broadcast %gt3A_195 : i32 to vector<1024x21xi32>
    %gt3A_197 = arith.cmpi sgt, %iota3A, %gt3A_196 : vector<1024x21xi32>
    %and3A_198 = arith.andi %eq3A_194, %gt3A_197 : vector<1024x21xi1>
    %or3A_199 = arith.ori %or3A_191, %and3A_198 : vector<1024x21xi1>
    %not3A = arith.constant dense<true> : vector<1024x21xi1>
    %not3A_200 = arith.xori %or3A_199, %not3A : vector<1024x21xi1>
    %sub3A_201 = vector.broadcast %broadcast_in_dim3A : vector<1024x1xf32> to vector<1024x21xf32>
    %sub3A_202 = arith.subf %slice3A_20, %sub3A_201 : vector<1024x21xf32>
    %exp3A_203 = math.exp %sub3A_202 : vector<1024x21xf32>
    %jit3A_204 = arith.constant 0.000000e+00 : f32
    %broadcast_in_dim3A_205 = vector.broadcast %jit3A_204 : f32 to vector<1024x21xf32>
    %select_n3A_206 = arith.select %not3A_200, %exp3A_203, %broadcast_in_dim3A_205 : vector<1024x21xi1>, vector<1024x21xf32>
    %reduce_sum3A_207 = arith.constant dense<0.000000e+00> : vector<1024xf32>
    %reduce_sum3A_208 = vector.multi_reduction <add>, %select_n3A_206, %reduce_sum3A_207 [1] : vector<1024x21xf32> to vector<1024xf32>
    %broadcast_in_dim3A_209 = vector.shape_cast %reduce_sum3A_208 : vector<1024xf32> to vector<1024x1xf32>
    %sub3A_210 = arith.subf %broadcast_in_dim3A_8, %broadcast_in_dim3A_209 : vector<1024x1xf32>
    %sub3A_211 = arith.subf %broadcast_in_dim3A_40, %broadcast_in_dim3A : vector<1024x1xf32>
    %exp3A_212 = math.exp %sub3A_211 : vector<1024x1xf32>
    %add3A_213 = arith.addf %sub3A_210, %exp3A_212 : vector<1024x1xf32>
    %log3A_214 = math.log %add3A_213 : vector<1024x1xf32>
    %add3A_215 = arith.addf %broadcast_in_dim3A, %log3A_214 : vector<1024x1xf32>
    %sub3A_216 = arith.subf %add3A_215, %broadcast_in_dim3A_40 : vector<1024x1xf32>
    %reduce_sum3A_217 = vector.shape_cast %sub3A_216 : vector<1024x1xf32> to vector<1x1024x1xf32>
    %reduce_sum3A_218 = arith.constant dense<0.000000e+00> : vector<1xf32>
    %reduce_sum3A_219 = vector.multi_reduction <add>, %reduce_sum3A_217, %reduce_sum3A_218 [1, 2] : vector<1x1024x1xf32> to vector<1xf32>
    %reduce_sum3A_220 = vector.shape_cast %reduce_sum3A_219 : vector<1xf32> to vector<1x1x1xf32>
    %reduce_sum3A_221 = vector.extract %reduce_sum3A_220[0, 0, 0] : f32 from vector<1x1x1xf32>
    %div3A = arith.constant 1.024000e+03 : f32
    %div3A_222 = arith.divf %reduce_sum3A_33, %div3A : f32
    %mul3A_223 = arith.constant 2.000000e-01 : f32
    %mul3A_224 = arith.mulf %mul3A_223, %reduce_sum3A_221 : f32
    %div3A_225 = arith.constant 1.024000e+03 : f32
    %div3A_226 = arith.divf %mul3A_224, %div3A_225 : f32
    %add3A_227 = arith.addf %div3A_222, %div3A_226 : f32
    %broadcast_in_dim3A_228 = vector.broadcast %add3A_227 : f32 to vector<1x1xf32>
    %swap3A = arith.constant 0 : index
    %swap3A_229 = arith.constant 0 : index
    %swap3A_230 = vector.load %arg4[%swap3A, %swap3A_229] : memref<1x1xf32, #tpu.memory_space<vmem>>, vector<1x1xf32>
    tpu.vector_store %arg4[%swap3A, %swap3A_229], %broadcast_in_dim3A_228 {strides = array<i32>} : memref<1x1xf32, #tpu.memory_space<vmem>>, vector<1x1xf32>,
    return
  }
}

</mosaic_0001>

<sc_bundles>
// kernel: gather_offload_async_start
scs
__scs_entry_jumppad:
0x0: {  	(pc) =	sbr.rel $0x88, $3  }
0x1: {  	(tag) =	ssettag $0x0;
	lr =	simm.s32 $0x1  }
0x2: {  	[smem:$0x3F9F] =	sst lr;
	_ =	strace $0xD0000000  }
0x3: {  	_ = 	snop  }
0x4: {  	_ = 	snop  }
0x5: {  	_ = 	snop  }
0x6: {  	_ = 	snop  }
0x7: {  	_ = 	snop  }
__scs_overlays_trampoline_lowered:
0x8: {  	[smem:$0x3FAE] =	sst s0  }
0x9: {  	[smem:$0x3FAF] =	sst s1  }
0xa: {  	[smem:$0x3FB0] =	sst s2  }
0xb: {  	[smem:$0x3FB1] =	sst s3  }
0xc: {  	[smem:$0x3FB2] =	sst s4  }
0xd: {  	[smem:$0x3FB3] =	sst s5  }
0xe: {  	[smem:$0x3FB4] =	sst s6  }
0xf: {  	[smem:$0x3FB5] =	sst s7  }
0x10: {  	[smem:$0x3FB6] =	sst s8  }
0x11: {  	[smem:$0x3FB7] =	sst s9;
	s0 =	simm.s32 @!p0 $0x0  }
0x12: {  	s1 =	sld [smem:$0x3F9D];
	s0 =	simm.s32 @p0 $0x1  }
0x13: {  	[smem:$0x3FB8] =	sst s0;
	s0 =	simm.s32 @!p1 $0x0  }
0x14: {  	s2 =	sld [smem:$0x3F9C];
	s0 =	simm.s32 @p1 $0x1  }
0x15: {  	[smem:$0x3FB9] =	sst s0;
	s0 =	simm.s32 @!p2 $0x0  }
0x16: {  	s3 =	sld [smem:$0x3FDB];
	s0 =	simm.s32 @p2 $0x1  }
0x17: {  	s4 =	simm.s32 $0x1BF5;
	[smem:$0x3FBB] =	sst s0  }
0x18: {  	s0 =	sld [smem:$0x3F9E];
	_ =	swait.ge [sflag:s4], $0x0  }
0x19: {  	s7 =	sld [smem:$0x3F9F]  }
0x1a: {  	s8 =	sadd.s32 $0xFFFFE003, lr  }
0x1b: {  	s9 =	sadd.s32 $0xFFFFFEF7, lr;
	s5 =	simm.s32 $0xFFFFFFFF;
	p2 =	slt.u32 s8, $0xFFFFF086  }
0x1c: {  	p1 =	slt.u32 s9, $0xF7A;
	s5 =	simm.s32 @!p2 $0x0  }
0x1d: {  	s5 =	simm.s32 @p1 $0x1;
	p0 =	seq.s32 s7, s2  }
0x1e: {  	s7 =	smul.u32 @!p0 $0xF7A, s2;
	p2 =	seq.s32 @!p0 s5, $0x0  }
0x1f: {  	s9 =	smul.u32 $0xF7A, s1;
	s8 =	simm.s32 @!p0 $0x1BF5;
	p2 =	por !p2, p0  }
0x20: {  	[sflag:s8] =	ssyncset.s32 @!p0 $0xFFFFF086;
	s6 =	sadd.s32 @!p0 s3, s7;
	s7 =	simm.s32 @!p0 $0x108  }
0x21: {  	s3 =	sadd.s32 s3, s9;
	s6 =	sadd.s32 @!p0 $0x88, s6;
	s7 =	simm.s32 @p2 $0x1082  }
0x22: {  	[simem:s7], [sflag:s8] =	dma.local @!p0 [hbm:s6], $0xF7A  }
0x23: {  	s9 =	sor.u32 $0xD0000000, s2;
	s6 =	simm.s32 $0x108;
	_ =	swait.ge @!p0 [sflag:s8], $0x0  }
0x24: {  	s3 =	sadd.s32 $0x88, s3;
	s6 =	simm.s32 @!p1 $0x1082;
	[sflag:s4] =	ssyncset.s32 $0xFFFFF086  }
0x25: {  	[simem:s6], [sflag:s4] =	dma.local [hbm:s3], $0xF7A  }
0x26: {  	[smem:$0x3F9F] =	sst s1;
	(tag) =	ssettag s2;
	_ =	strace s9  }
0x27: {  	s1 =	sld [smem:$0x3FAF]  }
0x28: {  	s2 =	sld [smem:$0x3FB0]  }
0x29: {  	s4 =	sld [smem:$0x3FB2]  }
0x2a: {  	p0 =	seq.s32 s5, $0x0;
	s5 =	sld [smem:$0x3FB3]  }
0x2b: {  	s6 =	sld [smem:$0x3FB4]  }
0x2c: {  	s7 =	sld [smem:$0x3FB5]  }
0x2d: {  	s3 =	simm.s32 $0x108;
	s8 =	sld [smem:$0x3FB6]  }
0x2e: {  	s3 =	simm.s32 @!p0 $0x1082;
	s9 =	sld [smem:$0x3FB7]  }
0x2f: {  	lr =	sadd.s32 s0, s3;
	s0 =	sld [smem:$0x3FAE]  }
0x30: {  	s3 =	sld [smem:$0x3FB1]  }
0x31: {  	[smem:$0x3FBA] =	sst s10  }
0x32: {  	s10 =	sld [smem:$0x3FB8];
	_ =	sdelay $0x3  }
0x33: {  	p0 =	seq.s32 s10, $0x1;
	s10 =	sld [smem:$0x3FBA];
	_ =	sdelay $0x3  }
0x34: {  	[smem:$0x3FBA] =	sst s10  }
0x35: {  	s10 =	sld [smem:$0x3FB9];
	_ =	sdelay $0x3  }
0x36: {  	p1 =	seq.s32 s10, $0x1;
	s10 =	sld [smem:$0x3FBA];
	_ =	sdelay $0x3  }
0x37: {  	[smem:$0x3FBA] =	sst s10  }
0x38: {  	s10 =	sld [smem:$0x3FBB]  }
0x39: {  	_ = 	snop;
	(pc) =	sbr.ind lr, $3  }
0x3a: {  	_ = 	snop  }
0x3b: {  	_ = 	snop  }
0x3c: {  	p2 =	seq.s32 s10, $0x1;
	s10 =	sld [smem:$0x3FBA]  }
0x3d: {  	_ =	shalt  }
0x3e: {  	_ =	shalt  }
0x3f: {  	_ =	shalt  }
0x40: {  	_ =	shalt  }
0x41: {  	_ =	shalt  }
0x42: {  	_ =	shalt  }
0x43: {  	_ =	shalt  }
0x44: {  	_ =	shalt  }
0x45: {  	_ =	shalt  }
0x46: {  	_ =	shalt  }
0x47: {  	_ =	shalt  }
0x48: {  	_ =	shalt  }
0x49: {  	_ =	shalt  }
0x4a: {  	_ =	shalt  }
0x4b: {  	_ =	shalt  }
0x4c: {  	_ =	shalt  }
0x4d: {  	_ =	shalt  }
0x4e: {  	_ =	shalt  }
0x4f: {  	_ =	shalt  }
0x50: {  	_ =	shalt  }
0x51: {  	_ =	shalt  }
0x52: {  	_ =	shalt  }
0x53: {  	_ =	shalt  }
0x54: {  	_ =	shalt  }
0x55: {  	_ =	shalt  }
0x56: {  	_ =	shalt  }
0x57: {  	_ =	shalt  }
0x58: {  	_ =	shalt  }
0x59: {  	_ =	shalt  }
0x5a: {  	_ =	shalt  }
0x5b: {  	_ =	shalt  }
0x5c: {  	_ =	shalt  }
0x5d: {  	_ =	shalt  }
0x5e: {  	_ =	shalt  }
0x5f: {  	_ =	shalt  }
0x60: {  	_ =	shalt  }
0x61: {  	_ =	shalt  }
0x62: {  	_ =	shalt  }
0x63: {  	_ =	shalt  }
0x64: {  	_ =	shalt  }
0x65: {  	_ =	shalt  }
0x66: {  	_ =	shalt  }
0x67: {  	_ =	shalt  }
0x68: {  	_ =	shalt  }
0x69: {  	_ =	shalt  }
0x6a: {  	_ =	shalt  }
0x6b: {  	_ =	shalt  }
0x6c: {  	_ =	shalt  }
0x6d: {  	_ =	shalt  }
0x6e: {  	_ =	shalt  }
0x6f: {  	_ =	shalt  }
0x70: {  	_ =	shalt  }
0x71: {  	_ =	shalt  }
0x72: {  	_ =	shalt  }
0x73: {  	_ =	shalt  }
0x74: {  	_ =	shalt  }
0x75: {  	_ =	shalt  }
0x76: {  	_ =	shalt  }
0x77: {  	_ =	shalt  }
0x78: {  	_ =	shalt  }
0x79: {  	_ =	shalt  }
0x7a: {  	_ =	shalt  }
0x7b: {  	_ =	shalt  }
0x7c: {  	_ =	shalt  }
0x7d: {  	_ =	shalt  }
0x7e: {  	_ =	shalt  }
0x7f: {  	_ =	shalt  }
0x80: {  	_ =	shalt  }
0x81: {  	_ =	shalt  }
0x82: {  	_ =	shalt  }
0x83: {  	_ =	shalt  }
0x84: {  	_ =	shalt  }
0x85: {  	_ =	shalt  }
0x86: {  	_ =	shalt  }
0x87: {  	_ =	shalt  }
.Lfunc_end0:
.L_simem_size_0:
called_computation.1_lowered:
.L_overlay_start_0:
0x88: {  	s2 =	sld [smem:$0x3FD9]  }
0x89: {  	s3 =	sld [smem:$0x3FFE];
	_ =	sdelay $0x1  }
0x8a: {  	s1 =	srdreg.scid  }
0x8b: {  	s0 =	sand.u32 $0x1, s1  }
0x8c: {  	s16 =	sshll.u32 s0, $0xA;
	s2 =	sadd.s32 s3, s2  }
0x8d: {  	s2 =	sadd.s32 s2, s16  }
0x8e: {  	[smem:$0x3FC6] =	sst s2  }
0x8f: {  	_ = 	snop  }
0x90: {  	(tm) =	ssettm $0x1  }
0x91: {  	s17 =	sld [smem:$0x3FFB];
	_ =	sdelay $0x3  }
0x92: {  	_ =	strace s17  }
0x93: {  	s2 =	sld [smem:$0x3FFC];
	_ =	sdelay $0x3  }
0x94: {  	_ =	strace s2  }
0x95: {  	s2 =	sld [smem:$0x3FFD];
	_ =	sdelay $0x3  }
0x96: {  	_ =	strace s2  }
0x97: {  	_ =	strace $0x8FFFFFFF  }
0x98: {  	s18 =	sld [smem:$0x3FDB];
	_ =	sdelay $0x1  }
0x99: {  	s19 =	simm.s32 $_scs_section_size  }
0x9a: {  	s4 =	simm.s32 $_size__tile_overlayer_lowered;
	s5 =	simm.s32 $_tile_overlayer_lowered  }
0x9b: {  	s22 =	simm.s32 $0x1BFF;
	s21 =	sshll.u32 s5, $0x1;
	s2 =	sadd.s32 s19, s18  }
0x9c: {  	s6 =	simm.s32 $0x0;
	s20 =	sshll.u32 s4, $0x1;
	s4 =	sadd.s32 s21, s2  }
0x9d: {  	[timem:s6], [sflag:s22] =	dma.local [hbm:s4], s20  }
0x9e: {  	_ =	swait.ge [sflag:s22], s20  }
0x9f: {  	s3 =	ssub.s32 $0x0, s20;
	[sflag:s22] =	ssyncset.done $0x0  }
0xa0: {  	[sflag:s22] =	ssyncadd.s32 s3;
	_ =	sdelay $0x1  }
0xa1: {  	s23 =	simm.s32 $0x1B8B  }
0xa2: {  	_ =	swait.ge [sflag:s23], $0x1  }
0xa3: {  	[sflag:s23] =	ssyncset.done $0x0  }
0xa4: {  	s25 =	simm.s32 $0x1B8E;
	s24 =	sld [smem:$0x3FFE];
	[sflag:s23] =	ssyncadd.s32 $0xFFFFFFFF  }
0xa5: {  	s26 =	simm.s32 $execute0_lowered;
	[smem:$0x3FD2] =	sst s25  }
0xa6: {  	s4 =	sshll.u32 s26, $0x1;
	_ =	strace $0x80000049;
	[dreg:$0x1] =	wrdreg $0xFFFFFFFF  }
0xa7: {  	s28 =	simm.s32 $_size_execute0_lowered;
	s2 =	sadd.s32 s2, s4;
	[dreg:$0x0] =	wrdreg $0x0  }
0xa8: {  	s4 =	sshll.u32 s28, $0x1;
	[dreg:$0x2] =	wrdreg s2  }
0xa9: {  	[dreg:$0x3] =	wrdreg s4  }
0xaa: {  	[dreg:$0x4] =	wrdreg $0xC0  }
0xab: {  	_ =	task [dreg:s6], $0x5FFFF  }
0xac: {  	[dreg:$0x1] =	wrdreg $0xFFFFFFFF  }
0xad: {  	[dreg:$0x0] =	wrdreg $0x60  }
0xae: {  	[dreg:$0x2] =	wrdreg s24  }
0xaf: {  	[dreg:$0x3] =	wrdreg $0x9  }
0xb0: {  	_ =	task.clear_ibuf [dreg:s6], $0x4FFFF;
	_ =	strace $0x90000049  }
0xb1: {  	s29 =	simm.s32 $0x9;
	_ =	strace $0x8000004B  }
0xb2: {  	_ =	swait.ge [sflag:s29], $0x1  }
0xb3: {  	[sflag:s29] =	ssyncadd.s32 $0xFFFFFFFF  }
0xb4: {  	_ =	strace $0x9000004B  }
0xb5: {  	_ =	sfence  }
0xb6: {  	s30 =	sld [smem:$0x0];
	_ =	sdelay $0x2  }
0xb7: {  	s31 =	sshll.u32 s1, $0xD;
	s1 =	sshrl.u32 s1, $0x2  }
0xb8: {  	s3 =	sand.u32 $0x4000, s31;
	s1 =	sadd.s32 s1, s30  }
0xb9: {  	s0 =	sor.u32 s3, s0;
	s1 =	sshll.u32 s1, $0x11  }
0xba: {  	s0 =	sor.u32 s1, s0  }
0xbb: {  	s0 =	sadd.s32 $0x8F2B, s0  }
0xbc: {  	[sflag:s0] =	ssyncadd.remote.s32 $0x1  }
0xbd: {  	_ =	sfence.sel $0xFFFF  }
0xbe: {  	[dreg:$0x0] =	wrdreg $0xFFFFFFFF;
	(pc) =	sbr.abs _section_cstart, $3  }
0xbf: {  	[dreg:$0x1] =	wrdreg $0xFFFFFFFF  }
0xc0: {  	_ =	task.clear_ibuf [dreg:s6], $0x2FFFF;
	_ =	strace $0x9FFFFFFF  }
0xc1: {  	(tm) =	ssettm $0x7FFFFFFF  }
tec
execute0_lowered:
.L_overlay_start_1:
0x0: {  	(tag) =	ssettag $0x1  }
0x1: {  	s0 =	srdreg.scid;
	s5 =	rddreg [dreg:$0x0]  }
0x2: {  	s1 =	stileid.u32;
	s6 =	simm.s32 $0x1;
	s9 =	simm.s32 $0x1  }
0x3: {  	s10 =	simm.s32 $0x3;
	s13 =	simm.s32 $0x0;
	s2 =	sshll.u32 s0, $0x6  }
0x4: {  	s12 =	simm.s32 $0x0;
	s3 =	sshll.u32 s1, $0x7;
	s2 =	sand.u32 $0x40, s2  }
0x5: {  	s0 =	rddreg [dreg:$0x1];
	_ =	strace $0x8000004A;
	s2 =	sor.u32 s3, s2  }
0x6: {  	s4 =	sadd.s32 $0xE00, s5;
	[sflag:s6] =	ssyncpa.u1 $0x0;
	s8 =	ssub.s32 $0x1000, s2  }
.Ltmp0:
0x7: {  	s3 =	sadd.s32 $0x200, s5;
	s7 =	sand.u32 $0x7C0, s8;
	(pc) =	sbr.rel .LBB2_1-.Ltmp0, $4  }
0x8: {  	s5 =	sadd.s32 $0x400, s5;
	s11 =	smov.u32 s2;
	p0 =	sne.s32 s7, $0x0  }
0x9: {  	s8 =	sshrl.u32 s8, $0xB;
	s7 =	simm.s32 $0x2;
	s9 =	simm.s32 @!p0 $0x0  }
0xa: {  	[sflag:s7] =	ssyncpa.u1 $0x0;
	p0 =	por $0x0, $0x0;
	s8 =	sadd.s32 s9, s8  }
0xb: {  	vm0 =	vmmov $0xffff;
	[sflag:s10] =	ssyncpa.u1 $0x0;
	s10 =	simm.s32 $0x0;
	s9 =	sadd.s32 $0x1, s8  }
.LBB2_4:
0xc: {  	v2 =	vnsel vm1, $0x0, v2  }
0xd: {  	vm1 =	vgt.s32 v0, $0x0;
	v2 =	vmin.u32 v2, $0xFA0  }
0xe: {  	v0 =	vnsel vm1, $0x0, v0  }
0xf: {  	v0 =	vmin.u32 v0, $0xFA0  }
0x10: {  	[tilespmem:s15], [sflag:$0x1] =	stream.indirect_vreg.gather [hbm4b:s3+s10], $0x1, v1, vm0, $0x4038;
	[tilespmem:$0x100] =	vst v63  }
0x11: {  	(ifvalue) =	ssetifvalue $0x7FFFFFFF  }
0x12: {  	[tilespmem:s16], [sflag:$0x1] =	stream.indirect_vreg.gather [hbm4b:s3+s10], $0x1, v2, vm0, $0x4038;
	[tilespmem:$0x100] =	vst v63  }
0x13: {  	s29 =	sadd.s32 $0x10, s16;
	(ifvalue) =	ssetifvalue $0x7FFFFFFF  }
0x14: {  	[tilespmem:s29], [sflag:$0x1] =	stream.indirect_vreg.gather [hbm4b:s3+s10], $0x1, v0, vm0, $0x4038;
	[tilespmem:$0x100] =	vst v63  }
0x15: {  	_ =	swait.ge [sflag:s6], $0x40  }
0x16: {  	s30 =	sshrl.u32 s13, $0x3;
	[sflag:s6] =	ssyncset.done $0x0  }
0x17: {  	s31 =	sand.u32 $0x7, s13;
	s15 =	sadd.s32 s5, s30;
	[sflag:s6] =	ssyncadd.s32 $0xFFFFFFC0  }
0x18: {  	[hbm4b:s15+s31] =	stream.linear.scatter [tilespmem:s14], [sflag:$0x3], $0x40, $0x38;
	[tilespmem:$0x100] =	vst v63  }
.LBB2_5:
0x19: {  	s15 =	sadd.s32 $0x800, s11  }
0x1a: {  	p2 =	sgt.s32 s15, $0xFFF  }
0x1b: {  	s15 =	smov.u32 @p2 s2;
	p2 =	sne.s32 s12, s9  }
.Ltmp1:
0x1c: {  	p1 =	slt.u32 s12, $0x2;
	(pc) =	sbr.rel @!p2 .LBB2_6-.Ltmp1, $4  }
0x1d: {  	s14 =	simm.s32 @!p1 $0x3  }
0x1e: {  	s16 =	sadd.s32 $0x1, s12;
	_ =	swait.ge @!p1 [sflag:s14], $0x40  }
0x1f: {  	s13 =	smov.u32 s11;
	p0 =	por !p0, !p0;
	[sflag:s14] =	ssyncset.done @!p1 $0x0  }
0x20: {  	s12 =	smov.u32 s16;
	s11 =	smov.u32 s15;
	[sflag:s14] =	ssyncadd.s32 @!p1 $0xFFFFFFC0  }
.LBB2_1:
0x21: {  	p1 =	sge.u32 s12, s8  }
0x22: {  	s14 =	sxor.u32 @!p1 $0xFFFFFFFF, s12  }
0x23: {  	s31 =	sadd.s32 $0xFFFFFFFF, s12;
	s15 =	sshrl.u32 @!p1 s11, $0x3;
	s14 =	sshll.u32 @!p1 s14, $0x6  }
0x24: {  	s16 =	sand.u32 @!p1 $0x7, s11;
	s15 =	sadd.s32 @!p1 s4, s15;
	s14 =	sand.u32 @!p1 $0x40, s14  }
0x25: {  	[tilespmem:s14], [sflag:$0x2] =	stream.linear.gather @!p1 [hbm4b:s15+s16], $0x40, $0x38;
	[tilespmem:$0x100] =	vst v63  }
0x26: {  	p1 =	sge.u32 s31, s8  }
.Ltmp2:
0x27: {  	_ = 	snop;
	(pc) =	sbr.rel @p1 .LBB2_5-.Ltmp2, $1  }
0x28: {  	_ =	sdelay $0x3  }
0x29: {  	s14 =	simm.s32 $0x1  }
0x2a: {  	_ =	swait.ge [sflag:s7], $0x40;
	s14 =	simm.s32 @!p0 $0x0  }
0x2b: {  	[sflag:s7] =	ssyncset.done $0x0;
	s14 =	sshll.u32 s14, $0x6  }
0x2c: {  	[sflag:s7] =	ssyncadd.s32 $0xFFFFFFC0;
	(ifvalue) =	ssetifvalue $0x7FFFFFFF;
	v0 =	vld.msk [tilespmem:s14+$0x0 ss:$0x1], $0xffff;
	_ =	sdelay $0x4  }
0x2d: {  	s15 =	sadd.s32 $0x10, s14;
	vm1 =	vgt.s32 v0, $0x0  }
0x2e: {  	v2 =	vld.msk [tilespmem:s15+$0x0 ss:$0x1], $0xffff;
	v1 =	vnsel vm1, $0x0, v0  }
0x2f: {  	v1 =	vmin.u32 v1, $0xFA0;
	_ =	sdelay $0x1  }
0x30: {  	s16 =	sshll.u32 s12, $0x6;
	s18 =	simm.s32 $0x20  }
0x31: {  	s16 =	sand.u32 $0x40, s16;
	s17 =	sadd.s32 $0x10, s15;
	s15 =	sor.u32 $0x80, s14  }
0x32: {  	s14 =	sor.u32 $0x80, s16;
	s16 =	sadd.s32 $0x10, s15;
	v0 =	vld.msk [tilespmem:s17+$0x0 ss:$0x1], $0xffff;
	vm1 =	vgt.s32 v2, $0x0;
	(ifvalue) =	ssetifvalue $0x7FFFFFFF  }
.LBB2_3:
0x33: {  	[tilespmem:s15], [sflag:$0x1] =	stream.indirect_vreg.gather [hbm4b:s3+s10], $0x1, v1, vm0, $0x4038;
	[tilespmem:$0x100] =	vst v63  }
0x34: {  	s18 =	sadd.s32 $0x10, s18  }
0x35: {  	v2 =	vnsel vm1, $0x0, v2;
	p1 =	slt.u32 s18, $0x30  }
.Ltmp3:
0x36: {  	s15 =	smov.u32 s16;
	v1 =	vmin.u32 v2, $0xFA0;
	(pc) =	sbr.rel @p1 .LBB2_3-.Ltmp3, $3  }
0x37: {  	_ =	sdelay $0x1  }
0x38: {  	s17 =	sadd.s32 $0x10, s17  }
0x39: {  	vm1 =	vgt.s32 v0, $0x0;
	s16 =	sadd.s32 $0x10, s16;
	v2 =	vmov v0;
	(ifvalue) =	ssetifvalue $0x7FFFFFFF;
	v0 =	vld.msk [tilespmem:s17+$0x0 ss:$0x1], $0xffff  }
.Ltmp4:
0x3a: {  	_ = 	snop;
	(pc) =	sbr.rel .LBB2_4-.Ltmp4, $1  }
0x3b: {  	_ =	sdelay $0x3  }
.LBB2_6:
0x3c: {  	_ =	sfence.sel $0x180000  }
0x3d: {  	s2 =	simm.s32 $0x2;
	[bflag:$0x0] =	sbarrier.arrive $0xFFFF  }
0x3e: {  	s30 =	simm.s32 $0x3;
	[sflag:s2] =	ssyncpa.u1 $0x1  }
0x3f: {  	s31 =	simm.s32 $0x1;
	[sflag:s30] =	ssyncpa.u1 $0x1  }
0x40: {  	[sflag:s31] =	ssyncpa.u1 $0x1  }
0x41: {  	p0 =	sne.s32 s1, $0x0;
	_ =	strace $0x9000004A  }
0x42: {  	s0 =	sadd.s32 @!p0 $0x100000, s0;
	[bflag:$0x2] =	sbarrier.arrive $0xFFFF  }
0x43: {  	[sflag:s0] =	ssyncadd.tile.s32 @!p0 $0x1;
	_ =	shalt  }
.Lfunc_end2:
_tile_overlayer_lowered:
.L_overlay_start_2:
0x44: {  	(tag) =	ssettag $0x2  }
0x45: {  	s0 =	rddreg [dreg:$0x0];
	s2 =	stileid.u32  }
0x46: {  	s1 =	rddreg [dreg:$0x1];
	p0 =	sne.s32 s2, $0x0  }
0x47: {  	s3 =	rddreg [dreg:$0x2];
	[bflag:$0x3] =	sbarrier.arrive $0xFFFF;
	s2 =	simm.s32 @!p0 $0x1C01  }
0x48: {  	[timem:s3], [sflag:s2] =	dma.local @!p0 [hbm:s0], s1  }
0x49: {  	s0 =	simm.s32 @!p0 $0x1  }
0x4a: {  	_ =	swait.ge @!p0 [sflag:s0], s1  }
0x4b: {  	s1 =	ssub.s32 @!p0 $0x0, s1;
	[sflag:s0] =	ssyncset.done @!p0 $0x0  }
0x4c: {  	[sflag:s0] =	ssyncadd.s32 @!p0 s1  }
0x4d: {  	[bflag:$0x3] =	sbarrier.arrive $0xFFFF  }
0x4e: {  	_ =	shalt  }

// kernel: kernel.4.cloned.1.call-start
scs
__scs_entry_jumppad:
0x0: {  	(pc) =	sbr.rel $0x88, $3  }
0x1: {  	(tag) =	ssettag $0x0;
	lr =	simm.s32 $0x1  }
0x2: {  	[smem:$0x3F9F] =	sst lr;
	_ =	strace $0xD0000000  }
0x3: {  	_ = 	snop  }
0x4: {  	_ = 	snop  }
0x5: {  	_ = 	snop  }
0x6: {  	_ = 	snop  }
0x7: {  	_ = 	snop  }
__scs_overlays_trampoline_lowered:
0x8: {  	[smem:$0x3FAE] =	sst s0  }
0x9: {  	[smem:$0x3FAF] =	sst s1  }
0xa: {  	[smem:$0x3FB0] =	sst s2  }
0xb: {  	[smem:$0x3FB1] =	sst s3  }
0xc: {  	[smem:$0x3FB2] =	sst s4  }
0xd: {  	[smem:$0x3FB3] =	sst s5  }
0xe: {  	[smem:$0x3FB4] =	sst s6  }
0xf: {  	[smem:$0x3FB5] =	sst s7  }
0x10: {  	[smem:$0x3FB6] =	sst s8  }
0x11: {  	[smem:$0x3FB7] =	sst s9;
	s0 =	simm.s32 @!p0 $0x0  }
0x12: {  	s1 =	sld [smem:$0x3F9D];
	s0 =	simm.s32 @p0 $0x1  }
0x13: {  	[smem:$0x3FB8] =	sst s0;
	s0 =	simm.s32 @!p1 $0x0  }
0x14: {  	s2 =	sld [smem:$0x3F9C];
	s0 =	simm.s32 @p1 $0x1  }
0x15: {  	[smem:$0x3FB9] =	sst s0;
	s0 =	simm.s32 @!p2 $0x0  }
0x16: {  	s3 =	sld [smem:$0x3FDB];
	s0 =	simm.s32 @p2 $0x1  }
0x17: {  	s4 =	simm.s32 $0x1BF5;
	[smem:$0x3FBB] =	sst s0  }
0x18: {  	s0 =	sld [smem:$0x3F9E];
	_ =	swait.ge [sflag:s4], $0x0  }
0x19: {  	s7 =	sld [smem:$0x3F9F]  }
0x1a: {  	s8 =	sadd.s32 $0xFFFFE003, lr  }
0x1b: {  	s9 =	sadd.s32 $0xFFFFFEF7, lr;
	s5 =	simm.s32 $0xFFFFFFFF;
	p2 =	slt.u32 s8, $0xFFFFF086  }
0x1c: {  	p1 =	slt.u32 s9, $0xF7A;
	s5 =	simm.s32 @!p2 $0x0  }
0x1d: {  	s5 =	simm.s32 @p1 $0x1;
	p0 =	seq.s32 s7, s2  }
0x1e: {  	s7 =	smul.u32 @!p0 $0xF7A, s2;
	p2 =	seq.s32 @!p0 s5, $0x0  }
0x1f: {  	s9 =	smul.u32 $0xF7A, s1;
	s8 =	simm.s32 @!p0 $0x1BF5;
	p2 =	por !p2, p0  }
0x20: {  	[sflag:s8] =	ssyncset.s32 @!p0 $0xFFFFF086;
	s6 =	sadd.s32 @!p0 s3, s7;
	s7 =	simm.s32 @!p0 $0x108  }
0x21: {  	s3 =	sadd.s32 s3, s9;
	s6 =	sadd.s32 @!p0 $0x88, s6;
	s7 =	simm.s32 @p2 $0x1082  }
0x22: {  	[simem:s7], [sflag:s8] =	dma.local @!p0 [hbm:s6], $0xF7A  }
0x23: {  	s9 =	sor.u32 $0xD0000000, s2;
	s6 =	simm.s32 $0x108;
	_ =	swait.ge @!p0 [sflag:s8], $0x0  }
0x24: {  	s3 =	sadd.s32 $0x88, s3;
	s6 =	simm.s32 @!p1 $0x1082;
	[sflag:s4] =	ssyncset.s32 $0xFFFFF086  }
0x25: {  	[simem:s6], [sflag:s4] =	dma.local [hbm:s3], $0xF7A  }
0x26: {  	[smem:$0x3F9F] =	sst s1;
	(tag) =	ssettag s2;
	_ =	strace s9  }
0x27: {  	s1 =	sld [smem:$0x3FAF]  }
0x28: {  	s2 =	sld [smem:$0x3FB0]  }
0x29: {  	s4 =	sld [smem:$0x3FB2]  }
0x2a: {  	p0 =	seq.s32 s5, $0x0;
	s5 =	sld [smem:$0x3FB3]  }
0x2b: {  	s6 =	sld [smem:$0x3FB4]  }
0x2c: {  	s7 =	sld [smem:$0x3FB5]  }
0x2d: {  	s3 =	simm.s32 $0x108;
	s8 =	sld [smem:$0x3FB6]  }
0x2e: {  	s3 =	simm.s32 @!p0 $0x1082;
	s9 =	sld [smem:$0x3FB7]  }
0x2f: {  	lr =	sadd.s32 s0, s3;
	s0 =	sld [smem:$0x3FAE]  }
0x30: {  	s3 =	sld [smem:$0x3FB1]  }
0x31: {  	[smem:$0x3FBA] =	sst s10  }
0x32: {  	s10 =	sld [smem:$0x3FB8];
	_ =	sdelay $0x3  }
0x33: {  	p0 =	seq.s32 s10, $0x1;
	s10 =	sld [smem:$0x3FBA];
	_ =	sdelay $0x3  }
0x34: {  	[smem:$0x3FBA] =	sst s10  }
0x35: {  	s10 =	sld [smem:$0x3FB9];
	_ =	sdelay $0x3  }
0x36: {  	p1 =	seq.s32 s10, $0x1;
	s10 =	sld [smem:$0x3FBA];
	_ =	sdelay $0x3  }
0x37: {  	[smem:$0x3FBA] =	sst s10  }
0x38: {  	s10 =	sld [smem:$0x3FBB]  }
0x39: {  	_ = 	snop;
	(pc) =	sbr.ind lr, $3  }
0x3a: {  	_ = 	snop  }
0x3b: {  	_ = 	snop  }
0x3c: {  	p2 =	seq.s32 s10, $0x1;
	s10 =	sld [smem:$0x3FBA]  }
0x3d: {  	_ =	shalt  }
0x3e: {  	_ =	shalt  }
0x3f: {  	_ =	shalt  }
0x40: {  	_ =	shalt  }
0x41: {  	_ =	shalt  }
0x42: {  	_ =	shalt  }
0x43: {  	_ =	shalt  }
0x44: {  	_ =	shalt  }
0x45: {  	_ =	shalt  }
0x46: {  	_ =	shalt  }
0x47: {  	_ =	shalt  }
0x48: {  	_ =	shalt  }
0x49: {  	_ =	shalt  }
0x4a: {  	_ =	shalt  }
0x4b: {  	_ =	shalt  }
0x4c: {  	_ =	shalt  }
0x4d: {  	_ =	shalt  }
0x4e: {  	_ =	shalt  }
0x4f: {  	_ =	shalt  }
0x50: {  	_ =	shalt  }
0x51: {  	_ =	shalt  }
0x52: {  	_ =	shalt  }
0x53: {  	_ =	shalt  }
0x54: {  	_ =	shalt  }
0x55: {  	_ =	shalt  }
0x56: {  	_ =	shalt  }
0x57: {  	_ =	shalt  }
0x58: {  	_ =	shalt  }
0x59: {  	_ =	shalt  }
0x5a: {  	_ =	shalt  }
0x5b: {  	_ =	shalt  }
0x5c: {  	_ =	shalt  }
0x5d: {  	_ =	shalt  }
0x5e: {  	_ =	shalt  }
0x5f: {  	_ =	shalt  }
0x60: {  	_ =	shalt  }
0x61: {  	_ =	shalt  }
0x62: {  	_ =	shalt  }
0x63: {  	_ =	shalt  }
0x64: {  	_ =	shalt  }
0x65: {  	_ =	shalt  }
0x66: {  	_ =	shalt  }
0x67: {  	_ =	shalt  }
0x68: {  	_ =	shalt  }
0x69: {  	_ =	shalt  }
0x6a: {  	_ =	shalt  }
0x6b: {  	_ =	shalt  }
0x6c: {  	_ =	shalt  }
0x6d: {  	_ =	shalt  }
0x6e: {  	_ =	shalt  }
0x6f: {  	_ =	shalt  }
0x70: {  	_ =	shalt  }
0x71: {  	_ =	shalt  }
0x72: {  	_ =	shalt  }
0x73: {  	_ =	shalt  }
0x74: {  	_ =	shalt  }
0x75: {  	_ =	shalt  }
0x76: {  	_ =	shalt  }
0x77: {  	_ =	shalt  }
0x78: {  	_ =	shalt  }
0x79: {  	_ =	shalt  }
0x7a: {  	_ =	shalt  }
0x7b: {  	_ =	shalt  }
0x7c: {  	_ =	shalt  }
0x7d: {  	_ =	shalt  }
0x7e: {  	_ =	shalt  }
0x7f: {  	_ =	shalt  }
0x80: {  	_ =	shalt  }
0x81: {  	_ =	shalt  }
0x82: {  	_ =	shalt  }
0x83: {  	_ =	shalt  }
0x84: {  	_ =	shalt  }
0x85: {  	_ =	shalt  }
0x86: {  	_ =	shalt  }
0x87: {  	_ =	shalt  }
.Lfunc_end0:
.L_simem_size_0:
called_computation.2_lowered:
.L_overlay_start_0:
0x88: {  	s2 =	sld [smem:$0x3FD9]  }
0x89: {  	s3 =	sld [smem:$0x3FFE];
	_ =	sdelay $0x1  }
0x8a: {  	s1 =	srdreg.scid  }
0x8b: {  	s0 =	sand.u32 $0x1, s1  }
0x8c: {  	s17 =	sshll.u32 s0, $0xA;
	s2 =	sadd.s32 s3, s2  }
0x8d: {  	s2 =	sadd.s32 s2, s17  }
0x8e: {  	[smem:$0x3FC6] =	sst s2  }
0x8f: {  	_ = 	snop  }
0x90: {  	s2 =	sld [smem:$0x3FC9];
	(tm) =	ssettm $0x1  }
0x91: {  	s18 =	sld [smem:$0x3FFB];
	_ =	sdelay $0x3  }
0x92: {  	_ =	strace s18  }
0x93: {  	s3 =	sld [smem:$0x3FFC];
	_ =	sdelay $0x3  }
0x94: {  	_ =	strace s3  }
0x95: {  	s3 =	sld [smem:$0x3FFD];
	_ =	sdelay $0x3  }
0x96: {  	_ =	strace s3  }
0x97: {  	_ =	strace $0x8FFFFFFF  }
0x98: {  	s19 =	sld [smem:$0x3FDB];
	_ =	sdelay $0x1  }
0x99: {  	s4 =	simm.s32 $_scs_section_size  }
0x9a: {  	s5 =	simm.s32 $_size__tile_overlayer_lowered;
	s6 =	simm.s32 $_tile_overlayer_lowered  }
0x9b: {  	s22 =	simm.s32 $0x1BFF;
	s21 =	sshll.u32 s6, $0x1;
	s3 =	sadd.s32 s4, s19  }
0x9c: {  	s7 =	simm.s32 $0x0;
	s20 =	sshll.u32 s5, $0x1;
	s5 =	sadd.s32 s21, s3  }
0x9d: {  	[timem:s7], [sflag:s22] =	dma.local [hbm:s5], s20  }
0x9e: {  	_ =	swait.ge [sflag:s22], s20  }
0x9f: {  	s4 =	ssub.s32 $0x0, s20;
	[sflag:s22] =	ssyncset.done $0x0  }
0xa0: {  	[sflag:s22] =	ssyncadd.s32 s4;
	_ =	sdelay $0x1  }
0xa1: {  	s23 =	simm.s32 $0x1B8B  }
0xa2: {  	_ =	swait.ge [sflag:s23], $0x1  }
0xa3: {  	[sflag:s23] =	ssyncset.done $0x0  }
0xa4: {  	s25 =	simm.s32 $0x1B8E;
	s24 =	sld [smem:$0x3FFE];
	[sflag:s23] =	ssyncadd.s32 $0xFFFFFFFF  }
0xa5: {  	s26 =	simm.s32 $execute0_lowered;
	[smem:$0x3FD2] =	sst s25  }
0xa6: {  	s5 =	sshll.u32 s26, $0x1;
	_ =	strace $0x8000004C;
	[dreg:$0x1] =	wrdreg $0xFFFFFFFF  }
0xa7: {  	s28 =	simm.s32 $_size_execute0_lowered;
	s3 =	sadd.s32 s3, s5;
	[dreg:$0x0] =	wrdreg $0x0  }
0xa8: {  	s5 =	sshll.u32 s28, $0x1;
	[dreg:$0x2] =	wrdreg s3  }
0xa9: {  	[dreg:$0x3] =	wrdreg s5  }
0xaa: {  	[dreg:$0x4] =	wrdreg $0xC0  }
0xab: {  	_ =	task [dreg:s7], $0x5FFFF  }
0xac: {  	[dreg:$0x1] =	wrdreg $0xFFFFFFFF  }
0xad: {  	[dreg:$0x0] =	wrdreg $0x60  }
0xae: {  	[dreg:$0x2] =	wrdreg s2  }
0xaf: {  	[dreg:$0x3] =	wrdreg s24  }
0xb0: {  	[dreg:$0x4] =	wrdreg $0x9  }
0xb1: {  	_ =	task.clear_ibuf [dreg:s7], $0x5FFFF;
	_ =	strace $0x9000004C  }
0xb2: {  	s29 =	simm.s32 $0x9;
	_ =	strace $0x8000004E  }
0xb3: {  	_ =	swait.ge [sflag:s29], $0x1  }
0xb4: {  	[sflag:s29] =	ssyncadd.s32 $0xFFFFFFFF  }
0xb5: {  	_ =	strace $0x9000004E  }
0xb6: {  	_ =	sfence  }
0xb7: {  	s30 =	sld [smem:$0x0];
	_ =	sdelay $0x2  }
0xb8: {  	s31 =	sshll.u32 s1, $0xD;
	s1 =	sshrl.u32 s1, $0x2  }
0xb9: {  	s3 =	sand.u32 $0x4000, s31;
	s1 =	sadd.s32 s1, s30  }
0xba: {  	s0 =	sor.u32 s3, s0;
	s1 =	sshll.u32 s1, $0x11  }
0xbb: {  	s0 =	sor.u32 s1, s0  }
0xbc: {  	s0 =	sadd.s32 $0x8F2B, s0  }
0xbd: {  	[sflag:s0] =	ssyncadd.remote.s32 $0x1  }
0xbe: {  	_ =	sfence.sel $0xFFFF  }
0xbf: {  	[dreg:$0x0] =	wrdreg $0xFFFFFFFF;
	(pc) =	sbr.abs _section_cstart, $3  }
0xc0: {  	[dreg:$0x1] =	wrdreg $0xFFFFFFFF  }
0xc1: {  	_ =	task.clear_ibuf [dreg:s7], $0x2FFFF;
	_ =	strace $0x9FFFFFFF  }
0xc2: {  	(tm) =	ssettm $0x7FFFFFFF  }
0xc3: {  	_ =	shalt  }
tec
execute0_lowered:
.L_overlay_start_1:
0x0: {  	(tag) =	ssettag $0x1  }
0x1: {  	s1 =	rddreg [dreg:$0x0]  }
0x2: {  	s6 =	rddreg [dreg:$0x1];
	s3 =	simm.s32 $0x0;
	s4 =	srdreg.scid  }
0x3: {  	s0 =	stileid.u32;
	s15 =	simm.s32 $0x400;
	s16 =	simm.s32 $0x2000  }
0x4: {  	s17 =	simm.s32 $0x6400;
	s18 =	simm.s32 $0x1;
	s19 =	simm.s32 $0x2  }
0x5: {  	s20 =	simm.s32 $0x12C80;
	s21 =	simm.s32 $0x11C80;
	s22 =	simm.s32 $0x0  }
0x6: {  	[smem:$0x7FF] =	sst s3;
	s5 =	sand.u32 $0x1, s4;
	s29 =	sshll.u32 s0, $0x1  }
0x7: {  	s4 =	sadd.s32 $0x1E00, s6;
	s10 =	sshrl.u32 s0, $0x2;
	_ =	strace $0x8000004D  }
0x8: {  	s7 =	sor.u32 s5, s29;
	s11 =	ssub.s32 $0x2, s5;
	s12 =	smul.u32 $0x186A000, s10  }
0x9: {  	s8 =	sshll.u32 s7, $0x4;
	s9 =	sshll.u32 s7, $0x5;
	s30 =	sshll.u32 s7, $0xA  }
0xa: {  	s7 =	sshll.u32 s7, $0x9;
	s13 =	sshrl.u32 s11, $0x1;
	s8 =	sadd.s32 s8, s6  }
.Ltmp0:
0xb: {  	s9 =	sadd.s32 s9, s6;
	s5 =	sand.u32 $0x1C00, s30;
	(pc) =	sbr.rel .LBB2_1-.Ltmp0, $4  }
0xc: {  	s14 =	sadd.s32 s7, s6;
	s11 =	ssub.s32 s11, s13;
	s6 =	smul.u32 $0x61A8, s10  }
0xd: {  	s13 =	simm.s32 $0x3;
	s12 =	sor.u32 s12, s5;
	s7 =	sadd.s32 $0x200, s8  }
0xe: {  	v0 =	vimm.f32 $0.0e+00;
	s9 =	sadd.s32 $0x400, s9;
	s10 =	sadd.s32 $0x2A00, s14;
	s31 =	sshrl.u32 s12, $0x3  }
0xf: {  	v1 =	vlaneseq.u32;
	vm0 =	vcmask $0x2F34;
	vm1 =	vcmask $0x3338;
	s11 =	smax.u32 s11, $0x1;
	s14 =	simm.s32 $0x11C00;
	s8 =	sadd.s32 s1, s31  }
.LBB2_28:
0x10: {  	v18 =	vld [tilespmem:s26+$0x11C80];
	_ =	sdelay $0x1  }
0x11: {  	s0 =	ssub.s32 s25, s28;
	v19, _, _ =	vpop (xrf0)  }
0x12: {  	v20 =	vmov s0;
	v19 =	vbroadcast v19, $0xF  }
0x13: {  	vm2 =	veq.s32 v20, v1  }
0x14: {  	v18 =	vsel vm2, v19, v18  }
0x15: {  	[tilespmem:s26+$0x11C80] =	vst v18  }
.LBB2_29:
0x16: {  	[tilespmem:$0x12C80] =	vst v14  }
0x17: {  	[tilespmem:$0x12D00] =	vst v17  }
0x18: {  	[tilespmem:$0x12C90] =	vst v13  }
0x19: {  	[tilespmem:$0x12D10] =	vst v16  }
0x1a: {  	[tilespmem:$0x12CA0] =	vst v12  }
0x1b: {  	[tilespmem:$0x12D20] =	vst v4  }
0x1c: {  	[tilespmem:$0x12CB0] =	vst v11  }
0x1d: {  	[tilespmem:$0x12D30] =	vst v7  }
0x1e: {  	[tilespmem:$0x12CC0] =	vst v10  }
0x1f: {  	[tilespmem:$0x12D40] =	vst v6  }
0x20: {  	[tilespmem:$0x12CD0] =	vst v2  }
0x21: {  	[tilespmem:$0x12D50] =	vst v15  }
0x22: {  	[tilespmem:$0x12CE0] =	vst v9  }
0x23: {  	[tilespmem:$0x12D60] =	vst v3  }
0x24: {  	[tilespmem:$0x12CF0] =	vst v8  }
0x25: {  	[tilespmem:$0x12D70] =	vst v5  }
0x26: {  	[hbm4b:s9+s3] =	stream.linear.scatter [tilespmem:s20], [sflag:$0x3], $0x100, $0x38;
	[tilespmem:$0x12D80] =	vst v63  }
0x27: {  	s22 =	sadd.s32 $0x1, s22;
	_ =	swait.ge [sflag:s13], $0x100  }
0x28: {  	p0 =	sne.s32 s22, s11;
	[sflag:s13] =	ssyncset.done $0x0  }
.Ltmp1:
0x29: {  	[sflag:s13] =	ssyncadd.s32 $0xFFFFFF00;
	(pc) =	sbr.rel @!p0 .LBB2_30-.Ltmp1, $4  }
0x2a: {  	[hbm4b:s10+s3] =	stream.linear.scatter [tilespmem:s21], [sflag:$0x3], $0x1000, $0x38;
	[tilespmem:$0x12D80] =	vst v63  }
0x2b: {  	_ =	swait.ge [sflag:s13], $0x1000  }
0x2c: {  	[sflag:s13] =	ssyncset.done $0x0  }
0x2d: {  	[sflag:s13] =	ssyncadd.s32 $0xFFFFF000  }
.LBB2_1:
0x2e: {  	s0 =	simm.s32 $0xC800  }
0x2f: {  	[tilespmem:s0], [sflag:$0x3] =	stream.linear.gather [hbm4b:s4+s3], $0x5400, $0x38;
	[tilespmem:$0x12D80] =	vst v63  }
0x30: {  	_ =	swait.ge [sflag:s13], $0x5400  }
0x31: {  	[sflag:s13] =	ssyncset.done $0x0  }
0x32: {  	[sflag:s13] =	ssyncadd.s32 $0xFFFFAC00  }
0x33: {  	[tilespmem:s14], [sflag:$0x3] =	stream.linear.gather [hbm4b:s7+s3], $0x80, $0x38;
	[tilespmem:$0x12D80] =	vst v63  }
0x34: {  	_ =	swait.ge [sflag:s13], $0x80  }
0x35: {  	[sflag:s13] =	ssyncset.done $0x0  }
0x36: {  	s24 =	simm.s32 $0x80;
	s23 =	simm.s32 $0x0;
	[sflag:s13] =	ssyncadd.s32 $0xFFFFFF80  }
.LBB2_2:
0x37: {  	p0 =	sne.s32 s24, $0x3F80;
	[tilespmem:s23+$0x11C80] =	vst v0;
	s25 =	smov.u32 s24;
	s24 =	sadd.s32 $0x80, s24  }
.Ltmp2:
0x38: {  	[tilespmem:s23+$0x11C90] =	vst v0;
	(pc) =	sbr.rel @p0 .LBB2_2-.Ltmp2, $2  }
0x39: {  	_ =	sdelay $0x2  }
0x3a: {  	s23 =	sshra.s32 s25, $0x2  }
0x3b: {  	v2 =	vimm.f32 $-3.000000010e+38;
	v19 =	vimm.f32 $0.0e+00  }
.Ltmp3:
0x3c: {  	v21 =	vimm.f32 $0.0e+00;
	v23 =	vimm.f32 $0.0e+00;
	v20 =	vimm.f32 $0.0e+00;
	(pc) =	sbr.rel .LBB2_4-.Ltmp3, $4  }
0x3d: {  	v22 =	vimm.f32 $0.0e+00;
	v24 =	vimm.f32 $0.0e+00;
	v25 =	vimm.f32 $0.0e+00  }
0x3e: {  	[tilespmem:s23+$0x11C80] =	vst v0;
	v26 =	vimm.f32 $0.0e+00;
	v3 =	vimm.f32 $-3.000000010e+38;
	v4 =	vimm.f32 $-3.000000010e+38  }
0x3f: {  	[tilespmem:s23+$0x11C90] =	vst v0;
	s23 =	simm.s32 $0x0;
	v5 =	vimm.f32 $-3.000000010e+38;
	v6 =	vimm.f32 $-3.000000010e+38;
	v7 =	vimm.f32 $-3.000000010e+38  }
0x40: {  	v8 =	vimm.f32 $-3.000000010e+38;
	v9 =	vimm.f32 $-3.000000010e+38;
	v10 =	vimm.f32 $-3.000000010e+38;
	[tilespmem:s23], [sflag:$0x1] =	stream.strided.gather [hbm4b:s8+s15], $0x6400, s16, s15, $0x38;
	[tilespmem:$0x12D80] =	vst v63  }
.LBB2_19:
0x41: {  	v11 =	vld [tilespmem:s28+$0x11C80];
	_ =	sdelay $0x1  }
0x42: {  	s0 =	ssub.s32 s26, s29;
	v12, _, _ =	vpop (xrf0)  }
0x43: {  	v13 =	vmov s0;
	v12 =	vbroadcast v12, $0xF  }
0x44: {  	vm2 =	veq.s32 v13, v1  }
0x45: {  	v11 =	vsel vm2, v12, v11  }
0x46: {  	[tilespmem:s28+$0x11C80] =	vst v11  }
.LBB2_20:
0x47: {  	s23 =	sadd.s32 $0x1, s23  }
0x48: {  	p0 =	sne.s32 s23, $0x3E  }
.Ltmp4:
0x49: {  	_ = 	snop;
	(pc) =	sbr.rel @!p0 .LBB2_21-.Ltmp4, $1  }
0x4a: {  	_ =	sdelay $0x3  }
.LBB2_4:
0x4b: {  	s26 =	sshllo.u32 s23, $0x1  }
0x4c: {  	s24 =	smul.u32 $0xC8, s26;
	_ =	sdelay $0x1  }
0x4d: {  	s24 =	sadd.s32 s6, s24  }
0x4e: {  	s24 =	sshll.u32 s24, $0xA  }
0x4f: {  	s24 =	sor.u32 s5, s24  }
0x50: {  	s24 =	sshrl.u32 s24, $0x3  }
0x51: {  	s24 =	sadd.s32 s1, s24  }
0x52: {  	[tilespmem:s17], [sflag:$0x2] =	stream.strided.gather [hbm4b:s24+s15], $0x6400, s16, s15, $0x38;
	[tilespmem:$0x12D80] =	vst v63  }
0x53: {  	_ =	swait.ge [sflag:s18], $0x6400  }
0x54: {  	[sflag:s18] =	ssyncset.done $0x0  }
0x55: {  	s24 =	simm.s32 $0x0;
	[sflag:s18] =	ssyncadd.s32 $0xFFFF9C00  }
0x56: {  	v18 =	vld [tilespmem:s24+$0x180]  }
0x57: {  	v27 =	vld [tilespmem:s24+$0x190]  }
0x58: {  	v13 =	vld [tilespmem:s24+$0x1A0]  }
0x59: {  	v14 =	vld [tilespmem:s24+$0x1B0]  }
0x5a: {  	v15 =	vld [tilespmem:s24+$0x1C0]  }
0x5b: {  	v11 =	vld [tilespmem:s24+$0x1D0]  }
0x5c: {  	v12 =	vld [tilespmem:s24+$0x1E0]  }
0x5d: {  	v28 =	vld [tilespmem:s24+$0x100]  }
0x5e: {  	v29 =	vld [tilespmem:s24+$0x110]  }
0x5f: {  	v31 =	vld [tilespmem:s24+$0x120]  }
0x60: {  	v32 =	vld [tilespmem:s24+$0x130]  }
0x61: {  	v33 =	vld [tilespmem:s24+$0x140]  }
0x62: {  	v16 =	vld [tilespmem:s24+$0x150]  }
0x63: {  	v17 =	vld [tilespmem:s24+$0x160]  }
0x64: {  	v30 =	vld [tilespmem:s24+$0x80]  }
0x65: {  	v35 =	vld [tilespmem:s24+$0x90]  }
0x66: {  	v39 =	vld [tilespmem:s24+$0xA0]  }
0x67: {  	v36 =	vld [tilespmem:s24+$0x0]  }
0x68: {  	v37 =	vld [tilespmem:s24+$0x10]  }
0x69: {  	v40 =	vld [tilespmem:s24+$0xB0]  }
0x6a: {  	v41 =	vld [tilespmem:s24+$0xC0]  }
0x6b: {  	v34 =	vld [tilespmem:s24+$0xD0]  }
0x6c: {  	v44 =	vld [tilespmem:s24+$0x20]  }
0x6d: {  	v45 =	vld [tilespmem:s24+$0x30];
	v36 =	vmax.f32 v2, v36  }
0x6e: {  	v46 =	vld [tilespmem:s24+$0x40];
	v37 =	vmax.f32 v2, v37;
	v30 =	vmax.f32 v36, v30  }
0x6f: {  	v38 =	vld [tilespmem:s24+$0xE0];
	v35 =	vmax.f32 v37, v35;
	v36 =	vimm.f32 $-3.000000010e+38;
	v37 =	vimm.f32 $-3.000000010e+38  }
0x70: {  	v42 =	vld [tilespmem:s24+$0x50];
	v48 =	vmax.f32 v30, v28;
	v47 =	vmax.f32 v35, v29;
	v35 =	vimm.f32 $-3.000000010e+38  }
0x71: {  	s25 =	sshll.u32 s23, $0x1;
	s28 =	simm.s32 $0x800;
	v43 =	vld [tilespmem:s24+$0x60];
	v28 =	vimm.f32 $-3.000000010e+38;
	v29 =	vimm.f32 $-3.000000010e+38;
	v30 =	vimm.f32 $-3.000000010e+38  }
.LBB2_5:
0x72: {  	p0 =	sne.s32 s28, $0x18800;
	v49 =	vld [tilespmem:s24+$0x70];
	v48 =	vmax.f32 v48, v18;
	v47 =	vmax.f32 v47, v27  }
0x73: {  	v18 =	vmax.f32 v35, v44;
	v27 =	vmax.f32 v36, v45;
	v35 =	vmax.f32 v37, v46;
	v44 =	vld [tilespmem:s24+$0xF0]  }
0x74: {  	v18 =	vmax.f32 v18, v39;
	v27 =	vmax.f32 v27, v40;
	v35 =	vmax.f32 v35, v41;
	v39 =	vld [tilespmem:s24+$0x170]  }
0x75: {  	v31 =	vmax.f32 v18, v31;
	v27 =	vmax.f32 v27, v32;
	v32 =	vmax.f32 v35, v33;
	v33 =	vld [tilespmem:s24+$0x1F0];
	s24 =	sshra.s32 s28, $0x2  }
0x76: {  	v35 =	vmax.f32 v31, v13;
	v36 =	vmax.f32 v27, v14;
	v18 =	vld [tilespmem:s24+$0x180];
	v37 =	vmax.f32 v32, v15  }
0x77: {  	v14 =	vmax.f32 v28, v42;
	v15 =	vmax.f32 v29, v43;
	v27 =	vld [tilespmem:s24+$0x190];
	v28 =	vmax.f32 v30, v49  }
0x78: {  	v29 =	vmax.f32 v14, v34;
	v15 =	vmax.f32 v15, v38;
	v13 =	vld [tilespmem:s24+$0x1A0];
	v28 =	vmax.f32 v28, v44  }
0x79: {  	v16 =	vmax.f32 v29, v16;
	v17 =	vmax.f32 v15, v17;
	v14 =	vld [tilespmem:s24+$0x1B0];
	v30 =	vmax.f32 v28, v39  }
0x7a: {  	v28 =	vmax.f32 v16, v11;
	v29 =	vmax.f32 v17, v12;
	v15 =	vld [tilespmem:s24+$0x1C0];
	v30 =	vmax.f32 v30, v33  }
0x7b: {  	v11 =	vld [tilespmem:s24+$0x1D0]  }
0x7c: {  	v12 =	vld [tilespmem:s24+$0x1E0]  }
0x7d: {  	v49 =	vld [tilespmem:s24+$0x100]  }
0x7e: {  	v50 =	vld [tilespmem:s24+$0x110]  }
0x7f: {  	v31 =	vld [tilespmem:s24+$0x120]  }
0x80: {  	v32 =	vld [tilespmem:s24+$0x130]  }
0x81: {  	v33 =	vld [tilespmem:s24+$0x140]  }
0x82: {  	v16 =	vld [tilespmem:s24+$0x150]  }
0x83: {  	v17 =	vld [tilespmem:s24+$0x160]  }
0x84: {  	v43 =	vld [tilespmem:s24+$0x80]  }
0x85: {  	v51 =	vld [tilespmem:s24+$0x90]  }
0x86: {  	v39 =	vld [tilespmem:s24+$0xA0]  }
0x87: {  	v40 =	vld [tilespmem:s24+$0xB0]  }
0x88: {  	v41 =	vld [tilespmem:s24+$0xC0]  }
0x89: {  	v38 =	vld [tilespmem:s24+$0x0]  }
0x8a: {  	v42 =	vld [tilespmem:s24+$0x10]  }
0x8b: {  	v34 =	vld [tilespmem:s24+$0xD0]  }
0x8c: {  	v44 =	vld [tilespmem:s24+$0x20]  }
.Ltmp5:
0x8d: {  	v45 =	vld [tilespmem:s24+$0x30];
	(pc) =	sbr.rel @p0 .LBB2_5-.Ltmp5, $4  }
0x8e: {  	v46 =	vld [tilespmem:s24+$0x40]  }
0x8f: {  	v48 =	vmax.f32 v48, v38;
	v47 =	vmax.f32 v47, v42;
	v38 =	vld [tilespmem:s24+$0xE0]  }
0x90: {  	v48 =	vmax.f32 v48, v43;
	v42 =	vld [tilespmem:s24+$0x50];
	v47 =	vmax.f32 v47, v51  }
0x91: {  	s28 =	sadd.s32 $0x800, s28;
	v48 =	vmax.f32 v48, v49;
	v43 =	vld [tilespmem:s24+$0x60];
	v47 =	vmax.f32 v47, v50  }
0x92: {  	v18 =	vmax.f32 v48, v18  }
0x93: {  	v27 =	vmax.f32 v47, v27;
	v35 =	vmax.f32 v35, v44;
	v36 =	vmax.f32 v36, v45  }
0x94: {  	v62 =	vld [tilespmem:s24+$0x70];
	v37 =	vmax.f32 v37, v46;
	v35 =	vmax.f32 v35, v39;
	v36 =	vmax.f32 v36, v40  }
0x95: {  	v63 =	vld [tilespmem:s24+$0xF0];
	v18 =	vmax.f32 v10, v18;
	v37 =	vmax.f32 v37, v41;
	v31 =	vmax.f32 v35, v31  }
0x96: {  	v46 =	vld [tilespmem:s24+$0x170];
	v32 =	vmax.f32 v36, v32;
	v10 =	vsub.f32 v10, v18;
	v33 =	vmax.f32 v37, v33  }
0x97: {  	v47 =	vld [tilespmem:s24+$0x1F0];
	v13 =	vmax.f32 v31, v13;
	v14 =	vmax.f32 v32, v14;
	v31 =	vmax.f32 v33, v15  }
0x98: {  	v15 =	vmax.f32 v28, v42;
	v28 =	vmax.f32 v29, v43;
	v10 =	vmul.f32 $1.442695020e+00, v10  }
0x99: {  	v29 =	vmax.f32 v30, v62;
	v15 =	vmax.f32 v15, v34;
	v28 =	vmax.f32 v28, v38  }
0x9a: {  	v29 =	vmax.f32 v29, v63;
	v15 =	vmax.f32 v15, v16;
	v16 =	vmax.f32 v28, v17  }
0x9b: {  	(erf) = vpow2.f32 v10;
	v17 =	vmax.f32 v29, v46;
	v11 =	vmax.f32 v15, v11  }
0x9c: {  	v12 =	vmax.f32 v16, v12;
	v28 =	vmax.f32 v17, v47;
	v17 =	vmax.f32 v9, v27  }
0x9d: {  	v16 =	vmax.f32 v8, v13;
	v15 =	vmax.f32 v7, v14;
	v9 =	vsub.f32 v9, v17  }
0x9e: {  	v14 =	vmax.f32 v6, v31;
	v13 =	vmax.f32 v5, v11;
	v8 =	vsub.f32 v8, v16  }
0x9f: {  	v11 =	vmax.f32 v4, v12;
	v7 =	vsub.f32 v7, v15;
	v9 =	vmul.f32 $1.442695020e+00, v9  }
0xa0: {  	v6 =	vsub.f32 v6, v14;
	v12 =	vmax.f32 v3, v28;
	v8 =	vmul.f32 $1.442695020e+00, v8  }
0xa1: {  	v5 =	vsub.f32 v5, v13;
	v7 =	vmul.f32 $1.442695020e+00, v7;
	(erf) = vpow2.f32 v9  }
0xa2: {  	v4 =	vsub.f32 v4, v11;
	v6 =	vmul.f32 $1.442695020e+00, v6;
	(erf) = vpow2.f32 v8  }
0xa3: {  	v3 =	vsub.f32 v3, v12;
	v5 =	vmul.f32 $1.442695020e+00, v5;
	(erf) = vpow2.f32 v7  }
0xa4: {  	s31 =	simm.s32 $0x0;
	v4 =	vmul.f32 $1.442695020e+00, v4;
	(erf) = vpow2.f32 v6  }
0xa5: {  	v53 =	vld [tilespmem:s31+$0x1C0];
	v3 =	vmul.f32 $1.442695020e+00, v3;
	(erf) = vpow2.f32 v5  }
0xa6: {  	(erf) = vpow2.f32 v4  }
0xa7: {  	v29 =	vld [tilespmem:s31+$0x1B0];
	(erf) = vpow2.f32 v3  }
0xa8: {  	v27 =	vld [tilespmem:s31+$0xB0]  }
0xa9: {  	v28 =	vld [tilespmem:s31+$0x80];
	v3 =	vpop (erf)  }
0xaa: {  	v35 =	vsub.f32 v53, v14;
	v7 =	vld [tilespmem:s31+$0x130];
	v5 =	vpop (erf)  }
0xab: {  	v6 =	vpop (erf);
	v10 =	vmul.f32 v5, v25;
	v25 =	vld [tilespmem:s31+$0xD0]  }
0xac: {  	v30 =	vld [tilespmem:s31+$0x170];
	v35 =	vmul.f32 $1.442695020e+00, v35;
	v8 =	vpop (erf)  }
0xad: {  	v4 =	vmul.f32 v3, v26;
	v3 =	vpop (erf);
	v26 =	vmul.f32 v8, v22;
	v22 =	vld [tilespmem:s31+$0x90]  }
0xae: {  	v6 =	vmul.f32 v6, v24;
	v24 =	vsub.f32 v28, v18;
	v28 =	vsub.f32 v29, v15;
	v29 =	vld [tilespmem:s31+$0x20];
	v8 =	vpop (erf)  }
0xaf: {  	v5 =	vmul.f32 v3, v20;
	v20 =	vsub.f32 v7, v15;
	v3 =	vmul.f32 v8, v23;
	v8 =	vpop (erf);
	v23 =	vld [tilespmem:s31+$0x30]  }
0xb0: {  	v8 =	vmul.f32 v8, v21;
	v7 =	vpop (erf);
	v21 =	vsub.f32 v27, v15;
	v27 =	vld [tilespmem:s31+$0xF0];
	v25 =	vsub.f32 v25, v13  }
0xb1: {  	v7 =	vmul.f32 v7, v19;
	v19 =	vmul.f32 $1.442695020e+00, v20;
	v20 =	vld [tilespmem:s31+$0x10]  }
0xb2: {  	v48 =	vld [tilespmem:s31+$0x60];
	v24 =	vmul.f32 $1.442695020e+00, v24;
	v22 =	vsub.f32 v22, v17;
	v25 =	vmul.f32 $1.442695020e+00, v25  }
0xb3: {  	v31 =	vld [tilespmem:s31+$0x70];
	(erf) = vpow2.f32 v19;
	v19 =	vmul.f32 $1.442695020e+00, v28;
	v28 =	vsub.f32 v30, v12  }
0xb4: {  	v30 =	vld [tilespmem:s31+$0x160];
	v42 =	vmul.f32 $1.442695020e+00, v22;
	(erf) = vpow2.f32 v24  }
0xb5: {  	v22 =	vld [tilespmem:s31+$0x40];
	v23 =	vsub.f32 v23, v15;
	v28 =	vmul.f32 $1.442695020e+00, v28;
	v24 =	vsub.f32 v27, v12  }
0xb6: {  	(erf) = vpow2.f32 v25;
	v25 =	vsub.f32 v29, v16;
	v27 =	vld [tilespmem:s31+$0xC0];
	v20 =	vsub.f32 v20, v17  }
0xb7: {  	v50 =	vmul.f32 $1.442695020e+00, v23;
	v23 =	vld [tilespmem:s31+$0x1E0];
	(erf) = vpow2.f32 v28  }
0xb8: {  	v28 =	vld [tilespmem:s31+$0x0];
	v29 =	vmul.f32 $1.442695020e+00, v25;
	v25 =	vsub.f32 v31, v12;
	v20 =	vmul.f32 $1.442695020e+00, v20  }
0xb9: {  	v21 =	vmul.f32 $1.442695020e+00, v21;
	v31 =	vld [tilespmem:s31+$0xA0];
	v24 =	vmul.f32 $1.442695020e+00, v24;
	v30 =	vsub.f32 v30, v11  }
0xba: {  	v49 =	vld [tilespmem:s31+$0x140];
	v25 =	vmul.f32 $1.442695020e+00, v25;
	(erf) = vpow2.f32 v20;
	v20 =	vsub.f32 v22, v14  }
0xbb: {  	v22 =	vmul.f32 $1.442695020e+00, v30;
	(erf) = vpow2.f32 v21  }
0xbc: {  	v30 =	vld [tilespmem:s31+$0x50];
	v21 =	vsub.f32 v48, v11;
	v51 =	vmul.f32 $1.442695020e+00, v20;
	v20 =	vsub.f32 v27, v14  }
0xbd: {  	v23 =	vsub.f32 v23, v11;
	v27 =	vld [tilespmem:s31+$0x1F0];
	v28 =	vsub.f32 v28, v18;
	(erf) = vpow2.f32 v22  }
0xbe: {  	v31 =	vsub.f32 v31, v16;
	(erf) = vpow2.f32 v24;
	v24 =	vld [tilespmem:s31+$0xE0];
	v20 =	vmul.f32 $1.442695020e+00, v20  }
0xbf: {  	v22 =	vsub.f32 v49, v14;
	v52 =	vmul.f32 $1.442695020e+00, v21;
	v21 =	vmul.f32 $1.442695020e+00, v28;
	v28 =	vld [tilespmem:s31+$0x120]  }
0xc0: {  	v54 =	vmul.f32 $1.442695020e+00, v31;
	v31 =	vld [tilespmem:s31+$0x110];
	(erf) = vpow2.f32 v20  }
0xc1: {  	v57 =	vld [tilespmem:s31+$0x100];
	v56 =	vmul.f32 $1.442695020e+00, v23;
	(erf) = vpow2.f32 v51  }
0xc2: {  	v55 =	vld [tilespmem:s31+$0x1A0];
	v33 =	vmul.f32 $1.442695020e+00, v22;
	v20 =	vpop (erf);
	(erf) = vpow2.f32 v25  }
0xc3: {  	v9 =	vld [tilespmem:s31+$0x180];
	v30 =	vsub.f32 v30, v13;
	v27 =	vsub.f32 v27, v12;
	v22 =	vpop (erf);
	(erf) = vpow2.f32 v50  }
0xc4: {  	v60 =	vld [tilespmem:s31+$0x190];
	v24 =	vsub.f32 v24, v11;
	v59 =	vsub.f32 v28, v16;
	v23 =	vpop (erf);
	(erf) = vpow2.f32 v56  }
0xc5: {  	v58 =	vld [tilespmem:s31+$0x150];
	v27 =	vmul.f32 $1.442695020e+00, v27;
	v25 =	vpop (erf);
	(erf) = vpow2.f32 v29;
	v29 =	vsub.f32 v31, v17  }
0xc6: {  	v62 =	vsub.f32 v57, v18;
	v30 =	vmul.f32 $1.442695020e+00, v30;
	v41 =	vmul.f32 $1.442695020e+00, v59;
	v28 =	vpop (erf)  }
0xc7: {  	v61 =	vld [tilespmem:s31+$0x1D0];
	v31 =	vmul.f32 $1.442695020e+00, v24;
	(erf) = vpow2.f32 v27;
	v27 =	vsub.f32 v55, v16;
	v34 =	vpop (erf)  }
0xc8: {  	v9 =	vsub.f32 v9, v18;
	v37 =	vmul.f32 $1.442695020e+00, v29;
	v24 =	vpop (erf);
	(erf) = vpow2.f32 v35  }
0xc9: {  	v38 =	vmul.f32 $1.442695020e+00, v27;
	v27 =	vsub.f32 v60, v17;
	v29 =	vpop (erf);
	(erf) = vpow2.f32 v41  }
0xca: {  	v32 =	vmul.f32 $1.442695020e+00, v62;
	v63 =	vsub.f32 v58, v13;
	v35 =	vpop (erf);
	(erf) = vpow2.f32 v33  }
0xcb: {  	v9 =	vmul.f32 $1.442695020e+00, v9;
	v40 =	vpop (erf);
	(erf) = vpow2.f32 v30  }
0xcc: {  	v33 =	vmul.f32 $1.442695020e+00, v63;
	v30 =	vsub.f32 v61, v13;
	v41 =	vpop (erf);
	(erf) = vpow2.f32 v54  }
0xcd: {  	v36 =	vmul.f32 $1.442695020e+00, v27;
	v27 =	vpop (erf);
	(erf) = vpow2.f32 v52  }
0xce: {  	s24 =	simm.s32 $0x800;
	v39 =	vmul.f32 $1.442695020e+00, v30;
	v27 =	vadd.f32 v27, v26;
	(erf) = vpow2.f32 v42;
	v26 =	vpop (erf)  }
.LBB2_7:
0xcf: {  	s28 =	sshra.s32 s24, $0x2;
	p0 =	sne.s32 s24, $0x18800;
	s24 =	sadd.s32 $0x800, s24;
	v7 =	vadd.f32 v41, v7;
	v30 =	vpop (erf);
	(erf) = vpow2.f32 v19  }
0xd0: {  	v5 =	vadd.f32 v40, v5;
	v19 =	vld [tilespmem:s28+$0x180];
	v27 =	vadd.f32 v34, v27;
	(erf) = vpow2.f32 v37;
	v34 =	vpop (erf)  }
0xd1: {  	v37 =	vld [tilespmem:s28+$0x130];
	v7 =	vadd.f32 v29, v7;
	(erf) = vpow2.f32 v38;
	v38 =	vpop (erf)  }
0xd2: {  	v6 =	vadd.f32 v30, v6;
	v5 =	vadd.f32 v35, v5;
	v40 =	vld [tilespmem:s28+$0xB0];
	(erf) = vpow2.f32 v21;
	v21 =	vpop (erf)  }
0xd3: {  	v10 =	vadd.f32 v28, v10;
	v30 =	vld [tilespmem:s28+$0x80];
	v7 =	vadd.f32 v25, v7;
	(erf) = vpow2.f32 v31;
	v25 =	vpop (erf)  }
0xd4: {  	v20 =	vadd.f32 v20, v27;
	v28 =	vld [tilespmem:s28+$0x1B0];
	v5 =	vadd.f32 v25, v5;
	v25 =	vpop (erf);
	(erf) = vpow2.f32 v39  }
0xd5: {  	v31 =	vld [tilespmem:s28+$0x170];
	v35 =	vsub.f32 v19, v18;
	v7 =	vadd.f32 v34, v7;
	v19 =	vpop (erf);
	(erf) = vpow2.f32 v36  }
0xd6: {  	v29 =	vld [tilespmem:s28+$0x100];
	v6 =	vadd.f32 v19, v6;
	v5 =	vadd.f32 v38, v5;
	v19 =	vpop (erf);
	(erf) = vpow2.f32 v9  }
0xd7: {  	v27 =	vsub.f32 v37, v15;
	v38 =	vsub.f32 v40, v15;
	v34 =	vld [tilespmem:s28+$0xD0];
	v36 =	vpop (erf);
	(erf) = vpow2.f32 v32  }
0xd8: {  	v30 =	vsub.f32 v30, v18;
	v32 =	vld [tilespmem:s28+$0x140];
	v10 =	vadd.f32 v36, v10;
	(erf) = vpow2.f32 v33;
	v33 =	vpop (erf)  }
0xd9: {  	v37 =	vmul.f32 $1.442695020e+00, v27;
	v6 =	vadd.f32 v21, v6;
	v36 =	vld [tilespmem:s28+$0x90];
	v27 =	vadd.f32 v33, v20;
	v20 =	vpop (erf)  }
0xda: {  	v8 =	vadd.f32 v19, v8;
	v33 =	vmul.f32 $1.442695020e+00, v38;
	v21 =	vld [tilespmem:s28+$0x30];
	v10 =	vadd.f32 v20, v10;
	v9 =	vpop (erf)  }
0xdb: {  	v19 =	vsub.f32 v28, v15;
	v20 =	vmul.f32 $1.442695020e+00, v30;
	v38 =	vld [tilespmem:s28+$0xF0];
	v6 =	vadd.f32 v9, v6;
	v9 =	vpop (erf)  }
0xdc: {  	v28 =	vld [tilespmem:s28+$0x20];
	v30 =	vsub.f32 v34, v13;
	(erf) = vpow2.f32 v37;
	v4 =	vadd.f32 v9, v4;
	v9 =	vpop (erf)  }
0xdd: {  	v3 =	vadd.f32 v25, v3;
	v19 =	vmul.f32 $1.442695020e+00, v19;
	v34 =	vld [tilespmem:s28+$0x10];
	v8 =	vadd.f32 v9, v8;
	v25 =	vpop (erf)  }
0xde: {  	v9 =	vmul.f32 $1.442695020e+00, v35;
	v36 =	vsub.f32 v36, v17;
	v37 =	vld [tilespmem:s28+$0xE0];
	v4 =	vadd.f32 v22, v4;
	v22 =	vpop (erf)  }
0xdf: {  	v3 =	vadd.f32 v23, v3;
	v31 =	vsub.f32 v31, v12;
	v39 =	vmul.f32 $1.442695020e+00, v30;
	v35 =	vld [tilespmem:s28+$0x60];
	v23 =	vpop (erf)  }
0xe0: {  	v32 =	vsub.f32 v32, v14;
	v40 =	vld [tilespmem:s28+$0x70];
	v30 =	vmul.f32 $1.442695020e+00, v36;
	v36 =	vsub.f32 v38, v12;
	v38 =	vpop (erf)  }
0xe1: {  	v31 =	vmul.f32 $1.442695020e+00, v31;
	v41 =	vld [tilespmem:s28+$0x160];
	(erf) = vpow2.f32 v20;
	v4 =	vadd.f32 v38, v4;
	v20 =	vpop (erf)  }
0xe2: {  	v34 =	vsub.f32 v34, v17;
	(erf) = vpow2.f32 v39;
	v3 =	vadd.f32 v20, v3  }
0xe3: {  	v42 =	vsub.f32 v28, v16;
	v28 =	vld [tilespmem:s28+$0x40];
	v37 =	vsub.f32 v37, v11;
	(erf) = vpow2.f32 v31  }
0xe4: {  	v21 =	vsub.f32 v21, v15;
	v8 =	vadd.f32 v24, v8;
	v31 =	vld [tilespmem:s28+$0x0];
	v34 =	vmul.f32 $1.442695020e+00, v34  }
0xe5: {  	v10 =	vadd.f32 v22, v10;
	v24 =	vmul.f32 $1.442695020e+00, v42;
	v38 =	vsub.f32 v40, v12;
	v39 =	vld [tilespmem:s28+$0xC0];
	v20 =	vpop (erf)  }
0xe6: {  	v8 =	vadd.f32 v26, v8;
	v40 =	vld [tilespmem:s28+$0xA0];
	v22 =	vsub.f32 v41, v11;
	(erf) = vpow2.f32 v34  }
0xe7: {  	v26 =	vmul.f32 $1.442695020e+00, v21;
	v3 =	vadd.f32 v25, v3;
	v34 =	vld [tilespmem:s28+$0x1F0];
	(erf) = vpow2.f32 v33  }
0xe8: {  	v25 =	vsub.f32 v35, v11;
	v21 =	vsub.f32 v28, v14;
	v28 =	vmul.f32 $1.442695020e+00, v22;
	v33 =	vld [tilespmem:s28+$0x1E0]  }
0xe9: {  	v4 =	vadd.f32 v23, v4;
	v38 =	vmul.f32 $1.442695020e+00, v38;
	v31 =	vsub.f32 v31, v18;
	v35 =	vld [tilespmem:s28+$0x50]  }
0xea: {  	v42 =	vmul.f32 $1.442695020e+00, v25;
	v41 =	vmul.f32 $1.442695020e+00, v21;
	v46 =	vsub.f32 v39, v14;
	v39 =	vld [tilespmem:s28+$0x1C0];
	v22 =	vpop (erf)  }
0xeb: {  	v36 =	vmul.f32 $1.442695020e+00, v36;
	v21 =	vmul.f32 $1.442695020e+00, v31;
	v31 =	vsub.f32 v40, v16;
	v40 =	vld [tilespmem:s28+$0x120];
	v23 =	vpop (erf)  }
0xec: {  	v43 =	vmul.f32 $1.442695020e+00, v46;
	v44 =	vld [tilespmem:s28+$0x110];
	v45 =	vsub.f32 v34, v12;
	(erf) = vpow2.f32 v28;
	v25 =	vpop (erf)  }
0xed: {  	v46 =	vmul.f32 $1.442695020e+00, v31;
	v47 =	vld [tilespmem:s28+$0x1A0];
	v48 =	vsub.f32 v33, v11;
	(erf) = vpow2.f32 v36  }
0xee: {  	v33 =	vmul.f32 $1.442695020e+00, v32;
	v31 =	vsub.f32 v35, v13;
	(erf) = vpow2.f32 v43  }
0xef: {  	v32 =	vld [tilespmem:s28+$0x150];
	v35 =	vsub.f32 v39, v14;
	v36 =	vmul.f32 $1.442695020e+00, v48;
	v28 =	vpop (erf);
	(erf) = vpow2.f32 v41  }
0xf0: {  	v39 =	vmul.f32 $1.442695020e+00, v31;
	v40 =	vsub.f32 v40, v16;
	v41 =	vld [tilespmem:s28+$0x190];
	(erf) = vpow2.f32 v38;
	v34 =	vpop (erf)  }
0xf1: {  	v31 =	vmul.f32 $1.442695020e+00, v37;
	v37 =	vsub.f32 v44, v17;
	v43 =	vld [tilespmem:s28+$0x1D0];
	(erf) = vpow2.f32 v26  }
0xf2: {  	v38 =	vmul.f32 $1.442695020e+00, v45;
	v26 =	vsub.f32 v47, v16;
	(erf) = vpow2.f32 v36  }
0xf3: {  	v44 =	vmul.f32 $1.442695020e+00, v35;
	v36 =	vsub.f32 v29, v18;
	(erf) = vpow2.f32 v24  }
0xf4: {  	v45 =	vmul.f32 $1.442695020e+00, v40;
	v40 =	vsub.f32 v32, v13;
	(erf) = vpow2.f32 v38  }
0xf5: {  	v37 =	vmul.f32 $1.442695020e+00, v37;
	v41 =	vsub.f32 v41, v17;
	v24 =	vpop (erf);
	(erf) = vpow2.f32 v44  }
0xf6: {  	v38 =	vmul.f32 $1.442695020e+00, v26;
	v26 =	vsub.f32 v43, v13;
	v29 =	vpop (erf);
	(erf) = vpow2.f32 v45  }
.Ltmp6:
0xf7: {  	v32 =	vmul.f32 $1.442695020e+00, v36;
	v35 =	vpop (erf);
	(erf) = vpow2.f32 v33;
	(pc) =	sbr.rel @p0 .LBB2_7-.Ltmp6, $4  }
0xf8: {  	v33 =	vmul.f32 $1.442695020e+00, v40;
	v40 =	vpop (erf);
	(erf) = vpow2.f32 v39  }
0xf9: {  	v36 =	vmul.f32 $1.442695020e+00, v41;
	v41 =	vpop (erf);
	(erf) = vpow2.f32 v46  }
0xfa: {  	v39 =	vmul.f32 $1.442695020e+00, v26;
	v26 =	vpop (erf);
	(erf) = vpow2.f32 v42  }
0xfb: {  	v27 =	vadd.f32 v26, v27;
	(erf) = vpow2.f32 v30;
	v26 =	vpop (erf)  }
0xfc: {  	s24 =	sand.u32 $0x70, s25  }
0xfd: {  	v30 =	vld [tilespmem:s24+$0x11C00];
	_ =	sdelay $0x1  }
0xfe: {  	s28 =	sand.u32 $0xE, s25  }
0xff: {  	v42 =	vmov s28;
	s26 =	ssub.s32 s26, s24  }
0x100: {  	vm2 =	veq.s32 v42, v1;
	v51 =	vmov s26  }
0x101: {  	v42 =	vnsel vm2, $0x0, v30;
	vm2 =	veq.s32 v51, v1  }
0x102: {  	(xrf0) =	vadd.scan.msk.s32 $0xffff, v42;
	v30 =	vnsel vm2, $0x0, v30  }
0x103: {  	(xrf0) =	vadd.scan.msk.s32 $0xffff, v30  }
0x104: {  	v53 =	vpop (erf)  }
0x105: {  	(erf) = vpow2.f32 v19;
	v19 =	vpop (erf)  }
0x106: {  	v54 =	vpop (erf)  }
0x107: {  	(erf) = vpow2.f32 v37;
	v55 =	vpop (erf)  }
0x108: {  	(erf) = vpow2.f32 v38;
	v52, _, _ =	vpop (xrf0)  }
0x109: {  	(erf) = vpow2.f32 v21;
	(v2sf) =	vpush v52, $0xF;
	v21, _, _ =	vpop (xrf0)  }
0x10a: {  	(v2sf) =	vpush v21, $0xF;
	_ =	sdelay $0x3  }
0x10b: {  	v7 =	vadd.f32 v41, v7;
	(erf) = vpow2.f32 v31;
	v21 =	vpop (erf)  }
0x10c: {  	(erf) = vpow2.f32 v39;
	v56 =	vpop (erf)  }
0x10d: {  	v7 =	vadd.f32 v29, v7;
	v57 =	vpop (erf);
	(erf) = vpow2.f32 v36  }
0x10e: {  	v5 =	vadd.f32 v40, v5;
	v27 =	vadd.f32 v34, v27;
	v58 =	vpop (erf);
	(erf) = vpow2.f32 v9  }
0x10f: {  	v7 =	vadd.f32 v25, v7;
	v9 =	vpop (erf);
	(erf) = vpow2.f32 v32  }
0x110: {  	v10 =	vadd.f32 v28, v10;
	v5 =	vadd.f32 v35, v5;
	(erf) = vpow2.f32 v33;
	v59 =	vpop (erf)  }
0x111: {  	v6 =	vadd.f32 v53, v6;
	v19 =	vadd.f32 v19, v7;
	v25 =	vpop (erf)  }
0x112: {  	v5 =	vadd.f32 v21, v5;
	v21 =	vadd.f32 v20, v27;
	v27 =	vpop (erf)  }
0x113: {  	v3 =	vadd.f32 v56, v3;
	v6 =	vadd.f32 v57, v6;
	v60 =	vpop (erf)  }
0x114: {  	v20 =	vadd.f32 v54, v5;
	v61 =	vadd.f32 v9, v10;
	v9 =	vpop (erf)  }
0x115: {  	v8 =	vadd.f32 v58, v8;
	v3 =	vadd.f32 v23, v3;
	v10 =	vpop (erf);
	s28 =	spop (v2sf)  }
0x116: {  	v6 =	vadd.f32 v55, v6;
	v4 =	vadd.f32 v60, v4;
	v62 =	vpop (erf);
	s26 =	spop (v2sf)  }
0x117: {  	v21 =	vadd.f32 v59, v21;
	v8 =	vadd.f32 v9, v8;
	v9 =	vpop (erf);
	p0 =	sge.s32 s28, s26  }
.Ltmp7:
0x118: {  	v7 =	vadd.f32 v25, v61;
	v4 =	vadd.f32 v22, v4;
	v22 =	vpop (erf);
	(pc) =	sbr.rel @p0 .LBB2_12-.Ltmp7, $4  }
0x119: {  	v23 =	vadd.f32 v27, v6;
	v8 =	vadd.f32 v24, v8;
	v63 =	vpop (erf)  }
0x11a: {  	v4 =	vadd.f32 v22, v4;
	v3 =	vadd.f32 v63, v3  }
0x11b: {  	v25 =	vadd.f32 v62, v7;
	v22 =	vadd.f32 v26, v8  }
0x11c: {  	v26 =	vadd.f32 v9, v4;
	v24 =	vadd.f32 v10, v3  }
0x11d: {  	s29 =	sand.u32 $0xF, s28  }
0x11e: {  	s30 =	sshra.s32 s28, $0x1F;
	p0 =	slt.s32 s28, $0x1;
	p1 =	sne.s32 s29, $0x0  }
0x11f: {  	s29 =	sshrl.u32 s30, $0x1C;
	p0 =	por !p0, !p1  }
0x120: {  	s30 =	simm.s32 $0x1;
	s29 =	sadd.s32 s29, s28;
	p0 =	por !p0, !p0  }
0x121: {  	s29 =	sshrl.u32 s29, $0x4;
	s30 =	simm.s32 @!p0 $0x0  }
0x122: {  	s29 =	ssub.s32 s29, s30  }
0x123: {  	s29 =	sshll.u32 s29, $0x4  }
0x124: {  	v3 =	vld [tilespmem:s29+$0xC800];
	_ =	sdelay $0x1  }
0x125: {  	s29 =	ssub.s32 s28, s29  }
0x126: {  	v4 =	vmov s29  }
0x127: {  	vm3 =	veq.s32 v4, v1  }
0x128: {  	v3 =	vnsel vm3, $0x0, v3  }
0x129: {  	(xrf0) =	vadd.scan.msk.s32 $0xffff, v3;
	_ =	sdelay $0x5  }
0x12a: {  	v3, _, _ =	vpop (xrf0)  }
0x12b: {  	(v2sf) =	vpush v3, $0xF;
	_ =	sdelay $0xe  }
0x12c: {  	s30 =	spop (v2sf)  }
0x12d: {  	s29 =	sshrl.u32 s30, $0x8  }
0x12e: {  	s0 =	sand.u32 $0x7F, s29;
	s29 =	sand.u32 $0xF00, s30  }
0x12f: {  	p3 =	seq.s32 s0, $0x0;
	p4 =	sne.s32 s29, $0x0  }
0x130: {  	p0 =	por !p4, !p3  }
0x131: {  	s29 =	simm.s32 $0xFFFFFFFF;
	p0 =	por !p0, !p0  }
0x132: {  	s29 =	simm.s32 @!p0 $0x0  }
0x133: {  	s29 =	sshll.u32 s29, $0x4  }
0x134: {  	s31 =	sadd.s32 s0, s29;
	s29 =	sshll.u32 s30, $0x7  }
0x135: {  	s2 =	sand.u32 $0xFFFFFF80, s31;
	s29 =	sand.u32 $0x7F80, s29  }
0x136: {  	s12 =	sand.u32 $0x70, s31;
	s2 =	sadd.s32 s2, s29;
	s29 =	sshrl.u32 s30, $0xF  }
0x137: {  	s30 =	sand.u32 $0x78000, s30;
	s29 =	sand.u32 $0x1F, s29;
	s2 =	sor.u32 s12, s2  }
0x138: {  	p6 =	sne.s32 s30, $0x0;
	p5 =	seq.s32 s29, $0x0;
	v3 =	vld [tilespmem:s2+$0x0]  }
0x139: {  	s28 =	sadd.s32 $0x1, s28;
	s2 =	sand.u32 $0xFFFFFFF0, s31;
	p0 =	por !p6, !p5  }
0x13a: {  	s12 =	simm.s32 $0xFFFFFFFF;
	s2 =	ssub.s32 s0, s2;
	p0 =	por !p0, !p0  }
0x13b: {  	v63 =	vmov s2;
	s12 =	simm.s32 @!p0 $0x0;
	p0 =	sne.s32 s26, s28  }
.Ltmp8:
0x13c: {  	vm3 =	veq.s32 v63, v1;
	(pc) =	sbr.rel @!p0 .LBB2_11-.Ltmp8, $4  }
0x13d: {  	s12 =	sshll.u32 s12, $0x4;
	v3 =	vnsel vm3, $0xFF61B1E6, v3  }
0x13e: {  	s2 =	sadd.s32 s29, s12;
	(xrf0) =	vmax.scan.msk.f32 $0xffff, v3  }
0x13f: {  	s0 =	sshll.u32 s0, $0x5;
	s31 =	sand.u32 $0xFFFFFFF0, s2  }
0x140: {  	s30 =	sadd.s32 s31, s0  }
.LBB2_10:
0x141: {  	s0 =	sshra.s32 s28, $0x1F  }
0x142: {  	s2 =	sand.u32 $0xF, s28;
	v3 =	vld [tilespmem:s30+$0x11C80];
	s12 =	smov.u32 s28;
	s28 =	sadd.s32 $0x1, s28  }
0x143: {  	p1 =	slt.s32 s12, $0x1;
	p2 =	sne.s32 s2, $0x0;
	p0 =	sne.s32 s26, s28  }
0x144: {  	s0 =	sshrl.u32 s0, $0x1C;
	s2 =	ssub.s32 s29, s31;
	p1 =	por !p1, !p2;
	v4, _, _ =	vpop (xrf0)  }
0x145: {  	s0 =	sadd.s32 s0, s12;
	v5 =	vmov s2;
	s2 =	simm.s32 $0x1;
	p1 =	por !p1, !p1;
	v4 =	vbroadcast v4, $0xF  }
0x146: {  	s0 =	sshrl.u32 s0, $0x4;
	vm3 =	veq.s32 v5, v1;
	s2 =	simm.s32 @!p1 $0x0  }
0x147: {  	s0 =	ssub.s32 s0, s2;
	v3 =	vsel vm3, v4, v3  }
0x148: {  	s0 =	sshll.u32 s0, $0x4;
	[tilespmem:s30+$0x11C80] =	vst v3  }
0x149: {  	v3 =	vld [tilespmem:s0+$0xC800];
	_ =	sdelay $0x1  }
0x14a: {  	s0 =	ssub.s32 s12, s0  }
0x14b: {  	v4 =	vmov s0  }
0x14c: {  	vm3 =	veq.s32 v4, v1  }
0x14d: {  	v3 =	vnsel vm3, $0x0, v3  }
0x14e: {  	(xrf0) =	vadd.scan.msk.s32 $0xffff, v3;
	_ =	sdelay $0x5  }
0x14f: {  	v3, _, _ =	vpop (xrf0)  }
0x150: {  	(v2sf) =	vpush v3, $0xF;
	_ =	sdelay $0xe  }
0x151: {  	s0 =	spop (v2sf)  }
0x152: {  	s2 =	sshrl.u32 s0, $0x8  }
0x153: {  	s12 =	sand.u32 $0xF00, s0;
	s2 =	sand.u32 $0x7F, s2  }
0x154: {  	p2 =	sne.s32 s12, $0x0;
	p1 =	seq.s32 s2, $0x0  }
0x155: {  	p1 =	por !p2, !p1  }
0x156: {  	s12 =	simm.s32 $0xFFFFFFFF;
	p1 =	por !p1, !p1  }
0x157: {  	s12 =	simm.s32 @!p1 $0x0  }
0x158: {  	s12 =	sshll.u32 s12, $0x4  }
0x159: {  	s29 =	sshll.u32 s0, $0x7;
	s12 =	sadd.s32 s2, s12  }
0x15a: {  	s29 =	sand.u32 $0x7F80, s29;
	s30 =	sand.u32 $0xFFFFFF80, s12  }
0x15b: {  	s31 =	sand.u32 $0x70, s12;
	s29 =	sadd.s32 s30, s29  }
0x15c: {  	s29 =	sor.u32 s31, s29  }
0x15d: {  	s30 =	sshrl.u32 s0, $0xF;
	v3 =	vld [tilespmem:s29+$0x0]  }
0x15e: {  	s12 =	sand.u32 $0xFFFFFFF0, s12;
	s0 =	sand.u32 $0x78000, s0;
	s29 =	sand.u32 $0x1F, s30  }
0x15f: {  	s12 =	ssub.s32 s2, s12;
	p2 =	sne.s32 s0, $0x0;
	p1 =	seq.s32 s29, $0x0  }
0x160: {  	v4 =	vmov s12;
	p1 =	por !p2, !p1  }
0x161: {  	s0 =	simm.s32 $0xFFFFFFFF;
	vm3 =	veq.s32 v4, v1;
	p1 =	por !p1, !p1  }
.Ltmp9:
0x162: {  	s0 =	simm.s32 @!p1 $0x0;
	v3 =	vnsel vm3, $0xFF61B1E6, v3;
	(pc) =	sbr.rel @p0 .LBB2_10-.Ltmp9, $4  }
0x163: {  	s0 =	sshll.u32 s0, $0x4;
	(xrf0) =	vmax.scan.msk.f32 $0xffff, v3  }
0x164: {  	s0 =	sadd.s32 s29, s0  }
0x165: {  	s31 =	sand.u32 $0xFFFFFFF0, s0;
	s0 =	sshll.u32 s2, $0x5  }
0x166: {  	s30 =	sadd.s32 s31, s0  }
.LBB2_11:
0x167: {  	_ = 	snop  }
0x168: {  	v3 =	vld [tilespmem:s30+$0x11C80];
	_ =	sdelay $0x1  }
0x169: {  	s0 =	ssub.s32 s29, s31;
	v4, _, _ =	vpop (xrf0)  }
0x16a: {  	v5 =	vmov s0;
	v4 =	vbroadcast v4, $0xF  }
0x16b: {  	vm3 =	veq.s32 v5, v1  }
0x16c: {  	v3 =	vsel vm3, v4, v3  }
0x16d: {  	[tilespmem:s30+$0x11C80] =	vst v3  }
.LBB2_12:
0x16e: {  	s25 =	sadd.s32 $0x2, s25  }
0x16f: {  	s0 =	smul.u32 $0xC8, s25;
	_ =	sdelay $0x1  }
0x170: {  	s0 =	sadd.s32 s6, s0  }
0x171: {  	s0 =	sshll.u32 s0, $0xA  }
0x172: {  	s0 =	sor.u32 s5, s0  }
0x173: {  	s0 =	sshrl.u32 s0, $0x3  }
0x174: {  	s2 =	simm.s32 $0x0;
	s0 =	sadd.s32 s1, s0  }
0x175: {  	[tilespmem:s2], [sflag:$0x1] =	stream.strided.gather [hbm4b:s0+s15], $0x6400, s16, s15, $0x38;
	[tilespmem:$0x12D80] =	vst v63  }
0x176: {  	_ =	swait.ge [sflag:s19], $0x6400  }
0x177: {  	[sflag:s19] =	ssyncset.done $0x0  }
0x178: {  	s26 =	simm.s32 $0x0;
	[sflag:s19] =	ssyncadd.s32 $0xFFFF9C00  }
0x179: {  	v10 =	vld [tilespmem:s26+$0x6580]  }
0x17a: {  	v27 =	vld [tilespmem:s26+$0x6590]  }
0x17b: {  	v5 =	vld [tilespmem:s26+$0x65A0]  }
0x17c: {  	v6 =	vld [tilespmem:s26+$0x65B0]  }
0x17d: {  	v7 =	vld [tilespmem:s26+$0x65C0]  }
0x17e: {  	v3 =	vld [tilespmem:s26+$0x65D0]  }
0x17f: {  	v4 =	vld [tilespmem:s26+$0x65E0]  }
0x180: {  	v28 =	vld [tilespmem:s26+$0x6500]  }
0x181: {  	v29 =	vld [tilespmem:s26+$0x6510]  }
0x182: {  	v32 =	vld [tilespmem:s26+$0x6520]  }
0x183: {  	v33 =	vld [tilespmem:s26+$0x6530]  }
0x184: {  	v34 =	vld [tilespmem:s26+$0x6540]  }
0x185: {  	v8 =	vld [tilespmem:s26+$0x6550]  }
0x186: {  	v9 =	vld [tilespmem:s26+$0x6560]  }
0x187: {  	v30 =	vld [tilespmem:s26+$0x6480]  }
0x188: {  	v36 =	vld [tilespmem:s26+$0x6490]  }
0x189: {  	v39 =	vld [tilespmem:s26+$0x64A0]  }
0x18a: {  	v40 =	vld [tilespmem:s26+$0x64B0]  }
0x18b: {  	v37 =	vld [tilespmem:s26+$0x6400]  }
0x18c: {  	v38 =	vld [tilespmem:s26+$0x6410]  }
0x18d: {  	v41 =	vld [tilespmem:s26+$0x64C0]  }
0x18e: {  	v35 =	vld [tilespmem:s26+$0x64D0]  }
0x18f: {  	v44 =	vld [tilespmem:s26+$0x6420]  }
0x190: {  	v31 =	vimm.f32 $-3.000000010e+38;
	v45 =	vld [tilespmem:s26+$0x6430]  }
0x191: {  	v46 =	vld [tilespmem:s26+$0x6440];
	v37 =	vmax.f32 v31, v37;
	v42 =	vmax.f32 v31, v38  }
0x192: {  	v43 =	vld [tilespmem:s26+$0x6460];
	v30 =	vmax.f32 v37, v30;
	v36 =	vmax.f32 v42, v36;
	v37 =	vimm.f32 $-3.000000010e+38  }
0x193: {  	v38 =	vld [tilespmem:s26+$0x64E0];
	v47 =	vmax.f32 v30, v28;
	v48 =	vmax.f32 v36, v29;
	v36 =	vimm.f32 $-3.000000010e+38  }
0x194: {  	s28 =	simm.s32 $0x800;
	v42 =	vld [tilespmem:s26+$0x6450];
	v28 =	vimm.f32 $-3.000000010e+38;
	v29 =	vimm.f32 $-3.000000010e+38;
	v30 =	vimm.f32 $-3.000000010e+38  }
.LBB2_13:
0x195: {  	p0 =	sne.s32 s28, $0x18800;
	v49 =	vld [tilespmem:s26+$0x6470];
	v47 =	vmax.f32 v47, v10;
	v48 =	vmax.f32 v48, v27  }
0x196: {  	v10 =	vmax.f32 v31, v44;
	v27 =	vmax.f32 v36, v45;
	v31 =	vmax.f32 v37, v46;
	v44 =	vld [tilespmem:s26+$0x64F0]  }
0x197: {  	v10 =	vmax.f32 v10, v39;
	v27 =	vmax.f32 v27, v40;
	v31 =	vmax.f32 v31, v41;
	v39 =	vld [tilespmem:s26+$0x6570]  }
0x198: {  	v32 =	vmax.f32 v10, v32;
	v27 =	vmax.f32 v27, v33;
	v33 =	vmax.f32 v31, v34;
	v34 =	vld [tilespmem:s26+$0x65F0];
	s26 =	sshra.s32 s28, $0x2  }
0x199: {  	v31 =	vmax.f32 v32, v5;
	v36 =	vmax.f32 v27, v6;
	v10 =	vld [tilespmem:s26+$0x6580];
	v37 =	vmax.f32 v33, v7  }
0x19a: {  	v6 =	vmax.f32 v28, v42;
	v7 =	vmax.f32 v29, v43;
	v27 =	vld [tilespmem:s26+$0x6590];
	v28 =	vmax.f32 v30, v49  }
0x19b: {  	v29 =	vmax.f32 v6, v35;
	v7 =	vmax.f32 v7, v38;
	v5 =	vld [tilespmem:s26+$0x65A0];
	v28 =	vmax.f32 v28, v44  }
0x19c: {  	v8 =	vmax.f32 v29, v8;
	v9 =	vmax.f32 v7, v9;
	v6 =	vld [tilespmem:s26+$0x65B0];
	v30 =	vmax.f32 v28, v39  }
0x19d: {  	v28 =	vmax.f32 v8, v3;
	v29 =	vmax.f32 v9, v4;
	v7 =	vld [tilespmem:s26+$0x65C0];
	v30 =	vmax.f32 v30, v34  }
0x19e: {  	v3 =	vld [tilespmem:s26+$0x65D0]  }
0x19f: {  	v4 =	vld [tilespmem:s26+$0x65E0]  }
0x1a0: {  	v49 =	vld [tilespmem:s26+$0x6500]  }
0x1a1: {  	v50 =	vld [tilespmem:s26+$0x6510]  }
0x1a2: {  	v32 =	vld [tilespmem:s26+$0x6520]  }
0x1a3: {  	v33 =	vld [tilespmem:s26+$0x6530]  }
0x1a4: {  	v34 =	vld [tilespmem:s26+$0x6540]  }
0x1a5: {  	v8 =	vld [tilespmem:s26+$0x6550]  }
0x1a6: {  	v9 =	vld [tilespmem:s26+$0x6560]  }
0x1a7: {  	v43 =	vld [tilespmem:s26+$0x6480]  }
0x1a8: {  	v51 =	vld [tilespmem:s26+$0x6490]  }
0x1a9: {  	v39 =	vld [tilespmem:s26+$0x64A0]  }
0x1aa: {  	v40 =	vld [tilespmem:s26+$0x64B0]  }
0x1ab: {  	v41 =	vld [tilespmem:s26+$0x64C0]  }
0x1ac: {  	v38 =	vld [tilespmem:s26+$0x6400]  }
0x1ad: {  	v42 =	vld [tilespmem:s26+$0x6410]  }
0x1ae: {  	v35 =	vld [tilespmem:s26+$0x64D0]  }
0x1af: {  	v44 =	vld [tilespmem:s26+$0x6420]  }
.Ltmp10:
0x1b0: {  	v45 =	vld [tilespmem:s26+$0x6430];
	(pc) =	sbr.rel @p0 .LBB2_13-.Ltmp10, $4  }
0x1b1: {  	v46 =	vld [tilespmem:s26+$0x6440]  }
0x1b2: {  	v47 =	vmax.f32 v47, v38;
	v48 =	vmax.f32 v48, v42;
	v38 =	vld [tilespmem:s26+$0x64E0]  }
0x1b3: {  	v47 =	vmax.f32 v47, v43;
	v42 =	vld [tilespmem:s26+$0x6450];
	v48 =	vmax.f32 v48, v51  }
0x1b4: {  	s28 =	sadd.s32 $0x800, s28;
	v47 =	vmax.f32 v47, v49;
	v43 =	vld [tilespmem:s26+$0x6460];
	v48 =	vmax.f32 v48, v50  }
0x1b5: {  	v10 =	vmax.f32 v47, v10  }
0x1b6: {  	v27 =	vmax.f32 v48, v27;
	v31 =	vmax.f32 v31, v44;
	v36 =	vmax.f32 v36, v45  }
0x1b7: {  	v61 =	vld [tilespmem:s26+$0x6470];
	v37 =	vmax.f32 v37, v46;
	v31 =	vmax.f32 v31, v39;
	v36 =	vmax.f32 v36, v40  }
0x1b8: {  	v62 =	vld [tilespmem:s26+$0x64F0];
	v10 =	vmax.f32 v18, v10;
	v37 =	vmax.f32 v37, v41;
	v31 =	vmax.f32 v31, v32  }
0x1b9: {  	v63 =	vld [tilespmem:s26+$0x6570];
	v40 =	vmax.f32 v36, v33;
	v18 =	vsub.f32 v18, v10;
	v41 =	vmax.f32 v37, v34  }
0x1ba: {  	v45 =	vld [tilespmem:s26+$0x65F0];
	v5 =	vmax.f32 v31, v5;
	v6 =	vmax.f32 v40, v6;
	v31 =	vmax.f32 v41, v7  }
0x1bb: {  	v7 =	vmax.f32 v28, v42;
	v28 =	vmax.f32 v29, v43;
	v18 =	vmul.f32 $1.442695020e+00, v18  }
0x1bc: {  	v29 =	vmax.f32 v30, v61;
	v7 =	vmax.f32 v7, v35;
	v28 =	vmax.f32 v28, v38  }
0x1bd: {  	v29 =	vmax.f32 v29, v62;
	v7 =	vmax.f32 v7, v8;
	v8 =	vmax.f32 v28, v9  }
0x1be: {  	(erf) = vpow2.f32 v18;
	v9 =	vmax.f32 v29, v63;
	v3 =	vmax.f32 v7, v3  }
0x1bf: {  	v4 =	vmax.f32 v8, v4;
	v28 =	vmax.f32 v9, v45;
	v9 =	vmax.f32 v17, v27  }
0x1c0: {  	v8 =	vmax.f32 v16, v5;
	v7 =	vmax.f32 v15, v6;
	v17 =	vsub.f32 v17, v9  }
0x1c1: {  	v6 =	vmax.f32 v14, v31;
	v5 =	vmax.f32 v13, v3;
	v16 =	vsub.f32 v16, v8  }
0x1c2: {  	v4 =	vmax.f32 v11, v4;
	v15 =	vsub.f32 v15, v7;
	v17 =	vmul.f32 $1.442695020e+00, v17  }
0x1c3: {  	v14 =	vsub.f32 v14, v6;
	v3 =	vmax.f32 v12, v28;
	v16 =	vmul.f32 $1.442695020e+00, v16  }
0x1c4: {  	v13 =	vsub.f32 v13, v5;
	v15 =	vmul.f32 $1.442695020e+00, v15;
	(erf) = vpow2.f32 v17  }
0x1c5: {  	v11 =	vsub.f32 v11, v4;
	v14 =	vmul.f32 $1.442695020e+00, v14;
	(erf) = vpow2.f32 v16  }
0x1c6: {  	v12 =	vsub.f32 v12, v3;
	v13 =	vmul.f32 $1.442695020e+00, v13;
	(erf) = vpow2.f32 v15  }
0x1c7: {  	v11 =	vmul.f32 $1.442695020e+00, v11;
	(erf) = vpow2.f32 v14  }
0x1c8: {  	s31 =	simm.s32 $0x0;
	v12 =	vmul.f32 $1.442695020e+00, v12;
	(erf) = vpow2.f32 v13  }
0x1c9: {  	v46 =	vld [tilespmem:s31+$0x6460];
	(erf) = vpow2.f32 v11  }
0x1ca: {  	v47 =	vld [tilespmem:s31+$0x6540];
	(erf) = vpow2.f32 v12  }
0x1cb: {  	v55 =	vld [tilespmem:s31+$0x6500]  }
0x1cc: {  	v30 =	vld [tilespmem:s31+$0x6570];
	v11 =	vpop (erf)  }
0x1cd: {  	v15 =	vld [tilespmem:s31+$0x6530];
	v13 =	vpop (erf)  }
0x1ce: {  	v29 =	vld [tilespmem:s31+$0x65B0];
	v14 =	vpop (erf)  }
0x1cf: {  	v27 =	vld [tilespmem:s31+$0x64B0];
	v16 =	vpop (erf)  }
0x1d0: {  	v28 =	vld [tilespmem:s31+$0x6480];
	v12 =	vmul.f32 v11, v26;
	v11 =	vpop (erf)  }
0x1d1: {  	v63 =	vsub.f32 v55, v10;
	v18 =	vmul.f32 v13, v25;
	v26 =	vmul.f32 v16, v21;
	v21 =	vld [tilespmem:s31+$0x6490];
	v16 =	vpop (erf)  }
0x1d2: {  	v25 =	vld [tilespmem:s31+$0x64D0];
	v13 =	vmul.f32 v11, v20;
	v20 =	vsub.f32 v15, v7;
	v11 =	vmul.f32 v16, v24;
	v16 =	vpop (erf)  }
0x1d3: {  	v31 =	vld [tilespmem:s31+$0x6470];
	v32 =	vmul.f32 $1.442695020e+00, v63;
	v15 =	vpop (erf)  }
0x1d4: {  	v33 =	vsub.f32 v47, v6;
	v15 =	vmul.f32 v15, v19;
	v19 =	vmul.f32 $1.442695020e+00, v20;
	v20 =	vld [tilespmem:s31+$0x6410]  }
0x1d5: {  	v24 =	vsub.f32 v28, v10;
	v16 =	vmul.f32 v16, v22;
	v22 =	vsub.f32 v27, v7;
	v27 =	vld [tilespmem:s31+$0x64F0]  }
0x1d6: {  	v14 =	vmul.f32 v14, v23;
	v23 =	vld [tilespmem:s31+$0x6430];
	v28 =	vsub.f32 v29, v7;
	v21 =	vsub.f32 v21, v9  }
0x1d7: {  	v29 =	vld [tilespmem:s31+$0x6420];
	v25 =	vsub.f32 v25, v5;
	v24 =	vmul.f32 $1.442695020e+00, v24;
	(erf) = vpow2.f32 v19  }
0x1d8: {  	v19 =	vmul.f32 $1.442695020e+00, v28;
	v28 =	vsub.f32 v30, v3;
	v42 =	vmul.f32 $1.442695020e+00, v21;
	v21 =	vld [tilespmem:s31+$0x6440]  }
0x1d9: {  	v33 =	vmul.f32 $1.442695020e+00, v33;
	v25 =	vmul.f32 $1.442695020e+00, v25;
	v30 =	vld [tilespmem:s31+$0x6560];
	v20 =	vsub.f32 v20, v9  }
0x1da: {  	(erf) = vpow2.f32 v24;
	v28 =	vmul.f32 $1.442695020e+00, v28;
	v24 =	vsub.f32 v27, v3;
	v27 =	vld [tilespmem:s31+$0x64C0]  }
0x1db: {  	v17 =	vld [tilespmem:s31+$0x6580];
	v23 =	vsub.f32 v23, v7;
	(erf) = vpow2.f32 v25;
	v20 =	vmul.f32 $1.442695020e+00, v20  }
0x1dc: {  	v22 =	vmul.f32 $1.442695020e+00, v22;
	v25 =	vsub.f32 v29, v8;
	(erf) = vpow2.f32 v28;
	v28 =	vld [tilespmem:s31+$0x6400]  }
0x1dd: {  	v51 =	vld [tilespmem:s31+$0x64E0];
	v29 =	vsub.f32 v31, v3;
	(erf) = vpow2.f32 v20;
	v20 =	vsub.f32 v21, v6  }
0x1de: {  	v48 =	vmul.f32 $1.442695020e+00, v23;
	v23 =	vld [tilespmem:s31+$0x65E0];
	v30 =	vsub.f32 v30, v4;
	v21 =	vsub.f32 v46, v4  }
0x1df: {  	v31 =	vld [tilespmem:s31+$0x64A0];
	(erf) = vpow2.f32 v22;
	v49 =	vmul.f32 $1.442695020e+00, v20;
	v20 =	vsub.f32 v27, v6  }
0x1e0: {  	v57 =	vld [tilespmem:s31+$0x6550];
	v17 =	vsub.f32 v17, v10;
	v22 =	vmul.f32 $1.442695020e+00, v30;
	v50 =	vmul.f32 $1.442695020e+00, v21  }
0x1e1: {  	v27 =	vld [tilespmem:s31+$0x65F0];
	v28 =	vsub.f32 v28, v10;
	v21 =	vmul.f32 $1.442695020e+00, v24;
	v20 =	vmul.f32 $1.442695020e+00, v20  }
0x1e2: {  	v35 =	vsub.f32 v51, v4;
	v17 =	vmul.f32 $1.442695020e+00, v17;
	v24 =	vld [tilespmem:s31+$0x65C0];
	(erf) = vpow2.f32 v22  }
0x1e3: {  	v23 =	vsub.f32 v23, v4;
	v22 =	vmul.f32 $1.442695020e+00, v28;
	v28 =	vld [tilespmem:s31+$0x6520];
	(erf) = vpow2.f32 v21  }
0x1e4: {  	v29 =	vmul.f32 $1.442695020e+00, v29;
	v31 =	vsub.f32 v31, v8;
	v30 =	vld [tilespmem:s31+$0x6450];
	(erf) = vpow2.f32 v20  }
0x1e5: {  	v53 =	vld [tilespmem:s31+$0x65A0];
	v41 =	vsub.f32 v57, v5;
	v54 =	vmul.f32 $1.442695020e+00, v23;
	(erf) = vpow2.f32 v49;
	v20 =	vpop (erf)  }
0x1e6: {  	v52 =	vmul.f32 $1.442695020e+00, v31;
	v31 =	vld [tilespmem:s31+$0x6510];
	v27 =	vsub.f32 v27, v3;
	(erf) = vpow2.f32 v29;
	v21 =	vpop (erf)  }
0x1e7: {  	v58 =	vld [tilespmem:s31+$0x6590];
	v25 =	vmul.f32 $1.442695020e+00, v25;
	v56 =	vsub.f32 v24, v6;
	(erf) = vpow2.f32 v48;
	v23 =	vpop (erf)  }
0x1e8: {  	v28 =	vsub.f32 v28, v8;
	v27 =	vmul.f32 $1.442695020e+00, v27;
	(erf) = vpow2.f32 v54;
	v24 =	vpop (erf)  }
0x1e9: {  	v30 =	vsub.f32 v30, v5;
	v59 =	vmul.f32 $1.442695020e+00, v56;
	(erf) = vpow2.f32 v25;
	v29 =	vpop (erf)  }
0x1ea: {  	v61 =	vld [tilespmem:s31+$0x65D0];
	v62 =	vmul.f32 $1.442695020e+00, v28;
	(erf) = vpow2.f32 v27;
	v27 =	vsub.f32 v53, v8;
	v34 =	vpop (erf)  }
0x1eb: {  	v60 =	vsub.f32 v31, v9;
	v30 =	vmul.f32 $1.442695020e+00, v30;
	v25 =	vpop (erf);
	(erf) = vpow2.f32 v59  }
0x1ec: {  	v38 =	vmul.f32 $1.442695020e+00, v27;
	v27 =	vsub.f32 v58, v9;
	v28 =	vpop (erf);
	(erf) = vpow2.f32 v62  }
0x1ed: {  	v31 =	vmul.f32 $1.442695020e+00, v35;
	v35 =	vpop (erf);
	(erf) = vpow2.f32 v33  }
0x1ee: {  	v37 =	vmul.f32 $1.442695020e+00, v60;
	v40 =	vpop (erf);
	(erf) = vpow2.f32 v30  }
0x1ef: {  	v33 =	vmul.f32 $1.442695020e+00, v41;
	v30 =	vsub.f32 v61, v5;
	v41 =	vpop (erf);
	(erf) = vpow2.f32 v52  }
0x1f0: {  	v36 =	vmul.f32 $1.442695020e+00, v27;
	v27 =	vpop (erf);
	(erf) = vpow2.f32 v50  }
0x1f1: {  	s26 =	simm.s32 $0x800;
	v39 =	vmul.f32 $1.442695020e+00, v30;
	v27 =	vadd.f32 v27, v26;
	(erf) = vpow2.f32 v42;
	v26 =	vpop (erf)  }
.LBB2_15:
0x1f2: {  	s28 =	sshra.s32 s26, $0x2;
	p0 =	sne.s32 s26, $0x18800;
	s26 =	sadd.s32 $0x800, s26;
	v15 =	vadd.f32 v41, v15;
	v30 =	vpop (erf);
	(erf) = vpow2.f32 v19  }
0x1f3: {  	v13 =	vadd.f32 v40, v13;
	v19 =	vld [tilespmem:s28+$0x6580];
	v27 =	vadd.f32 v34, v27;
	(erf) = vpow2.f32 v37;
	v34 =	vpop (erf)  }
0x1f4: {  	v37 =	vld [tilespmem:s28+$0x6530];
	v15 =	vadd.f32 v28, v15;
	(erf) = vpow2.f32 v38;
	v38 =	vpop (erf)  }
0x1f5: {  	v14 =	vadd.f32 v30, v14;
	v13 =	vadd.f32 v35, v13;
	v40 =	vld [tilespmem:s28+$0x64B0];
	(erf) = vpow2.f32 v22;
	v22 =	vpop (erf)  }
0x1f6: {  	v18 =	vadd.f32 v29, v18;
	v30 =	vld [tilespmem:s28+$0x6480];
	v15 =	vadd.f32 v24, v15;
	(erf) = vpow2.f32 v31;
	v24 =	vpop (erf)  }
0x1f7: {  	v20 =	vadd.f32 v20, v27;
	v29 =	vld [tilespmem:s28+$0x65B0];
	v13 =	vadd.f32 v24, v13;
	v24 =	vpop (erf);
	(erf) = vpow2.f32 v39  }
0x1f8: {  	v31 =	vld [tilespmem:s28+$0x6570];
	v35 =	vsub.f32 v19, v10;
	v15 =	vadd.f32 v34, v15;
	v19 =	vpop (erf);
	(erf) = vpow2.f32 v36  }
0x1f9: {  	v28 =	vld [tilespmem:s28+$0x6500];
	v14 =	vadd.f32 v19, v14;
	v13 =	vadd.f32 v38, v13;
	v19 =	vpop (erf);
	(erf) = vpow2.f32 v17  }
0x1fa: {  	v27 =	vsub.f32 v37, v7;
	v38 =	vsub.f32 v40, v7;
	v34 =	vld [tilespmem:s28+$0x64D0];
	v36 =	vpop (erf);
	(erf) = vpow2.f32 v32  }
0x1fb: {  	v30 =	vsub.f32 v30, v10;
	v32 =	vld [tilespmem:s28+$0x6540];
	v18 =	vadd.f32 v36, v18;
	(erf) = vpow2.f32 v33;
	v33 =	vpop (erf)  }
0x1fc: {  	v37 =	vmul.f32 $1.442695020e+00, v27;
	v14 =	vadd.f32 v22, v14;
	v36 =	vld [tilespmem:s28+$0x6490];
	v27 =	vadd.f32 v33, v20;
	v20 =	vpop (erf)  }
0x1fd: {  	v16 =	vadd.f32 v19, v16;
	v33 =	vmul.f32 $1.442695020e+00, v38;
	v22 =	vld [tilespmem:s28+$0x6430];
	v18 =	vadd.f32 v20, v18;
	v17 =	vpop (erf)  }
0x1fe: {  	v19 =	vsub.f32 v29, v7;
	v20 =	vmul.f32 $1.442695020e+00, v30;
	v38 =	vld [tilespmem:s28+$0x64F0];
	v14 =	vadd.f32 v17, v14;
	v17 =	vpop (erf)  }
0x1ff: {  	v29 =	vld [tilespmem:s28+$0x6420];
	v30 =	vsub.f32 v34, v5;
	(erf) = vpow2.f32 v37;
	v12 =	vadd.f32 v17, v12;
	v17 =	vpop (erf)  }
0x200: {  	v11 =	vadd.f32 v24, v11;
	v19 =	vmul.f32 $1.442695020e+00, v19;
	v34 =	vld [tilespmem:s28+$0x6410];
	v16 =	vadd.f32 v17, v16;
	v24 =	vpop (erf)  }
0x201: {  	v17 =	vmul.f32 $1.442695020e+00, v35;
	v36 =	vsub.f32 v36, v9;
	v37 =	vld [tilespmem:s28+$0x64E0];
	v12 =	vadd.f32 v21, v12;
	v21 =	vpop (erf)  }
0x202: {  	v11 =	vadd.f32 v23, v11;
	v31 =	vsub.f32 v31, v3;
	v39 =	vmul.f32 $1.442695020e+00, v30;
	v35 =	vld [tilespmem:s28+$0x6460];
	v23 =	vpop (erf)  }
0x203: {  	v32 =	vsub.f32 v32, v6;
	v40 =	vld [tilespmem:s28+$0x6470];
	v30 =	vmul.f32 $1.442695020e+00, v36;
	v36 =	vsub.f32 v38, v3;
	v38 =	vpop (erf)  }
0x204: {  	v31 =	vmul.f32 $1.442695020e+00, v31;
	v41 =	vld [tilespmem:s28+$0x6560];
	(erf) = vpow2.f32 v20;
	v12 =	vadd.f32 v38, v12;
	v20 =	vpop (erf)  }
0x205: {  	v34 =	vsub.f32 v34, v9;
	(erf) = vpow2.f32 v39;
	v11 =	vadd.f32 v20, v11  }
0x206: {  	v42 =	vsub.f32 v29, v8;
	v29 =	vld [tilespmem:s28+$0x6440];
	v37 =	vsub.f32 v37, v4;
	(erf) = vpow2.f32 v31  }
0x207: {  	v22 =	vsub.f32 v22, v7;
	v16 =	vadd.f32 v25, v16;
	v31 =	vld [tilespmem:s28+$0x6400];
	v34 =	vmul.f32 $1.442695020e+00, v34  }
0x208: {  	v18 =	vadd.f32 v21, v18;
	v25 =	vmul.f32 $1.442695020e+00, v42;
	v38 =	vsub.f32 v40, v3;
	v39 =	vld [tilespmem:s28+$0x64C0];
	v20 =	vpop (erf)  }
0x209: {  	v16 =	vadd.f32 v26, v16;
	v40 =	vld [tilespmem:s28+$0x64A0];
	v21 =	vsub.f32 v41, v4;
	(erf) = vpow2.f32 v34  }
0x20a: {  	v26 =	vmul.f32 $1.442695020e+00, v22;
	v11 =	vadd.f32 v24, v11;
	v34 =	vld [tilespmem:s28+$0x65F0];
	(erf) = vpow2.f32 v33  }
0x20b: {  	v24 =	vsub.f32 v35, v4;
	v22 =	vsub.f32 v29, v6;
	v29 =	vmul.f32 $1.442695020e+00, v21;
	v33 =	vld [tilespmem:s28+$0x65E0]  }
0x20c: {  	v12 =	vadd.f32 v23, v12;
	v38 =	vmul.f32 $1.442695020e+00, v38;
	v31 =	vsub.f32 v31, v10;
	v35 =	vld [tilespmem:s28+$0x6450]  }
0x20d: {  	v42 =	vmul.f32 $1.442695020e+00, v24;
	v41 =	vmul.f32 $1.442695020e+00, v22;
	v46 =	vsub.f32 v39, v6;
	v39 =	vld [tilespmem:s28+$0x65C0];
	v21 =	vpop (erf)  }
0x20e: {  	v36 =	vmul.f32 $1.442695020e+00, v36;
	v22 =	vmul.f32 $1.442695020e+00, v31;
	v31 =	vsub.f32 v40, v8;
	v40 =	vld [tilespmem:s28+$0x6520];
	v23 =	vpop (erf)  }
0x20f: {  	v43 =	vmul.f32 $1.442695020e+00, v46;
	v44 =	vld [tilespmem:s28+$0x6510];
	v45 =	vsub.f32 v34, v3;
	(erf) = vpow2.f32 v29;
	v24 =	vpop (erf)  }
0x210: {  	v46 =	vmul.f32 $1.442695020e+00, v31;
	v47 =	vld [tilespmem:s28+$0x65A0];
	v48 =	vsub.f32 v33, v4;
	(erf) = vpow2.f32 v36  }
0x211: {  	v33 =	vmul.f32 $1.442695020e+00, v32;
	v31 =	vsub.f32 v35, v5;
	(erf) = vpow2.f32 v43  }
0x212: {  	v32 =	vld [tilespmem:s28+$0x6550];
	v35 =	vsub.f32 v39, v6;
	v36 =	vmul.f32 $1.442695020e+00, v48;
	v29 =	vpop (erf);
	(erf) = vpow2.f32 v41  }
0x213: {  	v39 =	vmul.f32 $1.442695020e+00, v31;
	v40 =	vsub.f32 v40, v8;
	v41 =	vld [tilespmem:s28+$0x6590];
	(erf) = vpow2.f32 v38;
	v34 =	vpop (erf)  }
0x214: {  	v31 =	vmul.f32 $1.442695020e+00, v37;
	v37 =	vsub.f32 v44, v9;
	v43 =	vld [tilespmem:s28+$0x65D0];
	(erf) = vpow2.f32 v26  }
0x215: {  	v38 =	vmul.f32 $1.442695020e+00, v45;
	v26 =	vsub.f32 v47, v8;
	(erf) = vpow2.f32 v36  }
0x216: {  	v44 =	vmul.f32 $1.442695020e+00, v35;
	v36 =	vsub.f32 v28, v10;
	(erf) = vpow2.f32 v25  }
0x217: {  	v45 =	vmul.f32 $1.442695020e+00, v40;
	v40 =	vsub.f32 v32, v5;
	(erf) = vpow2.f32 v38  }
0x218: {  	v37 =	vmul.f32 $1.442695020e+00, v37;
	v41 =	vsub.f32 v41, v9;
	v25 =	vpop (erf);
	(erf) = vpow2.f32 v44  }
0x219: {  	v38 =	vmul.f32 $1.442695020e+00, v26;
	v26 =	vsub.f32 v43, v5;
	v28 =	vpop (erf);
	(erf) = vpow2.f32 v45  }
.Ltmp11:
0x21a: {  	v32 =	vmul.f32 $1.442695020e+00, v36;
	v35 =	vpop (erf);
	(erf) = vpow2.f32 v33;
	(pc) =	sbr.rel @p0 .LBB2_15-.Ltmp11, $4  }
0x21b: {  	v33 =	vmul.f32 $1.442695020e+00, v40;
	v40 =	vpop (erf);
	(erf) = vpow2.f32 v39  }
0x21c: {  	v36 =	vmul.f32 $1.442695020e+00, v41;
	v41 =	vpop (erf);
	(erf) = vpow2.f32 v46  }
0x21d: {  	v39 =	vmul.f32 $1.442695020e+00, v26;
	v26 =	vpop (erf);
	(erf) = vpow2.f32 v42  }
0x21e: {  	v27 =	vadd.f32 v26, v27;
	(erf) = vpow2.f32 v30;
	v26 =	vpop (erf)  }
0x21f: {  	v30 =	vld [tilespmem:s24+$0x11C00];
	s0 =	sand.u32 $0xF0, s25  }
0x220: {  	v42 =	vld [tilespmem:s0+$0x11C00];
	_ =	sdelay $0x1  }
0x221: {  	s31 =	sand.u32 $0xE, s25  }
0x222: {  	v51 =	vmov s31  }
0x223: {  	v30 =	vnsel vm2, $0x0, v30;
	vm2 =	veq.s32 v51, v1  }
0x224: {  	(xrf0) =	vadd.scan.msk.s32 $0xffff, v30;
	v30 =	vnsel vm2, $0x0, v42  }
0x225: {  	(xrf0) =	vadd.scan.msk.s32 $0xffff, v30  }
0x226: {  	v53 =	vpop (erf)  }
0x227: {  	(erf) = vpow2.f32 v19;
	v19 =	vpop (erf)  }
0x228: {  	v54 =	vpop (erf)  }
0x229: {  	(erf) = vpow2.f32 v37;
	v55 =	vpop (erf)  }
0x22a: {  	(erf) = vpow2.f32 v38;
	v52, _, _ =	vpop (xrf0)  }
0x22b: {  	(erf) = vpow2.f32 v22;
	(v2sf) =	vpush v52, $0xF;
	v22, _, _ =	vpop (xrf0)  }
0x22c: {  	(v2sf) =	vpush v22, $0xF;
	_ =	sdelay $0x3  }
0x22d: {  	v15 =	vadd.f32 v41, v15;
	(erf) = vpow2.f32 v31;
	v22 =	vpop (erf)  }
0x22e: {  	(erf) = vpow2.f32 v39;
	v56 =	vpop (erf)  }
0x22f: {  	v15 =	vadd.f32 v28, v15;
	v57 =	vpop (erf);
	(erf) = vpow2.f32 v36  }
0x230: {  	v13 =	vadd.f32 v40, v13;
	v27 =	vadd.f32 v34, v27;
	v58 =	vpop (erf);
	(erf) = vpow2.f32 v17  }
0x231: {  	v15 =	vadd.f32 v24, v15;
	v17 =	vpop (erf);
	(erf) = vpow2.f32 v32  }
0x232: {  	v18 =	vadd.f32 v29, v18;
	v13 =	vadd.f32 v35, v13;
	(erf) = vpow2.f32 v33;
	v59 =	vpop (erf)  }
0x233: {  	v14 =	vadd.f32 v53, v14;
	v19 =	vadd.f32 v19, v15;
	v24 =	vpop (erf)  }
0x234: {  	v13 =	vadd.f32 v22, v13;
	v22 =	vadd.f32 v20, v27;
	v27 =	vpop (erf)  }
0x235: {  	v11 =	vadd.f32 v56, v11;
	v14 =	vadd.f32 v57, v14;
	v60 =	vpop (erf)  }
0x236: {  	v20 =	vadd.f32 v54, v13;
	v61 =	vadd.f32 v17, v18;
	v17 =	vpop (erf)  }
0x237: {  	v16 =	vadd.f32 v58, v16;
	v11 =	vadd.f32 v23, v11;
	v18 =	vpop (erf);
	s25 =	spop (v2sf)  }
0x238: {  	v14 =	vadd.f32 v55, v14;
	v12 =	vadd.f32 v60, v12;
	v62 =	vpop (erf);
	s24 =	spop (v2sf)  }
0x239: {  	v22 =	vadd.f32 v59, v22;
	v16 =	vadd.f32 v17, v16;
	v17 =	vpop (erf);
	p0 =	sge.s32 s25, s24  }
.Ltmp12:
0x23a: {  	v15 =	vadd.f32 v24, v61;
	v12 =	vadd.f32 v21, v12;
	v21 =	vpop (erf);
	(pc) =	sbr.rel @p0 .LBB2_20-.Ltmp12, $4  }
0x23b: {  	v24 =	vadd.f32 v27, v14;
	v16 =	vadd.f32 v25, v16;
	v63 =	vpop (erf)  }
0x23c: {  	v12 =	vadd.f32 v21, v12;
	v11 =	vadd.f32 v63, v11  }
0x23d: {  	v25 =	vadd.f32 v62, v15;
	v21 =	vadd.f32 v26, v16  }
0x23e: {  	v26 =	vadd.f32 v17, v12;
	v23 =	vadd.f32 v18, v11  }
0x23f: {  	s0 =	sand.u32 $0xF, s25  }
0x240: {  	s2 =	sshra.s32 s25, $0x1F;
	p0 =	slt.s32 s25, $0x1;
	p1 =	sne.s32 s0, $0x0  }
0x241: {  	s30 =	sshrl.u32 s2, $0x1C;
	p0 =	por !p0, !p1  }
0x242: {  	s2 =	simm.s32 $0x1;
	s0 =	sadd.s32 s30, s25;
	p0 =	por !p0, !p0  }
0x243: {  	s0 =	sshrl.u32 s0, $0x4;
	s2 =	simm.s32 @!p0 $0x0  }
0x244: {  	s0 =	ssub.s32 s0, s2  }
0x245: {  	s0 =	sshll.u32 s0, $0x4  }
0x246: {  	v11 =	vld [tilespmem:s0+$0xC800];
	_ =	sdelay $0x1  }
0x247: {  	s0 =	ssub.s32 s25, s0  }
0x248: {  	v12 =	vmov s0  }
0x249: {  	vm2 =	veq.s32 v12, v1  }
0x24a: {  	v11 =	vnsel vm2, $0x0, v11  }
0x24b: {  	(xrf0) =	vadd.scan.msk.s32 $0xffff, v11;
	_ =	sdelay $0x5  }
0x24c: {  	v11, _, _ =	vpop (xrf0)  }
0x24d: {  	(v2sf) =	vpush v11, $0xF;
	_ =	sdelay $0xe  }
0x24e: {  	s31 =	spop (v2sf)  }
0x24f: {  	s26 =	sshrl.u32 s31, $0x8  }
0x250: {  	s12 =	sand.u32 $0xF00, s31;
	s2 =	sand.u32 $0x7F, s26  }
0x251: {  	p4 =	sne.s32 s12, $0x0;
	p3 =	seq.s32 s2, $0x0  }
0x252: {  	p0 =	por !p4, !p3  }
0x253: {  	s12 =	simm.s32 $0xFFFFFFFF;
	p0 =	por !p0, !p0  }
0x254: {  	s12 =	simm.s32 @!p0 $0x0  }
0x255: {  	s12 =	sshll.u32 s12, $0x4  }
0x256: {  	s26 =	sshll.u32 s31, $0x7;
	s12 =	sadd.s32 s2, s12  }
0x257: {  	s26 =	sand.u32 $0x7F80, s26;
	s28 =	sand.u32 $0xFFFFFF80, s12  }
0x258: {  	s29 =	sand.u32 $0x70, s12;
	s28 =	sadd.s32 s28, s26  }
0x259: {  	s30 =	sshrl.u32 s31, $0xF;
	s28 =	sor.u32 s29, s28  }
0x25a: {  	s0 =	sand.u32 $0x78000, s31;
	s26 =	sand.u32 $0x1F, s30;
	v11 =	vld [tilespmem:s28+$0x6400]  }
0x25b: {  	p6 =	sne.s32 s0, $0x0;
	s31 =	sand.u32 $0xFFFFFFF0, s12;
	p5 =	seq.s32 s26, $0x0  }
0x25c: {  	s0 =	ssub.s32 s2, s31;
	p0 =	por !p6, !p5  }
0x25d: {  	s25 =	sadd.s32 $0x1, s25;
	s12 =	simm.s32 $0xFFFFFFFF;
	v63 =	vmov s0;
	p0 =	por !p0, !p0  }
0x25e: {  	vm2 =	veq.s32 v63, v1;
	s12 =	simm.s32 @!p0 $0x0;
	p0 =	sne.s32 s24, s25  }
.Ltmp13:
0x25f: {  	v11 =	vnsel vm2, $0xFF61B1E6, v11;
	(pc) =	sbr.rel @!p0 .LBB2_19-.Ltmp13, $4  }
0x260: {  	s30 =	sshll.u32 s12, $0x4;
	(xrf0) =	vmax.scan.msk.f32 $0xffff, v11  }
0x261: {  	s0 =	sadd.s32 s26, s30  }
0x262: {  	s31 =	sshll.u32 s2, $0x5;
	s29 =	sand.u32 $0xFFFFFFF0, s0  }
0x263: {  	s28 =	sadd.s32 s29, s31  }
.LBB2_18:
0x264: {  	s0 =	sshra.s32 s25, $0x1F  }
0x265: {  	s2 =	sand.u32 $0xF, s25;
	v11 =	vld [tilespmem:s28+$0x11C80];
	s12 =	smov.u32 s25;
	s25 =	sadd.s32 $0x1, s25  }
0x266: {  	p1 =	slt.s32 s12, $0x1;
	p2 =	sne.s32 s2, $0x0;
	p0 =	sne.s32 s24, s25  }
0x267: {  	s0 =	sshrl.u32 s0, $0x1C;
	s2 =	ssub.s32 s26, s29;
	p1 =	por !p1, !p2;
	v12, _, _ =	vpop (xrf0)  }
0x268: {  	s0 =	sadd.s32 s0, s12;
	v13 =	vmov s2;
	s2 =	simm.s32 $0x1;
	p1 =	por !p1, !p1;
	v12 =	vbroadcast v12, $0xF  }
0x269: {  	s0 =	sshrl.u32 s0, $0x4;
	vm2 =	veq.s32 v13, v1;
	s2 =	simm.s32 @!p1 $0x0  }
0x26a: {  	s0 =	ssub.s32 s0, s2;
	v11 =	vsel vm2, v12, v11  }
0x26b: {  	s0 =	sshll.u32 s0, $0x4;
	[tilespmem:s28+$0x11C80] =	vst v11  }
0x26c: {  	v11 =	vld [tilespmem:s0+$0xC800];
	_ =	sdelay $0x1  }
0x26d: {  	s0 =	ssub.s32 s12, s0  }
0x26e: {  	v12 =	vmov s0  }
0x26f: {  	vm2 =	veq.s32 v12, v1  }
0x270: {  	v11 =	vnsel vm2, $0x0, v11  }
0x271: {  	(xrf0) =	vadd.scan.msk.s32 $0xffff, v11;
	_ =	sdelay $0x5  }
0x272: {  	v11, _, _ =	vpop (xrf0)  }
0x273: {  	(v2sf) =	vpush v11, $0xF;
	_ =	sdelay $0xe  }
0x274: {  	s0 =	spop (v2sf)  }
0x275: {  	s2 =	sshrl.u32 s0, $0x8  }
0x276: {  	s12 =	sand.u32 $0xF00, s0;
	s2 =	sand.u32 $0x7F, s2  }
0x277: {  	p2 =	sne.s32 s12, $0x0;
	p1 =	seq.s32 s2, $0x0  }
0x278: {  	p1 =	por !p2, !p1  }
0x279: {  	s12 =	simm.s32 $0xFFFFFFFF;
	p1 =	por !p1, !p1  }
0x27a: {  	s12 =	simm.s32 @!p1 $0x0  }
0x27b: {  	s12 =	sshll.u32 s12, $0x4  }
0x27c: {  	s26 =	sshll.u32 s0, $0x7;
	s12 =	sadd.s32 s2, s12  }
0x27d: {  	s26 =	sand.u32 $0x7F80, s26;
	s28 =	sand.u32 $0xFFFFFF80, s12  }
0x27e: {  	s29 =	sand.u32 $0x70, s12;
	s26 =	sadd.s32 s28, s26  }
0x27f: {  	s26 =	sor.u32 s29, s26  }
0x280: {  	s28 =	sshrl.u32 s0, $0xF;
	v11 =	vld [tilespmem:s26+$0x6400]  }
0x281: {  	s12 =	sand.u32 $0xFFFFFFF0, s12;
	s0 =	sand.u32 $0x78000, s0;
	s26 =	sand.u32 $0x1F, s28  }
0x282: {  	s12 =	ssub.s32 s2, s12;
	p2 =	sne.s32 s0, $0x0;
	p1 =	seq.s32 s26, $0x0  }
0x283: {  	v12 =	vmov s12;
	p1 =	por !p2, !p1  }
0x284: {  	s0 =	simm.s32 $0xFFFFFFFF;
	vm2 =	veq.s32 v12, v1;
	p1 =	por !p1, !p1  }
.Ltmp14:
0x285: {  	s0 =	simm.s32 @!p1 $0x0;
	v11 =	vnsel vm2, $0xFF61B1E6, v11;
	(pc) =	sbr.rel @p0 .LBB2_18-.Ltmp14, $4  }
0x286: {  	s0 =	sshll.u32 s0, $0x4;
	(xrf0) =	vmax.scan.msk.f32 $0xffff, v11  }
0x287: {  	s0 =	sadd.s32 s26, s0  }
0x288: {  	s29 =	sand.u32 $0xFFFFFFF0, s0;
	s0 =	sshll.u32 s2, $0x5  }
0x289: {  	s28 =	sadd.s32 s29, s0  }
.Ltmp15:
0x28a: {  	_ = 	snop;
	(pc) =	sbr.rel .LBB2_19-.Ltmp15, $1  }
0x28b: {  	_ =	sdelay $0x3  }
.LBB2_21:
0x28c: {  	_ =	swait.ge [sflag:s18], $0x6400  }
0x28d: {  	[sflag:s18] =	ssyncset.done $0x0  }
0x28e: {  	s23 =	simm.s32 $0x0;
	[sflag:s18] =	ssyncadd.s32 $0xFFFF9C00  }
0x28f: {  	v17 =	vld [tilespmem:s23+$0x180]  }
0x290: {  	v18 =	vld [tilespmem:s23+$0x190]  }
0x291: {  	v12 =	vld [tilespmem:s23+$0x1A0]  }
0x292: {  	v13 =	vld [tilespmem:s23+$0x1B0]  }
0x293: {  	v14 =	vld [tilespmem:s23+$0x1C0]  }
0x294: {  	v2 =	vld [tilespmem:s23+$0x1D0]  }
0x295: {  	v11 =	vld [tilespmem:s23+$0x1E0]  }
0x296: {  	v27 =	vld [tilespmem:s23+$0x100]  }
0x297: {  	v28 =	vld [tilespmem:s23+$0x110]  }
0x298: {  	v31 =	vld [tilespmem:s23+$0x120]  }
0x299: {  	v32 =	vld [tilespmem:s23+$0x130]  }
0x29a: {  	v33 =	vld [tilespmem:s23+$0x140]  }
0x29b: {  	v15 =	vld [tilespmem:s23+$0x150]  }
0x29c: {  	v16 =	vld [tilespmem:s23+$0x160]  }
0x29d: {  	v29 =	vld [tilespmem:s23+$0x80]  }
0x29e: {  	v35 =	vld [tilespmem:s23+$0x90]  }
0x29f: {  	v38 =	vld [tilespmem:s23+$0xA0]  }
0x2a0: {  	v39 =	vld [tilespmem:s23+$0xB0]  }
0x2a1: {  	v36 =	vld [tilespmem:s23+$0x0]  }
0x2a2: {  	v37 =	vld [tilespmem:s23+$0x10]  }
0x2a3: {  	v40 =	vld [tilespmem:s23+$0xC0]  }
0x2a4: {  	v34 =	vld [tilespmem:s23+$0xD0]  }
0x2a5: {  	v43 =	vld [tilespmem:s23+$0x20]  }
0x2a6: {  	v30 =	vimm.f32 $-3.000000010e+38;
	v44 =	vld [tilespmem:s23+$0x30]  }
0x2a7: {  	v45 =	vld [tilespmem:s23+$0x40];
	v36 =	vmax.f32 v30, v36;
	v41 =	vmax.f32 v30, v37  }
0x2a8: {  	v42 =	vld [tilespmem:s23+$0x60];
	v29 =	vmax.f32 v36, v29;
	v35 =	vmax.f32 v41, v35;
	v36 =	vimm.f32 $-3.000000010e+38  }
0x2a9: {  	v37 =	vld [tilespmem:s23+$0xE0];
	v46 =	vmax.f32 v29, v27;
	v47 =	vmax.f32 v35, v28;
	v35 =	vimm.f32 $-3.000000010e+38  }
0x2aa: {  	s24 =	simm.s32 $0x800;
	v41 =	vld [tilespmem:s23+$0x50];
	v27 =	vimm.f32 $-3.000000010e+38;
	v28 =	vimm.f32 $-3.000000010e+38;
	v29 =	vimm.f32 $-3.000000010e+38  }
.LBB2_22:
0x2ab: {  	p0 =	sne.s32 s24, $0x18800;
	v48 =	vld [tilespmem:s23+$0x70];
	v46 =	vmax.f32 v46, v17;
	v47 =	vmax.f32 v47, v18  }
0x2ac: {  	v17 =	vmax.f32 v30, v43;
	v18 =	vmax.f32 v35, v44;
	v30 =	vmax.f32 v36, v45;
	v43 =	vld [tilespmem:s23+$0xF0]  }
0x2ad: {  	v17 =	vmax.f32 v17, v38;
	v18 =	vmax.f32 v18, v39;
	v30 =	vmax.f32 v30, v40;
	v38 =	vld [tilespmem:s23+$0x170]  }
0x2ae: {  	v31 =	vmax.f32 v17, v31;
	v18 =	vmax.f32 v18, v32;
	v32 =	vmax.f32 v30, v33;
	v33 =	vld [tilespmem:s23+$0x1F0];
	s23 =	sshra.s32 s24, $0x2  }
0x2af: {  	v30 =	vmax.f32 v31, v12;
	v35 =	vmax.f32 v18, v13;
	v17 =	vld [tilespmem:s23+$0x180];
	v36 =	vmax.f32 v32, v14  }
0x2b0: {  	v13 =	vmax.f32 v27, v41;
	v14 =	vmax.f32 v28, v42;
	v18 =	vld [tilespmem:s23+$0x190];
	v27 =	vmax.f32 v29, v48  }
0x2b1: {  	v28 =	vmax.f32 v13, v34;
	v14 =	vmax.f32 v14, v37;
	v12 =	vld [tilespmem:s23+$0x1A0];
	v27 =	vmax.f32 v27, v43  }
0x2b2: {  	v15 =	vmax.f32 v28, v15;
	v16 =	vmax.f32 v14, v16;
	v13 =	vld [tilespmem:s23+$0x1B0];
	v29 =	vmax.f32 v27, v38  }
0x2b3: {  	v27 =	vmax.f32 v15, v2;
	v28 =	vmax.f32 v16, v11;
	v14 =	vld [tilespmem:s23+$0x1C0];
	v29 =	vmax.f32 v29, v33  }
0x2b4: {  	v2 =	vld [tilespmem:s23+$0x1D0]  }
0x2b5: {  	v11 =	vld [tilespmem:s23+$0x1E0]  }
0x2b6: {  	v48 =	vld [tilespmem:s23+$0x100]  }
0x2b7: {  	v49 =	vld [tilespmem:s23+$0x110]  }
0x2b8: {  	v31 =	vld [tilespmem:s23+$0x120]  }
0x2b9: {  	v32 =	vld [tilespmem:s23+$0x130]  }
0x2ba: {  	v33 =	vld [tilespmem:s23+$0x140]  }
0x2bb: {  	v15 =	vld [tilespmem:s23+$0x150]  }
0x2bc: {  	v16 =	vld [tilespmem:s23+$0x160]  }
0x2bd: {  	v42 =	vld [tilespmem:s23+$0x80]  }
0x2be: {  	v50 =	vld [tilespmem:s23+$0x90]  }
0x2bf: {  	v38 =	vld [tilespmem:s23+$0xA0]  }
0x2c0: {  	v39 =	vld [tilespmem:s23+$0xB0]  }
0x2c1: {  	v40 =	vld [tilespmem:s23+$0xC0]  }
0x2c2: {  	v37 =	vld [tilespmem:s23+$0x0]  }
0x2c3: {  	v41 =	vld [tilespmem:s23+$0x10]  }
0x2c4: {  	v34 =	vld [tilespmem:s23+$0xD0]  }
0x2c5: {  	v43 =	vld [tilespmem:s23+$0x20]  }
.Ltmp16:
0x2c6: {  	v44 =	vld [tilespmem:s23+$0x30];
	(pc) =	sbr.rel @p0 .LBB2_22-.Ltmp16, $4  }
0x2c7: {  	v45 =	vld [tilespmem:s23+$0x40]  }
0x2c8: {  	v46 =	vmax.f32 v46, v37;
	v47 =	vmax.f32 v47, v41;
	v37 =	vld [tilespmem:s23+$0xE0]  }
0x2c9: {  	v46 =	vmax.f32 v46, v42;
	v41 =	vld [tilespmem:s23+$0x50];
	v47 =	vmax.f32 v47, v50  }
0x2ca: {  	s24 =	sadd.s32 $0x800, s24;
	v46 =	vmax.f32 v46, v48;
	v42 =	vld [tilespmem:s23+$0x60];
	v47 =	vmax.f32 v47, v49  }
0x2cb: {  	v17 =	vmax.f32 v46, v17  }
0x2cc: {  	v62 =	vld [tilespmem:s23+$0x70];
	v18 =	vmax.f32 v47, v18;
	v30 =	vmax.f32 v30, v43;
	v35 =	vmax.f32 v35, v44  }
0x2cd: {  	v63 =	vld [tilespmem:s23+$0xF0];
	v36 =	vmax.f32 v36, v45;
	v30 =	vmax.f32 v30, v38;
	v35 =	vmax.f32 v35, v39  }
0x2ce: {  	v36 =	vmax.f32 v36, v40;
	v30 =	vmax.f32 v30, v31;
	v31 =	vmax.f32 v35, v32  }
0x2cf: {  	v40 =	vld [tilespmem:s23+$0x170];
	v44 =	vmax.f32 v36, v33;
	v12 =	vmax.f32 v30, v12;
	v30 =	vmax.f32 v31, v13  }
0x2d0: {  	v13 =	vmax.f32 v27, v41;
	v31 =	vmax.f32 v44, v14;
	v14 =	vmax.f32 v28, v42  }
0x2d1: {  	v45 =	vld [tilespmem:s23+$0x1F0];
	v13 =	vmax.f32 v13, v34;
	v12 =	vmax.f32 v8, v12;
	v27 =	vmax.f32 v29, v62  }
0x2d2: {  	v14 =	vmax.f32 v14, v37;
	v13 =	vmax.f32 v13, v15;
	v27 =	vmax.f32 v27, v63  }
0x2d3: {  	v14 =	vmax.f32 v14, v16;
	v2 =	vmax.f32 v13, v2;
	v13 =	vmax.f32 v9, v18  }
0x2d4: {  	v15 =	vmax.f32 v27, v40;
	v16 =	vmax.f32 v14, v11;
	v14 =	vmax.f32 v10, v17  }
0x2d5: {  	v11 =	vmax.f32 v7, v30;
	v2 =	vmax.f32 v5, v2;
	v17 =	vsub.f32 v10, v14  }
0x2d6: {  	v18 =	vsub.f32 v9, v13;
	v15 =	vmax.f32 v15, v45;
	v10 =	vmax.f32 v6, v31  }
0x2d7: {  	v9 =	vmax.f32 v4, v16;
	v16 =	vmul.f32 $1.442695020e+00, v17;
	v17 =	vsub.f32 v8, v12  }
0x2d8: {  	v7 =	vsub.f32 v7, v11;
	v8 =	vmax.f32 v3, v15;
	v15 =	vmul.f32 $1.442695020e+00, v18  }
0x2d9: {  	v6 =	vsub.f32 v6, v10;
	(erf) = vpow2.f32 v16;
	v16 =	vmul.f32 $1.442695020e+00, v17  }
0x2da: {  	v5 =	vsub.f32 v5, v2;
	v7 =	vmul.f32 $1.442695020e+00, v7;
	(erf) = vpow2.f32 v15  }
0x2db: {  	v4 =	vsub.f32 v4, v9;
	v6 =	vmul.f32 $1.442695020e+00, v6;
	(erf) = vpow2.f32 v16  }
0x2dc: {  	v5 =	vmul.f32 $1.442695020e+00, v5;
	v3 =	vsub.f32 v3, v8;
	(erf) = vpow2.f32 v7  }
0x2dd: {  	v4 =	vmul.f32 $1.442695020e+00, v4;
	(erf) = vpow2.f32 v6  }
0x2de: {  	v3 =	vmul.f32 $1.442695020e+00, v3;
	(erf) = vpow2.f32 v5  }
0x2df: {  	s31 =	simm.s32 $0x0;
	(erf) = vpow2.f32 v4  }
0x2e0: {  	v54 =	vld [tilespmem:s31+$0x1A0]  }
0x2e1: {  	v28 =	vld [tilespmem:s31+$0x1B0];
	(erf) = vpow2.f32 v3  }
0x2e2: {  	v29 =	vld [tilespmem:s31+$0x170];
	v3 =	vpop (erf)  }
0x2e3: {  	v27 =	vld [tilespmem:s31+$0x80];
	v5 =	vpop (erf)  }
0x2e4: {  	v7 =	vld [tilespmem:s31+$0x130];
	v6 =	vpop (erf)  }
0x2e5: {  	v30 =	vld [tilespmem:s31+$0x160];
	v15 =	vpop (erf)  }
0x2e6: {  	v18 =	vld [tilespmem:s31+$0xB0];
	v4 =	vmul.f32 v3, v26;
	v3 =	vpop (erf)  }
0x2e7: {  	v17 =	vmul.f32 v5, v25;
	v25 =	vld [tilespmem:s31+$0xD0];
	v26 =	vmul.f32 v15, v22;
	v15 =	vpop (erf)  }
0x2e8: {  	v22 =	vld [tilespmem:s31+$0x90];
	v5 =	vmul.f32 v3, v20;
	v3 =	vmul.f32 v15, v23;
	v15 =	vpop (erf)  }
0x2e9: {  	v20 =	vsub.f32 v7, v11;
	v15 =	vmul.f32 v15, v21;
	v21 =	vsub.f32 v27, v14;
	v27 =	vld [tilespmem:s31+$0x10]  }
0x2ea: {  	v62 =	vsub.f32 v54, v12;
	v29 =	vsub.f32 v29, v8;
	v6 =	vmul.f32 v6, v24;
	v24 =	vld [tilespmem:s31+$0xF0];
	v7 =	vpop (erf)  }
0x2eb: {  	v7 =	vmul.f32 v7, v19;
	v19 =	vmul.f32 $1.442695020e+00, v20;
	v20 =	vsub.f32 v28, v11;
	v28 =	vld [tilespmem:s31+$0x20]  }
0x2ec: {  	v30 =	vsub.f32 v30, v9;
	v23 =	vld [tilespmem:s31+$0x30];
	v25 =	vsub.f32 v25, v2;
	v21 =	vmul.f32 $1.442695020e+00, v21  }
0x2ed: {  	v18 =	vsub.f32 v18, v11;
	(erf) = vpow2.f32 v19;
	v19 =	vsub.f32 v22, v13;
	v22 =	vld [tilespmem:s31+$0x70]  }
0x2ee: {  	v31 =	vld [tilespmem:s31+$0x60];
	v25 =	vmul.f32 $1.442695020e+00, v25;
	(erf) = vpow2.f32 v21;
	v21 =	vsub.f32 v27, v13  }
0x2ef: {  	v29 =	vmul.f32 $1.442695020e+00, v29;
	v18 =	vmul.f32 $1.442695020e+00, v18;
	v24 =	vsub.f32 v24, v8;
	v27 =	vld [tilespmem:s31+$0xC0]  }
0x2f0: {  	(erf) = vpow2.f32 v25;
	v25 =	vsub.f32 v28, v12;
	v28 =	vld [tilespmem:s31+$0x0];
	v21 =	vmul.f32 $1.442695020e+00, v21  }
0x2f1: {  	v23 =	vsub.f32 v23, v11;
	v47 =	vmul.f32 $1.442695020e+00, v19;
	v19 =	vld [tilespmem:s31+$0x40];
	(erf) = vpow2.f32 v29  }
0x2f2: {  	v29 =	vmul.f32 $1.442695020e+00, v25;
	v22 =	vsub.f32 v22, v8;
	v25 =	vld [tilespmem:s31+$0xA0];
	(erf) = vpow2.f32 v21  }
0x2f3: {  	v51 =	vld [tilespmem:s31+$0x1C0];
	v21 =	vmul.f32 $1.442695020e+00, v23;
	(erf) = vpow2.f32 v18;
	v18 =	vsub.f32 v31, v9  }
0x2f4: {  	v23 =	vmul.f32 $1.442695020e+00, v30;
	v30 =	vld [tilespmem:s31+$0x1E0];
	v49 =	vmul.f32 $1.442695020e+00, v22;
	v22 =	vsub.f32 v27, v10  }
0x2f5: {  	v37 =	vmul.f32 $1.442695020e+00, v62;
	v31 =	vld [tilespmem:s31+$0x50];
	v28 =	vsub.f32 v28, v14;
	v50 =	vmul.f32 $1.442695020e+00, v18  }
0x2f6: {  	v19 =	vsub.f32 v19, v10;
	v27 =	vld [tilespmem:s31+$0x1F0];
	v18 =	vmul.f32 $1.442695020e+00, v24;
	v22 =	vmul.f32 $1.442695020e+00, v22  }
0x2f7: {  	(erf) = vpow2.f32 v23;
	v25 =	vsub.f32 v25, v12;
	v24 =	vmul.f32 $1.442695020e+00, v28;
	v28 =	vld [tilespmem:s31+$0x120]  }
0x2f8: {  	v56 =	vld [tilespmem:s31+$0x100];
	v57 =	vsub.f32 v51, v10;
	v19 =	vmul.f32 $1.442695020e+00, v19;
	(erf) = vpow2.f32 v18  }
0x2f9: {  	v48 =	vld [tilespmem:s31+$0x140];
	v53 =	vmul.f32 $1.442695020e+00, v25;
	v25 =	vsub.f32 v30, v9;
	(erf) = vpow2.f32 v22  }
0x2fa: {  	v60 =	vld [tilespmem:s31+$0x1D0];
	v34 =	vmul.f32 $1.442695020e+00, v57;
	v22 =	vpop (erf);
	(erf) = vpow2.f32 v19  }
0x2fb: {  	v16 =	vld [tilespmem:s31+$0x180];
	v27 =	vsub.f32 v27, v8;
	v18 =	vpop (erf);
	v55 =	vmul.f32 $1.442695020e+00, v25;
	(erf) = vpow2.f32 v49  }
0x2fc: {  	v30 =	vld [tilespmem:s31+$0x110];
	v31 =	vsub.f32 v31, v2;
	v19 =	vpop (erf);
	(erf) = vpow2.f32 v21;
	v21 =	vsub.f32 v28, v12  }
0x2fd: {  	v59 =	vld [tilespmem:s31+$0x190];
	v39 =	vsub.f32 v56, v14;
	v27 =	vmul.f32 $1.442695020e+00, v27;
	v25 =	vpop (erf);
	(erf) = vpow2.f32 v55  }
0x2fe: {  	v52 =	vld [tilespmem:s31+$0xE0];
	v23 =	vsub.f32 v48, v10;
	v58 =	vmul.f32 $1.442695020e+00, v31;
	v28 =	vpop (erf);
	(erf) = vpow2.f32 v29  }
0x2ff: {  	v63 =	vsub.f32 v60, v2;
	v31 =	vld [tilespmem:s31+$0x150];
	v61 =	vmul.f32 $1.442695020e+00, v21;
	v33 =	vpop (erf);
	(erf) = vpow2.f32 v27  }
0x300: {  	v16 =	vsub.f32 v16, v14;
	v23 =	vmul.f32 $1.442695020e+00, v23;
	v21 =	vpop (erf);
	(erf) = vpow2.f32 v34  }
0x301: {  	v38 =	vmul.f32 $1.442695020e+00, v63;
	v29 =	vsub.f32 v30, v13;
	v27 =	vpop (erf);
	(erf) = vpow2.f32 v61  }
0x302: {  	v16 =	vmul.f32 $1.442695020e+00, v16;
	(erf) = vpow2.f32 v23;
	v23 =	vsub.f32 v59, v13  }
0x303: {  	v32 =	vsub.f32 v52, v9;
	v20 =	vmul.f32 $1.442695020e+00, v20;
	v36 =	vmul.f32 $1.442695020e+00, v29;
	v34 =	vpop (erf)  }
0x304: {  	v29 =	vsub.f32 v31, v2;
	v31 =	vmul.f32 $1.442695020e+00, v39;
	v39 =	vpop (erf);
	(erf) = vpow2.f32 v58  }
0x305: {  	v30 =	vmul.f32 $1.442695020e+00, v32;
	v40 =	vpop (erf);
	(erf) = vpow2.f32 v53  }
0x306: {  	v35 =	vmul.f32 $1.442695020e+00, v23;
	(erf) = vpow2.f32 v50;
	v23 =	vpop (erf)  }
0x307: {  	s23 =	simm.s32 $0x800;
	v32 =	vmul.f32 $1.442695020e+00, v29;
	(erf) = vpow2.f32 v47;
	v26 =	vadd.f32 v23, v26;
	v23 =	vpop (erf)  }
.LBB2_24:
0x308: {  	s24 =	sshra.s32 s23, $0x2;
	p0 =	sne.s32 s23, $0x18800;
	s23 =	sadd.s32 $0x800, s23;
	v7 =	vadd.f32 v40, v7;
	v29 =	vpop (erf);
	(erf) = vpow2.f32 v20  }
0x309: {  	v5 =	vadd.f32 v39, v5;
	v20 =	vld [tilespmem:s24+$0x180];
	v26 =	vadd.f32 v33, v26;
	(erf) = vpow2.f32 v36;
	v33 =	vpop (erf)  }
0x30a: {  	v36 =	vld [tilespmem:s24+$0x130];
	v7 =	vadd.f32 v27, v7;
	(erf) = vpow2.f32 v37;
	v37 =	vpop (erf)  }
0x30b: {  	v6 =	vadd.f32 v29, v6;
	v5 =	vadd.f32 v34, v5;
	v39 =	vld [tilespmem:s24+$0xB0];
	(erf) = vpow2.f32 v24;
	v24 =	vpop (erf)  }
0x30c: {  	v17 =	vadd.f32 v28, v17;
	v29 =	vld [tilespmem:s24+$0x80];
	v7 =	vadd.f32 v25, v7;
	(erf) = vpow2.f32 v30;
	v25 =	vpop (erf)  }
0x30d: {  	v22 =	vadd.f32 v22, v26;
	v28 =	vld [tilespmem:s24+$0x1B0];
	v5 =	vadd.f32 v25, v5;
	v25 =	vpop (erf);
	(erf) = vpow2.f32 v38  }
0x30e: {  	v30 =	vld [tilespmem:s24+$0x170];
	v34 =	vsub.f32 v20, v14;
	v7 =	vadd.f32 v33, v7;
	v20 =	vpop (erf);
	(erf) = vpow2.f32 v35  }
0x30f: {  	v27 =	vld [tilespmem:s24+$0x100];
	v6 =	vadd.f32 v20, v6;
	v5 =	vadd.f32 v37, v5;
	v20 =	vpop (erf);
	(erf) = vpow2.f32 v16  }
0x310: {  	v26 =	vsub.f32 v36, v11;
	v37 =	vsub.f32 v39, v11;
	v33 =	vld [tilespmem:s24+$0xD0];
	v35 =	vpop (erf);
	(erf) = vpow2.f32 v31  }
0x311: {  	v29 =	vsub.f32 v29, v14;
	v31 =	vld [tilespmem:s24+$0x140];
	v17 =	vadd.f32 v35, v17;
	(erf) = vpow2.f32 v32;
	v32 =	vpop (erf)  }
0x312: {  	v36 =	vmul.f32 $1.442695020e+00, v26;
	v6 =	vadd.f32 v24, v6;
	v35 =	vld [tilespmem:s24+$0x90];
	v26 =	vadd.f32 v32, v22;
	v22 =	vpop (erf)  }
0x313: {  	v15 =	vadd.f32 v20, v15;
	v32 =	vmul.f32 $1.442695020e+00, v37;
	v24 =	vld [tilespmem:s24+$0x30];
	v17 =	vadd.f32 v22, v17;
	v16 =	vpop (erf)  }
0x314: {  	v20 =	vsub.f32 v28, v11;
	v22 =	vmul.f32 $1.442695020e+00, v29;
	v37 =	vld [tilespmem:s24+$0xF0];
	v6 =	vadd.f32 v16, v6;
	v16 =	vpop (erf)  }
0x315: {  	v28 =	vld [tilespmem:s24+$0x20];
	v29 =	vsub.f32 v33, v2;
	(erf) = vpow2.f32 v36;
	v4 =	vadd.f32 v16, v4;
	v16 =	vpop (erf)  }
0x316: {  	v3 =	vadd.f32 v25, v3;
	v20 =	vmul.f32 $1.442695020e+00, v20;
	v33 =	vld [tilespmem:s24+$0x10];
	v15 =	vadd.f32 v16, v15;
	v25 =	vpop (erf)  }
0x317: {  	v16 =	vmul.f32 $1.442695020e+00, v34;
	v35 =	vsub.f32 v35, v13;
	v36 =	vld [tilespmem:s24+$0xE0];
	v4 =	vadd.f32 v18, v4;
	v18 =	vpop (erf)  }
0x318: {  	v3 =	vadd.f32 v19, v3;
	v30 =	vsub.f32 v30, v8;
	v38 =	vmul.f32 $1.442695020e+00, v29;
	v34 =	vld [tilespmem:s24+$0x60];
	v19 =	vpop (erf)  }
0x319: {  	v31 =	vsub.f32 v31, v10;
	v39 =	vld [tilespmem:s24+$0x70];
	v29 =	vmul.f32 $1.442695020e+00, v35;
	v35 =	vsub.f32 v37, v8;
	v37 =	vpop (erf)  }
0x31a: {  	v30 =	vmul.f32 $1.442695020e+00, v30;
	v40 =	vld [tilespmem:s24+$0x160];
	(erf) = vpow2.f32 v22;
	v4 =	vadd.f32 v37, v4;
	v22 =	vpop (erf)  }
0x31b: {  	v33 =	vsub.f32 v33, v13;
	(erf) = vpow2.f32 v38;
	v3 =	vadd.f32 v22, v3  }
0x31c: {  	v41 =	vsub.f32 v28, v12;
	v28 =	vld [tilespmem:s24+$0x40];
	v36 =	vsub.f32 v36, v9;
	(erf) = vpow2.f32 v30  }
0x31d: {  	v24 =	vsub.f32 v24, v11;
	v15 =	vadd.f32 v21, v15;
	v30 =	vld [tilespmem:s24+$0x0];
	v33 =	vmul.f32 $1.442695020e+00, v33  }
0x31e: {  	v17 =	vadd.f32 v18, v17;
	v21 =	vmul.f32 $1.442695020e+00, v41;
	v37 =	vsub.f32 v39, v8;
	v38 =	vld [tilespmem:s24+$0xC0];
	v22 =	vpop (erf)  }
0x31f: {  	v15 =	vadd.f32 v23, v15;
	v39 =	vld [tilespmem:s24+$0xA0];
	v18 =	vsub.f32 v40, v9;
	(erf) = vpow2.f32 v33  }
0x320: {  	v23 =	vmul.f32 $1.442695020e+00, v24;
	v3 =	vadd.f32 v25, v3;
	v33 =	vld [tilespmem:s24+$0x1F0];
	(erf) = vpow2.f32 v32  }
0x321: {  	v25 =	vsub.f32 v34, v9;
	v24 =	vsub.f32 v28, v10;
	v28 =	vmul.f32 $1.442695020e+00, v18;
	v32 =	vld [tilespmem:s24+$0x1E0]  }
0x322: {  	v4 =	vadd.f32 v19, v4;
	v37 =	vmul.f32 $1.442695020e+00, v37;
	v30 =	vsub.f32 v30, v14;
	v34 =	vld [tilespmem:s24+$0x50]  }
0x323: {  	v41 =	vmul.f32 $1.442695020e+00, v25;
	v40 =	vmul.f32 $1.442695020e+00, v24;
	v45 =	vsub.f32 v38, v10;
	v38 =	vld [tilespmem:s24+$0x1C0];
	v18 =	vpop (erf)  }
0x324: {  	v35 =	vmul.f32 $1.442695020e+00, v35;
	v24 =	vmul.f32 $1.442695020e+00, v30;
	v30 =	vsub.f32 v39, v12;
	v39 =	vld [tilespmem:s24+$0x120];
	v19 =	vpop (erf)  }
0x325: {  	v42 =	vmul.f32 $1.442695020e+00, v45;
	v43 =	vld [tilespmem:s24+$0x110];
	v44 =	vsub.f32 v33, v8;
	(erf) = vpow2.f32 v28;
	v25 =	vpop (erf)  }
0x326: {  	v45 =	vmul.f32 $1.442695020e+00, v30;
	v46 =	vld [tilespmem:s24+$0x1A0];
	v47 =	vsub.f32 v32, v9;
	(erf) = vpow2.f32 v35  }
0x327: {  	v32 =	vmul.f32 $1.442695020e+00, v31;
	v30 =	vsub.f32 v34, v2;
	(erf) = vpow2.f32 v42  }
0x328: {  	v31 =	vld [tilespmem:s24+$0x150];
	v34 =	vsub.f32 v38, v10;
	v35 =	vmul.f32 $1.442695020e+00, v47;
	v28 =	vpop (erf);
	(erf) = vpow2.f32 v40  }
0x329: {  	v38 =	vmul.f32 $1.442695020e+00, v30;
	v39 =	vsub.f32 v39, v12;
	v40 =	vld [tilespmem:s24+$0x190];
	(erf) = vpow2.f32 v37;
	v33 =	vpop (erf)  }
0x32a: {  	v30 =	vmul.f32 $1.442695020e+00, v36;
	v36 =	vsub.f32 v43, v13;
	v42 =	vld [tilespmem:s24+$0x1D0];
	(erf) = vpow2.f32 v23  }
0x32b: {  	v37 =	vmul.f32 $1.442695020e+00, v44;
	v23 =	vsub.f32 v46, v12;
	(erf) = vpow2.f32 v35  }
0x32c: {  	v43 =	vmul.f32 $1.442695020e+00, v34;
	v35 =	vsub.f32 v27, v14;
	(erf) = vpow2.f32 v21  }
0x32d: {  	v44 =	vmul.f32 $1.442695020e+00, v39;
	v39 =	vsub.f32 v31, v2;
	(erf) = vpow2.f32 v37  }
0x32e: {  	v36 =	vmul.f32 $1.442695020e+00, v36;
	v40 =	vsub.f32 v40, v13;
	v21 =	vpop (erf);
	(erf) = vpow2.f32 v43  }
0x32f: {  	v37 =	vmul.f32 $1.442695020e+00, v23;
	v23 =	vsub.f32 v42, v2;
	v27 =	vpop (erf);
	(erf) = vpow2.f32 v44  }
.Ltmp17:
0x330: {  	v31 =	vmul.f32 $1.442695020e+00, v35;
	v34 =	vpop (erf);
	(erf) = vpow2.f32 v32;
	(pc) =	sbr.rel @p0 .LBB2_24-.Ltmp17, $4  }
0x331: {  	v32 =	vmul.f32 $1.442695020e+00, v39;
	v39 =	vpop (erf);
	(erf) = vpow2.f32 v38  }
0x332: {  	v35 =	vmul.f32 $1.442695020e+00, v40;
	v40 =	vpop (erf);
	(erf) = vpow2.f32 v45  }
0x333: {  	v38 =	vmul.f32 $1.442695020e+00, v23;
	v23 =	vpop (erf);
	(erf) = vpow2.f32 v41  }
0x334: {  	v26 =	vadd.f32 v23, v26;
	(erf) = vpow2.f32 v29;
	v23 =	vpop (erf)  }
0x335: {  	v29 =	vld [tilespmem:$0x11C70];
	_ =	sdelay $0x4  }
0x336: {  	v41 =	vsel vm0, $0x0, v29  }
0x337: {  	v29 =	vsel vm1, $0x0, v29;
	(xrf0) =	vadd.scan.msk.s32 $0xffff, v41  }
0x338: {  	(xrf0) =	vadd.scan.msk.s32 $0xffff, v29;
	_ =	sdelay $0x4  }
0x339: {  	v45, _, _ =	vpop (xrf0)  }
0x33a: {  	(v2sf) =	vpush v45, $0xF;
	v50, _, _ =	vpop (xrf0)  }
0x33b: {  	v46 =	vpop (erf);
	(erf) = vpow2.f32 v20;
	(v2sf) =	vpush v50, $0xF  }
0x33c: {  	v47 =	vpop (erf);
	(erf) = vpow2.f32 v36  }
0x33d: {  	v48 =	vpop (erf);
	(erf) = vpow2.f32 v37  }
0x33e: {  	v49 =	vpop (erf);
	(erf) = vpow2.f32 v24  }
0x33f: {  	(erf) = vpow2.f32 v30;
	v51 =	vpop (erf)  }
0x340: {  	v7 =	vadd.f32 v40, v7;
	(erf) = vpow2.f32 v38;
	v52 =	vpop (erf)  }
0x341: {  	v53 =	vpop (erf);
	(erf) = vpow2.f32 v35  }
0x342: {  	v5 =	vadd.f32 v39, v5;
	v7 =	vadd.f32 v27, v7;
	v54 =	vpop (erf);
	(erf) = vpow2.f32 v16  }
0x343: {  	v17 =	vadd.f32 v28, v17;
	v26 =	vadd.f32 v33, v26;
	v16 =	vpop (erf);
	(erf) = vpow2.f32 v31  }
0x344: {  	v5 =	vadd.f32 v34, v5;
	v7 =	vadd.f32 v25, v7;
	(erf) = vpow2.f32 v32;
	v55 =	vpop (erf)  }
0x345: {  	v6 =	vadd.f32 v46, v6;
	v22 =	vadd.f32 v22, v26;
	v56 =	vpop (erf)  }
0x346: {  	v24 =	vadd.f32 v51, v5;
	v5 =	vadd.f32 v47, v7;
	v58 =	vpop (erf)  }
0x347: {  	v3 =	vadd.f32 v52, v3;
	v57 =	vadd.f32 v53, v6;
	v59 =	vpop (erf)  }
0x348: {  	v6 =	vadd.f32 v48, v24;
	v15 =	vadd.f32 v54, v15;
	v60 =	vpop (erf)  }
0x349: {  	v16 =	vadd.f32 v16, v17;
	v17 =	vadd.f32 v49, v57;
	v61 =	vpop (erf);
	s24 =	spop (v2sf)  }
0x34a: {  	v3 =	vadd.f32 v19, v3;
	v4 =	vadd.f32 v59, v4;
	v62 =	vpop (erf);
	s23 =	spop (v2sf)  }
0x34b: {  	v7 =	vadd.f32 v55, v22;
	v15 =	vadd.f32 v60, v15;
	v63 =	vpop (erf);
	p0 =	sge.s32 s24, s23  }
.Ltmp18:
0x34c: {  	v16 =	vadd.f32 v56, v16;
	v18 =	vadd.f32 v18, v4;
	v19 =	vpop (erf);
	(pc) =	sbr.rel @p0 .LBB2_29-.Ltmp18, $4  }
0x34d: {  	v4 =	vadd.f32 v58, v17;
	v15 =	vadd.f32 v21, v15;
	v17 =	vpop (erf)  }
0x34e: {  	v18 =	vadd.f32 v19, v18;
	v17 =	vadd.f32 v17, v3  }
0x34f: {  	v16 =	vadd.f32 v62, v16;
	v3 =	vadd.f32 v23, v15  }
0x350: {  	v15 =	vadd.f32 v61, v17;
	v17 =	vadd.f32 v63, v18  }
0x351: {  	s0 =	sand.u32 $0xF, s24  }
0x352: {  	s2 =	sshra.s32 s24, $0x1F;
	p0 =	slt.s32 s24, $0x1;
	p1 =	sne.s32 s0, $0x0  }
0x353: {  	s26 =	sshrl.u32 s2, $0x1C;
	p0 =	por !p0, !p1  }
0x354: {  	s2 =	simm.s32 $0x1;
	s0 =	sadd.s32 s26, s24;
	p0 =	por !p0, !p0  }
0x355: {  	s0 =	sshrl.u32 s0, $0x4;
	s2 =	simm.s32 @!p0 $0x0  }
0x356: {  	s0 =	ssub.s32 s0, s2  }
0x357: {  	s0 =	sshll.u32 s0, $0x4  }
0x358: {  	v18 =	vld [tilespmem:s0+$0xC800];
	_ =	sdelay $0x1  }
0x359: {  	s0 =	ssub.s32 s24, s0  }
0x35a: {  	v19 =	vmov s0  }
0x35b: {  	vm2 =	veq.s32 v19, v1  }
0x35c: {  	v18 =	vnsel vm2, $0x0, v18  }
0x35d: {  	(xrf0) =	vadd.scan.msk.s32 $0xffff, v18;
	_ =	sdelay $0x5  }
0x35e: {  	v18, _, _ =	vpop (xrf0)  }
0x35f: {  	(v2sf) =	vpush v18, $0xF;
	_ =	sdelay $0xe  }
0x360: {  	s29 =	spop (v2sf)  }
0x361: {  	s30 =	sshrl.u32 s29, $0x8  }
0x362: {  	s12 =	sand.u32 $0xF00, s29;
	s2 =	sand.u32 $0x7F, s30  }
0x363: {  	p4 =	sne.s32 s12, $0x0;
	p3 =	seq.s32 s2, $0x0  }
0x364: {  	p0 =	por !p4, !p3  }
0x365: {  	s12 =	simm.s32 $0xFFFFFFFF;
	p0 =	por !p0, !p0  }
0x366: {  	s12 =	simm.s32 @!p0 $0x0  }
0x367: {  	s12 =	sshll.u32 s12, $0x4  }
0x368: {  	s25 =	sshll.u32 s29, $0x7;
	s12 =	sadd.s32 s2, s12  }
0x369: {  	s25 =	sand.u32 $0x7F80, s25;
	s26 =	sand.u32 $0xFFFFFF80, s12  }
0x36a: {  	s28 =	sand.u32 $0x70, s12;
	s26 =	sadd.s32 s26, s25  }
0x36b: {  	s31 =	sshrl.u32 s29, $0xF;
	s26 =	sor.u32 s28, s26  }
0x36c: {  	s0 =	sand.u32 $0x78000, s29;
	s25 =	sand.u32 $0x1F, s31;
	v18 =	vld [tilespmem:s26+$0x0]  }
0x36d: {  	p6 =	sne.s32 s0, $0x0;
	s29 =	sand.u32 $0xFFFFFFF0, s12;
	p5 =	seq.s32 s25, $0x0  }
0x36e: {  	s0 =	ssub.s32 s2, s29;
	p0 =	por !p6, !p5  }
0x36f: {  	s24 =	sadd.s32 $0x1, s24;
	s12 =	simm.s32 $0xFFFFFFFF;
	v19 =	vmov s0;
	p0 =	por !p0, !p0  }
0x370: {  	vm2 =	veq.s32 v19, v1;
	s12 =	simm.s32 @!p0 $0x0;
	p0 =	sne.s32 s23, s24  }
.Ltmp19:
0x371: {  	v18 =	vnsel vm2, $0xFF61B1E6, v18;
	(pc) =	sbr.rel @!p0 .LBB2_28-.Ltmp19, $4  }
0x372: {  	s30 =	sshll.u32 s12, $0x4;
	(xrf0) =	vmax.scan.msk.f32 $0xffff, v18  }
0x373: {  	s0 =	sadd.s32 s25, s30  }
0x374: {  	s31 =	sshll.u32 s2, $0x5;
	s28 =	sand.u32 $0xFFFFFFF0, s0  }
0x375: {  	s26 =	sadd.s32 s28, s31  }
.LBB2_27:
0x376: {  	s0 =	sshra.s32 s24, $0x1F  }
0x377: {  	s2 =	sand.u32 $0xF, s24;
	v18 =	vld [tilespmem:s26+$0x11C80];
	s12 =	smov.u32 s24;
	s24 =	sadd.s32 $0x1, s24  }
0x378: {  	p1 =	slt.s32 s12, $0x1;
	p2 =	sne.s32 s2, $0x0;
	p0 =	sne.s32 s23, s24  }
0x379: {  	s0 =	sshrl.u32 s0, $0x1C;
	s2 =	ssub.s32 s25, s28;
	p1 =	por !p1, !p2;
	v19, _, _ =	vpop (xrf0)  }
0x37a: {  	s0 =	sadd.s32 s0, s12;
	v20 =	vmov s2;
	s2 =	simm.s32 $0x1;
	p1 =	por !p1, !p1;
	v19 =	vbroadcast v19, $0xF  }
0x37b: {  	s0 =	sshrl.u32 s0, $0x4;
	vm2 =	veq.s32 v20, v1;
	s2 =	simm.s32 @!p1 $0x0  }
0x37c: {  	s0 =	ssub.s32 s0, s2;
	v18 =	vsel vm2, v19, v18  }
0x37d: {  	s0 =	sshll.u32 s0, $0x4;
	[tilespmem:s26+$0x11C80] =	vst v18  }
0x37e: {  	v18 =	vld [tilespmem:s0+$0xC800];
	_ =	sdelay $0x1  }
0x37f: {  	s0 =	ssub.s32 s12, s0  }
0x380: {  	v19 =	vmov s0  }
0x381: {  	vm2 =	veq.s32 v19, v1  }
0x382: {  	v18 =	vnsel vm2, $0x0, v18  }
0x383: {  	(xrf0) =	vadd.scan.msk.s32 $0xffff, v18;
	_ =	sdelay $0x5  }
0x384: {  	v18, _, _ =	vpop (xrf0)  }
0x385: {  	(v2sf) =	vpush v18, $0xF;
	_ =	sdelay $0xe  }
0x386: {  	s0 =	spop (v2sf)  }
0x387: {  	s2 =	sshrl.u32 s0, $0x8  }
0x388: {  	s12 =	sand.u32 $0xF00, s0;
	s2 =	sand.u32 $0x7F, s2  }
0x389: {  	p2 =	sne.s32 s12, $0x0;
	p1 =	seq.s32 s2, $0x0  }
0x38a: {  	p1 =	por !p2, !p1  }
0x38b: {  	s12 =	simm.s32 $0xFFFFFFFF;
	p1 =	por !p1, !p1  }
0x38c: {  	s12 =	simm.s32 @!p1 $0x0  }
0x38d: {  	s12 =	sshll.u32 s12, $0x4  }
0x38e: {  	s25 =	sshll.u32 s0, $0x7;
	s12 =	sadd.s32 s2, s12  }
0x38f: {  	s25 =	sand.u32 $0x7F80, s25;
	s26 =	sand.u32 $0xFFFFFF80, s12  }
0x390: {  	s28 =	sand.u32 $0x70, s12;
	s25 =	sadd.s32 s26, s25  }
0x391: {  	s25 =	sor.u32 s28, s25  }
0x392: {  	s26 =	sshrl.u32 s0, $0xF;
	v18 =	vld [tilespmem:s25+$0x0]  }
0x393: {  	s12 =	sand.u32 $0xFFFFFFF0, s12;
	s0 =	sand.u32 $0x78000, s0;
	s25 =	sand.u32 $0x1F, s26  }
0x394: {  	s12 =	ssub.s32 s2, s12;
	p2 =	sne.s32 s0, $0x0;
	p1 =	seq.s32 s25, $0x0  }
0x395: {  	v19 =	vmov s12;
	p1 =	por !p2, !p1  }
0x396: {  	s0 =	simm.s32 $0xFFFFFFFF;
	vm2 =	veq.s32 v19, v1;
	p1 =	por !p1, !p1  }
.Ltmp20:
0x397: {  	s0 =	simm.s32 @!p1 $0x0;
	v18 =	vnsel vm2, $0xFF61B1E6, v18;
	(pc) =	sbr.rel @p0 .LBB2_27-.Ltmp20, $4  }
0x398: {  	s0 =	sshll.u32 s0, $0x4;
	(xrf0) =	vmax.scan.msk.f32 $0xffff, v18  }
0x399: {  	s0 =	sadd.s32 s25, s0  }
0x39a: {  	s28 =	sand.u32 $0xFFFFFFF0, s0;
	s0 =	sshll.u32 s2, $0x5  }
0x39b: {  	s26 =	sadd.s32 s28, s0  }
.Ltmp21:
0x39c: {  	_ = 	snop;
	(pc) =	sbr.rel .LBB2_28-.Ltmp21, $1  }
0x39d: {  	_ =	sdelay $0x3  }
.LBB2_30:
0x39e: {  	_ =	sfence.sel $0x180000  }
0x39f: {  	[bflag:$0x0] =	sbarrier.arrive $0xFFFF  }
0x3a0: {  	_ =	strace $0x9000004D  }
0x3a1: {  	s0 =	stileid.u32;
	[bflag:$0x2] =	sbarrier.arrive $0xFFFF  }
0x3a2: {  	p0 =	sne.s32 s0, $0x0;
	s0 =	rddreg [dreg:$0x2]  }
0x3a3: {  	s0 =	sadd.s32 @!p0 $0x100000, s0  }
0x3a4: {  	[sflag:s0] =	ssyncadd.tile.s32 @!p0 $0x1;
	_ =	shalt  }
.Lfunc_end2:
_tile_overlayer_lowered:
.L_overlay_start_2:
0x3a5: {  	(tag) =	ssettag $0x2  }
0x3a6: {  	s0 =	rddreg [dreg:$0x0];
	s2 =	stileid.u32  }
0x3a7: {  	s1 =	rddreg [dreg:$0x1];
	p0 =	sne.s32 s2, $0x0  }
0x3a8: {  	s3 =	rddreg [dreg:$0x2];
	[bflag:$0x3] =	sbarrier.arrive $0xFFFF;
	s2 =	simm.s32 @!p0 $0x1C03  }
0x3a9: {  	[timem:s3], [sflag:s2] =	dma.local @!p0 [hbm:s0], s1  }
0x3aa: {  	s0 =	simm.s32 @!p0 $0x3  }
0x3ab: {  	_ =	swait.ge @!p0 [sflag:s0], s1  }
0x3ac: {  	s1 =	ssub.s32 @!p0 $0x0, s1;
	[sflag:s0] =	ssyncset.done @!p0 $0x0  }
0x3ad: {  	[sflag:s0] =	ssyncadd.s32 @!p0 s1  }
0x3ae: {  	[bflag:$0x3] =	sbarrier.arrive $0xFFFF  }
0x3af: {  	_ =	shalt  }

// kernel: scatter_offload_async_start
scs
__scs_entry_jumppad:
0x0: {  	(pc) =	sbr.rel $0x88, $3  }
0x1: {  	(tag) =	ssettag $0x0;
	lr =	simm.s32 $0x1  }
0x2: {  	[smem:$0x3F9F] =	sst lr;
	_ =	strace $0xD0000000  }
0x3: {  	_ = 	snop  }
0x4: {  	_ = 	snop  }
0x5: {  	_ = 	snop  }
0x6: {  	_ = 	snop  }
0x7: {  	_ = 	snop  }
__scs_overlays_trampoline_lowered:
0x8: {  	[smem:$0x3FAE] =	sst s0  }
0x9: {  	[smem:$0x3FAF] =	sst s1  }
0xa: {  	[smem:$0x3FB0] =	sst s2  }
0xb: {  	[smem:$0x3FB1] =	sst s3  }
0xc: {  	[smem:$0x3FB2] =	sst s4  }
0xd: {  	[smem:$0x3FB3] =	sst s5  }
0xe: {  	[smem:$0x3FB4] =	sst s6  }
0xf: {  	[smem:$0x3FB5] =	sst s7  }
0x10: {  	[smem:$0x3FB6] =	sst s8  }
0x11: {  	[smem:$0x3FB7] =	sst s9;
	s0 =	simm.s32 @!p0 $0x0  }
0x12: {  	s1 =	sld [smem:$0x3F9D];
	s0 =	simm.s32 @p0 $0x1  }
0x13: {  	[smem:$0x3FB8] =	sst s0;
	s0 =	simm.s32 @!p1 $0x0  }
0x14: {  	s2 =	sld [smem:$0x3F9C];
	s0 =	simm.s32 @p1 $0x1  }
0x15: {  	[smem:$0x3FB9] =	sst s0;
	s0 =	simm.s32 @!p2 $0x0  }
0x16: {  	s3 =	sld [smem:$0x3FDB];
	s0 =	simm.s32 @p2 $0x1  }
0x17: {  	s4 =	simm.s32 $0x1BF5;
	[smem:$0x3FBB] =	sst s0  }
0x18: {  	s0 =	sld [smem:$0x3F9E];
	_ =	swait.ge [sflag:s4], $0x0  }
0x19: {  	s7 =	sld [smem:$0x3F9F]  }
0x1a: {  	s8 =	sadd.s32 $0xFFFFE003, lr  }
0x1b: {  	s9 =	sadd.s32 $0xFFFFFEF7, lr;
	s5 =	simm.s32 $0xFFFFFFFF;
	p2 =	slt.u32 s8, $0xFFFFF086  }
0x1c: {  	p1 =	slt.u32 s9, $0xF7A;
	s5 =	simm.s32 @!p2 $0x0  }
0x1d: {  	s5 =	simm.s32 @p1 $0x1;
	p0 =	seq.s32 s7, s2  }
0x1e: {  	s7 =	smul.u32 @!p0 $0xF7A, s2;
	p2 =	seq.s32 @!p0 s5, $0x0  }
0x1f: {  	s9 =	smul.u32 $0xF7A, s1;
	s8 =	simm.s32 @!p0 $0x1BF5;
	p2 =	por !p2, p0  }
0x20: {  	[sflag:s8] =	ssyncset.s32 @!p0 $0xFFFFF086;
	s6 =	sadd.s32 @!p0 s3, s7;
	s7 =	simm.s32 @!p0 $0x108  }
0x21: {  	s3 =	sadd.s32 s3, s9;
	s6 =	sadd.s32 @!p0 $0x88, s6;
	s7 =	simm.s32 @p2 $0x1082  }
0x22: {  	[simem:s7], [sflag:s8] =	dma.local @!p0 [hbm:s6], $0xF7A  }
0x23: {  	s9 =	sor.u32 $0xD0000000, s2;
	s6 =	simm.s32 $0x108;
	_ =	swait.ge @!p0 [sflag:s8], $0x0  }
0x24: {  	s3 =	sadd.s32 $0x88, s3;
	s6 =	simm.s32 @!p1 $0x1082;
	[sflag:s4] =	ssyncset.s32 $0xFFFFF086  }
0x25: {  	[simem:s6], [sflag:s4] =	dma.local [hbm:s3], $0xF7A  }
0x26: {  	[smem:$0x3F9F] =	sst s1;
	(tag) =	ssettag s2;
	_ =	strace s9  }
0x27: {  	s1 =	sld [smem:$0x3FAF]  }
0x28: {  	s2 =	sld [smem:$0x3FB0]  }
0x29: {  	s4 =	sld [smem:$0x3FB2]  }
0x2a: {  	p0 =	seq.s32 s5, $0x0;
	s5 =	sld [smem:$0x3FB3]  }
0x2b: {  	s6 =	sld [smem:$0x3FB4]  }
0x2c: {  	s7 =	sld [smem:$0x3FB5]  }
0x2d: {  	s3 =	simm.s32 $0x108;
	s8 =	sld [smem:$0x3FB6]  }
0x2e: {  	s3 =	simm.s32 @!p0 $0x1082;
	s9 =	sld [smem:$0x3FB7]  }
0x2f: {  	lr =	sadd.s32 s0, s3;
	s0 =	sld [smem:$0x3FAE]  }
0x30: {  	s3 =	sld [smem:$0x3FB1]  }
0x31: {  	[smem:$0x3FBA] =	sst s10  }
0x32: {  	s10 =	sld [smem:$0x3FB8];
	_ =	sdelay $0x3  }
0x33: {  	p0 =	seq.s32 s10, $0x1;
	s10 =	sld [smem:$0x3FBA];
	_ =	sdelay $0x3  }
0x34: {  	[smem:$0x3FBA] =	sst s10  }
0x35: {  	s10 =	sld [smem:$0x3FB9];
	_ =	sdelay $0x3  }
0x36: {  	p1 =	seq.s32 s10, $0x1;
	s10 =	sld [smem:$0x3FBA];
	_ =	sdelay $0x3  }
0x37: {  	[smem:$0x3FBA] =	sst s10  }
0x38: {  	s10 =	sld [smem:$0x3FBB]  }
0x39: {  	_ = 	snop;
	(pc) =	sbr.ind lr, $3  }
0x3a: {  	_ = 	snop  }
0x3b: {  	_ = 	snop  }
0x3c: {  	p2 =	seq.s32 s10, $0x1;
	s10 =	sld [smem:$0x3FBA]  }
0x3d: {  	_ =	shalt  }
0x3e: {  	_ =	shalt  }
0x3f: {  	_ =	shalt  }
0x40: {  	_ =	shalt  }
0x41: {  	_ =	shalt  }
0x42: {  	_ =	shalt  }
0x43: {  	_ =	shalt  }
0x44: {  	_ =	shalt  }
0x45: {  	_ =	shalt  }
0x46: {  	_ =	shalt  }
0x47: {  	_ =	shalt  }
0x48: {  	_ =	shalt  }
0x49: {  	_ =	shalt  }
0x4a: {  	_ =	shalt  }
0x4b: {  	_ =	shalt  }
0x4c: {  	_ =	shalt  }
0x4d: {  	_ =	shalt  }
0x4e: {  	_ =	shalt  }
0x4f: {  	_ =	shalt  }
0x50: {  	_ =	shalt  }
0x51: {  	_ =	shalt  }
0x52: {  	_ =	shalt  }
0x53: {  	_ =	shalt  }
0x54: {  	_ =	shalt  }
0x55: {  	_ =	shalt  }
0x56: {  	_ =	shalt  }
0x57: {  	_ =	shalt  }
0x58: {  	_ =	shalt  }
0x59: {  	_ =	shalt  }
0x5a: {  	_ =	shalt  }
0x5b: {  	_ =	shalt  }
0x5c: {  	_ =	shalt  }
0x5d: {  	_ =	shalt  }
0x5e: {  	_ =	shalt  }
0x5f: {  	_ =	shalt  }
0x60: {  	_ =	shalt  }
0x61: {  	_ =	shalt  }
0x62: {  	_ =	shalt  }
0x63: {  	_ =	shalt  }
0x64: {  	_ =	shalt  }
0x65: {  	_ =	shalt  }
0x66: {  	_ =	shalt  }
0x67: {  	_ =	shalt  }
0x68: {  	_ =	shalt  }
0x69: {  	_ =	shalt  }
0x6a: {  	_ =	shalt  }
0x6b: {  	_ =	shalt  }
0x6c: {  	_ =	shalt  }
0x6d: {  	_ =	shalt  }
0x6e: {  	_ =	shalt  }
0x6f: {  	_ =	shalt  }
0x70: {  	_ =	shalt  }
0x71: {  	_ =	shalt  }
0x72: {  	_ =	shalt  }
0x73: {  	_ =	shalt  }
0x74: {  	_ =	shalt  }
0x75: {  	_ =	shalt  }
0x76: {  	_ =	shalt  }
0x77: {  	_ =	shalt  }
0x78: {  	_ =	shalt  }
0x79: {  	_ =	shalt  }
0x7a: {  	_ =	shalt  }
0x7b: {  	_ =	shalt  }
0x7c: {  	_ =	shalt  }
0x7d: {  	_ =	shalt  }
0x7e: {  	_ =	shalt  }
0x7f: {  	_ =	shalt  }
0x80: {  	_ =	shalt  }
0x81: {  	_ =	shalt  }
0x82: {  	_ =	shalt  }
0x83: {  	_ =	shalt  }
0x84: {  	_ =	shalt  }
0x85: {  	_ =	shalt  }
0x86: {  	_ =	shalt  }
0x87: {  	_ =	shalt  }
.Lfunc_end0:
.L_simem_size_0:
called_computation_lowered:
.L_overlay_start_0:
0x88: {  	s0 =	sld [smem:$0x3FD9]  }
0x89: {  	s1 =	sld [smem:$0x3FFE];
	_ =	sdelay $0x3  }
0x8a: {  	s0 =	sadd.s32 s1, s0  }
0x8b: {  	[smem:$0x3FC6] =	sst s0  }
0x8c: {  	_ = 	snop  }
0x8d: {  	(tm) =	ssettm $0x1  }
0x8e: {  	s15 =	sld [smem:$0x3FFB];
	_ =	sdelay $0x3  }
0x8f: {  	_ =	strace s15  }
0x90: {  	s0 =	sld [smem:$0x3FFC];
	_ =	sdelay $0x3  }
0x91: {  	_ =	strace s0  }
0x92: {  	s0 =	sld [smem:$0x3FFD];
	_ =	sdelay $0x3  }
0x93: {  	_ =	strace s0  }
0x94: {  	_ =	strace $0x8FFFFFFF  }
0x95: {  	s16 =	sld [smem:$0x3FDB];
	_ =	sdelay $0x1  }
0x96: {  	s17 =	simm.s32 $_scs_section_size  }
0x97: {  	s2 =	simm.s32 $_size__tile_overlayer_lowered;
	s3 =	simm.s32 $_tile_overlayer_lowered  }
0x98: {  	s20 =	simm.s32 $0x1BFF;
	s19 =	sshll.u32 s3, $0x1;
	s0 =	sadd.s32 s17, s16  }
0x99: {  	s4 =	simm.s32 $0x0;
	s18 =	sshll.u32 s2, $0x1;
	s2 =	sadd.s32 s19, s0  }
0x9a: {  	[timem:s4], [sflag:s20] =	dma.local [hbm:s2], s18  }
0x9b: {  	_ =	swait.ge [sflag:s20], s18  }
0x9c: {  	s1 =	ssub.s32 $0x0, s18;
	[sflag:s20] =	ssyncset.done $0x0  }
0x9d: {  	[sflag:s20] =	ssyncadd.s32 s1;
	_ =	sdelay $0x1  }
0x9e: {  	s21 =	simm.s32 $0x1B8B  }
0x9f: {  	_ =	swait.ge [sflag:s21], $0x1  }
0xa0: {  	[sflag:s21] =	ssyncset.done $0x0  }
0xa1: {  	s23 =	simm.s32 $0x1B8E;
	s22 =	sld [smem:$0x3FFE];
	[sflag:s21] =	ssyncadd.s32 $0xFFFFFFFF  }
0xa2: {  	s24 =	simm.s32 $execute0_lowered;
	[smem:$0x3FD2] =	sst s23  }
0xa3: {  	s2 =	sshll.u32 s24, $0x1;
	_ =	strace $0x80000046;
	[dreg:$0x1] =	wrdreg $0xFFFFFFFF  }
0xa4: {  	s25 =	simm.s32 $_size_execute0_lowered;
	s0 =	sadd.s32 s0, s2;
	[dreg:$0x0] =	wrdreg $0x0  }
0xa5: {  	s2 =	sshll.u32 s25, $0x1;
	[dreg:$0x2] =	wrdreg s0  }
0xa6: {  	[dreg:$0x3] =	wrdreg s2  }
0xa7: {  	[dreg:$0x4] =	wrdreg $0xC0  }
0xa8: {  	_ =	task [dreg:s4], $0x5FFFF  }
0xa9: {  	[dreg:$0x1] =	wrdreg $0xFFFFFFFF  }
0xaa: {  	[dreg:$0x0] =	wrdreg $0x60  }
0xab: {  	[dreg:$0x2] =	wrdreg s22  }
0xac: {  	[dreg:$0x3] =	wrdreg $0x9  }
0xad: {  	_ =	task.clear_ibuf [dreg:s4], $0x4FFFF;
	_ =	strace $0x90000046  }
0xae: {  	s26 =	simm.s32 $0x9;
	_ =	strace $0x80000048  }
0xaf: {  	_ =	swait.ge [sflag:s26], $0x1  }
0xb0: {  	[sflag:s26] =	ssyncadd.s32 $0xFFFFFFFF  }
0xb1: {  	_ =	strace $0x90000048  }
0xb2: {  	_ =	sfence  }
0xb3: {  	s28 =	sld [smem:$0x0];
	_ =	sdelay $0x1  }
0xb4: {  	s29 =	srdreg.scid  }
0xb5: {  	s30 =	sshll.u32 s29, $0xD;
	s31 =	sshrl.u32 s29, $0x2  }
0xb6: {  	s1 =	sand.u32 $0x1, s29;
	s2 =	sand.u32 $0x4000, s30;
	s0 =	sadd.s32 s31, s28  }
0xb7: {  	s1 =	sor.u32 s2, s1;
	s0 =	sshll.u32 s0, $0x11  }
0xb8: {  	s0 =	sor.u32 s0, s1  }
0xb9: {  	s0 =	sadd.s32 $0x8F2B, s0  }
0xba: {  	[sflag:s0] =	ssyncadd.remote.s32 $0x1  }
0xbb: {  	_ =	sfence.sel $0xFFFF  }
0xbc: {  	[dreg:$0x0] =	wrdreg $0xFFFFFFFF;
	(pc) =	sbr.abs _section_cstart, $3  }
0xbd: {  	[dreg:$0x1] =	wrdreg $0xFFFFFFFF  }
0xbe: {  	_ =	task.clear_ibuf [dreg:s4], $0x2FFFF;
	_ =	strace $0x9FFFFFFF  }
0xbf: {  	(tm) =	ssettm $0x7FFFFFFF  }
tec
execute0_lowered:
.L_overlay_start_1:
0x0: {  	(tag) =	ssettag $0x1  }
0x1: {  	s2 =	rddreg [dreg:$0x0]  }
0x2: {  	s0 =	rddreg [dreg:$0x1];
	_ =	strace $0x80000047;
	s3 =	stileid.u32  }
0x3: {  	s4 =	simm.s32 $0x3E;
	s1 =	sadd.s32 $0x1C00, s2;
	p0 =	sne.s32 s3, $0x0  }
0x4: {  	[sflag:s4] =	ssyncpa.u1 $0x0;
	s5 =	simm.s32 @!p0 $0x1C3E;
	s6 =	simm.s32 @!p0 $0x0  }
0x5: {  	[spmem:s6], [sflag:s5] =	dma.local @!p0 [hbm:s1], $0x200  }
0x6: {  	s5 =	simm.s32 @!p0 $0x3E  }
0x7: {  	_ =	swait.ge @!p0 [sflag:s5], $0x200  }
0x8: {  	[sflag:s5] =	ssyncset.done @!p0 $0x0  }
0x9: {  	s26 =	simm.s32 $0x1;
	[sflag:s5] =	ssyncadd.s32 @!p0 $0xFFFFFE00  }
0xa: {  	s28 =	simm.s32 $0x2;
	s7 =	simm.s32 $0x640;
	[bflag:$0x0] =	sbarrier.arrive $0xFFFF  }
0xb: {  	s3 =	smul.u32 $0xA8, s3;
	s29 =	sadd.s32 $0x200, s2;
	[sflag:s4] =	ssyncpa.u1 $0x1  }
0xc: {  	s30 =	sadd.s32 $0x1000, s2;
	s2 =	simm.s32 $0x0;
	[sflag:s26] =	ssyncpa.u1 $0x0  }
0xd: {  	s5 =	sadd.s32 s29, s3;
	(ifvalue) =	ssetifvalue $0x1000;
	[sflag:s28] =	ssyncpa.u1 $0x0  }
0xe: {  	[tilespmem:s7], [sflag:$0x2] =	stream.linear.gather [hbm4b:s5+s2], $0x540, $0x38;
	[tilespmem:$0x1600] =	vst v63  }
0xf: {  	s31 =	sadd.s32 s30, s3;
	s3 =	simm.s32 $0x10C0  }
0x10: {  	[tilespmem:s3], [sflag:$0x2] =	stream.linear.gather [hbm4b:s31+s2], $0x540, $0x38;
	[tilespmem:$0x1600] =	vst v63  }
0x11: {  	_ =	swait.ge [sflag:s28], $0xA80  }
0x12: {  	[sflag:s28] =	ssyncset.done $0x0  }
0x13: {  	[sflag:s28] =	ssyncadd.s32 $0xFFFFF580  }
0x14: {  	v0 =	vld.msk [tilespmem:s7+$0x0 ss:$0x1], $0xffff;
	_ =	sdelay $0x4  }
0x15: {  	v0 =	vmin.u32 v0, $0x1000;
	_ =	sdelay $0x3  }
0x16: {  	vm0 =	vmmov $0xffff;
	s4 =	simm.s32 $0x0;
	s5 =	simm.s32 $0x650  }
0x17: {  	[spmem:s2] =	stream.indirect_vreg.scatter.add.s32 [tilespmem:s3], [sflag:$0x1], $0x1, v0, vm0, $0x4038;
	[tilespmem:$0x1600] =	vst v63  }
.LBB2_1:
0x18: {  	v0 =	vld.msk [tilespmem:s5+$0x0 ss:$0x1], $0xffff;
	s4 =	sadd.s32 $0x10, s4  }
0x19: {  	p1 =	slt.u32 s4, $0x530;
	_ =	sdelay $0x4  }
0x1a: {  	v0 =	vmin.u32 v0, $0x1000  }
.Ltmp0:
0x1b: {  	(pc) =	sbr.rel @p1 .LBB2_1-.Ltmp0, $3  }
0x1c: {  	_ =	sdelay $0x1  }
0x1d: {  	s5 =	sadd.s32 $0x10, s5;
	s3 =	sadd.s32 $0x10, s3  }
0x1e: {  	[spmem:s2] =	stream.indirect_vreg.scatter.add.s32 [tilespmem:s3], [sflag:$0x1], $0x1, v0, vm0, $0x4038;
	[tilespmem:$0x1600] =	vst v63  }
0x1f: {  	s2 =	simm.s32 $0x1  }
0x20: {  	_ =	swait.ge [sflag:s2], $0x540  }
0x21: {  	[sflag:s2] =	ssyncset.done $0x0  }
0x22: {  	[sflag:s2] =	ssyncadd.s32 $0xFFFFFAC0  }
0x23: {  	_ =	sfence.sel $0x180000  }
0x24: {  	s3 =	simm.s32 $0x2;
	[bflag:$0x0] =	sbarrier.arrive $0xFFFF  }
0x25: {  	[sflag:s3] =	ssyncpa.u1 $0x1  }
0x26: {  	[sflag:s2] =	ssyncpa.u1 $0x1  }
0x27: {  	_ =	sfence.stream.spmem  }
0x28: {  	s31 =	simm.s32 $0x3D;
	[bflag:$0x0] =	sbarrier.arrive $0xFFFF  }
0x29: {  	s2 =	simm.s32 @p0 $0x3D;
	[sflag:s31] =	ssyncpa.u1 $0x0  }
0x2a: {  	[sflag:s2] =	ssyncpa.u1 @p0 $0x1  }
0x2b: {  	[bflag:$0x0] =	sbarrier.arrive @p0 $0xFFFF  }
0x2c: {  	_ =	strace @p0 $0x90000047  }
0x2d: {  	s3 =	simm.s32 @!p0 $0x1C3D;
	s2 =	simm.s32 @!p0 $0x0;
	[bflag:$0x2] =	sbarrier.arrive @p0 $0xFFFF  }
0x2e: {  	[hbm:s1], [sflag:s3] =	dma.local @!p0 [spmem:s2], $0x200  }
0x2f: {  	s1 =	simm.s32 @!p0 $0x3D  }
0x30: {  	_ =	swait.ge @!p0 [sflag:s1], $0x200  }
0x31: {  	[sflag:s1] =	ssyncset.done @!p0 $0x0  }
0x32: {  	[sflag:s1] =	ssyncadd.s32 @!p0 $0xFFFFFE00  }
0x33: {  	[sflag:s1] =	ssyncpa.u1 @!p0 $0x1  }
0x34: {  	[bflag:$0x0] =	sbarrier.arrive @!p0 $0xFFFF  }
0x35: {  	_ =	strace @!p0 $0x90000047  }
0x36: {  	s0 =	sadd.s32 @!p0 $0x100000, s0;
	[bflag:$0x2] =	sbarrier.arrive @!p0 $0xFFFF  }
0x37: {  	[sflag:s0] =	ssyncadd.tile.s32 @!p0 $0x1;
	_ =	shalt  }
.Lfunc_end2:
_tile_overlayer_lowered:
.L_overlay_start_2:
0x38: {  	(tag) =	ssettag $0x2  }
0x39: {  	s0 =	rddreg [dreg:$0x0];
	s2 =	stileid.u32  }
0x3a: {  	s1 =	rddreg [dreg:$0x1];
	p0 =	sne.s32 s2, $0x0  }
0x3b: {  	s3 =	rddreg [dreg:$0x2];
	[bflag:$0x3] =	sbarrier.arrive $0xFFFF;
	s2 =	simm.s32 @!p0 $0x1C01  }
0x3c: {  	[timem:s3], [sflag:s2] =	dma.local @!p0 [hbm:s0], s1  }
0x3d: {  	s0 =	simm.s32 @!p0 $0x1  }
0x3e: {  	_ =	swait.ge @!p0 [sflag:s0], s1  }
0x3f: {  	s1 =	ssub.s32 @!p0 $0x0, s1;
	[sflag:s0] =	ssyncset.done @!p0 $0x0  }
0x40: {  	[sflag:s0] =	ssyncadd.s32 @!p0 s1  }
0x41: {  	[bflag:$0x3] =	sbarrier.arrive $0xFFFF  }
0x42: {  	_ =	shalt  }

</sc_bundles>
